<compile_context>
chip_gen: v7x
topology: tpu7x:2x2x1
jax: 0.10.2.dev20260603
libtpu: 0.0.44.dev20260713+nightly
codegen_flags: <defaults>
</compile_context>

<pallas_src>
import functools

import jax
import jax.numpy as jnp
from jax import lax
from jax.experimental import pallas as pl
from jax.experimental.pallas import tpu as pltpu
from jax.experimental.pallas import tpu_sc as plsc

_NC = 2
_NS = 16
_CHUNK = 128
_IB = 16
_LANES = 16


def _sc_mesh():
    return plsc.VectorSubcoreMesh(core_axis_name="c", subcore_axis_name="s")


def _sc_degree(dst2, zeros_flat, np_):
    nchunk = dst2.shape[0]
    nw = _NC * _NS
    niter = nchunk // nw
    npw = np_ // _NS

    @functools.partial(
        pl.kernel,
        out_type=jax.ShapeDtypeStruct((_NC, np_), jnp.float32),
        mesh=_sc_mesh(),
        compiler_params=pltpu.CompilerParams(needs_layout_passes=False),
        scratch_types=[
            pltpu.VMEM((niter, _CHUNK), jnp.int32),
            pltpu.VMEM((np_,), jnp.float32),
            pltpu.VMEM((_NS, npw), jnp.float32),
            pltpu.VMEM_SHARED((_NS, np_), jnp.float32),
        ],
    )
    def k(dst_hbm, z_hbm, out_hbm, idx_all, hist_v, red_v, stage_sh):
        c = lax.axis_index("c")
        s = lax.axis_index("s")
        w = c * _NS + s
        pltpu.sync_copy(z_hbm, hist_v)
        pltpu.sync_copy(dst_hbm.at[pl.ds(w * niter, niter)], idx_all)
        ones = jnp.full((_LANES,), 1.0, jnp.float32)

        def chunk_body(i, carry):
            for j in range(_CHUNK // _LANES):
                dvec = idx_all[i, pl.ds(j * _LANES, _LANES)]
                plsc.addupdate_scatter(hist_v, (dvec,), ones)
            return carry

        lax.fori_loop(0, niter, chunk_body, 0)

        pltpu.sync_copy(hist_v, stage_sh.at[s])
        plsc.subcore_barrier()
        for r in range(_NS):
            pltpu.sync_copy(stage_sh.at[r, pl.ds(s * npw, npw)], red_v.at[r])

        def red_body(j, carry):
            acc = red_v[0, pl.ds(j * _LANES, _LANES)]
            for r in range(1, _NS):
                acc = acc + red_v[r, pl.ds(j * _LANES, _LANES)]
            hist_v[pl.ds(j * _LANES, _LANES)] = acc
            return carry

        lax.fori_loop(0, npw // _LANES, red_body, 0)
        pltpu.sync_copy(hist_v.at[pl.ds(0, npw)],
                        out_hbm.at[c, pl.ds(s * npw, npw)])

    return k(dst2, zeros_flat)


def _sc_scatter(h_list, src2, dst2, zeros_slab, np_):
    nchunk = src2.shape[0]
    dh = h_list[0].shape[1]
    nw = _NC * _NS
    niter = nchunk // nw
    rows_per = np_ // _NS
    nph = len(h_list)

    k = functools.partial(
        pl.kernel,
        out_type=[jax.ShapeDtypeStruct((_NC, np_, dh), jnp.float32)] * nph,
        mesh=_sc_mesh(),
        compiler_params=pltpu.CompilerParams(needs_layout_passes=False),
        scratch_types=[
            pltpu.VMEM((_IB, _CHUNK), jnp.int32),
            pltpu.VMEM((_IB, _CHUNK), jnp.int32),
            pltpu.VMEM((_CHUNK, dh), jnp.float32),
            pltpu.VMEM((_CHUNK, dh), jnp.float32),
            pltpu.VMEM_SHARED((np_, dh), jnp.float32),
            pltpu.SemaphoreType.DMA,
            pltpu.SemaphoreType.DMA,
            pltpu.SemaphoreType.DMA,
            pltpu.SemaphoreType.DMA,
        ],
    )

    def _impl(h_hbms, src_hbm, dst_hbm, z_hbm, out_hbms, isrc, idst, rows0,
              rows1, acc_sh, semg0, semg1, sems0, sems1):
        c = lax.axis_index("c")
        s = lax.axis_index("s")
        w = c * _NS + s

        def wait(buf, sem):
            pltpu.make_async_copy(h_hbms[0].at[pl.ds(0, _CHUNK)], buf,
                                  sem).wait()

        for h_hbm, out_hbm in zip(h_hbms, out_hbms):
            pltpu.sync_copy(z_hbm, acc_sh.at[pl.ds(s * rows_per, rows_per)])
            plsc.subcore_barrier()

            def outer(o, carry, h_hbm=h_hbm):
                base = w * niter + o * _IB
                pltpu.sync_copy(src_hbm.at[pl.ds(base, _IB)], isrc)
                pltpu.sync_copy(dst_hbm.at[pl.ds(base, _IB)], idst)
                pltpu.async_copy(h_hbm.at[isrc.at[0]], rows0, semg0)

                def body(i, carry2):
                    wait(rows0, semg0)
                    pltpu.async_copy(rows0, acc_sh.at[idst.at[2 * i]], sems0,
                                     add=True)

                    @pl.when(i > 0)
                    def _():
                        wait(rows1, sems1)

                    pltpu.async_copy(h_hbm.at[isrc.at[2 * i + 1]], rows1,
                                     semg1)
                    wait(rows0, sems0)

                    @pl.when(i < _IB // 2 - 1)
                    def _():
                        pltpu.async_copy(h_hbm.at[isrc.at[2 * i + 2]], rows0,
                                         semg0)

                    wait(rows1, semg1)
                    pltpu.async_copy(rows1, acc_sh.at[idst.at[2 * i + 1]],
                                     sems1, add=True)
                    return carry2

                lax.fori_loop(0, _IB // 2, body, 0)
                wait(rows1, sems1)
                return carry

            lax.fori_loop(0, niter // _IB, outer, 0)
            plsc.subcore_barrier()
            pltpu.sync_copy(acc_sh.at[pl.ds(s * rows_per, rows_per)],
                            out_hbm.at[c, pl.ds(s * rows_per, rows_per)])
            plsc.subcore_barrier()

    if nph == 2:
        def kb(h0, h1, src_hbm, dst_hbm, z_hbm, o0, o1, isrc, idst, rows0,
               rows1, acc_sh, semg0, semg1, sems0, sems1):
            _impl([h0, h1], src_hbm, dst_hbm, z_hbm, [o0, o1], isrc, idst,
                  rows0, rows1, acc_sh, semg0, semg1, sems0, sems1)
    else:
        def kb(h0, src_hbm, dst_hbm, z_hbm, o0, isrc, idst, rows0,
               rows1, acc_sh, semg0, semg1, sems0, sems1):
            _impl([h0], src_hbm, dst_hbm, z_hbm, [o0], isrc, idst,
                  rows0, rows1, acc_sh, semg0, semg1, sems0, sems1)

    return k(kb)(*h_list, src2, dst2, zeros_slab)


def _tc_layer1(x_pad, W1, deg3, r_blk):
    np_, d_in = x_pad.shape
    d_h = W1.shape[1]
    half = d_h // 2
    grid = np_ // r_blk

    def body(x_ref, w_ref, deg_ref, lo_ref, hi_ref, dis_ref):
        deg = deg_ref[...]
        dis = lax.rsqrt(deg[0] + deg[1] + 1.0)
        h = jnp.dot(x_ref[...], w_ref[...], preferred_element_type=jnp.float32)
        lo_ref[...] = h[:, :half] * dis
        hi_ref[...] = h[:, half:] * dis
        dis_ref[...] = dis

    return pl.pallas_call(
        body,
        grid=(grid,),
        in_specs=[
            pl.BlockSpec((r_blk, d_in), lambda i: (i, 0)),
            pl.BlockSpec((d_in, d_h), lambda i: (0, 0)),
            pl.BlockSpec((_NC, r_blk, 1), lambda i: (0, i, 0)),
        ],
        out_specs=[
            pl.BlockSpec((r_blk, half), lambda i: (i, 0)),
            pl.BlockSpec((r_blk, half), lambda i: (i, 0)),
            pl.BlockSpec((r_blk, 1), lambda i: (i, 0)),
        ],
        out_shape=[
            jax.ShapeDtypeStruct((np_, half), jnp.float32),
            jax.ShapeDtypeStruct((np_, half), jnp.float32),
            jax.ShapeDtypeStruct((np_, 1), jnp.float32),
        ],
    )(x_pad, W1, deg3)


def _tc_layer2(acc_lo, acc_hi, h_lo, h_hi, dis, b1, W2, r_blk):
    np_ = h_lo.shape[0]
    half = h_lo.shape[1]
    d_out = W2.shape[1]
    grid = np_ // r_blk

    def body(alo_ref, ahi_ref, hlo_ref, hhi_ref, dis_ref, b1_ref, w2_ref,
             out_ref):
        dis_v = dis_ref[...]
        alo = alo_ref[...]
        ahi = ahi_ref[...]
        b1v = b1_ref[...]
        zlo = jnp.maximum((alo[0] + alo[1] + hlo_ref[...]) * dis_v
                          + b1v[:, :half], 0.0)
        zhi = jnp.maximum((ahi[0] + ahi[1] + hhi_ref[...]) * dis_v
                          + b1v[:, half:], 0.0)
        w2 = w2_ref[...]
        h2 = (jnp.dot(zlo, w2[:half], preferred_element_type=jnp.float32)
              + jnp.dot(zhi, w2[half:], preferred_element_type=jnp.float32))
        out_ref[...] = h2 * dis_v

    acc_spec = pl.BlockSpec((_NC, r_blk, half), lambda i: (0, i, 0))
    row_spec = pl.BlockSpec((r_blk, half), lambda i: (i, 0))
    return pl.pallas_call(
        body,
        grid=(grid,),
        in_specs=[
            acc_spec,
            acc_spec,
            row_spec,
            row_spec,
            pl.BlockSpec((r_blk, 1), lambda i: (i, 0)),
            pl.BlockSpec((1, 2 * half), lambda i: (0, 0)),
            pl.BlockSpec((2 * half, d_out), lambda i: (0, 0)),
        ],
        out_specs=pl.BlockSpec((r_blk, d_out), lambda i: (i, 0)),
        out_shape=jax.ShapeDtypeStruct((np_, d_out), jnp.float32),
    )(acc_lo, acc_hi, h_lo, h_hi, dis, b1, W2)


def _tc_final(acc2, h2, dis, b2, r_blk):
    np_, d_out = h2.shape
    grid = np_ // r_blk

    def body(a_ref, h_ref, dis_ref, b_ref, out_ref):
        a = a_ref[...]
        out_ref[...] = (a[0] + a[1] + h_ref[...]) * dis_ref[...] + b_ref[...]

    return pl.pallas_call(
        body,
        grid=(grid,),
        in_specs=[
            pl.BlockSpec((_NC, r_blk, d_out), lambda i: (0, i, 0)),
            pl.BlockSpec((r_blk, d_out), lambda i: (i, 0)),
            pl.BlockSpec((r_blk, 1), lambda i: (i, 0)),
            pl.BlockSpec((1, d_out), lambda i: (0, 0)),
        ],
        out_specs=pl.BlockSpec((r_blk, d_out), lambda i: (i, 0)),
        out_shape=jax.ShapeDtypeStruct((np_, d_out), jnp.float32),
    )(acc2, h2, dis, b2)


def kernel(x, edge_index, W1, b1, W2, b2):
    n, d_in = x.shape
    d_h = W1.shape[1]
    e = edge_index.shape[1]
    assert d_h % 256 == 0 and d_in % 128 == 0
    np_ = -(-n // 2048) * 2048
    r_blk = 1024
    nw = _NC * _NS

    niter = -(-e // (nw * _IB * _CHUNK)) * _IB
    e_pad = nw * niter * _CHUNK
    src = edge_index[0]
    dst = edge_index[1]
    pad_src = jnp.arange(e_pad - e, dtype=jnp.int32) % n
    src2 = jnp.concatenate([src, pad_src]).reshape(-1, _CHUNK)
    pad_dst = n + jnp.arange(e_pad - e, dtype=jnp.int32) % (np_ - n)
    dst2 = jnp.concatenate([dst, pad_dst]).reshape(-1, _CHUNK)
    zeros_flat = jnp.zeros((np_,), jnp.float32)
    zeros_slab = jnp.zeros((np_ // _NS, d_h // 2), jnp.float32)

    deg = _sc_degree(dst2, zeros_flat, np_)
    deg3 = deg.reshape(_NC, np_, 1)
    x_pad = jnp.pad(x, ((0, np_ - n), (0, 0)))
    h_lo, h_hi, dis = _tc_layer1(x_pad, W1, deg3, r_blk)
    acc_lo, acc_hi = _sc_scatter([h_lo, h_hi], src2, dst2, zeros_slab, np_)
    h2 = _tc_layer2(acc_lo, acc_hi, h_lo, h_hi, dis,
                    b1.reshape(1, -1), W2, r_blk)
    acc2, = _sc_scatter([h2], src2, dst2, zeros_slab, np_)
    out = _tc_final(acc2, h2, dis, b2.reshape(1, -1), r_blk)
    return out[:n]

# --- scband reference (transcript-rebuilt; emitter-appended) ---
"""Pipeline reference for scband-spatial-gcn-5755256177386 (READ-ONLY COPY).

The authoritative reference and input builder live on the scoring server;
editing this copy changes nothing except your own understanding.
"""

import jax, jax.numpy as jnp
import numpy as np

N = 10000
E = 320000
D_IN = 128
D_H = 256


def setup_inputs(seed: int = 0) -> dict:
    key = jax.random.key(seed)
    k1, k2, k3, k4, k5, k6 = jax.random.split(key, 6)
    x = jax.random.normal(k1, (N, D_IN), dtype=jnp.float32)
    edge_index = jax.random.randint(k2, (2, E), 0, N, dtype=jnp.int32)
    # GCNConv linear weights (glorot-style init) and biases
    W1 = jax.random.normal(k3, (D_IN, D_H), dtype=jnp.float32) * (1.0 / np.sqrt(D_IN))
    b1 = jnp.zeros((D_H,), dtype=jnp.float32)
    W2 = jax.random.normal(k4, (D_H, D_IN), dtype=jnp.float32) * (1.0 / np.sqrt(D_H))
    b2 = jnp.zeros((D_IN,), dtype=jnp.float32)
    return {"x": x, "edge_index": edge_index, "W1": W1, "b1": b1, "W2": W2, "b2": b2}


def _gcn_conv(x, edge_index, W, b):
    # PyG GCNConv: add self-loops, symmetric degree normalization, linear, aggregate
    src = edge_index[0]
    dst = edge_index[1]
    loop = jnp.arange(N, dtype=src.dtype)
    src = jnp.concatenate([src, loop])
    dst = jnp.concatenate([dst, loop])
    deg = jax.ops.segment_sum(jnp.ones(src.shape[0], dtype=x.dtype), dst, num_segments=N)
    deg_inv_sqrt = jnp.where(deg > 0, jax.lax.rsqrt(deg), 0.0)
    norm = deg_inv_sqrt[src] * deg_inv_sqrt[dst]
    h = x @ W
    msg = h[src] * norm[:, None]
    out = jax.ops.segment_sum(msg, dst, num_segments=N)
    return out + b


def reference(x, edge_index, W1, b1, W2, b2):
    h = _gcn_conv(x, edge_index, W1, b1)
    h = jax.nn.relu(h)
    out = _gcn_conv(h, edge_index, W2, b2)
    return out

if __name__ == "__main__":
    import jax
    _d = setup_inputs()
    print(jax.jit(kernel)(*tuple(_d.values())))

</pallas_src>

<mosaic_0001>
#map = affine_map<(d0, d1) -> (0, 0)>
#map1 = affine_map<(d0, d1) -> (0, 0, 0)>
module attributes {stable_mosaic.version = 14 : i64} {
  func.func @kb(%arg0: i32, %arg1: i32, %arg2: memref<10240x128xf32, #tpu.memory_space<hbm>>, %arg3: memref<10240x128xf32, #tpu.memory_space<hbm>>, %arg4: memref<2560x128xi32, #tpu.memory_space<hbm>>, %arg5: memref<2560x128xi32, #tpu.memory_space<hbm>>, %arg6: memref<640x128xf32, #tpu.memory_space<hbm>>, %arg7: memref<2x10240x128xf32, #tpu.memory_space<hbm>>, %arg8: memref<2x10240x128xf32, #tpu.memory_space<hbm>>, %arg9: memref<16x128xi32, #tpu.memory_space<vmem>>, %arg10: memref<16x128xi32, #tpu.memory_space<vmem>>, %arg11: memref<128x128xf32, #tpu.memory_space<vmem>>, %arg12: memref<128x128xf32, #tpu.memory_space<vmem>>, %arg13: memref<10240x128xf32, #tpu.memory_space<vmem_shared>>, %arg14: memref<!tpu.dma_semaphore, #tpu.memory_space<semaphore_mem>>, %arg15: memref<!tpu.dma_semaphore, #tpu.memory_space<semaphore_mem>>, %arg16: memref<!tpu.dma_semaphore, #tpu.memory_space<semaphore_mem>>, %arg17: memref<!tpu.dma_semaphore, #tpu.memory_space<semaphore_mem>>) attributes {dimension_semantics = [#tpu.dimension_semantics<core_parallel>, #tpu.dimension_semantics<subcore_parallel>], iteration_bounds = array<i64: 2, 16>, scalar_prefetch = 0 : i64, scratch_operands = 9 : i64, tpu.core_type = #tpu.core_type<sc_vector_subcore>, window_params = [{transform_indices = #map}, {transform_indices = #map}, {transform_indices = #map}, {transform_indices = #map}, {transform_indices = #map}, {transform_indices = #map1}, {transform_indices = #map1}]} {
    %mul3A = arith.constant 16 : i32
    %mul3A_0 = arith.muli %arg0, %mul3A : i32
    %add3A = arith.addi %mul3A_0, %arg1 : i32
    %mul3A_1 = arith.constant 640 : i32
    %mul3A_2 = arith.muli %arg1, %mul3A_1 : i32
    "tpu.region"() ({
      %run_scoped3A = tpu.sem_alloc : memref<!tpu.dma_semaphore, #tpu.memory_space<semaphore_mem>>
      %dma_start3A = arith.constant 0 : i32
      %dma_start3A_29 = tpu.memref_slice %arg13[%mul3A_2, %dma_start3A] : memref<10240x128xf32, #tpu.memory_space<vmem_shared>> -> memref<640x128xf32, #tpu.memory_space<vmem_shared>>
      tpu.enqueue_dma source(%arg6 : memref<640x128xf32, #tpu.memory_space<hbm>>) target(%dma_start3A_29 : memref<640x128xf32, #tpu.memory_space<vmem_shared>>) target_semaphore(%run_scoped3A : memref<!tpu.dma_semaphore, #tpu.memory_space<semaphore_mem>>)
      %dma_wait3A = arith.constant 0 : i32
      %dma_wait3A_30 = tpu.memref_slice %arg13[%mul3A_2, %dma_wait3A] : memref<10240x128xf32, #tpu.memory_space<vmem_shared>> -> memref<640x128xf32, #tpu.memory_space<vmem_shared>>
      tpu.wait_dma2 semaphore(%run_scoped3A : memref<!tpu.dma_semaphore, #tpu.memory_space<semaphore_mem>>) src(%arg6 : memref<640x128xf32, #tpu.memory_space<hbm>>) dst(%dma_wait3A_30 : memref<640x128xf32, #tpu.memory_space<vmem_shared>>)
      tpu.yield
    }) : () -> ()
    %barrier3A = arith.constant 0 : index
    tpu.barrier barrier_id(%barrier3A)
    %scan3A = arith.constant 0 : i32
    %scan3A_3 = arith.constant 0 : i32
    %scan3A_4 = arith.constant 5 : i32
    %scan3A_5 = arith.addi %scan3A_3, %scan3A_4 : i32
    %scan3A_6 = arith.constant 1 : i32
    scf.for %scan3A_29 = %scan3A_3 to %scan3A_5 step %scan3A_6  : i32 {
      %mul3A_30 = arith.constant 80 : i32
      %mul3A_31 = arith.muli %add3A, %mul3A_30 : i32
      %mul3A_32 = arith.constant 16 : i32
      %mul3A_33 = arith.muli %scan3A_29, %mul3A_32 : i32
      %add3A_34 = arith.addi %mul3A_31, %mul3A_33 : i32
      "tpu.region"() ({
        %run_scoped3A = tpu.sem_alloc : memref<!tpu.dma_semaphore, #tpu.memory_space<semaphore_mem>>
        %dma_start3A_52 = arith.constant 0 : i32
        %dma_start3A_53 = tpu.memref_slice %arg4[%add3A_34, %dma_start3A_52] : memref<2560x128xi32, #tpu.memory_space<hbm>> -> memref<16x128xi32, #tpu.memory_space<hbm>>
        %dma_start3A_54 = arith.constant 0 : i32
        %dma_start3A_55 = tpu.memref_slice %arg4[%add3A_34, %dma_start3A_54] : memref<2560x128xi32, #tpu.memory_space<hbm>> -> memref<16x128xi32, #tpu.memory_space<hbm>>
        tpu.enqueue_dma source(%dma_start3A_55 : memref<16x128xi32, #tpu.memory_space<hbm>>) target(%arg9 : memref<16x128xi32, #tpu.memory_space<vmem>>) target_semaphore(%run_scoped3A : memref<!tpu.dma_semaphore, #tpu.memory_space<semaphore_mem>>)
        %dma_wait3A_56 = arith.constant 0 : i32
        %dma_wait3A_57 = tpu.memref_slice %arg4[%add3A_34, %dma_wait3A_56] : memref<2560x128xi32, #tpu.memory_space<hbm>> -> memref<16x128xi32, #tpu.memory_space<hbm>>
        %dma_wait3A_58 = arith.constant 0 : i32
        %dma_wait3A_59 = tpu.memref_slice %arg4[%add3A_34, %dma_wait3A_58] : memref<2560x128xi32, #tpu.memory_space<hbm>> -> memref<16x128xi32, #tpu.memory_space<hbm>>
        tpu.wait_dma2 semaphore(%run_scoped3A : memref<!tpu.dma_semaphore, #tpu.memory_space<semaphore_mem>>) src(%dma_wait3A_59 : memref<16x128xi32, #tpu.memory_space<hbm>>) dst(%arg9 : memref<16x128xi32, #tpu.memory_space<vmem>>)
        tpu.yield
      }) : () -> ()
      "tpu.region"() ({
        %run_scoped3A = tpu.sem_alloc : memref<!tpu.dma_semaphore, #tpu.memory_space<semaphore_mem>>
        %dma_start3A_52 = arith.constant 0 : i32
        %dma_start3A_53 = tpu.memref_slice %arg5[%add3A_34, %dma_start3A_52] : memref<2560x128xi32, #tpu.memory_space<hbm>> -> memref<16x128xi32, #tpu.memory_space<hbm>>
        %dma_start3A_54 = arith.constant 0 : i32
        %dma_start3A_55 = tpu.memref_slice %arg5[%add3A_34, %dma_start3A_54] : memref<2560x128xi32, #tpu.memory_space<hbm>> -> memref<16x128xi32, #tpu.memory_space<hbm>>
        tpu.enqueue_dma source(%dma_start3A_55 : memref<16x128xi32, #tpu.memory_space<hbm>>) target(%arg10 : memref<16x128xi32, #tpu.memory_space<vmem>>) target_semaphore(%run_scoped3A : memref<!tpu.dma_semaphore, #tpu.memory_space<semaphore_mem>>)
        %dma_wait3A_56 = arith.constant 0 : i32
        %dma_wait3A_57 = tpu.memref_slice %arg5[%add3A_34, %dma_wait3A_56] : memref<2560x128xi32, #tpu.memory_space<hbm>> -> memref<16x128xi32, #tpu.memory_space<hbm>>
        %dma_wait3A_58 = arith.constant 0 : i32
        %dma_wait3A_59 = tpu.memref_slice %arg5[%add3A_34, %dma_wait3A_58] : memref<2560x128xi32, #tpu.memory_space<hbm>> -> memref<16x128xi32, #tpu.memory_space<hbm>>
        tpu.wait_dma2 semaphore(%run_scoped3A : memref<!tpu.dma_semaphore, #tpu.memory_space<semaphore_mem>>) src(%dma_wait3A_59 : memref<16x128xi32, #tpu.memory_space<hbm>>) dst(%arg10 : memref<16x128xi32, #tpu.memory_space<vmem>>)
        tpu.yield
      }) : () -> ()
      %dma_start3A = arith.constant 0 : i32
      %dma_start3A_35 = arith.constant 0 : i32
      %dma_start3A_36 = tpu.memref_slice %arg9[%dma_start3A, %dma_start3A_35] : memref<16x128xi32, #tpu.memory_space<vmem>> -> memref<1x128xi32, #tpu.memory_space<vmem>>
      %dma_start3A_37 = tpu.memref_squeeze %dma_start3A_36 : memref<1x128xi32, #tpu.memory_space<vmem>> -> memref<128xi32, #tpu.memory_space<vmem>>
      %dma_start3A_38 = arith.constant 0 : i32
      %dma_start3A_39 = arith.constant 0 : i32
      %dma_start3A_40 = tpu.memref_slice %arg2[%dma_start3A_38, %dma_start3A_39] : memref<10240x128xf32, #tpu.memory_space<hbm>> -> memref<10240x128xf32, #tpu.memory_space<hbm>>
      tpu.enqueue_indirect_dma source(%dma_start3A_40 : memref<10240x128xf32, #tpu.memory_space<hbm>>) target(%arg11 : memref<128x128xf32, #tpu.memory_space<vmem>>) offsets(%dma_start3A_37 : memref<128xi32, #tpu.memory_space<vmem>>) semaphore(%arg14 : memref<!tpu.dma_semaphore, #tpu.memory_space<semaphore_mem>>)
      %scan3A_41 = arith.constant 0 : i32
      %scan3A_42 = arith.constant 0 : i32
      %scan3A_43 = arith.constant 8 : i32
      %scan3A_44 = arith.addi %scan3A_42, %scan3A_43 : i32
      %scan3A_45 = arith.constant 1 : i32
      scf.for %scan3A_52 = %scan3A_42 to %scan3A_44 step %scan3A_45  : i32 {
        %dma_wait3A_53 = arith.constant 0 : i32
        %dma_wait3A_54 = arith.constant 0 : i32
        %dma_wait3A_55 = tpu.memref_slice %arg2[%dma_wait3A_53, %dma_wait3A_54] : memref<10240x128xf32, #tpu.memory_space<hbm>> -> memref<128x128xf32, #tpu.memory_space<hbm>>
        %dma_wait3A_56 = arith.constant 0 : i32
        %dma_wait3A_57 = arith.constant 0 : i32
        %dma_wait3A_58 = tpu.memref_slice %arg2[%dma_wait3A_56, %dma_wait3A_57] : memref<10240x128xf32, #tpu.memory_space<hbm>> -> memref<128x128xf32, #tpu.memory_space<hbm>>
        tpu.wait_dma2 semaphore(%arg14 : memref<!tpu.dma_semaphore, #tpu.memory_space<semaphore_mem>>) src(%dma_wait3A_58 : memref<128x128xf32, #tpu.memory_space<hbm>>) dst(%arg11 : memref<128x128xf32, #tpu.memory_space<vmem>>)
        %mul3A_59 = arith.constant 2 : i32
        %mul3A_60 = arith.muli %mul3A_59, %scan3A_52 : i32
        %dma_start3A_61 = arith.constant 0 : i32
        %dma_start3A_62 = tpu.memref_slice %arg10[%mul3A_60, %dma_start3A_61] : memref<16x128xi32, #tpu.memory_space<vmem>> -> memref<1x128xi32, #tpu.memory_space<vmem>>
        %dma_start3A_63 = tpu.memref_squeeze %dma_start3A_62 : memref<1x128xi32, #tpu.memory_space<vmem>> -> memref<128xi32, #tpu.memory_space<vmem>>
        %dma_start3A_64 = arith.constant 0 : i32
        %dma_start3A_65 = arith.constant 0 : i32
        %dma_start3A_66 = tpu.memref_slice %arg13[%dma_start3A_64, %dma_start3A_65] : memref<10240x128xf32, #tpu.memory_space<vmem_shared>> -> memref<10240x128xf32, #tpu.memory_space<vmem_shared>>
        tpu.enqueue_indirect_dma source(%arg11 : memref<128x128xf32, #tpu.memory_space<vmem>>) target(%dma_start3A_66 : memref<10240x128xf32, #tpu.memory_space<vmem_shared>>) offsets(%dma_start3A_63 : memref<128xi32, #tpu.memory_space<vmem>>) semaphore(%arg16 : memref<!tpu.dma_semaphore, #tpu.memory_space<semaphore_mem>>) {add = true}
        %gt3A = arith.constant 0 : i32
        %gt3A_67 = arith.cmpi sgt, %scan3A_52, %gt3A : i32
        %convert_element_type3A = arith.extui %gt3A_67 : i1 to i32
        %cond3A = arith.constant 0 : i32
        %cond3A_68 = arith.cmpi ne, %convert_element_type3A, %cond3A : i32
        scf.if %cond3A_68 {
          %dma_wait3A_105 = arith.constant 0 : i32
          %dma_wait3A_106 = arith.constant 0 : i32
          %dma_wait3A_107 = tpu.memref_slice %arg2[%dma_wait3A_105, %dma_wait3A_106] : memref<10240x128xf32, #tpu.memory_space<hbm>> -> memref<128x128xf32, #tpu.memory_space<hbm>>
          %dma_wait3A_108 = arith.constant 0 : i32
          %dma_wait3A_109 = arith.constant 0 : i32
          %dma_wait3A_110 = tpu.memref_slice %arg2[%dma_wait3A_108, %dma_wait3A_109] : memref<10240x128xf32, #tpu.memory_space<hbm>> -> memref<128x128xf32, #tpu.memory_space<hbm>>
          tpu.wait_dma2 semaphore(%arg17 : memref<!tpu.dma_semaphore, #tpu.memory_space<semaphore_mem>>) src(%dma_wait3A_110 : memref<128x128xf32, #tpu.memory_space<hbm>>) dst(%arg12 : memref<128x128xf32, #tpu.memory_space<vmem>>)
        } else {
        }
        %mul3A_69 = arith.constant 2 : i32
        %mul3A_70 = arith.muli %mul3A_69, %scan3A_52 : i32
        %add3A_71 = arith.constant 1 : i32
        %add3A_72 = arith.addi %mul3A_70, %add3A_71 : i32
        %dma_start3A_73 = arith.constant 0 : i32
        %dma_start3A_74 = tpu.memref_slice %arg9[%add3A_72, %dma_start3A_73] : memref<16x128xi32, #tpu.memory_space<vmem>> -> memref<1x128xi32, #tpu.memory_space<vmem>>
        %dma_start3A_75 = tpu.memref_squeeze %dma_start3A_74 : memref<1x128xi32, #tpu.memory_space<vmem>> -> memref<128xi32, #tpu.memory_space<vmem>>
        %dma_start3A_76 = arith.constant 0 : i32
        %dma_start3A_77 = arith.constant 0 : i32
        %dma_start3A_78 = tpu.memref_slice %arg2[%dma_start3A_76, %dma_start3A_77] : memref<10240x128xf32, #tpu.memory_space<hbm>> -> memref<10240x128xf32, #tpu.memory_space<hbm>>
        tpu.enqueue_indirect_dma source(%dma_start3A_78 : memref<10240x128xf32, #tpu.memory_space<hbm>>) target(%arg12 : memref<128x128xf32, #tpu.memory_space<vmem>>) offsets(%dma_start3A_75 : memref<128xi32, #tpu.memory_space<vmem>>) semaphore(%arg15 : memref<!tpu.dma_semaphore, #tpu.memory_space<semaphore_mem>>)
        %dma_wait3A_79 = arith.constant 0 : i32
        %dma_wait3A_80 = arith.constant 0 : i32
        %dma_wait3A_81 = tpu.memref_slice %arg2[%dma_wait3A_79, %dma_wait3A_80] : memref<10240x128xf32, #tpu.memory_space<hbm>> -> memref<128x128xf32, #tpu.memory_space<hbm>>
        %dma_wait3A_82 = arith.constant 0 : i32
        %dma_wait3A_83 = arith.constant 0 : i32
        %dma_wait3A_84 = tpu.memref_slice %arg2[%dma_wait3A_82, %dma_wait3A_83] : memref<10240x128xf32, #tpu.memory_space<hbm>> -> memref<128x128xf32, #tpu.memory_space<hbm>>
        tpu.wait_dma2 semaphore(%arg16 : memref<!tpu.dma_semaphore, #tpu.memory_space<semaphore_mem>>) src(%dma_wait3A_84 : memref<128x128xf32, #tpu.memory_space<hbm>>) dst(%arg11 : memref<128x128xf32, #tpu.memory_space<vmem>>)
        %lt3A = arith.constant 7 : i32
        %lt3A_85 = arith.cmpi slt, %scan3A_52, %lt3A : i32
        %convert_element_type3A_86 = arith.extui %lt3A_85 : i1 to i32
        %cond3A_87 = arith.constant 0 : i32
        %cond3A_88 = arith.cmpi ne, %convert_element_type3A_86, %cond3A_87 : i32
        scf.if %cond3A_88 {
          %mul3A_105 = arith.constant 2 : i32
          %mul3A_106 = arith.muli %mul3A_105, %scan3A_52 : i32
          %add3A_107 = arith.constant 2 : i32
          %add3A_108 = arith.addi %mul3A_106, %add3A_107 : i32
          %dma_start3A_109 = arith.constant 0 : i32
          %dma_start3A_110 = tpu.memref_slice %arg9[%add3A_108, %dma_start3A_109] : memref<16x128xi32, #tpu.memory_space<vmem>> -> memref<1x128xi32, #tpu.memory_space<vmem>>
          %dma_start3A_111 = tpu.memref_squeeze %dma_start3A_110 : memref<1x128xi32, #tpu.memory_space<vmem>> -> memref<128xi32, #tpu.memory_space<vmem>>
          %dma_start3A_112 = arith.constant 0 : i32
          %dma_start3A_113 = arith.constant 0 : i32
          %dma_start3A_114 = tpu.memref_slice %arg2[%dma_start3A_112, %dma_start3A_113] : memref<10240x128xf32, #tpu.memory_space<hbm>> -> memref<10240x128xf32, #tpu.memory_space<hbm>>
          tpu.enqueue_indirect_dma source(%dma_start3A_114 : memref<10240x128xf32, #tpu.memory_space<hbm>>) target(%arg11 : memref<128x128xf32, #tpu.memory_space<vmem>>) offsets(%dma_start3A_111 : memref<128xi32, #tpu.memory_space<vmem>>) semaphore(%arg14 : memref<!tpu.dma_semaphore, #tpu.memory_space<semaphore_mem>>)
        } else {
        }
        %dma_wait3A_89 = arith.constant 0 : i32
        %dma_wait3A_90 = arith.constant 0 : i32
        %dma_wait3A_91 = tpu.memref_slice %arg2[%dma_wait3A_89, %dma_wait3A_90] : memref<10240x128xf32, #tpu.memory_space<hbm>> -> memref<128x128xf32, #tpu.memory_space<hbm>>
        %dma_wait3A_92 = arith.constant 0 : i32
        %dma_wait3A_93 = arith.constant 0 : i32
        %dma_wait3A_94 = tpu.memref_slice %arg2[%dma_wait3A_92, %dma_wait3A_93] : memref<10240x128xf32, #tpu.memory_space<hbm>> -> memref<128x128xf32, #tpu.memory_space<hbm>>
        tpu.wait_dma2 semaphore(%arg15 : memref<!tpu.dma_semaphore, #tpu.memory_space<semaphore_mem>>) src(%dma_wait3A_94 : memref<128x128xf32, #tpu.memory_space<hbm>>) dst(%arg12 : memref<128x128xf32, #tpu.memory_space<vmem>>)
        %mul3A_95 = arith.constant 2 : i32
        %mul3A_96 = arith.muli %mul3A_95, %scan3A_52 : i32
        %add3A_97 = arith.constant 1 : i32
        %add3A_98 = arith.addi %mul3A_96, %add3A_97 : i32
        %dma_start3A_99 = arith.constant 0 : i32
        %dma_start3A_100 = tpu.memref_slice %arg10[%add3A_98, %dma_start3A_99] : memref<16x128xi32, #tpu.memory_space<vmem>> -> memref<1x128xi32, #tpu.memory_space<vmem>>
        %dma_start3A_101 = tpu.memref_squeeze %dma_start3A_100 : memref<1x128xi32, #tpu.memory_space<vmem>> -> memref<128xi32, #tpu.memory_space<vmem>>
        %dma_start3A_102 = arith.constant 0 : i32
        %dma_start3A_103 = arith.constant 0 : i32
        %dma_start3A_104 = tpu.memref_slice %arg13[%dma_start3A_102, %dma_start3A_103] : memref<10240x128xf32, #tpu.memory_space<vmem_shared>> -> memref<10240x128xf32, #tpu.memory_space<vmem_shared>>
        tpu.enqueue_indirect_dma source(%arg12 : memref<128x128xf32, #tpu.memory_space<vmem>>) target(%dma_start3A_104 : memref<10240x128xf32, #tpu.memory_space<vmem_shared>>) offsets(%dma_start3A_101 : memref<128xi32, #tpu.memory_space<vmem>>) semaphore(%arg17 : memref<!tpu.dma_semaphore, #tpu.memory_space<semaphore_mem>>) {add = true}
      }
      %scan3A_46 = arith.constant 8 : i32
      %dma_wait3A = arith.constant 0 : i32
      %dma_wait3A_47 = arith.constant 0 : i32
      %dma_wait3A_48 = tpu.memref_slice %arg2[%dma_wait3A, %dma_wait3A_47] : memref<10240x128xf32, #tpu.memory_space<hbm>> -> memref<128x128xf32, #tpu.memory_space<hbm>>
      %dma_wait3A_49 = arith.constant 0 : i32
      %dma_wait3A_50 = arith.constant 0 : i32
      %dma_wait3A_51 = tpu.memref_slice %arg2[%dma_wait3A_49, %dma_wait3A_50] : memref<10240x128xf32, #tpu.memory_space<hbm>> -> memref<128x128xf32, #tpu.memory_space<hbm>>
      tpu.wait_dma2 semaphore(%arg17 : memref<!tpu.dma_semaphore, #tpu.memory_space<semaphore_mem>>) src(%dma_wait3A_51 : memref<128x128xf32, #tpu.memory_space<hbm>>) dst(%arg12 : memref<128x128xf32, #tpu.memory_space<vmem>>)
    }
    %scan3A_7 = arith.constant 5 : i32
    %barrier3A_8 = arith.constant 0 : index
    tpu.barrier barrier_id(%barrier3A_8)
    %mul3A_9 = arith.constant 640 : i32
    %mul3A_10 = arith.muli %arg1, %mul3A_9 : i32
    %mul3A_11 = arith.constant 640 : i32
    %mul3A_12 = arith.muli %arg1, %mul3A_11 : i32
    "tpu.region"() ({
      %run_scoped3A = tpu.sem_alloc : memref<!tpu.dma_semaphore, #tpu.memory_space<semaphore_mem>>
      %dma_start3A = arith.constant 0 : i32
      %dma_start3A_29 = tpu.memref_slice %arg7[%arg0, %mul3A_12, %dma_start3A] : memref<2x10240x128xf32, #tpu.memory_space<hbm>> -> memref<1x640x128xf32, #tpu.memory_space<hbm>>
      %dma_start3A_30 = tpu.memref_squeeze %dma_start3A_29 : memref<1x640x128xf32, #tpu.memory_space<hbm>> -> memref<640x128xf32, #tpu.memory_space<hbm>>
      %dma_start3A_31 = arith.constant 0 : i32
      %dma_start3A_32 = tpu.memref_slice %arg13[%mul3A_10, %dma_start3A_31] : memref<10240x128xf32, #tpu.memory_space<vmem_shared>> -> memref<640x128xf32, #tpu.memory_space<vmem_shared>>
      tpu.enqueue_dma source(%dma_start3A_32 : memref<640x128xf32, #tpu.memory_space<vmem_shared>>) target(%dma_start3A_30 : memref<640x128xf32, #tpu.memory_space<hbm>>) target_semaphore(%run_scoped3A : memref<!tpu.dma_semaphore, #tpu.memory_space<semaphore_mem>>)
      %dma_wait3A = arith.constant 0 : i32
      %dma_wait3A_33 = tpu.memref_slice %arg7[%arg0, %mul3A_12, %dma_wait3A] : memref<2x10240x128xf32, #tpu.memory_space<hbm>> -> memref<1x640x128xf32, #tpu.memory_space<hbm>>
      %dma_wait3A_34 = tpu.memref_squeeze %dma_wait3A_33 : memref<1x640x128xf32, #tpu.memory_space<hbm>> -> memref<640x128xf32, #tpu.memory_space<hbm>>
      %dma_wait3A_35 = arith.constant 0 : i32
      %dma_wait3A_36 = tpu.memref_slice %arg13[%mul3A_10, %dma_wait3A_35] : memref<10240x128xf32, #tpu.memory_space<vmem_shared>> -> memref<640x128xf32, #tpu.memory_space<vmem_shared>>
      tpu.wait_dma2 semaphore(%run_scoped3A : memref<!tpu.dma_semaphore, #tpu.memory_space<semaphore_mem>>) src(%dma_wait3A_36 : memref<640x128xf32, #tpu.memory_space<vmem_shared>>) dst(%dma_wait3A_34 : memref<640x128xf32, #tpu.memory_space<hbm>>)
      tpu.yield
    }) : () -> ()
    %barrier3A_13 = arith.constant 0 : index
    tpu.barrier barrier_id(%barrier3A_13)
    %mul3A_14 = arith.constant 640 : i32
    %mul3A_15 = arith.muli %arg1, %mul3A_14 : i32
    "tpu.region"() ({
      %run_scoped3A = tpu.sem_alloc : memref<!tpu.dma_semaphore, #tpu.memory_space<semaphore_mem>>
      %dma_start3A = arith.constant 0 : i32
      %dma_start3A_29 = tpu.memref_slice %arg13[%mul3A_15, %dma_start3A] : memref<10240x128xf32, #tpu.memory_space<vmem_shared>> -> memref<640x128xf32, #tpu.memory_space<vmem_shared>>
      tpu.enqueue_dma source(%arg6 : memref<640x128xf32, #tpu.memory_space<hbm>>) target(%dma_start3A_29 : memref<640x128xf32, #tpu.memory_space<vmem_shared>>) target_semaphore(%run_scoped3A : memref<!tpu.dma_semaphore, #tpu.memory_space<semaphore_mem>>)
      %dma_wait3A = arith.constant 0 : i32
      %dma_wait3A_30 = tpu.memref_slice %arg13[%mul3A_15, %dma_wait3A] : memref<10240x128xf32, #tpu.memory_space<vmem_shared>> -> memref<640x128xf32, #tpu.memory_space<vmem_shared>>
      tpu.wait_dma2 semaphore(%run_scoped3A : memref<!tpu.dma_semaphore, #tpu.memory_space<semaphore_mem>>) src(%arg6 : memref<640x128xf32, #tpu.memory_space<hbm>>) dst(%dma_wait3A_30 : memref<640x128xf32, #tpu.memory_space<vmem_shared>>)
      tpu.yield
    }) : () -> ()
    %barrier3A_16 = arith.constant 0 : index
    tpu.barrier barrier_id(%barrier3A_16)
    %scan3A_17 = arith.constant 0 : i32
    %scan3A_18 = arith.constant 0 : i32
    %scan3A_19 = arith.constant 5 : i32
    %scan3A_20 = arith.addi %scan3A_18, %scan3A_19 : i32
    %scan3A_21 = arith.constant 1 : i32
    scf.for %scan3A_29 = %scan3A_18 to %scan3A_20 step %scan3A_21  : i32 {
      %mul3A_30 = arith.constant 80 : i32
      %mul3A_31 = arith.muli %add3A, %mul3A_30 : i32
      %mul3A_32 = arith.constant 16 : i32
      %mul3A_33 = arith.muli %scan3A_29, %mul3A_32 : i32
      %add3A_34 = arith.addi %mul3A_31, %mul3A_33 : i32
      "tpu.region"() ({
        %run_scoped3A = tpu.sem_alloc : memref<!tpu.dma_semaphore, #tpu.memory_space<semaphore_mem>>
        %dma_start3A_52 = arith.constant 0 : i32
        %dma_start3A_53 = tpu.memref_slice %arg4[%add3A_34, %dma_start3A_52] : memref<2560x128xi32, #tpu.memory_space<hbm>> -> memref<16x128xi32, #tpu.memory_space<hbm>>
        %dma_start3A_54 = arith.constant 0 : i32
        %dma_start3A_55 = tpu.memref_slice %arg4[%add3A_34, %dma_start3A_54] : memref<2560x128xi32, #tpu.memory_space<hbm>> -> memref<16x128xi32, #tpu.memory_space<hbm>>
        tpu.enqueue_dma source(%dma_start3A_55 : memref<16x128xi32, #tpu.memory_space<hbm>>) target(%arg9 : memref<16x128xi32, #tpu.memory_space<vmem>>) target_semaphore(%run_scoped3A : memref<!tpu.dma_semaphore, #tpu.memory_space<semaphore_mem>>)
        %dma_wait3A_56 = arith.constant 0 : i32
        %dma_wait3A_57 = tpu.memref_slice %arg4[%add3A_34, %dma_wait3A_56] : memref<2560x128xi32, #tpu.memory_space<hbm>> -> memref<16x128xi32, #tpu.memory_space<hbm>>
        %dma_wait3A_58 = arith.constant 0 : i32
        %dma_wait3A_59 = tpu.memref_slice %arg4[%add3A_34, %dma_wait3A_58] : memref<2560x128xi32, #tpu.memory_space<hbm>> -> memref<16x128xi32, #tpu.memory_space<hbm>>
        tpu.wait_dma2 semaphore(%run_scoped3A : memref<!tpu.dma_semaphore, #tpu.memory_space<semaphore_mem>>) src(%dma_wait3A_59 : memref<16x128xi32, #tpu.memory_space<hbm>>) dst(%arg9 : memref<16x128xi32, #tpu.memory_space<vmem>>)
        tpu.yield
      }) : () -> ()
      "tpu.region"() ({
        %run_scoped3A = tpu.sem_alloc : memref<!tpu.dma_semaphore, #tpu.memory_space<semaphore_mem>>
        %dma_start3A_52 = arith.constant 0 : i32
        %dma_start3A_53 = tpu.memref_slice %arg5[%add3A_34, %dma_start3A_52] : memref<2560x128xi32, #tpu.memory_space<hbm>> -> memref<16x128xi32, #tpu.memory_space<hbm>>
        %dma_start3A_54 = arith.constant 0 : i32
        %dma_start3A_55 = tpu.memref_slice %arg5[%add3A_34, %dma_start3A_54] : memref<2560x128xi32, #tpu.memory_space<hbm>> -> memref<16x128xi32, #tpu.memory_space<hbm>>
        tpu.enqueue_dma source(%dma_start3A_55 : memref<16x128xi32, #tpu.memory_space<hbm>>) target(%arg10 : memref<16x128xi32, #tpu.memory_space<vmem>>) target_semaphore(%run_scoped3A : memref<!tpu.dma_semaphore, #tpu.memory_space<semaphore_mem>>)
        %dma_wait3A_56 = arith.constant 0 : i32
        %dma_wait3A_57 = tpu.memref_slice %arg5[%add3A_34, %dma_wait3A_56] : memref<2560x128xi32, #tpu.memory_space<hbm>> -> memref<16x128xi32, #tpu.memory_space<hbm>>
        %dma_wait3A_58 = arith.constant 0 : i32
        %dma_wait3A_59 = tpu.memref_slice %arg5[%add3A_34, %dma_wait3A_58] : memref<2560x128xi32, #tpu.memory_space<hbm>> -> memref<16x128xi32, #tpu.memory_space<hbm>>
        tpu.wait_dma2 semaphore(%run_scoped3A : memref<!tpu.dma_semaphore, #tpu.memory_space<semaphore_mem>>) src(%dma_wait3A_59 : memref<16x128xi32, #tpu.memory_space<hbm>>) dst(%arg10 : memref<16x128xi32, #tpu.memory_space<vmem>>)
        tpu.yield
      }) : () -> ()
      %dma_start3A = arith.constant 0 : i32
      %dma_start3A_35 = arith.constant 0 : i32
      %dma_start3A_36 = tpu.memref_slice %arg9[%dma_start3A, %dma_start3A_35] : memref<16x128xi32, #tpu.memory_space<vmem>> -> memref<1x128xi32, #tpu.memory_space<vmem>>
      %dma_start3A_37 = tpu.memref_squeeze %dma_start3A_36 : memref<1x128xi32, #tpu.memory_space<vmem>> -> memref<128xi32, #tpu.memory_space<vmem>>
      %dma_start3A_38 = arith.constant 0 : i32
      %dma_start3A_39 = arith.constant 0 : i32
      %dma_start3A_40 = tpu.memref_slice %arg3[%dma_start3A_38, %dma_start3A_39] : memref<10240x128xf32, #tpu.memory_space<hbm>> -> memref<10240x128xf32, #tpu.memory_space<hbm>>
      tpu.enqueue_indirect_dma source(%dma_start3A_40 : memref<10240x128xf32, #tpu.memory_space<hbm>>) target(%arg11 : memref<128x128xf32, #tpu.memory_space<vmem>>) offsets(%dma_start3A_37 : memref<128xi32, #tpu.memory_space<vmem>>) semaphore(%arg14 : memref<!tpu.dma_semaphore, #tpu.memory_space<semaphore_mem>>)
      %scan3A_41 = arith.constant 0 : i32
      %scan3A_42 = arith.constant 0 : i32
      %scan3A_43 = arith.constant 8 : i32
      %scan3A_44 = arith.addi %scan3A_42, %scan3A_43 : i32
      %scan3A_45 = arith.constant 1 : i32
      scf.for %scan3A_52 = %scan3A_42 to %scan3A_44 step %scan3A_45  : i32 {
        %dma_wait3A_53 = arith.constant 0 : i32
        %dma_wait3A_54 = arith.constant 0 : i32
        %dma_wait3A_55 = tpu.memref_slice %arg2[%dma_wait3A_53, %dma_wait3A_54] : memref<10240x128xf32, #tpu.memory_space<hbm>> -> memref<128x128xf32, #tpu.memory_space<hbm>>
        %dma_wait3A_56 = arith.constant 0 : i32
        %dma_wait3A_57 = arith.constant 0 : i32
        %dma_wait3A_58 = tpu.memref_slice %arg2[%dma_wait3A_56, %dma_wait3A_57] : memref<10240x128xf32, #tpu.memory_space<hbm>> -> memref<128x128xf32, #tpu.memory_space<hbm>>
        tpu.wait_dma2 semaphore(%arg14 : memref<!tpu.dma_semaphore, #tpu.memory_space<semaphore_mem>>) src(%dma_wait3A_58 : memref<128x128xf32, #tpu.memory_space<hbm>>) dst(%arg11 : memref<128x128xf32, #tpu.memory_space<vmem>>)
        %mul3A_59 = arith.constant 2 : i32
        %mul3A_60 = arith.muli %mul3A_59, %scan3A_52 : i32
        %dma_start3A_61 = arith.constant 0 : i32
        %dma_start3A_62 = tpu.memref_slice %arg10[%mul3A_60, %dma_start3A_61] : memref<16x128xi32, #tpu.memory_space<vmem>> -> memref<1x128xi32, #tpu.memory_space<vmem>>
        %dma_start3A_63 = tpu.memref_squeeze %dma_start3A_62 : memref<1x128xi32, #tpu.memory_space<vmem>> -> memref<128xi32, #tpu.memory_space<vmem>>
        %dma_start3A_64 = arith.constant 0 : i32
        %dma_start3A_65 = arith.constant 0 : i32
        %dma_start3A_66 = tpu.memref_slice %arg13[%dma_start3A_64, %dma_start3A_65] : memref<10240x128xf32, #tpu.memory_space<vmem_shared>> -> memref<10240x128xf32, #tpu.memory_space<vmem_shared>>
        tpu.enqueue_indirect_dma source(%arg11 : memref<128x128xf32, #tpu.memory_space<vmem>>) target(%dma_start3A_66 : memref<10240x128xf32, #tpu.memory_space<vmem_shared>>) offsets(%dma_start3A_63 : memref<128xi32, #tpu.memory_space<vmem>>) semaphore(%arg16 : memref<!tpu.dma_semaphore, #tpu.memory_space<semaphore_mem>>) {add = true}
        %gt3A = arith.constant 0 : i32
        %gt3A_67 = arith.cmpi sgt, %scan3A_52, %gt3A : i32
        %convert_element_type3A = arith.extui %gt3A_67 : i1 to i32
        %cond3A = arith.constant 0 : i32
        %cond3A_68 = arith.cmpi ne, %convert_element_type3A, %cond3A : i32
        scf.if %cond3A_68 {
          %dma_wait3A_105 = arith.constant 0 : i32
          %dma_wait3A_106 = arith.constant 0 : i32
          %dma_wait3A_107 = tpu.memref_slice %arg2[%dma_wait3A_105, %dma_wait3A_106] : memref<10240x128xf32, #tpu.memory_space<hbm>> -> memref<128x128xf32, #tpu.memory_space<hbm>>
          %dma_wait3A_108 = arith.constant 0 : i32
          %dma_wait3A_109 = arith.constant 0 : i32
          %dma_wait3A_110 = tpu.memref_slice %arg2[%dma_wait3A_108, %dma_wait3A_109] : memref<10240x128xf32, #tpu.memory_space<hbm>> -> memref<128x128xf32, #tpu.memory_space<hbm>>
          tpu.wait_dma2 semaphore(%arg17 : memref<!tpu.dma_semaphore, #tpu.memory_space<semaphore_mem>>) src(%dma_wait3A_110 : memref<128x128xf32, #tpu.memory_space<hbm>>) dst(%arg12 : memref<128x128xf32, #tpu.memory_space<vmem>>)
        } else {
        }
        %mul3A_69 = arith.constant 2 : i32
        %mul3A_70 = arith.muli %mul3A_69, %scan3A_52 : i32
        %add3A_71 = arith.constant 1 : i32
        %add3A_72 = arith.addi %mul3A_70, %add3A_71 : i32
        %dma_start3A_73 = arith.constant 0 : i32
        %dma_start3A_74 = tpu.memref_slice %arg9[%add3A_72, %dma_start3A_73] : memref<16x128xi32, #tpu.memory_space<vmem>> -> memref<1x128xi32, #tpu.memory_space<vmem>>
        %dma_start3A_75 = tpu.memref_squeeze %dma_start3A_74 : memref<1x128xi32, #tpu.memory_space<vmem>> -> memref<128xi32, #tpu.memory_space<vmem>>
        %dma_start3A_76 = arith.constant 0 : i32
        %dma_start3A_77 = arith.constant 0 : i32
        %dma_start3A_78 = tpu.memref_slice %arg3[%dma_start3A_76, %dma_start3A_77] : memref<10240x128xf32, #tpu.memory_space<hbm>> -> memref<10240x128xf32, #tpu.memory_space<hbm>>
        tpu.enqueue_indirect_dma source(%dma_start3A_78 : memref<10240x128xf32, #tpu.memory_space<hbm>>) target(%arg12 : memref<128x128xf32, #tpu.memory_space<vmem>>) offsets(%dma_start3A_75 : memref<128xi32, #tpu.memory_space<vmem>>) semaphore(%arg15 : memref<!tpu.dma_semaphore, #tpu.memory_space<semaphore_mem>>)
        %dma_wait3A_79 = arith.constant 0 : i32
        %dma_wait3A_80 = arith.constant 0 : i32
        %dma_wait3A_81 = tpu.memref_slice %arg2[%dma_wait3A_79, %dma_wait3A_80] : memref<10240x128xf32, #tpu.memory_space<hbm>> -> memref<128x128xf32, #tpu.memory_space<hbm>>
        %dma_wait3A_82 = arith.constant 0 : i32
        %dma_wait3A_83 = arith.constant 0 : i32
        %dma_wait3A_84 = tpu.memref_slice %arg2[%dma_wait3A_82, %dma_wait3A_83] : memref<10240x128xf32, #tpu.memory_space<hbm>> -> memref<128x128xf32, #tpu.memory_space<hbm>>
        tpu.wait_dma2 semaphore(%arg16 : memref<!tpu.dma_semaphore, #tpu.memory_space<semaphore_mem>>) src(%dma_wait3A_84 : memref<128x128xf32, #tpu.memory_space<hbm>>) dst(%arg11 : memref<128x128xf32, #tpu.memory_space<vmem>>)
        %lt3A = arith.constant 7 : i32
        %lt3A_85 = arith.cmpi slt, %scan3A_52, %lt3A : i32
        %convert_element_type3A_86 = arith.extui %lt3A_85 : i1 to i32
        %cond3A_87 = arith.constant 0 : i32
        %cond3A_88 = arith.cmpi ne, %convert_element_type3A_86, %cond3A_87 : i32
        scf.if %cond3A_88 {
          %mul3A_105 = arith.constant 2 : i32
          %mul3A_106 = arith.muli %mul3A_105, %scan3A_52 : i32
          %add3A_107 = arith.constant 2 : i32
          %add3A_108 = arith.addi %mul3A_106, %add3A_107 : i32
          %dma_start3A_109 = arith.constant 0 : i32
          %dma_start3A_110 = tpu.memref_slice %arg9[%add3A_108, %dma_start3A_109] : memref<16x128xi32, #tpu.memory_space<vmem>> -> memref<1x128xi32, #tpu.memory_space<vmem>>
          %dma_start3A_111 = tpu.memref_squeeze %dma_start3A_110 : memref<1x128xi32, #tpu.memory_space<vmem>> -> memref<128xi32, #tpu.memory_space<vmem>>
          %dma_start3A_112 = arith.constant 0 : i32
          %dma_start3A_113 = arith.constant 0 : i32
          %dma_start3A_114 = tpu.memref_slice %arg3[%dma_start3A_112, %dma_start3A_113] : memref<10240x128xf32, #tpu.memory_space<hbm>> -> memref<10240x128xf32, #tpu.memory_space<hbm>>
          tpu.enqueue_indirect_dma source(%dma_start3A_114 : memref<10240x128xf32, #tpu.memory_space<hbm>>) target(%arg11 : memref<128x128xf32, #tpu.memory_space<vmem>>) offsets(%dma_start3A_111 : memref<128xi32, #tpu.memory_space<vmem>>) semaphore(%arg14 : memref<!tpu.dma_semaphore, #tpu.memory_space<semaphore_mem>>)
        } else {
        }
        %dma_wait3A_89 = arith.constant 0 : i32
        %dma_wait3A_90 = arith.constant 0 : i32
        %dma_wait3A_91 = tpu.memref_slice %arg2[%dma_wait3A_89, %dma_wait3A_90] : memref<10240x128xf32, #tpu.memory_space<hbm>> -> memref<128x128xf32, #tpu.memory_space<hbm>>
        %dma_wait3A_92 = arith.constant 0 : i32
        %dma_wait3A_93 = arith.constant 0 : i32
        %dma_wait3A_94 = tpu.memref_slice %arg2[%dma_wait3A_92, %dma_wait3A_93] : memref<10240x128xf32, #tpu.memory_space<hbm>> -> memref<128x128xf32, #tpu.memory_space<hbm>>
        tpu.wait_dma2 semaphore(%arg15 : memref<!tpu.dma_semaphore, #tpu.memory_space<semaphore_mem>>) src(%dma_wait3A_94 : memref<128x128xf32, #tpu.memory_space<hbm>>) dst(%arg12 : memref<128x128xf32, #tpu.memory_space<vmem>>)
        %mul3A_95 = arith.constant 2 : i32
        %mul3A_96 = arith.muli %mul3A_95, %scan3A_52 : i32
        %add3A_97 = arith.constant 1 : i32
        %add3A_98 = arith.addi %mul3A_96, %add3A_97 : i32
        %dma_start3A_99 = arith.constant 0 : i32
        %dma_start3A_100 = tpu.memref_slice %arg10[%add3A_98, %dma_start3A_99] : memref<16x128xi32, #tpu.memory_space<vmem>> -> memref<1x128xi32, #tpu.memory_space<vmem>>
        %dma_start3A_101 = tpu.memref_squeeze %dma_start3A_100 : memref<1x128xi32, #tpu.memory_space<vmem>> -> memref<128xi32, #tpu.memory_space<vmem>>
        %dma_start3A_102 = arith.constant 0 : i32
        %dma_start3A_103 = arith.constant 0 : i32
        %dma_start3A_104 = tpu.memref_slice %arg13[%dma_start3A_102, %dma_start3A_103] : memref<10240x128xf32, #tpu.memory_space<vmem_shared>> -> memref<10240x128xf32, #tpu.memory_space<vmem_shared>>
        tpu.enqueue_indirect_dma source(%arg12 : memref<128x128xf32, #tpu.memory_space<vmem>>) target(%dma_start3A_104 : memref<10240x128xf32, #tpu.memory_space<vmem_shared>>) offsets(%dma_start3A_101 : memref<128xi32, #tpu.memory_space<vmem>>) semaphore(%arg17 : memref<!tpu.dma_semaphore, #tpu.memory_space<semaphore_mem>>) {add = true}
      }
      %scan3A_46 = arith.constant 8 : i32
      %dma_wait3A = arith.constant 0 : i32
      %dma_wait3A_47 = arith.constant 0 : i32
      %dma_wait3A_48 = tpu.memref_slice %arg2[%dma_wait3A, %dma_wait3A_47] : memref<10240x128xf32, #tpu.memory_space<hbm>> -> memref<128x128xf32, #tpu.memory_space<hbm>>
      %dma_wait3A_49 = arith.constant 0 : i32
      %dma_wait3A_50 = arith.constant 0 : i32
      %dma_wait3A_51 = tpu.memref_slice %arg2[%dma_wait3A_49, %dma_wait3A_50] : memref<10240x128xf32, #tpu.memory_space<hbm>> -> memref<128x128xf32, #tpu.memory_space<hbm>>
      tpu.wait_dma2 semaphore(%arg17 : memref<!tpu.dma_semaphore, #tpu.memory_space<semaphore_mem>>) src(%dma_wait3A_51 : memref<128x128xf32, #tpu.memory_space<hbm>>) dst(%arg12 : memref<128x128xf32, #tpu.memory_space<vmem>>)
    }
    %scan3A_22 = arith.constant 5 : i32
    %barrier3A_23 = arith.constant 0 : index
    tpu.barrier barrier_id(%barrier3A_23)
    %mul3A_24 = arith.constant 640 : i32
    %mul3A_25 = arith.muli %arg1, %mul3A_24 : i32
    %mul3A_26 = arith.constant 640 : i32
    %mul3A_27 = arith.muli %arg1, %mul3A_26 : i32
    "tpu.region"() ({
      %run_scoped3A = tpu.sem_alloc : memref<!tpu.dma_semaphore, #tpu.memory_space<semaphore_mem>>
      %dma_start3A = arith.constant 0 : i32
      %dma_start3A_29 = tpu.memref_slice %arg8[%arg0, %mul3A_27, %dma_start3A] : memref<2x10240x128xf32, #tpu.memory_space<hbm>> -> memref<1x640x128xf32, #tpu.memory_space<hbm>>
      %dma_start3A_30 = tpu.memref_squeeze %dma_start3A_29 : memref<1x640x128xf32, #tpu.memory_space<hbm>> -> memref<640x128xf32, #tpu.memory_space<hbm>>
      %dma_start3A_31 = arith.constant 0 : i32
      %dma_start3A_32 = tpu.memref_slice %arg13[%mul3A_25, %dma_start3A_31] : memref<10240x128xf32, #tpu.memory_space<vmem_shared>> -> memref<640x128xf32, #tpu.memory_space<vmem_shared>>
      tpu.enqueue_dma source(%dma_start3A_32 : memref<640x128xf32, #tpu.memory_space<vmem_shared>>) target(%dma_start3A_30 : memref<640x128xf32, #tpu.memory_space<hbm>>) target_semaphore(%run_scoped3A : memref<!tpu.dma_semaphore, #tpu.memory_space<semaphore_mem>>)
      %dma_wait3A = arith.constant 0 : i32
      %dma_wait3A_33 = tpu.memref_slice %arg8[%arg0, %mul3A_27, %dma_wait3A] : memref<2x10240x128xf32, #tpu.memory_space<hbm>> -> memref<1x640x128xf32, #tpu.memory_space<hbm>>
      %dma_wait3A_34 = tpu.memref_squeeze %dma_wait3A_33 : memref<1x640x128xf32, #tpu.memory_space<hbm>> -> memref<640x128xf32, #tpu.memory_space<hbm>>
      %dma_wait3A_35 = arith.constant 0 : i32
      %dma_wait3A_36 = tpu.memref_slice %arg13[%mul3A_25, %dma_wait3A_35] : memref<10240x128xf32, #tpu.memory_space<vmem_shared>> -> memref<640x128xf32, #tpu.memory_space<vmem_shared>>
      tpu.wait_dma2 semaphore(%run_scoped3A : memref<!tpu.dma_semaphore, #tpu.memory_space<semaphore_mem>>) src(%dma_wait3A_36 : memref<640x128xf32, #tpu.memory_space<vmem_shared>>) dst(%dma_wait3A_34 : memref<640x128xf32, #tpu.memory_space<hbm>>)
      tpu.yield
    }) : () -> ()
    %barrier3A_28 = arith.constant 0 : index
    tpu.barrier barrier_id(%barrier3A_28)
    return
  }
}

#map = affine_map<(d0, d1) -> (0, 0)>
#map1 = affine_map<(d0, d1) -> (0)>
module attributes {stable_mosaic.version = 14 : i64} {
  func.func @k(%arg0: i32, %arg1: i32, %arg2: memref<2560x128xi32, #tpu.memory_space<hbm>>, %arg3: memref<10240xf32, #tpu.memory_space<hbm>>, %arg4: memref<2x10240xf32, #tpu.memory_space<hbm>>, %arg5: memref<80x128xi32, #tpu.memory_space<vmem>>, %arg6: memref<10240xf32, #tpu.memory_space<vmem>>, %arg7: memref<16x640xf32, #tpu.memory_space<vmem>>, %arg8: memref<16x10240xf32, #tpu.memory_space<vmem_shared>>) attributes {dimension_semantics = [#tpu.dimension_semantics<core_parallel>, #tpu.dimension_semantics<subcore_parallel>], iteration_bounds = array<i64: 2, 16>, scalar_prefetch = 0 : i64, scratch_operands = 4 : i64, tpu.core_type = #tpu.core_type<sc_vector_subcore>, window_params = [{transform_indices = #map}, {transform_indices = #map1}, {transform_indices = #map}]} {
    %mul3A = arith.constant 16 : i32
    %mul3A_0 = arith.muli %arg0, %mul3A : i32
    %add3A = arith.addi %mul3A_0, %arg1 : i32
    "tpu.region"() ({
      %run_scoped3A_80 = tpu.sem_alloc : memref<!tpu.dma_semaphore, #tpu.memory_space<semaphore_mem>>
      tpu.enqueue_dma source(%arg3 : memref<10240xf32, #tpu.memory_space<hbm>>) target(%arg6 : memref<10240xf32, #tpu.memory_space<vmem>>) target_semaphore(%run_scoped3A_80 : memref<!tpu.dma_semaphore, #tpu.memory_space<semaphore_mem>>)
      tpu.wait_dma2 semaphore(%run_scoped3A_80 : memref<!tpu.dma_semaphore, #tpu.memory_space<semaphore_mem>>) src(%arg3 : memref<10240xf32, #tpu.memory_space<hbm>>) dst(%arg6 : memref<10240xf32, #tpu.memory_space<vmem>>)
      tpu.yield
    }) : () -> ()
    %mul3A_1 = arith.constant 80 : i32
    %mul3A_2 = arith.muli %add3A, %mul3A_1 : i32
    "tpu.region"() ({
      %run_scoped3A_80 = tpu.sem_alloc : memref<!tpu.dma_semaphore, #tpu.memory_space<semaphore_mem>>
      %dma_start3A = arith.constant 0 : i32
      %dma_start3A_81 = tpu.memref_slice %arg2[%mul3A_2, %dma_start3A] : memref<2560x128xi32, #tpu.memory_space<hbm>> -> memref<80x128xi32, #tpu.memory_space<hbm>>
      %dma_start3A_82 = arith.constant 0 : i32
      %dma_start3A_83 = tpu.memref_slice %arg2[%mul3A_2, %dma_start3A_82] : memref<2560x128xi32, #tpu.memory_space<hbm>> -> memref<80x128xi32, #tpu.memory_space<hbm>>
      tpu.enqueue_dma source(%dma_start3A_83 : memref<80x128xi32, #tpu.memory_space<hbm>>) target(%arg5 : memref<80x128xi32, #tpu.memory_space<vmem>>) target_semaphore(%run_scoped3A_80 : memref<!tpu.dma_semaphore, #tpu.memory_space<semaphore_mem>>)
      %dma_wait3A = arith.constant 0 : i32
      %dma_wait3A_84 = tpu.memref_slice %arg2[%mul3A_2, %dma_wait3A] : memref<2560x128xi32, #tpu.memory_space<hbm>> -> memref<80x128xi32, #tpu.memory_space<hbm>>
      %dma_wait3A_85 = arith.constant 0 : i32
      %dma_wait3A_86 = tpu.memref_slice %arg2[%mul3A_2, %dma_wait3A_85] : memref<2560x128xi32, #tpu.memory_space<hbm>> -> memref<80x128xi32, #tpu.memory_space<hbm>>
      tpu.wait_dma2 semaphore(%run_scoped3A_80 : memref<!tpu.dma_semaphore, #tpu.memory_space<semaphore_mem>>) src(%dma_wait3A_86 : memref<80x128xi32, #tpu.memory_space<hbm>>) dst(%arg5 : memref<80x128xi32, #tpu.memory_space<vmem>>)
      tpu.yield
    }) : () -> ()
    %broadcast_in_dim3A = arith.constant 1.000000e+00 : f32
    %broadcast_in_dim3A_3 = vector.broadcast %broadcast_in_dim3A : f32 to vector<16xf32>
    %scan3A = arith.constant 0 : i32
    %scan3A_4 = arith.constant 0 : i32
    %scan3A_5 = arith.constant 80 : i32
    %scan3A_6 = arith.addi %scan3A_4, %scan3A_5 : i32
    %scan3A_7 = arith.constant 1 : i32
    scf.for %scan3A_80 = %scan3A_4 to %scan3A_6 step %scan3A_7  : i32 {
      %get3A = arith.index_cast %scan3A_80 : i32 to index
      %get3A_81 = arith.constant 0 : index
      %get3A_82 = tpu.vector_load %arg5[%get3A, %get3A_81] {strides = array<i32>} : memref<80x128xi32, #tpu.memory_space<vmem>>, vector<16xi32>,
      tpu.vector_store_idx %arg6[%get3A_82], %broadcast_in_dim3A_3 {add = true} : memref<10240xf32, #tpu.memory_space<vmem>>[vector<16xi32>], vector<16xf32>,
      %get3A_83 = arith.index_cast %scan3A_80 : i32 to index
      %get3A_84 = arith.constant 16 : index
      %get3A_85 = tpu.vector_load %arg5[%get3A_83, %get3A_84] {strides = array<i32>} : memref<80x128xi32, #tpu.memory_space<vmem>>, vector<16xi32>,
      tpu.vector_store_idx %arg6[%get3A_85], %broadcast_in_dim3A_3 {add = true} : memref<10240xf32, #tpu.memory_space<vmem>>[vector<16xi32>], vector<16xf32>,
      %get3A_86 = arith.index_cast %scan3A_80 : i32 to index
      %get3A_87 = arith.constant 32 : index
      %get3A_88 = tpu.vector_load %arg5[%get3A_86, %get3A_87] {strides = array<i32>} : memref<80x128xi32, #tpu.memory_space<vmem>>, vector<16xi32>,
      tpu.vector_store_idx %arg6[%get3A_88], %broadcast_in_dim3A_3 {add = true} : memref<10240xf32, #tpu.memory_space<vmem>>[vector<16xi32>], vector<16xf32>,
      %get3A_89 = arith.index_cast %scan3A_80 : i32 to index
      %get3A_90 = arith.constant 48 : index
      %get3A_91 = tpu.vector_load %arg5[%get3A_89, %get3A_90] {strides = array<i32>} : memref<80x128xi32, #tpu.memory_space<vmem>>, vector<16xi32>,
      tpu.vector_store_idx %arg6[%get3A_91], %broadcast_in_dim3A_3 {add = true} : memref<10240xf32, #tpu.memory_space<vmem>>[vector<16xi32>], vector<16xf32>,
      %get3A_92 = arith.index_cast %scan3A_80 : i32 to index
      %get3A_93 = arith.constant 64 : index
      %get3A_94 = tpu.vector_load %arg5[%get3A_92, %get3A_93] {strides = array<i32>} : memref<80x128xi32, #tpu.memory_space<vmem>>, vector<16xi32>,
      tpu.vector_store_idx %arg6[%get3A_94], %broadcast_in_dim3A_3 {add = true} : memref<10240xf32, #tpu.memory_space<vmem>>[vector<16xi32>], vector<16xf32>,
      %get3A_95 = arith.index_cast %scan3A_80 : i32 to index
      %get3A_96 = arith.constant 80 : index
      %get3A_97 = tpu.vector_load %arg5[%get3A_95, %get3A_96] {strides = array<i32>} : memref<80x128xi32, #tpu.memory_space<vmem>>, vector<16xi32>,
      tpu.vector_store_idx %arg6[%get3A_97], %broadcast_in_dim3A_3 {add = true} : memref<10240xf32, #tpu.memory_space<vmem>>[vector<16xi32>], vector<16xf32>,
      %get3A_98 = arith.index_cast %scan3A_80 : i32 to index
      %get3A_99 = arith.constant 96 : index
      %get3A_100 = tpu.vector_load %arg5[%get3A_98, %get3A_99] {strides = array<i32>} : memref<80x128xi32, #tpu.memory_space<vmem>>, vector<16xi32>,
      tpu.vector_store_idx %arg6[%get3A_100], %broadcast_in_dim3A_3 {add = true} : memref<10240xf32, #tpu.memory_space<vmem>>[vector<16xi32>], vector<16xf32>,
      %get3A_101 = arith.index_cast %scan3A_80 : i32 to index
      %get3A_102 = arith.constant 112 : index
      %get3A_103 = tpu.vector_load %arg5[%get3A_101, %get3A_102] {strides = array<i32>} : memref<80x128xi32, #tpu.memory_space<vmem>>, vector<16xi32>,
      tpu.vector_store_idx %arg6[%get3A_103], %broadcast_in_dim3A_3 {add = true} : memref<10240xf32, #tpu.memory_space<vmem>>[vector<16xi32>], vector<16xf32>,
    }
    %scan3A_8 = arith.constant 80 : i32
    "tpu.region"() ({
      %run_scoped3A_80 = tpu.sem_alloc : memref<!tpu.dma_semaphore, #tpu.memory_space<semaphore_mem>>
      %dma_start3A = arith.constant 0 : i32
      %dma_start3A_81 = tpu.memref_slice %arg8[%arg1, %dma_start3A] : memref<16x10240xf32, #tpu.memory_space<vmem_shared>> -> memref<1x10240xf32, #tpu.memory_space<vmem_shared>>
      %dma_start3A_82 = tpu.memref_squeeze %dma_start3A_81 : memref<1x10240xf32, #tpu.memory_space<vmem_shared>> -> memref<10240xf32, #tpu.memory_space<vmem_shared>>
      %dma_start3A_83 = arith.constant 0 : i32
      %dma_start3A_84 = tpu.memref_slice %arg8[%arg1, %dma_start3A_83] : memref<16x10240xf32, #tpu.memory_space<vmem_shared>> -> memref<1x10240xf32, #tpu.memory_space<vmem_shared>>
      %dma_start3A_85 = tpu.memref_squeeze %dma_start3A_84 : memref<1x10240xf32, #tpu.memory_space<vmem_shared>> -> memref<10240xf32, #tpu.memory_space<vmem_shared>>
      tpu.enqueue_dma source(%arg6 : memref<10240xf32, #tpu.memory_space<vmem>>) target(%dma_start3A_85 : memref<10240xf32, #tpu.memory_space<vmem_shared>>) target_semaphore(%run_scoped3A_80 : memref<!tpu.dma_semaphore, #tpu.memory_space<semaphore_mem>>)
      %dma_wait3A = arith.constant 0 : i32
      %dma_wait3A_86 = tpu.memref_slice %arg8[%arg1, %dma_wait3A] : memref<16x10240xf32, #tpu.memory_space<vmem_shared>> -> memref<1x10240xf32, #tpu.memory_space<vmem_shared>>
      %dma_wait3A_87 = tpu.memref_squeeze %dma_wait3A_86 : memref<1x10240xf32, #tpu.memory_space<vmem_shared>> -> memref<10240xf32, #tpu.memory_space<vmem_shared>>
      %dma_wait3A_88 = arith.constant 0 : i32
      %dma_wait3A_89 = tpu.memref_slice %arg8[%arg1, %dma_wait3A_88] : memref<16x10240xf32, #tpu.memory_space<vmem_shared>> -> memref<1x10240xf32, #tpu.memory_space<vmem_shared>>
      %dma_wait3A_90 = tpu.memref_squeeze %dma_wait3A_89 : memref<1x10240xf32, #tpu.memory_space<vmem_shared>> -> memref<10240xf32, #tpu.memory_space<vmem_shared>>
      tpu.wait_dma2 semaphore(%run_scoped3A_80 : memref<!tpu.dma_semaphore, #tpu.memory_space<semaphore_mem>>) src(%arg6 : memref<10240xf32, #tpu.memory_space<vmem>>) dst(%dma_wait3A_90 : memref<10240xf32, #tpu.memory_space<vmem_shared>>)
      tpu.yield
    }) : () -> ()
    %barrier3A = arith.constant 0 : index
    tpu.barrier barrier_id(%barrier3A)
    %mul3A_9 = arith.constant 640 : i32
    %mul3A_10 = arith.muli %arg1, %mul3A_9 : i32
    %run_scoped3A = arith.constant 0 : i32
    %run_scoped3A_11 = arith.constant 0 : i32
    "tpu.region"() ({
      %run_scoped3A_80 = tpu.sem_alloc : memref<!tpu.dma_semaphore, #tpu.memory_space<semaphore_mem>>
      %dma_start3A = arith.constant 0 : i32
      %dma_start3A_81 = tpu.memref_slice %arg7[%run_scoped3A_11, %dma_start3A] : memref<16x640xf32, #tpu.memory_space<vmem>> -> memref<1x640xf32, #tpu.memory_space<vmem>>
      %dma_start3A_82 = tpu.memref_squeeze %dma_start3A_81 : memref<1x640xf32, #tpu.memory_space<vmem>> -> memref<640xf32, #tpu.memory_space<vmem>>
      %dma_start3A_83 = tpu.memref_slice %arg8[%run_scoped3A, %mul3A_10] : memref<16x10240xf32, #tpu.memory_space<vmem_shared>> -> memref<1x640xf32, #tpu.memory_space<vmem_shared>>
      %dma_start3A_84 = tpu.memref_squeeze %dma_start3A_83 : memref<1x640xf32, #tpu.memory_space<vmem_shared>> -> memref<640xf32, #tpu.memory_space<vmem_shared>>
      %dma_start3A_85 = arith.constant 0 : i32
      %dma_start3A_86 = tpu.memref_slice %arg7[%run_scoped3A_11, %dma_start3A_85] : memref<16x640xf32, #tpu.memory_space<vmem>> -> memref<1x640xf32, #tpu.memory_space<vmem>>
      %dma_start3A_87 = tpu.memref_squeeze %dma_start3A_86 : memref<1x640xf32, #tpu.memory_space<vmem>> -> memref<640xf32, #tpu.memory_space<vmem>>
      %dma_start3A_88 = tpu.memref_slice %arg8[%run_scoped3A, %mul3A_10] : memref<16x10240xf32, #tpu.memory_space<vmem_shared>> -> memref<1x640xf32, #tpu.memory_space<vmem_shared>>
      %dma_start3A_89 = tpu.memref_squeeze %dma_start3A_88 : memref<1x640xf32, #tpu.memory_space<vmem_shared>> -> memref<640xf32, #tpu.memory_space<vmem_shared>>
      tpu.enqueue_dma source(%dma_start3A_89 : memref<640xf32, #tpu.memory_space<vmem_shared>>) target(%dma_start3A_87 : memref<640xf32, #tpu.memory_space<vmem>>) target_semaphore(%run_scoped3A_80 : memref<!tpu.dma_semaphore, #tpu.memory_space<semaphore_mem>>)
      %dma_wait3A = arith.constant 0 : i32
      %dma_wait3A_90 = tpu.memref_slice %arg7[%run_scoped3A_11, %dma_wait3A] : memref<16x640xf32, #tpu.memory_space<vmem>> -> memref<1x640xf32, #tpu.memory_space<vmem>>
      %dma_wait3A_91 = tpu.memref_squeeze %dma_wait3A_90 : memref<1x640xf32, #tpu.memory_space<vmem>> -> memref<640xf32, #tpu.memory_space<vmem>>
      %dma_wait3A_92 = tpu.memref_slice %arg8[%run_scoped3A, %mul3A_10] : memref<16x10240xf32, #tpu.memory_space<vmem_shared>> -> memref<1x640xf32, #tpu.memory_space<vmem_shared>>
      %dma_wait3A_93 = tpu.memref_squeeze %dma_wait3A_92 : memref<1x640xf32, #tpu.memory_space<vmem_shared>> -> memref<640xf32, #tpu.memory_space<vmem_shared>>
      %dma_wait3A_94 = arith.constant 0 : i32
      %dma_wait3A_95 = tpu.memref_slice %arg7[%run_scoped3A_11, %dma_wait3A_94] : memref<16x640xf32, #tpu.memory_space<vmem>> -> memref<1x640xf32, #tpu.memory_space<vmem>>
      %dma_wait3A_96 = tpu.memref_squeeze %dma_wait3A_95 : memref<1x640xf32, #tpu.memory_space<vmem>> -> memref<640xf32, #tpu.memory_space<vmem>>
      %dma_wait3A_97 = tpu.memref_slice %arg8[%run_scoped3A, %mul3A_10] : memref<16x10240xf32, #tpu.memory_space<vmem_shared>> -> memref<1x640xf32, #tpu.memory_space<vmem_shared>>
      %dma_wait3A_98 = tpu.memref_squeeze %dma_wait3A_97 : memref<1x640xf32, #tpu.memory_space<vmem_shared>> -> memref<640xf32, #tpu.memory_space<vmem_shared>>
      tpu.wait_dma2 semaphore(%run_scoped3A_80 : memref<!tpu.dma_semaphore, #tpu.memory_space<semaphore_mem>>) src(%dma_wait3A_98 : memref<640xf32, #tpu.memory_space<vmem_shared>>) dst(%dma_wait3A_96 : memref<640xf32, #tpu.memory_space<vmem>>)
      tpu.yield
    }) : () -> ()
    %mul3A_12 = arith.constant 640 : i32
    %mul3A_13 = arith.muli %arg1, %mul3A_12 : i32
    %run_scoped3A_14 = arith.constant 1 : i32
    %run_scoped3A_15 = arith.constant 1 : i32
    "tpu.region"() ({
      %run_scoped3A_80 = tpu.sem_alloc : memref<!tpu.dma_semaphore, #tpu.memory_space<semaphore_mem>>
      %dma_start3A = arith.constant 0 : i32
      %dma_start3A_81 = tpu.memref_slice %arg7[%run_scoped3A_15, %dma_start3A] : memref<16x640xf32, #tpu.memory_space<vmem>> -> memref<1x640xf32, #tpu.memory_space<vmem>>
      %dma_start3A_82 = tpu.memref_squeeze %dma_start3A_81 : memref<1x640xf32, #tpu.memory_space<vmem>> -> memref<640xf32, #tpu.memory_space<vmem>>
      %dma_start3A_83 = tpu.memref_slice %arg8[%run_scoped3A_14, %mul3A_13] : memref<16x10240xf32, #tpu.memory_space<vmem_shared>> -> memref<1x640xf32, #tpu.memory_space<vmem_shared>>
      %dma_start3A_84 = tpu.memref_squeeze %dma_start3A_83 : memref<1x640xf32, #tpu.memory_space<vmem_shared>> -> memref<640xf32, #tpu.memory_space<vmem_shared>>
      %dma_start3A_85 = arith.constant 0 : i32
      %dma_start3A_86 = tpu.memref_slice %arg7[%run_scoped3A_15, %dma_start3A_85] : memref<16x640xf32, #tpu.memory_space<vmem>> -> memref<1x640xf32, #tpu.memory_space<vmem>>
      %dma_start3A_87 = tpu.memref_squeeze %dma_start3A_86 : memref<1x640xf32, #tpu.memory_space<vmem>> -> memref<640xf32, #tpu.memory_space<vmem>>
      %dma_start3A_88 = tpu.memref_slice %arg8[%run_scoped3A_14, %mul3A_13] : memref<16x10240xf32, #tpu.memory_space<vmem_shared>> -> memref<1x640xf32, #tpu.memory_space<vmem_shared>>
      %dma_start3A_89 = tpu.memref_squeeze %dma_start3A_88 : memref<1x640xf32, #tpu.memory_space<vmem_shared>> -> memref<640xf32, #tpu.memory_space<vmem_shared>>
      tpu.enqueue_dma source(%dma_start3A_89 : memref<640xf32, #tpu.memory_space<vmem_shared>>) target(%dma_start3A_87 : memref<640xf32, #tpu.memory_space<vmem>>) target_semaphore(%run_scoped3A_80 : memref<!tpu.dma_semaphore, #tpu.memory_space<semaphore_mem>>)
      %dma_wait3A = arith.constant 0 : i32
      %dma_wait3A_90 = tpu.memref_slice %arg7[%run_scoped3A_15, %dma_wait3A] : memref<16x640xf32, #tpu.memory_space<vmem>> -> memref<1x640xf32, #tpu.memory_space<vmem>>
      %dma_wait3A_91 = tpu.memref_squeeze %dma_wait3A_90 : memref<1x640xf32, #tpu.memory_space<vmem>> -> memref<640xf32, #tpu.memory_space<vmem>>
      %dma_wait3A_92 = tpu.memref_slice %arg8[%run_scoped3A_14, %mul3A_13] : memref<16x10240xf32, #tpu.memory_space<vmem_shared>> -> memref<1x640xf32, #tpu.memory_space<vmem_shared>>
      %dma_wait3A_93 = tpu.memref_squeeze %dma_wait3A_92 : memref<1x640xf32, #tpu.memory_space<vmem_shared>> -> memref<640xf32, #tpu.memory_space<vmem_shared>>
      %dma_wait3A_94 = arith.constant 0 : i32
      %dma_wait3A_95 = tpu.memref_slice %arg7[%run_scoped3A_15, %dma_wait3A_94] : memref<16x640xf32, #tpu.memory_space<vmem>> -> memref<1x640xf32, #tpu.memory_space<vmem>>
      %dma_wait3A_96 = tpu.memref_squeeze %dma_wait3A_95 : memref<1x640xf32, #tpu.memory_space<vmem>> -> memref<640xf32, #tpu.memory_space<vmem>>
      %dma_wait3A_97 = tpu.memref_slice %arg8[%run_scoped3A_14, %mul3A_13] : memref<16x10240xf32, #tpu.memory_space<vmem_shared>> -> memref<1x640xf32, #tpu.memory_space<vmem_shared>>
      %dma_wait3A_98 = tpu.memref_squeeze %dma_wait3A_97 : memref<1x640xf32, #tpu.memory_space<vmem_shared>> -> memref<640xf32, #tpu.memory_space<vmem_shared>>
      tpu.wait_dma2 semaphore(%run_scoped3A_80 : memref<!tpu.dma_semaphore, #tpu.memory_space<semaphore_mem>>) src(%dma_wait3A_98 : memref<640xf32, #tpu.memory_space<vmem_shared>>) dst(%dma_wait3A_96 : memref<640xf32, #tpu.memory_space<vmem>>)
      tpu.yield
    }) : () -> ()
    %mul3A_16 = arith.constant 640 : i32
    %mul3A_17 = arith.muli %arg1, %mul3A_16 : i32
    %run_scoped3A_18 = arith.constant 2 : i32
    %run_scoped3A_19 = arith.constant 2 : i32
    "tpu.region"() ({
      %run_scoped3A_80 = tpu.sem_alloc : memref<!tpu.dma_semaphore, #tpu.memory_space<semaphore_mem>>
      %dma_start3A = arith.constant 0 : i32
      %dma_start3A_81 = tpu.memref_slice %arg7[%run_scoped3A_19, %dma_start3A] : memref<16x640xf32, #tpu.memory_space<vmem>> -> memref<1x640xf32, #tpu.memory_space<vmem>>
      %dma_start3A_82 = tpu.memref_squeeze %dma_start3A_81 : memref<1x640xf32, #tpu.memory_space<vmem>> -> memref<640xf32, #tpu.memory_space<vmem>>
      %dma_start3A_83 = tpu.memref_slice %arg8[%run_scoped3A_18, %mul3A_17] : memref<16x10240xf32, #tpu.memory_space<vmem_shared>> -> memref<1x640xf32, #tpu.memory_space<vmem_shared>>
      %dma_start3A_84 = tpu.memref_squeeze %dma_start3A_83 : memref<1x640xf32, #tpu.memory_space<vmem_shared>> -> memref<640xf32, #tpu.memory_space<vmem_shared>>
      %dma_start3A_85 = arith.constant 0 : i32
      %dma_start3A_86 = tpu.memref_slice %arg7[%run_scoped3A_19, %dma_start3A_85] : memref<16x640xf32, #tpu.memory_space<vmem>> -> memref<1x640xf32, #tpu.memory_space<vmem>>
      %dma_start3A_87 = tpu.memref_squeeze %dma_start3A_86 : memref<1x640xf32, #tpu.memory_space<vmem>> -> memref<640xf32, #tpu.memory_space<vmem>>
      %dma_start3A_88 = tpu.memref_slice %arg8[%run_scoped3A_18, %mul3A_17] : memref<16x10240xf32, #tpu.memory_space<vmem_shared>> -> memref<1x640xf32, #tpu.memory_space<vmem_shared>>
      %dma_start3A_89 = tpu.memref_squeeze %dma_start3A_88 : memref<1x640xf32, #tpu.memory_space<vmem_shared>> -> memref<640xf32, #tpu.memory_space<vmem_shared>>
      tpu.enqueue_dma source(%dma_start3A_89 : memref<640xf32, #tpu.memory_space<vmem_shared>>) target(%dma_start3A_87 : memref<640xf32, #tpu.memory_space<vmem>>) target_semaphore(%run_scoped3A_80 : memref<!tpu.dma_semaphore, #tpu.memory_space<semaphore_mem>>)
      %dma_wait3A = arith.constant 0 : i32
      %dma_wait3A_90 = tpu.memref_slice %arg7[%run_scoped3A_19, %dma_wait3A] : memref<16x640xf32, #tpu.memory_space<vmem>> -> memref<1x640xf32, #tpu.memory_space<vmem>>
      %dma_wait3A_91 = tpu.memref_squeeze %dma_wait3A_90 : memref<1x640xf32, #tpu.memory_space<vmem>> -> memref<640xf32, #tpu.memory_space<vmem>>
      %dma_wait3A_92 = tpu.memref_slice %arg8[%run_scoped3A_18, %mul3A_17] : memref<16x10240xf32, #tpu.memory_space<vmem_shared>> -> memref<1x640xf32, #tpu.memory_space<vmem_shared>>
      %dma_wait3A_93 = tpu.memref_squeeze %dma_wait3A_92 : memref<1x640xf32, #tpu.memory_space<vmem_shared>> -> memref<640xf32, #tpu.memory_space<vmem_shared>>
      %dma_wait3A_94 = arith.constant 0 : i32
      %dma_wait3A_95 = tpu.memref_slice %arg7[%run_scoped3A_19, %dma_wait3A_94] : memref<16x640xf32, #tpu.memory_space<vmem>> -> memref<1x640xf32, #tpu.memory_space<vmem>>
      %dma_wait3A_96 = tpu.memref_squeeze %dma_wait3A_95 : memref<1x640xf32, #tpu.memory_space<vmem>> -> memref<640xf32, #tpu.memory_space<vmem>>
      %dma_wait3A_97 = tpu.memref_slice %arg8[%run_scoped3A_18, %mul3A_17] : memref<16x10240xf32, #tpu.memory_space<vmem_shared>> -> memref<1x640xf32, #tpu.memory_space<vmem_shared>>
      %dma_wait3A_98 = tpu.memref_squeeze %dma_wait3A_97 : memref<1x640xf32, #tpu.memory_space<vmem_shared>> -> memref<640xf32, #tpu.memory_space<vmem_shared>>
      tpu.wait_dma2 semaphore(%run_scoped3A_80 : memref<!tpu.dma_semaphore, #tpu.memory_space<semaphore_mem>>) src(%dma_wait3A_98 : memref<640xf32, #tpu.memory_space<vmem_shared>>) dst(%dma_wait3A_96 : memref<640xf32, #tpu.memory_space<vmem>>)
      tpu.yield
    }) : () -> ()
    %mul3A_20 = arith.constant 640 : i32
    %mul3A_21 = arith.muli %arg1, %mul3A_20 : i32
    %run_scoped3A_22 = arith.constant 3 : i32
    %run_scoped3A_23 = arith.constant 3 : i32
    "tpu.region"() ({
      %run_scoped3A_80 = tpu.sem_alloc : memref<!tpu.dma_semaphore, #tpu.memory_space<semaphore_mem>>
      %dma_start3A = arith.constant 0 : i32
      %dma_start3A_81 = tpu.memref_slice %arg7[%run_scoped3A_23, %dma_start3A] : memref<16x640xf32, #tpu.memory_space<vmem>> -> memref<1x640xf32, #tpu.memory_space<vmem>>
      %dma_start3A_82 = tpu.memref_squeeze %dma_start3A_81 : memref<1x640xf32, #tpu.memory_space<vmem>> -> memref<640xf32, #tpu.memory_space<vmem>>
      %dma_start3A_83 = tpu.memref_slice %arg8[%run_scoped3A_22, %mul3A_21] : memref<16x10240xf32, #tpu.memory_space<vmem_shared>> -> memref<1x640xf32, #tpu.memory_space<vmem_shared>>
      %dma_start3A_84 = tpu.memref_squeeze %dma_start3A_83 : memref<1x640xf32, #tpu.memory_space<vmem_shared>> -> memref<640xf32, #tpu.memory_space<vmem_shared>>
      %dma_start3A_85 = arith.constant 0 : i32
      %dma_start3A_86 = tpu.memref_slice %arg7[%run_scoped3A_23, %dma_start3A_85] : memref<16x640xf32, #tpu.memory_space<vmem>> -> memref<1x640xf32, #tpu.memory_space<vmem>>
      %dma_start3A_87 = tpu.memref_squeeze %dma_start3A_86 : memref<1x640xf32, #tpu.memory_space<vmem>> -> memref<640xf32, #tpu.memory_space<vmem>>
      %dma_start3A_88 = tpu.memref_slice %arg8[%run_scoped3A_22, %mul3A_21] : memref<16x10240xf32, #tpu.memory_space<vmem_shared>> -> memref<1x640xf32, #tpu.memory_space<vmem_shared>>
      %dma_start3A_89 = tpu.memref_squeeze %dma_start3A_88 : memref<1x640xf32, #tpu.memory_space<vmem_shared>> -> memref<640xf32, #tpu.memory_space<vmem_shared>>
      tpu.enqueue_dma source(%dma_start3A_89 : memref<640xf32, #tpu.memory_space<vmem_shared>>) target(%dma_start3A_87 : memref<640xf32, #tpu.memory_space<vmem>>) target_semaphore(%run_scoped3A_80 : memref<!tpu.dma_semaphore, #tpu.memory_space<semaphore_mem>>)
      %dma_wait3A = arith.constant 0 : i32
      %dma_wait3A_90 = tpu.memref_slice %arg7[%run_scoped3A_23, %dma_wait3A] : memref<16x640xf32, #tpu.memory_space<vmem>> -> memref<1x640xf32, #tpu.memory_space<vmem>>
      %dma_wait3A_91 = tpu.memref_squeeze %dma_wait3A_90 : memref<1x640xf32, #tpu.memory_space<vmem>> -> memref<640xf32, #tpu.memory_space<vmem>>
      %dma_wait3A_92 = tpu.memref_slice %arg8[%run_scoped3A_22, %mul3A_21] : memref<16x10240xf32, #tpu.memory_space<vmem_shared>> -> memref<1x640xf32, #tpu.memory_space<vmem_shared>>
      %dma_wait3A_93 = tpu.memref_squeeze %dma_wait3A_92 : memref<1x640xf32, #tpu.memory_space<vmem_shared>> -> memref<640xf32, #tpu.memory_space<vmem_shared>>
      %dma_wait3A_94 = arith.constant 0 : i32
      %dma_wait3A_95 = tpu.memref_slice %arg7[%run_scoped3A_23, %dma_wait3A_94] : memref<16x640xf32, #tpu.memory_space<vmem>> -> memref<1x640xf32, #tpu.memory_space<vmem>>
      %dma_wait3A_96 = tpu.memref_squeeze %dma_wait3A_95 : memref<1x640xf32, #tpu.memory_space<vmem>> -> memref<640xf32, #tpu.memory_space<vmem>>
      %dma_wait3A_97 = tpu.memref_slice %arg8[%run_scoped3A_22, %mul3A_21] : memref<16x10240xf32, #tpu.memory_space<vmem_shared>> -> memref<1x640xf32, #tpu.memory_space<vmem_shared>>
      %dma_wait3A_98 = tpu.memref_squeeze %dma_wait3A_97 : memref<1x640xf32, #tpu.memory_space<vmem_shared>> -> memref<640xf32, #tpu.memory_space<vmem_shared>>
      tpu.wait_dma2 semaphore(%run_scoped3A_80 : memref<!tpu.dma_semaphore, #tpu.memory_space<semaphore_mem>>) src(%dma_wait3A_98 : memref<640xf32, #tpu.memory_space<vmem_shared>>) dst(%dma_wait3A_96 : memref<640xf32, #tpu.memory_space<vmem>>)
      tpu.yield
    }) : () -> ()
    %mul3A_24 = arith.constant 640 : i32
    %mul3A_25 = arith.muli %arg1, %mul3A_24 : i32
    %run_scoped3A_26 = arith.constant 4 : i32
    %run_scoped3A_27 = arith.constant 4 : i32
    "tpu.region"() ({
      %run_scoped3A_80 = tpu.sem_alloc : memref<!tpu.dma_semaphore, #tpu.memory_space<semaphore_mem>>
      %dma_start3A = arith.constant 0 : i32
      %dma_start3A_81 = tpu.memref_slice %arg7[%run_scoped3A_27, %dma_start3A] : memref<16x640xf32, #tpu.memory_space<vmem>> -> memref<1x640xf32, #tpu.memory_space<vmem>>
      %dma_start3A_82 = tpu.memref_squeeze %dma_start3A_81 : memref<1x640xf32, #tpu.memory_space<vmem>> -> memref<640xf32, #tpu.memory_space<vmem>>
      %dma_start3A_83 = tpu.memref_slice %arg8[%run_scoped3A_26, %mul3A_25] : memref<16x10240xf32, #tpu.memory_space<vmem_shared>> -> memref<1x640xf32, #tpu.memory_space<vmem_shared>>
      %dma_start3A_84 = tpu.memref_squeeze %dma_start3A_83 : memref<1x640xf32, #tpu.memory_space<vmem_shared>> -> memref<640xf32, #tpu.memory_space<vmem_shared>>
      %dma_start3A_85 = arith.constant 0 : i32
      %dma_start3A_86 = tpu.memref_slice %arg7[%run_scoped3A_27, %dma_start3A_85] : memref<16x640xf32, #tpu.memory_space<vmem>> -> memref<1x640xf32, #tpu.memory_space<vmem>>
      %dma_start3A_87 = tpu.memref_squeeze %dma_start3A_86 : memref<1x640xf32, #tpu.memory_space<vmem>> -> memref<640xf32, #tpu.memory_space<vmem>>
      %dma_start3A_88 = tpu.memref_slice %arg8[%run_scoped3A_26, %mul3A_25] : memref<16x10240xf32, #tpu.memory_space<vmem_shared>> -> memref<1x640xf32, #tpu.memory_space<vmem_shared>>
      %dma_start3A_89 = tpu.memref_squeeze %dma_start3A_88 : memref<1x640xf32, #tpu.memory_space<vmem_shared>> -> memref<640xf32, #tpu.memory_space<vmem_shared>>
      tpu.enqueue_dma source(%dma_start3A_89 : memref<640xf32, #tpu.memory_space<vmem_shared>>) target(%dma_start3A_87 : memref<640xf32, #tpu.memory_space<vmem>>) target_semaphore(%run_scoped3A_80 : memref<!tpu.dma_semaphore, #tpu.memory_space<semaphore_mem>>)
      %dma_wait3A = arith.constant 0 : i32
      %dma_wait3A_90 = tpu.memref_slice %arg7[%run_scoped3A_27, %dma_wait3A] : memref<16x640xf32, #tpu.memory_space<vmem>> -> memref<1x640xf32, #tpu.memory_space<vmem>>
      %dma_wait3A_91 = tpu.memref_squeeze %dma_wait3A_90 : memref<1x640xf32, #tpu.memory_space<vmem>> -> memref<640xf32, #tpu.memory_space<vmem>>
      %dma_wait3A_92 = tpu.memref_slice %arg8[%run_scoped3A_26, %mul3A_25] : memref<16x10240xf32, #tpu.memory_space<vmem_shared>> -> memref<1x640xf32, #tpu.memory_space<vmem_shared>>
      %dma_wait3A_93 = tpu.memref_squeeze %dma_wait3A_92 : memref<1x640xf32, #tpu.memory_space<vmem_shared>> -> memref<640xf32, #tpu.memory_space<vmem_shared>>
      %dma_wait3A_94 = arith.constant 0 : i32
      %dma_wait3A_95 = tpu.memref_slice %arg7[%run_scoped3A_27, %dma_wait3A_94] : memref<16x640xf32, #tpu.memory_space<vmem>> -> memref<1x640xf32, #tpu.memory_space<vmem>>
      %dma_wait3A_96 = tpu.memref_squeeze %dma_wait3A_95 : memref<1x640xf32, #tpu.memory_space<vmem>> -> memref<640xf32, #tpu.memory_space<vmem>>
      %dma_wait3A_97 = tpu.memref_slice %arg8[%run_scoped3A_26, %mul3A_25] : memref<16x10240xf32, #tpu.memory_space<vmem_shared>> -> memref<1x640xf32, #tpu.memory_space<vmem_shared>>
      %dma_wait3A_98 = tpu.memref_squeeze %dma_wait3A_97 : memref<1x640xf32, #tpu.memory_space<vmem_shared>> -> memref<640xf32, #tpu.memory_space<vmem_shared>>
      tpu.wait_dma2 semaphore(%run_scoped3A_80 : memref<!tpu.dma_semaphore, #tpu.memory_space<semaphore_mem>>) src(%dma_wait3A_98 : memref<640xf32, #tpu.memory_space<vmem_shared>>) dst(%dma_wait3A_96 : memref<640xf32, #tpu.memory_space<vmem>>)
      tpu.yield
    }) : () -> ()
    %mul3A_28 = arith.constant 640 : i32
    %mul3A_29 = arith.muli %arg1, %mul3A_28 : i32
    %run_scoped3A_30 = arith.constant 5 : i32
    %run_scoped3A_31 = arith.constant 5 : i32
    "tpu.region"() ({
      %run_scoped3A_80 = tpu.sem_alloc : memref<!tpu.dma_semaphore, #tpu.memory_space<semaphore_mem>>
      %dma_start3A = arith.constant 0 : i32
      %dma_start3A_81 = tpu.memref_slice %arg7[%run_scoped3A_31, %dma_start3A] : memref<16x640xf32, #tpu.memory_space<vmem>> -> memref<1x640xf32, #tpu.memory_space<vmem>>
      %dma_start3A_82 = tpu.memref_squeeze %dma_start3A_81 : memref<1x640xf32, #tpu.memory_space<vmem>> -> memref<640xf32, #tpu.memory_space<vmem>>
      %dma_start3A_83 = tpu.memref_slice %arg8[%run_scoped3A_30, %mul3A_29] : memref<16x10240xf32, #tpu.memory_space<vmem_shared>> -> memref<1x640xf32, #tpu.memory_space<vmem_shared>>
      %dma_start3A_84 = tpu.memref_squeeze %dma_start3A_83 : memref<1x640xf32, #tpu.memory_space<vmem_shared>> -> memref<640xf32, #tpu.memory_space<vmem_shared>>
      %dma_start3A_85 = arith.constant 0 : i32
      %dma_start3A_86 = tpu.memref_slice %arg7[%run_scoped3A_31, %dma_start3A_85] : memref<16x640xf32, #tpu.memory_space<vmem>> -> memref<1x640xf32, #tpu.memory_space<vmem>>
      %dma_start3A_87 = tpu.memref_squeeze %dma_start3A_86 : memref<1x640xf32, #tpu.memory_space<vmem>> -> memref<640xf32, #tpu.memory_space<vmem>>
      %dma_start3A_88 = tpu.memref_slice %arg8[%run_scoped3A_30, %mul3A_29] : memref<16x10240xf32, #tpu.memory_space<vmem_shared>> -> memref<1x640xf32, #tpu.memory_space<vmem_shared>>
      %dma_start3A_89 = tpu.memref_squeeze %dma_start3A_88 : memref<1x640xf32, #tpu.memory_space<vmem_shared>> -> memref<640xf32, #tpu.memory_space<vmem_shared>>
      tpu.enqueue_dma source(%dma_start3A_89 : memref<640xf32, #tpu.memory_space<vmem_shared>>) target(%dma_start3A_87 : memref<640xf32, #tpu.memory_space<vmem>>) target_semaphore(%run_scoped3A_80 : memref<!tpu.dma_semaphore, #tpu.memory_space<semaphore_mem>>)
      %dma_wait3A = arith.constant 0 : i32
      %dma_wait3A_90 = tpu.memref_slice %arg7[%run_scoped3A_31, %dma_wait3A] : memref<16x640xf32, #tpu.memory_space<vmem>> -> memref<1x640xf32, #tpu.memory_space<vmem>>
      %dma_wait3A_91 = tpu.memref_squeeze %dma_wait3A_90 : memref<1x640xf32, #tpu.memory_space<vmem>> -> memref<640xf32, #tpu.memory_space<vmem>>
      %dma_wait3A_92 = tpu.memref_slice %arg8[%run_scoped3A_30, %mul3A_29] : memref<16x10240xf32, #tpu.memory_space<vmem_shared>> -> memref<1x640xf32, #tpu.memory_space<vmem_shared>>
      %dma_wait3A_93 = tpu.memref_squeeze %dma_wait3A_92 : memref<1x640xf32, #tpu.memory_space<vmem_shared>> -> memref<640xf32, #tpu.memory_space<vmem_shared>>
      %dma_wait3A_94 = arith.constant 0 : i32
      %dma_wait3A_95 = tpu.memref_slice %arg7[%run_scoped3A_31, %dma_wait3A_94] : memref<16x640xf32, #tpu.memory_space<vmem>> -> memref<1x640xf32, #tpu.memory_space<vmem>>
      %dma_wait3A_96 = tpu.memref_squeeze %dma_wait3A_95 : memref<1x640xf32, #tpu.memory_space<vmem>> -> memref<640xf32, #tpu.memory_space<vmem>>
      %dma_wait3A_97 = tpu.memref_slice %arg8[%run_scoped3A_30, %mul3A_29] : memref<16x10240xf32, #tpu.memory_space<vmem_shared>> -> memref<1x640xf32, #tpu.memory_space<vmem_shared>>
      %dma_wait3A_98 = tpu.memref_squeeze %dma_wait3A_97 : memref<1x640xf32, #tpu.memory_space<vmem_shared>> -> memref<640xf32, #tpu.memory_space<vmem_shared>>
      tpu.wait_dma2 semaphore(%run_scoped3A_80 : memref<!tpu.dma_semaphore, #tpu.memory_space<semaphore_mem>>) src(%dma_wait3A_98 : memref<640xf32, #tpu.memory_space<vmem_shared>>) dst(%dma_wait3A_96 : memref<640xf32, #tpu.memory_space<vmem>>)
      tpu.yield
    }) : () -> ()
    %mul3A_32 = arith.constant 640 : i32
    %mul3A_33 = arith.muli %arg1, %mul3A_32 : i32
    %run_scoped3A_34 = arith.constant 6 : i32
    %run_scoped3A_35 = arith.constant 6 : i32
    "tpu.region"() ({
      %run_scoped3A_80 = tpu.sem_alloc : memref<!tpu.dma_semaphore, #tpu.memory_space<semaphore_mem>>
      %dma_start3A = arith.constant 0 : i32
      %dma_start3A_81 = tpu.memref_slice %arg7[%run_scoped3A_35, %dma_start3A] : memref<16x640xf32, #tpu.memory_space<vmem>> -> memref<1x640xf32, #tpu.memory_space<vmem>>
      %dma_start3A_82 = tpu.memref_squeeze %dma_start3A_81 : memref<1x640xf32, #tpu.memory_space<vmem>> -> memref<640xf32, #tpu.memory_space<vmem>>
      %dma_start3A_83 = tpu.memref_slice %arg8[%run_scoped3A_34, %mul3A_33] : memref<16x10240xf32, #tpu.memory_space<vmem_shared>> -> memref<1x640xf32, #tpu.memory_space<vmem_shared>>
      %dma_start3A_84 = tpu.memref_squeeze %dma_start3A_83 : memref<1x640xf32, #tpu.memory_space<vmem_shared>> -> memref<640xf32, #tpu.memory_space<vmem_shared>>
      %dma_start3A_85 = arith.constant 0 : i32
      %dma_start3A_86 = tpu.memref_slice %arg7[%run_scoped3A_35, %dma_start3A_85] : memref<16x640xf32, #tpu.memory_space<vmem>> -> memref<1x640xf32, #tpu.memory_space<vmem>>
      %dma_start3A_87 = tpu.memref_squeeze %dma_start3A_86 : memref<1x640xf32, #tpu.memory_space<vmem>> -> memref<640xf32, #tpu.memory_space<vmem>>
      %dma_start3A_88 = tpu.memref_slice %arg8[%run_scoped3A_34, %mul3A_33] : memref<16x10240xf32, #tpu.memory_space<vmem_shared>> -> memref<1x640xf32, #tpu.memory_space<vmem_shared>>
      %dma_start3A_89 = tpu.memref_squeeze %dma_start3A_88 : memref<1x640xf32, #tpu.memory_space<vmem_shared>> -> memref<640xf32, #tpu.memory_space<vmem_shared>>
      tpu.enqueue_dma source(%dma_start3A_89 : memref<640xf32, #tpu.memory_space<vmem_shared>>) target(%dma_start3A_87 : memref<640xf32, #tpu.memory_space<vmem>>) target_semaphore(%run_scoped3A_80 : memref<!tpu.dma_semaphore, #tpu.memory_space<semaphore_mem>>)
      %dma_wait3A = arith.constant 0 : i32
      %dma_wait3A_90 = tpu.memref_slice %arg7[%run_scoped3A_35, %dma_wait3A] : memref<16x640xf32, #tpu.memory_space<vmem>> -> memref<1x640xf32, #tpu.memory_space<vmem>>
      %dma_wait3A_91 = tpu.memref_squeeze %dma_wait3A_90 : memref<1x640xf32, #tpu.memory_space<vmem>> -> memref<640xf32, #tpu.memory_space<vmem>>
      %dma_wait3A_92 = tpu.memref_slice %arg8[%run_scoped3A_34, %mul3A_33] : memref<16x10240xf32, #tpu.memory_space<vmem_shared>> -> memref<1x640xf32, #tpu.memory_space<vmem_shared>>
      %dma_wait3A_93 = tpu.memref_squeeze %dma_wait3A_92 : memref<1x640xf32, #tpu.memory_space<vmem_shared>> -> memref<640xf32, #tpu.memory_space<vmem_shared>>
      %dma_wait3A_94 = arith.constant 0 : i32
      %dma_wait3A_95 = tpu.memref_slice %arg7[%run_scoped3A_35, %dma_wait3A_94] : memref<16x640xf32, #tpu.memory_space<vmem>> -> memref<1x640xf32, #tpu.memory_space<vmem>>
      %dma_wait3A_96 = tpu.memref_squeeze %dma_wait3A_95 : memref<1x640xf32, #tpu.memory_space<vmem>> -> memref<640xf32, #tpu.memory_space<vmem>>
      %dma_wait3A_97 = tpu.memref_slice %arg8[%run_scoped3A_34, %mul3A_33] : memref<16x10240xf32, #tpu.memory_space<vmem_shared>> -> memref<1x640xf32, #tpu.memory_space<vmem_shared>>
      %dma_wait3A_98 = tpu.memref_squeeze %dma_wait3A_97 : memref<1x640xf32, #tpu.memory_space<vmem_shared>> -> memref<640xf32, #tpu.memory_space<vmem_shared>>
      tpu.wait_dma2 semaphore(%run_scoped3A_80 : memref<!tpu.dma_semaphore, #tpu.memory_space<semaphore_mem>>) src(%dma_wait3A_98 : memref<640xf32, #tpu.memory_space<vmem_shared>>) dst(%dma_wait3A_96 : memref<640xf32, #tpu.memory_space<vmem>>)
      tpu.yield
    }) : () -> ()
    %mul3A_36 = arith.constant 640 : i32
    %mul3A_37 = arith.muli %arg1, %mul3A_36 : i32
    %run_scoped3A_38 = arith.constant 7 : i32
    %run_scoped3A_39 = arith.constant 7 : i32
    "tpu.region"() ({
      %run_scoped3A_80 = tpu.sem_alloc : memref<!tpu.dma_semaphore, #tpu.memory_space<semaphore_mem>>
      %dma_start3A = arith.constant 0 : i32
      %dma_start3A_81 = tpu.memref_slice %arg7[%run_scoped3A_39, %dma_start3A] : memref<16x640xf32, #tpu.memory_space<vmem>> -> memref<1x640xf32, #tpu.memory_space<vmem>>
      %dma_start3A_82 = tpu.memref_squeeze %dma_start3A_81 : memref<1x640xf32, #tpu.memory_space<vmem>> -> memref<640xf32, #tpu.memory_space<vmem>>
      %dma_start3A_83 = tpu.memref_slice %arg8[%run_scoped3A_38, %mul3A_37] : memref<16x10240xf32, #tpu.memory_space<vmem_shared>> -> memref<1x640xf32, #tpu.memory_space<vmem_shared>>
      %dma_start3A_84 = tpu.memref_squeeze %dma_start3A_83 : memref<1x640xf32, #tpu.memory_space<vmem_shared>> -> memref<640xf32, #tpu.memory_space<vmem_shared>>
      %dma_start3A_85 = arith.constant 0 : i32
      %dma_start3A_86 = tpu.memref_slice %arg7[%run_scoped3A_39, %dma_start3A_85] : memref<16x640xf32, #tpu.memory_space<vmem>> -> memref<1x640xf32, #tpu.memory_space<vmem>>
      %dma_start3A_87 = tpu.memref_squeeze %dma_start3A_86 : memref<1x640xf32, #tpu.memory_space<vmem>> -> memref<640xf32, #tpu.memory_space<vmem>>
      %dma_start3A_88 = tpu.memref_slice %arg8[%run_scoped3A_38, %mul3A_37] : memref<16x10240xf32, #tpu.memory_space<vmem_shared>> -> memref<1x640xf32, #tpu.memory_space<vmem_shared>>
      %dma_start3A_89 = tpu.memref_squeeze %dma_start3A_88 : memref<1x640xf32, #tpu.memory_space<vmem_shared>> -> memref<640xf32, #tpu.memory_space<vmem_shared>>
      tpu.enqueue_dma source(%dma_start3A_89 : memref<640xf32, #tpu.memory_space<vmem_shared>>) target(%dma_start3A_87 : memref<640xf32, #tpu.memory_space<vmem>>) target_semaphore(%run_scoped3A_80 : memref<!tpu.dma_semaphore, #tpu.memory_space<semaphore_mem>>)
      %dma_wait3A = arith.constant 0 : i32
      %dma_wait3A_90 = tpu.memref_slice %arg7[%run_scoped3A_39, %dma_wait3A] : memref<16x640xf32, #tpu.memory_space<vmem>> -> memref<1x640xf32, #tpu.memory_space<vmem>>
      %dma_wait3A_91 = tpu.memref_squeeze %dma_wait3A_90 : memref<1x640xf32, #tpu.memory_space<vmem>> -> memref<640xf32, #tpu.memory_space<vmem>>
      %dma_wait3A_92 = tpu.memref_slice %arg8[%run_scoped3A_38, %mul3A_37] : memref<16x10240xf32, #tpu.memory_space<vmem_shared>> -> memref<1x640xf32, #tpu.memory_space<vmem_shared>>
      %dma_wait3A_93 = tpu.memref_squeeze %dma_wait3A_92 : memref<1x640xf32, #tpu.memory_space<vmem_shared>> -> memref<640xf32, #tpu.memory_space<vmem_shared>>
      %dma_wait3A_94 = arith.constant 0 : i32
      %dma_wait3A_95 = tpu.memref_slice %arg7[%run_scoped3A_39, %dma_wait3A_94] : memref<16x640xf32, #tpu.memory_space<vmem>> -> memref<1x640xf32, #tpu.memory_space<vmem>>
      %dma_wait3A_96 = tpu.memref_squeeze %dma_wait3A_95 : memref<1x640xf32, #tpu.memory_space<vmem>> -> memref<640xf32, #tpu.memory_space<vmem>>
      %dma_wait3A_97 = tpu.memref_slice %arg8[%run_scoped3A_38, %mul3A_37] : memref<16x10240xf32, #tpu.memory_space<vmem_shared>> -> memref<1x640xf32, #tpu.memory_space<vmem_shared>>
      %dma_wait3A_98 = tpu.memref_squeeze %dma_wait3A_97 : memref<1x640xf32, #tpu.memory_space<vmem_shared>> -> memref<640xf32, #tpu.memory_space<vmem_shared>>
      tpu.wait_dma2 semaphore(%run_scoped3A_80 : memref<!tpu.dma_semaphore, #tpu.memory_space<semaphore_mem>>) src(%dma_wait3A_98 : memref<640xf32, #tpu.memory_space<vmem_shared>>) dst(%dma_wait3A_96 : memref<640xf32, #tpu.memory_space<vmem>>)
      tpu.yield
    }) : () -> ()
    %mul3A_40 = arith.constant 640 : i32
    %mul3A_41 = arith.muli %arg1, %mul3A_40 : i32
    %run_scoped3A_42 = arith.constant 8 : i32
    %run_scoped3A_43 = arith.constant 8 : i32
    "tpu.region"() ({
      %run_scoped3A_80 = tpu.sem_alloc : memref<!tpu.dma_semaphore, #tpu.memory_space<semaphore_mem>>
      %dma_start3A = arith.constant 0 : i32
      %dma_start3A_81 = tpu.memref_slice %arg7[%run_scoped3A_43, %dma_start3A] : memref<16x640xf32, #tpu.memory_space<vmem>> -> memref<1x640xf32, #tpu.memory_space<vmem>>
      %dma_start3A_82 = tpu.memref_squeeze %dma_start3A_81 : memref<1x640xf32, #tpu.memory_space<vmem>> -> memref<640xf32, #tpu.memory_space<vmem>>
      %dma_start3A_83 = tpu.memref_slice %arg8[%run_scoped3A_42, %mul3A_41] : memref<16x10240xf32, #tpu.memory_space<vmem_shared>> -> memref<1x640xf32, #tpu.memory_space<vmem_shared>>
      %dma_start3A_84 = tpu.memref_squeeze %dma_start3A_83 : memref<1x640xf32, #tpu.memory_space<vmem_shared>> -> memref<640xf32, #tpu.memory_space<vmem_shared>>
      %dma_start3A_85 = arith.constant 0 : i32
      %dma_start3A_86 = tpu.memref_slice %arg7[%run_scoped3A_43, %dma_start3A_85] : memref<16x640xf32, #tpu.memory_space<vmem>> -> memref<1x640xf32, #tpu.memory_space<vmem>>
      %dma_start3A_87 = tpu.memref_squeeze %dma_start3A_86 : memref<1x640xf32, #tpu.memory_space<vmem>> -> memref<640xf32, #tpu.memory_space<vmem>>
      %dma_start3A_88 = tpu.memref_slice %arg8[%run_scoped3A_42, %mul3A_41] : memref<16x10240xf32, #tpu.memory_space<vmem_shared>> -> memref<1x640xf32, #tpu.memory_space<vmem_shared>>
      %dma_start3A_89 = tpu.memref_squeeze %dma_start3A_88 : memref<1x640xf32, #tpu.memory_space<vmem_shared>> -> memref<640xf32, #tpu.memory_space<vmem_shared>>
      tpu.enqueue_dma source(%dma_start3A_89 : memref<640xf32, #tpu.memory_space<vmem_shared>>) target(%dma_start3A_87 : memref<640xf32, #tpu.memory_space<vmem>>) target_semaphore(%run_scoped3A_80 : memref<!tpu.dma_semaphore, #tpu.memory_space<semaphore_mem>>)
      %dma_wait3A = arith.constant 0 : i32
      %dma_wait3A_90 = tpu.memref_slice %arg7[%run_scoped3A_43, %dma_wait3A] : memref<16x640xf32, #tpu.memory_space<vmem>> -> memref<1x640xf32, #tpu.memory_space<vmem>>
      %dma_wait3A_91 = tpu.memref_squeeze %dma_wait3A_90 : memref<1x640xf32, #tpu.memory_space<vmem>> -> memref<640xf32, #tpu.memory_space<vmem>>
      %dma_wait3A_92 = tpu.memref_slice %arg8[%run_scoped3A_42, %mul3A_41] : memref<16x10240xf32, #tpu.memory_space<vmem_shared>> -> memref<1x640xf32, #tpu.memory_space<vmem_shared>>
      %dma_wait3A_93 = tpu.memref_squeeze %dma_wait3A_92 : memref<1x640xf32, #tpu.memory_space<vmem_shared>> -> memref<640xf32, #tpu.memory_space<vmem_shared>>
      %dma_wait3A_94 = arith.constant 0 : i32
      %dma_wait3A_95 = tpu.memref_slice %arg7[%run_scoped3A_43, %dma_wait3A_94] : memref<16x640xf32, #tpu.memory_space<vmem>> -> memref<1x640xf32, #tpu.memory_space<vmem>>
      %dma_wait3A_96 = tpu.memref_squeeze %dma_wait3A_95 : memref<1x640xf32, #tpu.memory_space<vmem>> -> memref<640xf32, #tpu.memory_space<vmem>>
      %dma_wait3A_97 = tpu.memref_slice %arg8[%run_scoped3A_42, %mul3A_41] : memref<16x10240xf32, #tpu.memory_space<vmem_shared>> -> memref<1x640xf32, #tpu.memory_space<vmem_shared>>
      %dma_wait3A_98 = tpu.memref_squeeze %dma_wait3A_97 : memref<1x640xf32, #tpu.memory_space<vmem_shared>> -> memref<640xf32, #tpu.memory_space<vmem_shared>>
      tpu.wait_dma2 semaphore(%run_scoped3A_80 : memref<!tpu.dma_semaphore, #tpu.memory_space<semaphore_mem>>) src(%dma_wait3A_98 : memref<640xf32, #tpu.memory_space<vmem_shared>>) dst(%dma_wait3A_96 : memref<640xf32, #tpu.memory_space<vmem>>)
      tpu.yield
    }) : () -> ()
    %mul3A_44 = arith.constant 640 : i32
    %mul3A_45 = arith.muli %arg1, %mul3A_44 : i32
    %run_scoped3A_46 = arith.constant 9 : i32
    %run_scoped3A_47 = arith.constant 9 : i32
    "tpu.region"() ({
      %run_scoped3A_80 = tpu.sem_alloc : memref<!tpu.dma_semaphore, #tpu.memory_space<semaphore_mem>>
      %dma_start3A = arith.constant 0 : i32
      %dma_start3A_81 = tpu.memref_slice %arg7[%run_scoped3A_47, %dma_start3A] : memref<16x640xf32, #tpu.memory_space<vmem>> -> memref<1x640xf32, #tpu.memory_space<vmem>>
      %dma_start3A_82 = tpu.memref_squeeze %dma_start3A_81 : memref<1x640xf32, #tpu.memory_space<vmem>> -> memref<640xf32, #tpu.memory_space<vmem>>
      %dma_start3A_83 = tpu.memref_slice %arg8[%run_scoped3A_46, %mul3A_45] : memref<16x10240xf32, #tpu.memory_space<vmem_shared>> -> memref<1x640xf32, #tpu.memory_space<vmem_shared>>
      %dma_start3A_84 = tpu.memref_squeeze %dma_start3A_83 : memref<1x640xf32, #tpu.memory_space<vmem_shared>> -> memref<640xf32, #tpu.memory_space<vmem_shared>>
      %dma_start3A_85 = arith.constant 0 : i32
      %dma_start3A_86 = tpu.memref_slice %arg7[%run_scoped3A_47, %dma_start3A_85] : memref<16x640xf32, #tpu.memory_space<vmem>> -> memref<1x640xf32, #tpu.memory_space<vmem>>
      %dma_start3A_87 = tpu.memref_squeeze %dma_start3A_86 : memref<1x640xf32, #tpu.memory_space<vmem>> -> memref<640xf32, #tpu.memory_space<vmem>>
      %dma_start3A_88 = tpu.memref_slice %arg8[%run_scoped3A_46, %mul3A_45] : memref<16x10240xf32, #tpu.memory_space<vmem_shared>> -> memref<1x640xf32, #tpu.memory_space<vmem_shared>>
      %dma_start3A_89 = tpu.memref_squeeze %dma_start3A_88 : memref<1x640xf32, #tpu.memory_space<vmem_shared>> -> memref<640xf32, #tpu.memory_space<vmem_shared>>
      tpu.enqueue_dma source(%dma_start3A_89 : memref<640xf32, #tpu.memory_space<vmem_shared>>) target(%dma_start3A_87 : memref<640xf32, #tpu.memory_space<vmem>>) target_semaphore(%run_scoped3A_80 : memref<!tpu.dma_semaphore, #tpu.memory_space<semaphore_mem>>)
      %dma_wait3A = arith.constant 0 : i32
      %dma_wait3A_90 = tpu.memref_slice %arg7[%run_scoped3A_47, %dma_wait3A] : memref<16x640xf32, #tpu.memory_space<vmem>> -> memref<1x640xf32, #tpu.memory_space<vmem>>
      %dma_wait3A_91 = tpu.memref_squeeze %dma_wait3A_90 : memref<1x640xf32, #tpu.memory_space<vmem>> -> memref<640xf32, #tpu.memory_space<vmem>>
      %dma_wait3A_92 = tpu.memref_slice %arg8[%run_scoped3A_46, %mul3A_45] : memref<16x10240xf32, #tpu.memory_space<vmem_shared>> -> memref<1x640xf32, #tpu.memory_space<vmem_shared>>
      %dma_wait3A_93 = tpu.memref_squeeze %dma_wait3A_92 : memref<1x640xf32, #tpu.memory_space<vmem_shared>> -> memref<640xf32, #tpu.memory_space<vmem_shared>>
      %dma_wait3A_94 = arith.constant 0 : i32
      %dma_wait3A_95 = tpu.memref_slice %arg7[%run_scoped3A_47, %dma_wait3A_94] : memref<16x640xf32, #tpu.memory_space<vmem>> -> memref<1x640xf32, #tpu.memory_space<vmem>>
      %dma_wait3A_96 = tpu.memref_squeeze %dma_wait3A_95 : memref<1x640xf32, #tpu.memory_space<vmem>> -> memref<640xf32, #tpu.memory_space<vmem>>
      %dma_wait3A_97 = tpu.memref_slice %arg8[%run_scoped3A_46, %mul3A_45] : memref<16x10240xf32, #tpu.memory_space<vmem_shared>> -> memref<1x640xf32, #tpu.memory_space<vmem_shared>>
      %dma_wait3A_98 = tpu.memref_squeeze %dma_wait3A_97 : memref<1x640xf32, #tpu.memory_space<vmem_shared>> -> memref<640xf32, #tpu.memory_space<vmem_shared>>
      tpu.wait_dma2 semaphore(%run_scoped3A_80 : memref<!tpu.dma_semaphore, #tpu.memory_space<semaphore_mem>>) src(%dma_wait3A_98 : memref<640xf32, #tpu.memory_space<vmem_shared>>) dst(%dma_wait3A_96 : memref<640xf32, #tpu.memory_space<vmem>>)
      tpu.yield
    }) : () -> ()
    %mul3A_48 = arith.constant 640 : i32
    %mul3A_49 = arith.muli %arg1, %mul3A_48 : i32
    %run_scoped3A_50 = arith.constant 10 : i32
    %run_scoped3A_51 = arith.constant 10 : i32
    "tpu.region"() ({
      %run_scoped3A_80 = tpu.sem_alloc : memref<!tpu.dma_semaphore, #tpu.memory_space<semaphore_mem>>
      %dma_start3A = arith.constant 0 : i32
      %dma_start3A_81 = tpu.memref_slice %arg7[%run_scoped3A_51, %dma_start3A] : memref<16x640xf32, #tpu.memory_space<vmem>> -> memref<1x640xf32, #tpu.memory_space<vmem>>
      %dma_start3A_82 = tpu.memref_squeeze %dma_start3A_81 : memref<1x640xf32, #tpu.memory_space<vmem>> -> memref<640xf32, #tpu.memory_space<vmem>>
      %dma_start3A_83 = tpu.memref_slice %arg8[%run_scoped3A_50, %mul3A_49] : memref<16x10240xf32, #tpu.memory_space<vmem_shared>> -> memref<1x640xf32, #tpu.memory_space<vmem_shared>>
      %dma_start3A_84 = tpu.memref_squeeze %dma_start3A_83 : memref<1x640xf32, #tpu.memory_space<vmem_shared>> -> memref<640xf32, #tpu.memory_space<vmem_shared>>
      %dma_start3A_85 = arith.constant 0 : i32
      %dma_start3A_86 = tpu.memref_slice %arg7[%run_scoped3A_51, %dma_start3A_85] : memref<16x640xf32, #tpu.memory_space<vmem>> -> memref<1x640xf32, #tpu.memory_space<vmem>>
      %dma_start3A_87 = tpu.memref_squeeze %dma_start3A_86 : memref<1x640xf32, #tpu.memory_space<vmem>> -> memref<640xf32, #tpu.memory_space<vmem>>
      %dma_start3A_88 = tpu.memref_slice %arg8[%run_scoped3A_50, %mul3A_49] : memref<16x10240xf32, #tpu.memory_space<vmem_shared>> -> memref<1x640xf32, #tpu.memory_space<vmem_shared>>
      %dma_start3A_89 = tpu.memref_squeeze %dma_start3A_88 : memref<1x640xf32, #tpu.memory_space<vmem_shared>> -> memref<640xf32, #tpu.memory_space<vmem_shared>>
      tpu.enqueue_dma source(%dma_start3A_89 : memref<640xf32, #tpu.memory_space<vmem_shared>>) target(%dma_start3A_87 : memref<640xf32, #tpu.memory_space<vmem>>) target_semaphore(%run_scoped3A_80 : memref<!tpu.dma_semaphore, #tpu.memory_space<semaphore_mem>>)
      %dma_wait3A = arith.constant 0 : i32
      %dma_wait3A_90 = tpu.memref_slice %arg7[%run_scoped3A_51, %dma_wait3A] : memref<16x640xf32, #tpu.memory_space<vmem>> -> memref<1x640xf32, #tpu.memory_space<vmem>>
      %dma_wait3A_91 = tpu.memref_squeeze %dma_wait3A_90 : memref<1x640xf32, #tpu.memory_space<vmem>> -> memref<640xf32, #tpu.memory_space<vmem>>
      %dma_wait3A_92 = tpu.memref_slice %arg8[%run_scoped3A_50, %mul3A_49] : memref<16x10240xf32, #tpu.memory_space<vmem_shared>> -> memref<1x640xf32, #tpu.memory_space<vmem_shared>>
      %dma_wait3A_93 = tpu.memref_squeeze %dma_wait3A_92 : memref<1x640xf32, #tpu.memory_space<vmem_shared>> -> memref<640xf32, #tpu.memory_space<vmem_shared>>
      %dma_wait3A_94 = arith.constant 0 : i32
      %dma_wait3A_95 = tpu.memref_slice %arg7[%run_scoped3A_51, %dma_wait3A_94] : memref<16x640xf32, #tpu.memory_space<vmem>> -> memref<1x640xf32, #tpu.memory_space<vmem>>
      %dma_wait3A_96 = tpu.memref_squeeze %dma_wait3A_95 : memref<1x640xf32, #tpu.memory_space<vmem>> -> memref<640xf32, #tpu.memory_space<vmem>>
      %dma_wait3A_97 = tpu.memref_slice %arg8[%run_scoped3A_50, %mul3A_49] : memref<16x10240xf32, #tpu.memory_space<vmem_shared>> -> memref<1x640xf32, #tpu.memory_space<vmem_shared>>
      %dma_wait3A_98 = tpu.memref_squeeze %dma_wait3A_97 : memref<1x640xf32, #tpu.memory_space<vmem_shared>> -> memref<640xf32, #tpu.memory_space<vmem_shared>>
      tpu.wait_dma2 semaphore(%run_scoped3A_80 : memref<!tpu.dma_semaphore, #tpu.memory_space<semaphore_mem>>) src(%dma_wait3A_98 : memref<640xf32, #tpu.memory_space<vmem_shared>>) dst(%dma_wait3A_96 : memref<640xf32, #tpu.memory_space<vmem>>)
      tpu.yield
    }) : () -> ()
    %mul3A_52 = arith.constant 640 : i32
    %mul3A_53 = arith.muli %arg1, %mul3A_52 : i32
    %run_scoped3A_54 = arith.constant 11 : i32
    %run_scoped3A_55 = arith.constant 11 : i32
    "tpu.region"() ({
      %run_scoped3A_80 = tpu.sem_alloc : memref<!tpu.dma_semaphore, #tpu.memory_space<semaphore_mem>>
      %dma_start3A = arith.constant 0 : i32
      %dma_start3A_81 = tpu.memref_slice %arg7[%run_scoped3A_55, %dma_start3A] : memref<16x640xf32, #tpu.memory_space<vmem>> -> memref<1x640xf32, #tpu.memory_space<vmem>>
      %dma_start3A_82 = tpu.memref_squeeze %dma_start3A_81 : memref<1x640xf32, #tpu.memory_space<vmem>> -> memref<640xf32, #tpu.memory_space<vmem>>
      %dma_start3A_83 = tpu.memref_slice %arg8[%run_scoped3A_54, %mul3A_53] : memref<16x10240xf32, #tpu.memory_space<vmem_shared>> -> memref<1x640xf32, #tpu.memory_space<vmem_shared>>
      %dma_start3A_84 = tpu.memref_squeeze %dma_start3A_83 : memref<1x640xf32, #tpu.memory_space<vmem_shared>> -> memref<640xf32, #tpu.memory_space<vmem_shared>>
      %dma_start3A_85 = arith.constant 0 : i32
      %dma_start3A_86 = tpu.memref_slice %arg7[%run_scoped3A_55, %dma_start3A_85] : memref<16x640xf32, #tpu.memory_space<vmem>> -> memref<1x640xf32, #tpu.memory_space<vmem>>
      %dma_start3A_87 = tpu.memref_squeeze %dma_start3A_86 : memref<1x640xf32, #tpu.memory_space<vmem>> -> memref<640xf32, #tpu.memory_space<vmem>>
      %dma_start3A_88 = tpu.memref_slice %arg8[%run_scoped3A_54, %mul3A_53] : memref<16x10240xf32, #tpu.memory_space<vmem_shared>> -> memref<1x640xf32, #tpu.memory_space<vmem_shared>>
      %dma_start3A_89 = tpu.memref_squeeze %dma_start3A_88 : memref<1x640xf32, #tpu.memory_space<vmem_shared>> -> memref<640xf32, #tpu.memory_space<vmem_shared>>
      tpu.enqueue_dma source(%dma_start3A_89 : memref<640xf32, #tpu.memory_space<vmem_shared>>) target(%dma_start3A_87 : memref<640xf32, #tpu.memory_space<vmem>>) target_semaphore(%run_scoped3A_80 : memref<!tpu.dma_semaphore, #tpu.memory_space<semaphore_mem>>)
      %dma_wait3A = arith.constant 0 : i32
      %dma_wait3A_90 = tpu.memref_slice %arg7[%run_scoped3A_55, %dma_wait3A] : memref<16x640xf32, #tpu.memory_space<vmem>> -> memref<1x640xf32, #tpu.memory_space<vmem>>
      %dma_wait3A_91 = tpu.memref_squeeze %dma_wait3A_90 : memref<1x640xf32, #tpu.memory_space<vmem>> -> memref<640xf32, #tpu.memory_space<vmem>>
      %dma_wait3A_92 = tpu.memref_slice %arg8[%run_scoped3A_54, %mul3A_53] : memref<16x10240xf32, #tpu.memory_space<vmem_shared>> -> memref<1x640xf32, #tpu.memory_space<vmem_shared>>
      %dma_wait3A_93 = tpu.memref_squeeze %dma_wait3A_92 : memref<1x640xf32, #tpu.memory_space<vmem_shared>> -> memref<640xf32, #tpu.memory_space<vmem_shared>>
      %dma_wait3A_94 = arith.constant 0 : i32
      %dma_wait3A_95 = tpu.memref_slice %arg7[%run_scoped3A_55, %dma_wait3A_94] : memref<16x640xf32, #tpu.memory_space<vmem>> -> memref<1x640xf32, #tpu.memory_space<vmem>>
      %dma_wait3A_96 = tpu.memref_squeeze %dma_wait3A_95 : memref<1x640xf32, #tpu.memory_space<vmem>> -> memref<640xf32, #tpu.memory_space<vmem>>
      %dma_wait3A_97 = tpu.memref_slice %arg8[%run_scoped3A_54, %mul3A_53] : memref<16x10240xf32, #tpu.memory_space<vmem_shared>> -> memref<1x640xf32, #tpu.memory_space<vmem_shared>>
      %dma_wait3A_98 = tpu.memref_squeeze %dma_wait3A_97 : memref<1x640xf32, #tpu.memory_space<vmem_shared>> -> memref<640xf32, #tpu.memory_space<vmem_shared>>
      tpu.wait_dma2 semaphore(%run_scoped3A_80 : memref<!tpu.dma_semaphore, #tpu.memory_space<semaphore_mem>>) src(%dma_wait3A_98 : memref<640xf32, #tpu.memory_space<vmem_shared>>) dst(%dma_wait3A_96 : memref<640xf32, #tpu.memory_space<vmem>>)
      tpu.yield
    }) : () -> ()
    %mul3A_56 = arith.constant 640 : i32
    %mul3A_57 = arith.muli %arg1, %mul3A_56 : i32
    %run_scoped3A_58 = arith.constant 12 : i32
    %run_scoped3A_59 = arith.constant 12 : i32
    "tpu.region"() ({
      %run_scoped3A_80 = tpu.sem_alloc : memref<!tpu.dma_semaphore, #tpu.memory_space<semaphore_mem>>
      %dma_start3A = arith.constant 0 : i32
      %dma_start3A_81 = tpu.memref_slice %arg7[%run_scoped3A_59, %dma_start3A] : memref<16x640xf32, #tpu.memory_space<vmem>> -> memref<1x640xf32, #tpu.memory_space<vmem>>
      %dma_start3A_82 = tpu.memref_squeeze %dma_start3A_81 : memref<1x640xf32, #tpu.memory_space<vmem>> -> memref<640xf32, #tpu.memory_space<vmem>>
      %dma_start3A_83 = tpu.memref_slice %arg8[%run_scoped3A_58, %mul3A_57] : memref<16x10240xf32, #tpu.memory_space<vmem_shared>> -> memref<1x640xf32, #tpu.memory_space<vmem_shared>>
      %dma_start3A_84 = tpu.memref_squeeze %dma_start3A_83 : memref<1x640xf32, #tpu.memory_space<vmem_shared>> -> memref<640xf32, #tpu.memory_space<vmem_shared>>
      %dma_start3A_85 = arith.constant 0 : i32
      %dma_start3A_86 = tpu.memref_slice %arg7[%run_scoped3A_59, %dma_start3A_85] : memref<16x640xf32, #tpu.memory_space<vmem>> -> memref<1x640xf32, #tpu.memory_space<vmem>>
      %dma_start3A_87 = tpu.memref_squeeze %dma_start3A_86 : memref<1x640xf32, #tpu.memory_space<vmem>> -> memref<640xf32, #tpu.memory_space<vmem>>
      %dma_start3A_88 = tpu.memref_slice %arg8[%run_scoped3A_58, %mul3A_57] : memref<16x10240xf32, #tpu.memory_space<vmem_shared>> -> memref<1x640xf32, #tpu.memory_space<vmem_shared>>
      %dma_start3A_89 = tpu.memref_squeeze %dma_start3A_88 : memref<1x640xf32, #tpu.memory_space<vmem_shared>> -> memref<640xf32, #tpu.memory_space<vmem_shared>>
      tpu.enqueue_dma source(%dma_start3A_89 : memref<640xf32, #tpu.memory_space<vmem_shared>>) target(%dma_start3A_87 : memref<640xf32, #tpu.memory_space<vmem>>) target_semaphore(%run_scoped3A_80 : memref<!tpu.dma_semaphore, #tpu.memory_space<semaphore_mem>>)
      %dma_wait3A = arith.constant 0 : i32
      %dma_wait3A_90 = tpu.memref_slice %arg7[%run_scoped3A_59, %dma_wait3A] : memref<16x640xf32, #tpu.memory_space<vmem>> -> memref<1x640xf32, #tpu.memory_space<vmem>>
      %dma_wait3A_91 = tpu.memref_squeeze %dma_wait3A_90 : memref<1x640xf32, #tpu.memory_space<vmem>> -> memref<640xf32, #tpu.memory_space<vmem>>
      %dma_wait3A_92 = tpu.memref_slice %arg8[%run_scoped3A_58, %mul3A_57] : memref<16x10240xf32, #tpu.memory_space<vmem_shared>> -> memref<1x640xf32, #tpu.memory_space<vmem_shared>>
      %dma_wait3A_93 = tpu.memref_squeeze %dma_wait3A_92 : memref<1x640xf32, #tpu.memory_space<vmem_shared>> -> memref<640xf32, #tpu.memory_space<vmem_shared>>
      %dma_wait3A_94 = arith.constant 0 : i32
      %dma_wait3A_95 = tpu.memref_slice %arg7[%run_scoped3A_59, %dma_wait3A_94] : memref<16x640xf32, #tpu.memory_space<vmem>> -> memref<1x640xf32, #tpu.memory_space<vmem>>
      %dma_wait3A_96 = tpu.memref_squeeze %dma_wait3A_95 : memref<1x640xf32, #tpu.memory_space<vmem>> -> memref<640xf32, #tpu.memory_space<vmem>>
      %dma_wait3A_97 = tpu.memref_slice %arg8[%run_scoped3A_58, %mul3A_57] : memref<16x10240xf32, #tpu.memory_space<vmem_shared>> -> memref<1x640xf32, #tpu.memory_space<vmem_shared>>
      %dma_wait3A_98 = tpu.memref_squeeze %dma_wait3A_97 : memref<1x640xf32, #tpu.memory_space<vmem_shared>> -> memref<640xf32, #tpu.memory_space<vmem_shared>>
      tpu.wait_dma2 semaphore(%run_scoped3A_80 : memref<!tpu.dma_semaphore, #tpu.memory_space<semaphore_mem>>) src(%dma_wait3A_98 : memref<640xf32, #tpu.memory_space<vmem_shared>>) dst(%dma_wait3A_96 : memref<640xf32, #tpu.memory_space<vmem>>)
      tpu.yield
    }) : () -> ()
    %mul3A_60 = arith.constant 640 : i32
    %mul3A_61 = arith.muli %arg1, %mul3A_60 : i32
    %run_scoped3A_62 = arith.constant 13 : i32
    %run_scoped3A_63 = arith.constant 13 : i32
    "tpu.region"() ({
      %run_scoped3A_80 = tpu.sem_alloc : memref<!tpu.dma_semaphore, #tpu.memory_space<semaphore_mem>>
      %dma_start3A = arith.constant 0 : i32
      %dma_start3A_81 = tpu.memref_slice %arg7[%run_scoped3A_63, %dma_start3A] : memref<16x640xf32, #tpu.memory_space<vmem>> -> memref<1x640xf32, #tpu.memory_space<vmem>>
      %dma_start3A_82 = tpu.memref_squeeze %dma_start3A_81 : memref<1x640xf32, #tpu.memory_space<vmem>> -> memref<640xf32, #tpu.memory_space<vmem>>
      %dma_start3A_83 = tpu.memref_slice %arg8[%run_scoped3A_62, %mul3A_61] : memref<16x10240xf32, #tpu.memory_space<vmem_shared>> -> memref<1x640xf32, #tpu.memory_space<vmem_shared>>
      %dma_start3A_84 = tpu.memref_squeeze %dma_start3A_83 : memref<1x640xf32, #tpu.memory_space<vmem_shared>> -> memref<640xf32, #tpu.memory_space<vmem_shared>>
      %dma_start3A_85 = arith.constant 0 : i32
      %dma_start3A_86 = tpu.memref_slice %arg7[%run_scoped3A_63, %dma_start3A_85] : memref<16x640xf32, #tpu.memory_space<vmem>> -> memref<1x640xf32, #tpu.memory_space<vmem>>
      %dma_start3A_87 = tpu.memref_squeeze %dma_start3A_86 : memref<1x640xf32, #tpu.memory_space<vmem>> -> memref<640xf32, #tpu.memory_space<vmem>>
      %dma_start3A_88 = tpu.memref_slice %arg8[%run_scoped3A_62, %mul3A_61] : memref<16x10240xf32, #tpu.memory_space<vmem_shared>> -> memref<1x640xf32, #tpu.memory_space<vmem_shared>>
      %dma_start3A_89 = tpu.memref_squeeze %dma_start3A_88 : memref<1x640xf32, #tpu.memory_space<vmem_shared>> -> memref<640xf32, #tpu.memory_space<vmem_shared>>
      tpu.enqueue_dma source(%dma_start3A_89 : memref<640xf32, #tpu.memory_space<vmem_shared>>) target(%dma_start3A_87 : memref<640xf32, #tpu.memory_space<vmem>>) target_semaphore(%run_scoped3A_80 : memref<!tpu.dma_semaphore, #tpu.memory_space<semaphore_mem>>)
      %dma_wait3A = arith.constant 0 : i32
      %dma_wait3A_90 = tpu.memref_slice %arg7[%run_scoped3A_63, %dma_wait3A] : memref<16x640xf32, #tpu.memory_space<vmem>> -> memref<1x640xf32, #tpu.memory_space<vmem>>
      %dma_wait3A_91 = tpu.memref_squeeze %dma_wait3A_90 : memref<1x640xf32, #tpu.memory_space<vmem>> -> memref<640xf32, #tpu.memory_space<vmem>>
      %dma_wait3A_92 = tpu.memref_slice %arg8[%run_scoped3A_62, %mul3A_61] : memref<16x10240xf32, #tpu.memory_space<vmem_shared>> -> memref<1x640xf32, #tpu.memory_space<vmem_shared>>
      %dma_wait3A_93 = tpu.memref_squeeze %dma_wait3A_92 : memref<1x640xf32, #tpu.memory_space<vmem_shared>> -> memref<640xf32, #tpu.memory_space<vmem_shared>>
      %dma_wait3A_94 = arith.constant 0 : i32
      %dma_wait3A_95 = tpu.memref_slice %arg7[%run_scoped3A_63, %dma_wait3A_94] : memref<16x640xf32, #tpu.memory_space<vmem>> -> memref<1x640xf32, #tpu.memory_space<vmem>>
      %dma_wait3A_96 = tpu.memref_squeeze %dma_wait3A_95 : memref<1x640xf32, #tpu.memory_space<vmem>> -> memref<640xf32, #tpu.memory_space<vmem>>
      %dma_wait3A_97 = tpu.memref_slice %arg8[%run_scoped3A_62, %mul3A_61] : memref<16x10240xf32, #tpu.memory_space<vmem_shared>> -> memref<1x640xf32, #tpu.memory_space<vmem_shared>>
      %dma_wait3A_98 = tpu.memref_squeeze %dma_wait3A_97 : memref<1x640xf32, #tpu.memory_space<vmem_shared>> -> memref<640xf32, #tpu.memory_space<vmem_shared>>
      tpu.wait_dma2 semaphore(%run_scoped3A_80 : memref<!tpu.dma_semaphore, #tpu.memory_space<semaphore_mem>>) src(%dma_wait3A_98 : memref<640xf32, #tpu.memory_space<vmem_shared>>) dst(%dma_wait3A_96 : memref<640xf32, #tpu.memory_space<vmem>>)
      tpu.yield
    }) : () -> ()
    %mul3A_64 = arith.constant 640 : i32
    %mul3A_65 = arith.muli %arg1, %mul3A_64 : i32
    %run_scoped3A_66 = arith.constant 14 : i32
    %run_scoped3A_67 = arith.constant 14 : i32
    "tpu.region"() ({
      %run_scoped3A_80 = tpu.sem_alloc : memref<!tpu.dma_semaphore, #tpu.memory_space<semaphore_mem>>
      %dma_start3A = arith.constant 0 : i32
      %dma_start3A_81 = tpu.memref_slice %arg7[%run_scoped3A_67, %dma_start3A] : memref<16x640xf32, #tpu.memory_space<vmem>> -> memref<1x640xf32, #tpu.memory_space<vmem>>
      %dma_start3A_82 = tpu.memref_squeeze %dma_start3A_81 : memref<1x640xf32, #tpu.memory_space<vmem>> -> memref<640xf32, #tpu.memory_space<vmem>>
      %dma_start3A_83 = tpu.memref_slice %arg8[%run_scoped3A_66, %mul3A_65] : memref<16x10240xf32, #tpu.memory_space<vmem_shared>> -> memref<1x640xf32, #tpu.memory_space<vmem_shared>>
      %dma_start3A_84 = tpu.memref_squeeze %dma_start3A_83 : memref<1x640xf32, #tpu.memory_space<vmem_shared>> -> memref<640xf32, #tpu.memory_space<vmem_shared>>
      %dma_start3A_85 = arith.constant 0 : i32
      %dma_start3A_86 = tpu.memref_slice %arg7[%run_scoped3A_67, %dma_start3A_85] : memref<16x640xf32, #tpu.memory_space<vmem>> -> memref<1x640xf32, #tpu.memory_space<vmem>>
      %dma_start3A_87 = tpu.memref_squeeze %dma_start3A_86 : memref<1x640xf32, #tpu.memory_space<vmem>> -> memref<640xf32, #tpu.memory_space<vmem>>
      %dma_start3A_88 = tpu.memref_slice %arg8[%run_scoped3A_66, %mul3A_65] : memref<16x10240xf32, #tpu.memory_space<vmem_shared>> -> memref<1x640xf32, #tpu.memory_space<vmem_shared>>
      %dma_start3A_89 = tpu.memref_squeeze %dma_start3A_88 : memref<1x640xf32, #tpu.memory_space<vmem_shared>> -> memref<640xf32, #tpu.memory_space<vmem_shared>>
      tpu.enqueue_dma source(%dma_start3A_89 : memref<640xf32, #tpu.memory_space<vmem_shared>>) target(%dma_start3A_87 : memref<640xf32, #tpu.memory_space<vmem>>) target_semaphore(%run_scoped3A_80 : memref<!tpu.dma_semaphore, #tpu.memory_space<semaphore_mem>>)
      %dma_wait3A = arith.constant 0 : i32
      %dma_wait3A_90 = tpu.memref_slice %arg7[%run_scoped3A_67, %dma_wait3A] : memref<16x640xf32, #tpu.memory_space<vmem>> -> memref<1x640xf32, #tpu.memory_space<vmem>>
      %dma_wait3A_91 = tpu.memref_squeeze %dma_wait3A_90 : memref<1x640xf32, #tpu.memory_space<vmem>> -> memref<640xf32, #tpu.memory_space<vmem>>
      %dma_wait3A_92 = tpu.memref_slice %arg8[%run_scoped3A_66, %mul3A_65] : memref<16x10240xf32, #tpu.memory_space<vmem_shared>> -> memref<1x640xf32, #tpu.memory_space<vmem_shared>>
      %dma_wait3A_93 = tpu.memref_squeeze %dma_wait3A_92 : memref<1x640xf32, #tpu.memory_space<vmem_shared>> -> memref<640xf32, #tpu.memory_space<vmem_shared>>
      %dma_wait3A_94 = arith.constant 0 : i32
      %dma_wait3A_95 = tpu.memref_slice %arg7[%run_scoped3A_67, %dma_wait3A_94] : memref<16x640xf32, #tpu.memory_space<vmem>> -> memref<1x640xf32, #tpu.memory_space<vmem>>
      %dma_wait3A_96 = tpu.memref_squeeze %dma_wait3A_95 : memref<1x640xf32, #tpu.memory_space<vmem>> -> memref<640xf32, #tpu.memory_space<vmem>>
      %dma_wait3A_97 = tpu.memref_slice %arg8[%run_scoped3A_66, %mul3A_65] : memref<16x10240xf32, #tpu.memory_space<vmem_shared>> -> memref<1x640xf32, #tpu.memory_space<vmem_shared>>
      %dma_wait3A_98 = tpu.memref_squeeze %dma_wait3A_97 : memref<1x640xf32, #tpu.memory_space<vmem_shared>> -> memref<640xf32, #tpu.memory_space<vmem_shared>>
      tpu.wait_dma2 semaphore(%run_scoped3A_80 : memref<!tpu.dma_semaphore, #tpu.memory_space<semaphore_mem>>) src(%dma_wait3A_98 : memref<640xf32, #tpu.memory_space<vmem_shared>>) dst(%dma_wait3A_96 : memref<640xf32, #tpu.memory_space<vmem>>)
      tpu.yield
    }) : () -> ()
    %mul3A_68 = arith.constant 640 : i32
    %mul3A_69 = arith.muli %arg1, %mul3A_68 : i32
    %run_scoped3A_70 = arith.constant 15 : i32
    %run_scoped3A_71 = arith.constant 15 : i32
    "tpu.region"() ({
      %run_scoped3A_80 = tpu.sem_alloc : memref<!tpu.dma_semaphore, #tpu.memory_space<semaphore_mem>>
      %dma_start3A = arith.constant 0 : i32
      %dma_start3A_81 = tpu.memref_slice %arg7[%run_scoped3A_71, %dma_start3A] : memref<16x640xf32, #tpu.memory_space<vmem>> -> memref<1x640xf32, #tpu.memory_space<vmem>>
      %dma_start3A_82 = tpu.memref_squeeze %dma_start3A_81 : memref<1x640xf32, #tpu.memory_space<vmem>> -> memref<640xf32, #tpu.memory_space<vmem>>
      %dma_start3A_83 = tpu.memref_slice %arg8[%run_scoped3A_70, %mul3A_69] : memref<16x10240xf32, #tpu.memory_space<vmem_shared>> -> memref<1x640xf32, #tpu.memory_space<vmem_shared>>
      %dma_start3A_84 = tpu.memref_squeeze %dma_start3A_83 : memref<1x640xf32, #tpu.memory_space<vmem_shared>> -> memref<640xf32, #tpu.memory_space<vmem_shared>>
      %dma_start3A_85 = arith.constant 0 : i32
      %dma_start3A_86 = tpu.memref_slice %arg7[%run_scoped3A_71, %dma_start3A_85] : memref<16x640xf32, #tpu.memory_space<vmem>> -> memref<1x640xf32, #tpu.memory_space<vmem>>
      %dma_start3A_87 = tpu.memref_squeeze %dma_start3A_86 : memref<1x640xf32, #tpu.memory_space<vmem>> -> memref<640xf32, #tpu.memory_space<vmem>>
      %dma_start3A_88 = tpu.memref_slice %arg8[%run_scoped3A_70, %mul3A_69] : memref<16x10240xf32, #tpu.memory_space<vmem_shared>> -> memref<1x640xf32, #tpu.memory_space<vmem_shared>>
      %dma_start3A_89 = tpu.memref_squeeze %dma_start3A_88 : memref<1x640xf32, #tpu.memory_space<vmem_shared>> -> memref<640xf32, #tpu.memory_space<vmem_shared>>
      tpu.enqueue_dma source(%dma_start3A_89 : memref<640xf32, #tpu.memory_space<vmem_shared>>) target(%dma_start3A_87 : memref<640xf32, #tpu.memory_space<vmem>>) target_semaphore(%run_scoped3A_80 : memref<!tpu.dma_semaphore, #tpu.memory_space<semaphore_mem>>)
      %dma_wait3A = arith.constant 0 : i32
      %dma_wait3A_90 = tpu.memref_slice %arg7[%run_scoped3A_71, %dma_wait3A] : memref<16x640xf32, #tpu.memory_space<vmem>> -> memref<1x640xf32, #tpu.memory_space<vmem>>
      %dma_wait3A_91 = tpu.memref_squeeze %dma_wait3A_90 : memref<1x640xf32, #tpu.memory_space<vmem>> -> memref<640xf32, #tpu.memory_space<vmem>>
      %dma_wait3A_92 = tpu.memref_slice %arg8[%run_scoped3A_70, %mul3A_69] : memref<16x10240xf32, #tpu.memory_space<vmem_shared>> -> memref<1x640xf32, #tpu.memory_space<vmem_shared>>
      %dma_wait3A_93 = tpu.memref_squeeze %dma_wait3A_92 : memref<1x640xf32, #tpu.memory_space<vmem_shared>> -> memref<640xf32, #tpu.memory_space<vmem_shared>>
      %dma_wait3A_94 = arith.constant 0 : i32
      %dma_wait3A_95 = tpu.memref_slice %arg7[%run_scoped3A_71, %dma_wait3A_94] : memref<16x640xf32, #tpu.memory_space<vmem>> -> memref<1x640xf32, #tpu.memory_space<vmem>>
      %dma_wait3A_96 = tpu.memref_squeeze %dma_wait3A_95 : memref<1x640xf32, #tpu.memory_space<vmem>> -> memref<640xf32, #tpu.memory_space<vmem>>
      %dma_wait3A_97 = tpu.memref_slice %arg8[%run_scoped3A_70, %mul3A_69] : memref<16x10240xf32, #tpu.memory_space<vmem_shared>> -> memref<1x640xf32, #tpu.memory_space<vmem_shared>>
      %dma_wait3A_98 = tpu.memref_squeeze %dma_wait3A_97 : memref<1x640xf32, #tpu.memory_space<vmem_shared>> -> memref<640xf32, #tpu.memory_space<vmem_shared>>
      tpu.wait_dma2 semaphore(%run_scoped3A_80 : memref<!tpu.dma_semaphore, #tpu.memory_space<semaphore_mem>>) src(%dma_wait3A_98 : memref<640xf32, #tpu.memory_space<vmem_shared>>) dst(%dma_wait3A_96 : memref<640xf32, #tpu.memory_space<vmem>>)
      tpu.yield
    }) : () -> ()
    %scan3A_72 = arith.constant 0 : i32
    %scan3A_73 = arith.constant 0 : i32
    %scan3A_74 = arith.constant 40 : i32
    %scan3A_75 = arith.addi %scan3A_73, %scan3A_74 : i32
    %scan3A_76 = arith.constant 1 : i32
    scf.for %scan3A_80 = %scan3A_73 to %scan3A_75 step %scan3A_76  : i32 {
      %mul3A_81 = arith.constant 16 : i32
      %mul3A_82 = arith.muli %scan3A_80, %mul3A_81 : i32
      %get3A = arith.constant 0 : i32
      %get3A_83 = arith.index_cast %get3A : i32 to index
      %get3A_84 = arith.index_cast %mul3A_82 : i32 to index
      %get3A_85 = tpu.vector_load %arg7[%get3A_83, %get3A_84] {strides = array<i32>} : memref<16x640xf32, #tpu.memory_space<vmem>>, vector<16xf32>,
      %mul3A_86 = arith.constant 16 : i32
      %mul3A_87 = arith.muli %scan3A_80, %mul3A_86 : i32
      %get3A_88 = arith.constant 1 : i32
      %get3A_89 = arith.index_cast %get3A_88 : i32 to index
      %get3A_90 = arith.index_cast %mul3A_87 : i32 to index
      %get3A_91 = tpu.vector_load %arg7[%get3A_89, %get3A_90] {strides = array<i32>} : memref<16x640xf32, #tpu.memory_space<vmem>>, vector<16xf32>,
      %add3A_92 = arith.addf %get3A_85, %get3A_91 : vector<16xf32>
      %mul3A_93 = arith.constant 16 : i32
      %mul3A_94 = arith.muli %scan3A_80, %mul3A_93 : i32
      %get3A_95 = arith.constant 2 : i32
      %get3A_96 = arith.index_cast %get3A_95 : i32 to index
      %get3A_97 = arith.index_cast %mul3A_94 : i32 to index
      %get3A_98 = tpu.vector_load %arg7[%get3A_96, %get3A_97] {strides = array<i32>} : memref<16x640xf32, #tpu.memory_space<vmem>>, vector<16xf32>,
      %add3A_99 = arith.addf %add3A_92, %get3A_98 : vector<16xf32>
      %mul3A_100 = arith.constant 16 : i32
      %mul3A_101 = arith.muli %scan3A_80, %mul3A_100 : i32
      %get3A_102 = arith.constant 3 : i32
      %get3A_103 = arith.index_cast %get3A_102 : i32 to index
      %get3A_104 = arith.index_cast %mul3A_101 : i32 to index
      %get3A_105 = tpu.vector_load %arg7[%get3A_103, %get3A_104] {strides = array<i32>} : memref<16x640xf32, #tpu.memory_space<vmem>>, vector<16xf32>,
      %add3A_106 = arith.addf %add3A_99, %get3A_105 : vector<16xf32>
      %mul3A_107 = arith.constant 16 : i32
      %mul3A_108 = arith.muli %scan3A_80, %mul3A_107 : i32
      %get3A_109 = arith.constant 4 : i32
      %get3A_110 = arith.index_cast %get3A_109 : i32 to index
      %get3A_111 = arith.index_cast %mul3A_108 : i32 to index
      %get3A_112 = tpu.vector_load %arg7[%get3A_110, %get3A_111] {strides = array<i32>} : memref<16x640xf32, #tpu.memory_space<vmem>>, vector<16xf32>,
      %add3A_113 = arith.addf %add3A_106, %get3A_112 : vector<16xf32>
      %mul3A_114 = arith.constant 16 : i32
      %mul3A_115 = arith.muli %scan3A_80, %mul3A_114 : i32
      %get3A_116 = arith.constant 5 : i32
      %get3A_117 = arith.index_cast %get3A_116 : i32 to index
      %get3A_118 = arith.index_cast %mul3A_115 : i32 to index
      %get3A_119 = tpu.vector_load %arg7[%get3A_117, %get3A_118] {strides = array<i32>} : memref<16x640xf32, #tpu.memory_space<vmem>>, vector<16xf32>,
      %add3A_120 = arith.addf %add3A_113, %get3A_119 : vector<16xf32>
      %mul3A_121 = arith.constant 16 : i32
      %mul3A_122 = arith.muli %scan3A_80, %mul3A_121 : i32
      %get3A_123 = arith.constant 6 : i32
      %get3A_124 = arith.index_cast %get3A_123 : i32 to index
      %get3A_125 = arith.index_cast %mul3A_122 : i32 to index
      %get3A_126 = tpu.vector_load %arg7[%get3A_124, %get3A_125] {strides = array<i32>} : memref<16x640xf32, #tpu.memory_space<vmem>>, vector<16xf32>,
      %add3A_127 = arith.addf %add3A_120, %get3A_126 : vector<16xf32>
      %mul3A_128 = arith.constant 16 : i32
      %mul3A_129 = arith.muli %scan3A_80, %mul3A_128 : i32
      %get3A_130 = arith.constant 7 : i32
      %get3A_131 = arith.index_cast %get3A_130 : i32 to index
      %get3A_132 = arith.index_cast %mul3A_129 : i32 to index
      %get3A_133 = tpu.vector_load %arg7[%get3A_131, %get3A_132] {strides = array<i32>} : memref<16x640xf32, #tpu.memory_space<vmem>>, vector<16xf32>,
      %add3A_134 = arith.addf %add3A_127, %get3A_133 : vector<16xf32>
      %mul3A_135 = arith.constant 16 : i32
      %mul3A_136 = arith.muli %scan3A_80, %mul3A_135 : i32
      %get3A_137 = arith.constant 8 : i32
      %get3A_138 = arith.index_cast %get3A_137 : i32 to index
      %get3A_139 = arith.index_cast %mul3A_136 : i32 to index
      %get3A_140 = tpu.vector_load %arg7[%get3A_138, %get3A_139] {strides = array<i32>} : memref<16x640xf32, #tpu.memory_space<vmem>>, vector<16xf32>,
      %add3A_141 = arith.addf %add3A_134, %get3A_140 : vector<16xf32>
      %mul3A_142 = arith.constant 16 : i32
      %mul3A_143 = arith.muli %scan3A_80, %mul3A_142 : i32
      %get3A_144 = arith.constant 9 : i32
      %get3A_145 = arith.index_cast %get3A_144 : i32 to index
      %get3A_146 = arith.index_cast %mul3A_143 : i32 to index
      %get3A_147 = tpu.vector_load %arg7[%get3A_145, %get3A_146] {strides = array<i32>} : memref<16x640xf32, #tpu.memory_space<vmem>>, vector<16xf32>,
      %add3A_148 = arith.addf %add3A_141, %get3A_147 : vector<16xf32>
      %mul3A_149 = arith.constant 16 : i32
      %mul3A_150 = arith.muli %scan3A_80, %mul3A_149 : i32
      %get3A_151 = arith.constant 10 : i32
      %get3A_152 = arith.index_cast %get3A_151 : i32 to index
      %get3A_153 = arith.index_cast %mul3A_150 : i32 to index
      %get3A_154 = tpu.vector_load %arg7[%get3A_152, %get3A_153] {strides = array<i32>} : memref<16x640xf32, #tpu.memory_space<vmem>>, vector<16xf32>,
      %add3A_155 = arith.addf %add3A_148, %get3A_154 : vector<16xf32>
      %mul3A_156 = arith.constant 16 : i32
      %mul3A_157 = arith.muli %scan3A_80, %mul3A_156 : i32
      %get3A_158 = arith.constant 11 : i32
      %get3A_159 = arith.index_cast %get3A_158 : i32 to index
      %get3A_160 = arith.index_cast %mul3A_157 : i32 to index
      %get3A_161 = tpu.vector_load %arg7[%get3A_159, %get3A_160] {strides = array<i32>} : memref<16x640xf32, #tpu.memory_space<vmem>>, vector<16xf32>,
      %add3A_162 = arith.addf %add3A_155, %get3A_161 : vector<16xf32>
      %mul3A_163 = arith.constant 16 : i32
      %mul3A_164 = arith.muli %scan3A_80, %mul3A_163 : i32
      %get3A_165 = arith.constant 12 : i32
      %get3A_166 = arith.index_cast %get3A_165 : i32 to index
      %get3A_167 = arith.index_cast %mul3A_164 : i32 to index
      %get3A_168 = tpu.vector_load %arg7[%get3A_166, %get3A_167] {strides = array<i32>} : memref<16x640xf32, #tpu.memory_space<vmem>>, vector<16xf32>,
      %add3A_169 = arith.addf %add3A_162, %get3A_168 : vector<16xf32>
      %mul3A_170 = arith.constant 16 : i32
      %mul3A_171 = arith.muli %scan3A_80, %mul3A_170 : i32
      %get3A_172 = arith.constant 13 : i32
      %get3A_173 = arith.index_cast %get3A_172 : i32 to index
      %get3A_174 = arith.index_cast %mul3A_171 : i32 to index
      %get3A_175 = tpu.vector_load %arg7[%get3A_173, %get3A_174] {strides = array<i32>} : memref<16x640xf32, #tpu.memory_space<vmem>>, vector<16xf32>,
      %add3A_176 = arith.addf %add3A_169, %get3A_175 : vector<16xf32>
      %mul3A_177 = arith.constant 16 : i32
      %mul3A_178 = arith.muli %scan3A_80, %mul3A_177 : i32
      %get3A_179 = arith.constant 14 : i32
      %get3A_180 = arith.index_cast %get3A_179 : i32 to index
      %get3A_181 = arith.index_cast %mul3A_178 : i32 to index
      %get3A_182 = tpu.vector_load %arg7[%get3A_180, %get3A_181] {strides = array<i32>} : memref<16x640xf32, #tpu.memory_space<vmem>>, vector<16xf32>,
      %add3A_183 = arith.addf %add3A_176, %get3A_182 : vector<16xf32>
      %mul3A_184 = arith.constant 16 : i32
      %mul3A_185 = arith.muli %scan3A_80, %mul3A_184 : i32
      %get3A_186 = arith.constant 15 : i32
      %get3A_187 = arith.index_cast %get3A_186 : i32 to index
      %get3A_188 = arith.index_cast %mul3A_185 : i32 to index
      %get3A_189 = tpu.vector_load %arg7[%get3A_187, %get3A_188] {strides = array<i32>} : memref<16x640xf32, #tpu.memory_space<vmem>>, vector<16xf32>,
      %add3A_190 = arith.addf %add3A_183, %get3A_189 : vector<16xf32>
      %mul3A_191 = arith.constant 16 : i32
      %mul3A_192 = arith.muli %scan3A_80, %mul3A_191 : i32
      %swap3A = arith.index_cast %mul3A_192 : i32 to index
      %swap3A_193 = tpu.vector_load %arg6[%swap3A] {strides = array<i32>} : memref<10240xf32, #tpu.memory_space<vmem>>, vector<16xf32>,
      tpu.vector_store %arg6[%swap3A], %add3A_190 {strides = array<i32>} : memref<10240xf32, #tpu.memory_space<vmem>>, vector<16xf32>,
    }
    %scan3A_77 = arith.constant 40 : i32
    %mul3A_78 = arith.constant 640 : i32
    %mul3A_79 = arith.muli %arg1, %mul3A_78 : i32
    "tpu.region"() ({
      %run_scoped3A_80 = tpu.sem_alloc : memref<!tpu.dma_semaphore, #tpu.memory_space<semaphore_mem>>
      %dma_start3A = arith.constant 0 : i32
      %dma_start3A_81 = tpu.memref_slice %arg6[%dma_start3A] : memref<10240xf32, #tpu.memory_space<vmem>> -> memref<640xf32, #tpu.memory_space<vmem>>
      %dma_start3A_82 = tpu.memref_slice %arg4[%arg0, %mul3A_79] : memref<2x10240xf32, #tpu.memory_space<hbm>> -> memref<1x640xf32, #tpu.memory_space<hbm>>
      %dma_start3A_83 = tpu.memref_squeeze %dma_start3A_82 : memref<1x640xf32, #tpu.memory_space<hbm>> -> memref<640xf32, #tpu.memory_space<hbm>>
      %dma_start3A_84 = tpu.memref_slice %arg4[%arg0, %mul3A_79] : memref<2x10240xf32, #tpu.memory_space<hbm>> -> memref<1x640xf32, #tpu.memory_space<hbm>>
      %dma_start3A_85 = tpu.memref_squeeze %dma_start3A_84 : memref<1x640xf32, #tpu.memory_space<hbm>> -> memref<640xf32, #tpu.memory_space<hbm>>
      %dma_start3A_86 = arith.constant 0 : i32
      %dma_start3A_87 = tpu.memref_slice %arg6[%dma_start3A_86] : memref<10240xf32, #tpu.memory_space<vmem>> -> memref<640xf32, #tpu.memory_space<vmem>>
      tpu.enqueue_dma source(%dma_start3A_87 : memref<640xf32, #tpu.memory_space<vmem>>) target(%dma_start3A_85 : memref<640xf32, #tpu.memory_space<hbm>>) target_semaphore(%run_scoped3A_80 : memref<!tpu.dma_semaphore, #tpu.memory_space<semaphore_mem>>)
      %dma_wait3A = arith.constant 0 : i32
      %dma_wait3A_88 = tpu.memref_slice %arg6[%dma_wait3A] : memref<10240xf32, #tpu.memory_space<vmem>> -> memref<640xf32, #tpu.memory_space<vmem>>
      %dma_wait3A_89 = tpu.memref_slice %arg4[%arg0, %mul3A_79] : memref<2x10240xf32, #tpu.memory_space<hbm>> -> memref<1x640xf32, #tpu.memory_space<hbm>>
      %dma_wait3A_90 = tpu.memref_squeeze %dma_wait3A_89 : memref<1x640xf32, #tpu.memory_space<hbm>> -> memref<640xf32, #tpu.memory_space<hbm>>
      %dma_wait3A_91 = tpu.memref_slice %arg4[%arg0, %mul3A_79] : memref<2x10240xf32, #tpu.memory_space<hbm>> -> memref<1x640xf32, #tpu.memory_space<hbm>>
      %dma_wait3A_92 = tpu.memref_squeeze %dma_wait3A_91 : memref<1x640xf32, #tpu.memory_space<hbm>> -> memref<640xf32, #tpu.memory_space<hbm>>
      %dma_wait3A_93 = arith.constant 0 : i32
      %dma_wait3A_94 = tpu.memref_slice %arg6[%dma_wait3A_93] : memref<10240xf32, #tpu.memory_space<vmem>> -> memref<640xf32, #tpu.memory_space<vmem>>
      tpu.wait_dma2 semaphore(%run_scoped3A_80 : memref<!tpu.dma_semaphore, #tpu.memory_space<semaphore_mem>>) src(%dma_wait3A_94 : memref<640xf32, #tpu.memory_space<vmem>>) dst(%dma_wait3A_92 : memref<640xf32, #tpu.memory_space<hbm>>)
      tpu.yield
    }) : () -> ()
    return
  }
}

#map = affine_map<(d0, d1) -> (0, 0)>
#map1 = affine_map<(d0, d1) -> (0, 0, 0)>
module attributes {stable_mosaic.version = 14 : i64} {
  func.func @kb(%arg0: i32, %arg1: i32, %arg2: memref<10240x128xf32, #tpu.memory_space<hbm>>, %arg3: memref<2560x128xi32, #tpu.memory_space<hbm>>, %arg4: memref<2560x128xi32, #tpu.memory_space<hbm>>, %arg5: memref<640x128xf32, #tpu.memory_space<hbm>>, %arg6: memref<2x10240x128xf32, #tpu.memory_space<hbm>>, %arg7: memref<16x128xi32, #tpu.memory_space<vmem>>, %arg8: memref<16x128xi32, #tpu.memory_space<vmem>>, %arg9: memref<128x128xf32, #tpu.memory_space<vmem>>, %arg10: memref<128x128xf32, #tpu.memory_space<vmem>>, %arg11: memref<10240x128xf32, #tpu.memory_space<vmem_shared>>, %arg12: memref<!tpu.dma_semaphore, #tpu.memory_space<semaphore_mem>>, %arg13: memref<!tpu.dma_semaphore, #tpu.memory_space<semaphore_mem>>, %arg14: memref<!tpu.dma_semaphore, #tpu.memory_space<semaphore_mem>>, %arg15: memref<!tpu.dma_semaphore, #tpu.memory_space<semaphore_mem>>) attributes {dimension_semantics = [#tpu.dimension_semantics<core_parallel>, #tpu.dimension_semantics<subcore_parallel>], iteration_bounds = array<i64: 2, 16>, scalar_prefetch = 0 : i64, scratch_operands = 9 : i64, tpu.core_type = #tpu.core_type<sc_vector_subcore>, window_params = [{transform_indices = #map}, {transform_indices = #map}, {transform_indices = #map}, {transform_indices = #map}, {transform_indices = #map1}]} {
    %mul3A = arith.constant 16 : i32
    %mul3A_0 = arith.muli %arg0, %mul3A : i32
    %add3A = arith.addi %mul3A_0, %arg1 : i32
    %mul3A_1 = arith.constant 640 : i32
    %mul3A_2 = arith.muli %arg1, %mul3A_1 : i32
    "tpu.region"() ({
      %run_scoped3A = tpu.sem_alloc : memref<!tpu.dma_semaphore, #tpu.memory_space<semaphore_mem>>
      %dma_start3A = arith.constant 0 : i32
      %dma_start3A_14 = tpu.memref_slice %arg11[%mul3A_2, %dma_start3A] : memref<10240x128xf32, #tpu.memory_space<vmem_shared>> -> memref<640x128xf32, #tpu.memory_space<vmem_shared>>
      tpu.enqueue_dma source(%arg5 : memref<640x128xf32, #tpu.memory_space<hbm>>) target(%dma_start3A_14 : memref<640x128xf32, #tpu.memory_space<vmem_shared>>) target_semaphore(%run_scoped3A : memref<!tpu.dma_semaphore, #tpu.memory_space<semaphore_mem>>)
      %dma_wait3A = arith.constant 0 : i32
      %dma_wait3A_15 = tpu.memref_slice %arg11[%mul3A_2, %dma_wait3A] : memref<10240x128xf32, #tpu.memory_space<vmem_shared>> -> memref<640x128xf32, #tpu.memory_space<vmem_shared>>
      tpu.wait_dma2 semaphore(%run_scoped3A : memref<!tpu.dma_semaphore, #tpu.memory_space<semaphore_mem>>) src(%arg5 : memref<640x128xf32, #tpu.memory_space<hbm>>) dst(%dma_wait3A_15 : memref<640x128xf32, #tpu.memory_space<vmem_shared>>)
      tpu.yield
    }) : () -> ()
    %barrier3A = arith.constant 0 : index
    tpu.barrier barrier_id(%barrier3A)
    %scan3A = arith.constant 0 : i32
    %scan3A_3 = arith.constant 0 : i32
    %scan3A_4 = arith.constant 5 : i32
    %scan3A_5 = arith.addi %scan3A_3, %scan3A_4 : i32
    %scan3A_6 = arith.constant 1 : i32
    scf.for %scan3A_14 = %scan3A_3 to %scan3A_5 step %scan3A_6  : i32 {
      %mul3A_15 = arith.constant 80 : i32
      %mul3A_16 = arith.muli %add3A, %mul3A_15 : i32
      %mul3A_17 = arith.constant 16 : i32
      %mul3A_18 = arith.muli %scan3A_14, %mul3A_17 : i32
      %add3A_19 = arith.addi %mul3A_16, %mul3A_18 : i32
      "tpu.region"() ({
        %run_scoped3A = tpu.sem_alloc : memref<!tpu.dma_semaphore, #tpu.memory_space<semaphore_mem>>
        %dma_start3A_37 = arith.constant 0 : i32
        %dma_start3A_38 = tpu.memref_slice %arg3[%add3A_19, %dma_start3A_37] : memref<2560x128xi32, #tpu.memory_space<hbm>> -> memref<16x128xi32, #tpu.memory_space<hbm>>
        %dma_start3A_39 = arith.constant 0 : i32
        %dma_start3A_40 = tpu.memref_slice %arg3[%add3A_19, %dma_start3A_39] : memref<2560x128xi32, #tpu.memory_space<hbm>> -> memref<16x128xi32, #tpu.memory_space<hbm>>
        tpu.enqueue_dma source(%dma_start3A_40 : memref<16x128xi32, #tpu.memory_space<hbm>>) target(%arg7 : memref<16x128xi32, #tpu.memory_space<vmem>>) target_semaphore(%run_scoped3A : memref<!tpu.dma_semaphore, #tpu.memory_space<semaphore_mem>>)
        %dma_wait3A_41 = arith.constant 0 : i32
        %dma_wait3A_42 = tpu.memref_slice %arg3[%add3A_19, %dma_wait3A_41] : memref<2560x128xi32, #tpu.memory_space<hbm>> -> memref<16x128xi32, #tpu.memory_space<hbm>>
        %dma_wait3A_43 = arith.constant 0 : i32
        %dma_wait3A_44 = tpu.memref_slice %arg3[%add3A_19, %dma_wait3A_43] : memref<2560x128xi32, #tpu.memory_space<hbm>> -> memref<16x128xi32, #tpu.memory_space<hbm>>
        tpu.wait_dma2 semaphore(%run_scoped3A : memref<!tpu.dma_semaphore, #tpu.memory_space<semaphore_mem>>) src(%dma_wait3A_44 : memref<16x128xi32, #tpu.memory_space<hbm>>) dst(%arg7 : memref<16x128xi32, #tpu.memory_space<vmem>>)
        tpu.yield
      }) : () -> ()
      "tpu.region"() ({
        %run_scoped3A = tpu.sem_alloc : memref<!tpu.dma_semaphore, #tpu.memory_space<semaphore_mem>>
        %dma_start3A_37 = arith.constant 0 : i32
        %dma_start3A_38 = tpu.memref_slice %arg4[%add3A_19, %dma_start3A_37] : memref<2560x128xi32, #tpu.memory_space<hbm>> -> memref<16x128xi32, #tpu.memory_space<hbm>>
        %dma_start3A_39 = arith.constant 0 : i32
        %dma_start3A_40 = tpu.memref_slice %arg4[%add3A_19, %dma_start3A_39] : memref<2560x128xi32, #tpu.memory_space<hbm>> -> memref<16x128xi32, #tpu.memory_space<hbm>>
        tpu.enqueue_dma source(%dma_start3A_40 : memref<16x128xi32, #tpu.memory_space<hbm>>) target(%arg8 : memref<16x128xi32, #tpu.memory_space<vmem>>) target_semaphore(%run_scoped3A : memref<!tpu.dma_semaphore, #tpu.memory_space<semaphore_mem>>)
        %dma_wait3A_41 = arith.constant 0 : i32
        %dma_wait3A_42 = tpu.memref_slice %arg4[%add3A_19, %dma_wait3A_41] : memref<2560x128xi32, #tpu.memory_space<hbm>> -> memref<16x128xi32, #tpu.memory_space<hbm>>
        %dma_wait3A_43 = arith.constant 0 : i32
        %dma_wait3A_44 = tpu.memref_slice %arg4[%add3A_19, %dma_wait3A_43] : memref<2560x128xi32, #tpu.memory_space<hbm>> -> memref<16x128xi32, #tpu.memory_space<hbm>>
        tpu.wait_dma2 semaphore(%run_scoped3A : memref<!tpu.dma_semaphore, #tpu.memory_space<semaphore_mem>>) src(%dma_wait3A_44 : memref<16x128xi32, #tpu.memory_space<hbm>>) dst(%arg8 : memref<16x128xi32, #tpu.memory_space<vmem>>)
        tpu.yield
      }) : () -> ()
      %dma_start3A = arith.constant 0 : i32
      %dma_start3A_20 = arith.constant 0 : i32
      %dma_start3A_21 = tpu.memref_slice %arg7[%dma_start3A, %dma_start3A_20] : memref<16x128xi32, #tpu.memory_space<vmem>> -> memref<1x128xi32, #tpu.memory_space<vmem>>
      %dma_start3A_22 = tpu.memref_squeeze %dma_start3A_21 : memref<1x128xi32, #tpu.memory_space<vmem>> -> memref<128xi32, #tpu.memory_space<vmem>>
      %dma_start3A_23 = arith.constant 0 : i32
      %dma_start3A_24 = arith.constant 0 : i32
      %dma_start3A_25 = tpu.memref_slice %arg2[%dma_start3A_23, %dma_start3A_24] : memref<10240x128xf32, #tpu.memory_space<hbm>> -> memref<10240x128xf32, #tpu.memory_space<hbm>>
      tpu.enqueue_indirect_dma source(%dma_start3A_25 : memref<10240x128xf32, #tpu.memory_space<hbm>>) target(%arg9 : memref<128x128xf32, #tpu.memory_space<vmem>>) offsets(%dma_start3A_22 : memref<128xi32, #tpu.memory_space<vmem>>) semaphore(%arg12 : memref<!tpu.dma_semaphore, #tpu.memory_space<semaphore_mem>>)
      %scan3A_26 = arith.constant 0 : i32
      %scan3A_27 = arith.constant 0 : i32
      %scan3A_28 = arith.constant 8 : i32
      %scan3A_29 = arith.addi %scan3A_27, %scan3A_28 : i32
      %scan3A_30 = arith.constant 1 : i32
      scf.for %scan3A_37 = %scan3A_27 to %scan3A_29 step %scan3A_30  : i32 {
        %dma_wait3A_38 = arith.constant 0 : i32
        %dma_wait3A_39 = arith.constant 0 : i32
        %dma_wait3A_40 = tpu.memref_slice %arg2[%dma_wait3A_38, %dma_wait3A_39] : memref<10240x128xf32, #tpu.memory_space<hbm>> -> memref<128x128xf32, #tpu.memory_space<hbm>>
        %dma_wait3A_41 = arith.constant 0 : i32
        %dma_wait3A_42 = arith.constant 0 : i32
        %dma_wait3A_43 = tpu.memref_slice %arg2[%dma_wait3A_41, %dma_wait3A_42] : memref<10240x128xf32, #tpu.memory_space<hbm>> -> memref<128x128xf32, #tpu.memory_space<hbm>>
        tpu.wait_dma2 semaphore(%arg12 : memref<!tpu.dma_semaphore, #tpu.memory_space<semaphore_mem>>) src(%dma_wait3A_43 : memref<128x128xf32, #tpu.memory_space<hbm>>) dst(%arg9 : memref<128x128xf32, #tpu.memory_space<vmem>>)
        %mul3A_44 = arith.constant 2 : i32
        %mul3A_45 = arith.muli %mul3A_44, %scan3A_37 : i32
        %dma_start3A_46 = arith.constant 0 : i32
        %dma_start3A_47 = tpu.memref_slice %arg8[%mul3A_45, %dma_start3A_46] : memref<16x128xi32, #tpu.memory_space<vmem>> -> memref<1x128xi32, #tpu.memory_space<vmem>>
        %dma_start3A_48 = tpu.memref_squeeze %dma_start3A_47 : memref<1x128xi32, #tpu.memory_space<vmem>> -> memref<128xi32, #tpu.memory_space<vmem>>
        %dma_start3A_49 = arith.constant 0 : i32
        %dma_start3A_50 = arith.constant 0 : i32
        %dma_start3A_51 = tpu.memref_slice %arg11[%dma_start3A_49, %dma_start3A_50] : memref<10240x128xf32, #tpu.memory_space<vmem_shared>> -> memref<10240x128xf32, #tpu.memory_space<vmem_shared>>
        tpu.enqueue_indirect_dma source(%arg9 : memref<128x128xf32, #tpu.memory_space<vmem>>) target(%dma_start3A_51 : memref<10240x128xf32, #tpu.memory_space<vmem_shared>>) offsets(%dma_start3A_48 : memref<128xi32, #tpu.memory_space<vmem>>) semaphore(%arg14 : memref<!tpu.dma_semaphore, #tpu.memory_space<semaphore_mem>>) {add = true}
        %gt3A = arith.constant 0 : i32
        %gt3A_52 = arith.cmpi sgt, %scan3A_37, %gt3A : i32
        %convert_element_type3A = arith.extui %gt3A_52 : i1 to i32
        %cond3A = arith.constant 0 : i32
        %cond3A_53 = arith.cmpi ne, %convert_element_type3A, %cond3A : i32
        scf.if %cond3A_53 {
          %dma_wait3A_90 = arith.constant 0 : i32
          %dma_wait3A_91 = arith.constant 0 : i32
          %dma_wait3A_92 = tpu.memref_slice %arg2[%dma_wait3A_90, %dma_wait3A_91] : memref<10240x128xf32, #tpu.memory_space<hbm>> -> memref<128x128xf32, #tpu.memory_space<hbm>>
          %dma_wait3A_93 = arith.constant 0 : i32
          %dma_wait3A_94 = arith.constant 0 : i32
          %dma_wait3A_95 = tpu.memref_slice %arg2[%dma_wait3A_93, %dma_wait3A_94] : memref<10240x128xf32, #tpu.memory_space<hbm>> -> memref<128x128xf32, #tpu.memory_space<hbm>>
          tpu.wait_dma2 semaphore(%arg15 : memref<!tpu.dma_semaphore, #tpu.memory_space<semaphore_mem>>) src(%dma_wait3A_95 : memref<128x128xf32, #tpu.memory_space<hbm>>) dst(%arg10 : memref<128x128xf32, #tpu.memory_space<vmem>>)
        } else {
        }
        %mul3A_54 = arith.constant 2 : i32
        %mul3A_55 = arith.muli %mul3A_54, %scan3A_37 : i32
        %add3A_56 = arith.constant 1 : i32
        %add3A_57 = arith.addi %mul3A_55, %add3A_56 : i32
        %dma_start3A_58 = arith.constant 0 : i32
        %dma_start3A_59 = tpu.memref_slice %arg7[%add3A_57, %dma_start3A_58] : memref<16x128xi32, #tpu.memory_space<vmem>> -> memref<1x128xi32, #tpu.memory_space<vmem>>
        %dma_start3A_60 = tpu.memref_squeeze %dma_start3A_59 : memref<1x128xi32, #tpu.memory_space<vmem>> -> memref<128xi32, #tpu.memory_space<vmem>>
        %dma_start3A_61 = arith.constant 0 : i32
        %dma_start3A_62 = arith.constant 0 : i32
        %dma_start3A_63 = tpu.memref_slice %arg2[%dma_start3A_61, %dma_start3A_62] : memref<10240x128xf32, #tpu.memory_space<hbm>> -> memref<10240x128xf32, #tpu.memory_space<hbm>>
        tpu.enqueue_indirect_dma source(%dma_start3A_63 : memref<10240x128xf32, #tpu.memory_space<hbm>>) target(%arg10 : memref<128x128xf32, #tpu.memory_space<vmem>>) offsets(%dma_start3A_60 : memref<128xi32, #tpu.memory_space<vmem>>) semaphore(%arg13 : memref<!tpu.dma_semaphore, #tpu.memory_space<semaphore_mem>>)
        %dma_wait3A_64 = arith.constant 0 : i32
        %dma_wait3A_65 = arith.constant 0 : i32
        %dma_wait3A_66 = tpu.memref_slice %arg2[%dma_wait3A_64, %dma_wait3A_65] : memref<10240x128xf32, #tpu.memory_space<hbm>> -> memref<128x128xf32, #tpu.memory_space<hbm>>
        %dma_wait3A_67 = arith.constant 0 : i32
        %dma_wait3A_68 = arith.constant 0 : i32
        %dma_wait3A_69 = tpu.memref_slice %arg2[%dma_wait3A_67, %dma_wait3A_68] : memref<10240x128xf32, #tpu.memory_space<hbm>> -> memref<128x128xf32, #tpu.memory_space<hbm>>
        tpu.wait_dma2 semaphore(%arg14 : memref<!tpu.dma_semaphore, #tpu.memory_space<semaphore_mem>>) src(%dma_wait3A_69 : memref<128x128xf32, #tpu.memory_space<hbm>>) dst(%arg9 : memref<128x128xf32, #tpu.memory_space<vmem>>)
        %lt3A = arith.constant 7 : i32
        %lt3A_70 = arith.cmpi slt, %scan3A_37, %lt3A : i32
        %convert_element_type3A_71 = arith.extui %lt3A_70 : i1 to i32
        %cond3A_72 = arith.constant 0 : i32
        %cond3A_73 = arith.cmpi ne, %convert_element_type3A_71, %cond3A_72 : i32
        scf.if %cond3A_73 {
          %mul3A_90 = arith.constant 2 : i32
          %mul3A_91 = arith.muli %mul3A_90, %scan3A_37 : i32
          %add3A_92 = arith.constant 2 : i32
          %add3A_93 = arith.addi %mul3A_91, %add3A_92 : i32
          %dma_start3A_94 = arith.constant 0 : i32
          %dma_start3A_95 = tpu.memref_slice %arg7[%add3A_93, %dma_start3A_94] : memref<16x128xi32, #tpu.memory_space<vmem>> -> memref<1x128xi32, #tpu.memory_space<vmem>>
          %dma_start3A_96 = tpu.memref_squeeze %dma_start3A_95 : memref<1x128xi32, #tpu.memory_space<vmem>> -> memref<128xi32, #tpu.memory_space<vmem>>
          %dma_start3A_97 = arith.constant 0 : i32
          %dma_start3A_98 = arith.constant 0 : i32
          %dma_start3A_99 = tpu.memref_slice %arg2[%dma_start3A_97, %dma_start3A_98] : memref<10240x128xf32, #tpu.memory_space<hbm>> -> memref<10240x128xf32, #tpu.memory_space<hbm>>
          tpu.enqueue_indirect_dma source(%dma_start3A_99 : memref<10240x128xf32, #tpu.memory_space<hbm>>) target(%arg9 : memref<128x128xf32, #tpu.memory_space<vmem>>) offsets(%dma_start3A_96 : memref<128xi32, #tpu.memory_space<vmem>>) semaphore(%arg12 : memref<!tpu.dma_semaphore, #tpu.memory_space<semaphore_mem>>)
        } else {
        }
        %dma_wait3A_74 = arith.constant 0 : i32
        %dma_wait3A_75 = arith.constant 0 : i32
        %dma_wait3A_76 = tpu.memref_slice %arg2[%dma_wait3A_74, %dma_wait3A_75] : memref<10240x128xf32, #tpu.memory_space<hbm>> -> memref<128x128xf32, #tpu.memory_space<hbm>>
        %dma_wait3A_77 = arith.constant 0 : i32
        %dma_wait3A_78 = arith.constant 0 : i32
        %dma_wait3A_79 = tpu.memref_slice %arg2[%dma_wait3A_77, %dma_wait3A_78] : memref<10240x128xf32, #tpu.memory_space<hbm>> -> memref<128x128xf32, #tpu.memory_space<hbm>>
        tpu.wait_dma2 semaphore(%arg13 : memref<!tpu.dma_semaphore, #tpu.memory_space<semaphore_mem>>) src(%dma_wait3A_79 : memref<128x128xf32, #tpu.memory_space<hbm>>) dst(%arg10 : memref<128x128xf32, #tpu.memory_space<vmem>>)
        %mul3A_80 = arith.constant 2 : i32
        %mul3A_81 = arith.muli %mul3A_80, %scan3A_37 : i32
        %add3A_82 = arith.constant 1 : i32
        %add3A_83 = arith.addi %mul3A_81, %add3A_82 : i32
        %dma_start3A_84 = arith.constant 0 : i32
        %dma_start3A_85 = tpu.memref_slice %arg8[%add3A_83, %dma_start3A_84] : memref<16x128xi32, #tpu.memory_space<vmem>> -> memref<1x128xi32, #tpu.memory_space<vmem>>
        %dma_start3A_86 = tpu.memref_squeeze %dma_start3A_85 : memref<1x128xi32, #tpu.memory_space<vmem>> -> memref<128xi32, #tpu.memory_space<vmem>>
        %dma_start3A_87 = arith.constant 0 : i32
        %dma_start3A_88 = arith.constant 0 : i32
        %dma_start3A_89 = tpu.memref_slice %arg11[%dma_start3A_87, %dma_start3A_88] : memref<10240x128xf32, #tpu.memory_space<vmem_shared>> -> memref<10240x128xf32, #tpu.memory_space<vmem_shared>>
        tpu.enqueue_indirect_dma source(%arg10 : memref<128x128xf32, #tpu.memory_space<vmem>>) target(%dma_start3A_89 : memref<10240x128xf32, #tpu.memory_space<vmem_shared>>) offsets(%dma_start3A_86 : memref<128xi32, #tpu.memory_space<vmem>>) semaphore(%arg15 : memref<!tpu.dma_semaphore, #tpu.memory_space<semaphore_mem>>) {add = true}
      }
      %scan3A_31 = arith.constant 8 : i32
      %dma_wait3A = arith.constant 0 : i32
      %dma_wait3A_32 = arith.constant 0 : i32
      %dma_wait3A_33 = tpu.memref_slice %arg2[%dma_wait3A, %dma_wait3A_32] : memref<10240x128xf32, #tpu.memory_space<hbm>> -> memref<128x128xf32, #tpu.memory_space<hbm>>
      %dma_wait3A_34 = arith.constant 0 : i32
      %dma_wait3A_35 = arith.constant 0 : i32
      %dma_wait3A_36 = tpu.memref_slice %arg2[%dma_wait3A_34, %dma_wait3A_35] : memref<10240x128xf32, #tpu.memory_space<hbm>> -> memref<128x128xf32, #tpu.memory_space<hbm>>
      tpu.wait_dma2 semaphore(%arg15 : memref<!tpu.dma_semaphore, #tpu.memory_space<semaphore_mem>>) src(%dma_wait3A_36 : memref<128x128xf32, #tpu.memory_space<hbm>>) dst(%arg10 : memref<128x128xf32, #tpu.memory_space<vmem>>)
    }
    %scan3A_7 = arith.constant 5 : i32
    %barrier3A_8 = arith.constant 0 : index
    tpu.barrier barrier_id(%barrier3A_8)
    %mul3A_9 = arith.constant 640 : i32
    %mul3A_10 = arith.muli %arg1, %mul3A_9 : i32
    %mul3A_11 = arith.constant 640 : i32
    %mul3A_12 = arith.muli %arg1, %mul3A_11 : i32
    "tpu.region"() ({
      %run_scoped3A = tpu.sem_alloc : memref<!tpu.dma_semaphore, #tpu.memory_space<semaphore_mem>>
      %dma_start3A = arith.constant 0 : i32
      %dma_start3A_14 = tpu.memref_slice %arg6[%arg0, %mul3A_12, %dma_start3A] : memref<2x10240x128xf32, #tpu.memory_space<hbm>> -> memref<1x640x128xf32, #tpu.memory_space<hbm>>
      %dma_start3A_15 = tpu.memref_squeeze %dma_start3A_14 : memref<1x640x128xf32, #tpu.memory_space<hbm>> -> memref<640x128xf32, #tpu.memory_space<hbm>>
      %dma_start3A_16 = arith.constant 0 : i32
      %dma_start3A_17 = tpu.memref_slice %arg11[%mul3A_10, %dma_start3A_16] : memref<10240x128xf32, #tpu.memory_space<vmem_shared>> -> memref<640x128xf32, #tpu.memory_space<vmem_shared>>
      tpu.enqueue_dma source(%dma_start3A_17 : memref<640x128xf32, #tpu.memory_space<vmem_shared>>) target(%dma_start3A_15 : memref<640x128xf32, #tpu.memory_space<hbm>>) target_semaphore(%run_scoped3A : memref<!tpu.dma_semaphore, #tpu.memory_space<semaphore_mem>>)
      %dma_wait3A = arith.constant 0 : i32
      %dma_wait3A_18 = tpu.memref_slice %arg6[%arg0, %mul3A_12, %dma_wait3A] : memref<2x10240x128xf32, #tpu.memory_space<hbm>> -> memref<1x640x128xf32, #tpu.memory_space<hbm>>
      %dma_wait3A_19 = tpu.memref_squeeze %dma_wait3A_18 : memref<1x640x128xf32, #tpu.memory_space<hbm>> -> memref<640x128xf32, #tpu.memory_space<hbm>>
      %dma_wait3A_20 = arith.constant 0 : i32
      %dma_wait3A_21 = tpu.memref_slice %arg11[%mul3A_10, %dma_wait3A_20] : memref<10240x128xf32, #tpu.memory_space<vmem_shared>> -> memref<640x128xf32, #tpu.memory_space<vmem_shared>>
      tpu.wait_dma2 semaphore(%run_scoped3A : memref<!tpu.dma_semaphore, #tpu.memory_space<semaphore_mem>>) src(%dma_wait3A_21 : memref<640x128xf32, #tpu.memory_space<vmem_shared>>) dst(%dma_wait3A_19 : memref<640x128xf32, #tpu.memory_space<hbm>>)
      tpu.yield
    }) : () -> ()
    %barrier3A_13 = arith.constant 0 : index
    tpu.barrier barrier_id(%barrier3A_13)
    return
  }
}

module attributes {stable_mosaic.version = 14 : i64} {
  func.func @body(%arg0: i32, %arg1: memref<1024x128xf32, #tpu.memory_space<vmem>>, %arg2: memref<128x256xf32, #tpu.memory_space<vmem>>, %arg3: memref<2x1024x1xf32, #tpu.memory_space<vmem>>, %arg4: memref<1024x128xf32, #tpu.memory_space<vmem>>, %arg5: memref<1024x128xf32, #tpu.memory_space<vmem>>, %arg6: memref<1024x1xf32, #tpu.memory_space<vmem>>) attributes {dimension_semantics = [#tpu.dimension_semantics<arbitrary>], iteration_bounds = array<i64: 10>, scalar_prefetch = 0 : i64, scratch_operands = 0 : i64, tpu.core_type = #tpu.core_type<tc>, window_params = [{transform_indices = @transform_0, window_bounds = array<i64: 1024, 128>}, {pipeline_mode = #tpu.pipeline_mode<synchronous>, transform_indices = @transform_1, window_bounds = array<i64: 128, 256>}, {transform_indices = @transform_2, window_bounds = array<i64: 2, 1024, 1>}, {transform_indices = @transform_3, window_bounds = array<i64: 1024, 128>}, {transform_indices = @transform_4, window_bounds = array<i64: 1024, 128>}, {transform_indices = @transform_5, window_bounds = array<i64: 1024, 1>}]} {
    %get3A = arith.constant 0 : index
    %get3A_0 = arith.constant 0 : index
    %get3A_1 = arith.constant 0 : index
    %get3A_2 = vector.load %arg3[%get3A, %get3A_0, %get3A_1] : memref<2x1024x1xf32, #tpu.memory_space<vmem>>, vector<2x1024x1xf32>
    %slice3A = vector.extract_strided_slice %get3A_2 {offsets = [0, 0, 0], sizes = [1, 1024, 1], strides = [1, 1, 1]} : vector<2x1024x1xf32> to vector<1x1024x1xf32>
    %squeeze3A = vector.shape_cast %slice3A : vector<1x1024x1xf32> to vector<1024x1xf32>
    %slice3A_3 = vector.extract_strided_slice %get3A_2 {offsets = [1, 0, 0], sizes = [1, 1024, 1], strides = [1, 1, 1]} : vector<2x1024x1xf32> to vector<1x1024x1xf32>
    %squeeze3A_4 = vector.shape_cast %slice3A_3 : vector<1x1024x1xf32> to vector<1024x1xf32>
    %add3A = arith.addf %squeeze3A, %squeeze3A_4 : vector<1024x1xf32>
    %add3A_5 = arith.constant 1.000000e+00 : f32
    %add3A_6 = vector.broadcast %add3A_5 : f32 to vector<1024x1xf32>
    %add3A_7 = arith.addf %add3A, %add3A_6 : vector<1024x1xf32>
    %rsqrt3A = math.rsqrt %add3A_7 : vector<1024x1xf32>
    %get3A_8 = arith.constant 0 : index
    %get3A_9 = arith.constant 0 : index
    %get3A_10 = vector.load %arg1[%get3A_8, %get3A_9] : memref<1024x128xf32, #tpu.memory_space<vmem>>, vector<1024x128xf32>
    %get3A_11 = arith.constant 0 : index
    %get3A_12 = arith.constant 0 : index
    %get3A_13 = vector.load %arg2[%get3A_11, %get3A_12] : memref<128x256xf32, #tpu.memory_space<vmem>>, vector<128x256xf32>
    %dot_general3A = arith.constant dense<0.000000e+00> : vector<1024x256xf32>
    %dot_general3A_14 = tpu.matmul %get3A_10, %get3A_13, %dot_general3A {dimension_numbers = #tpu.dot_dimension_numbers<[1], [0], [0], [1], [0, 0, 1, 1], [], []>, transpose_lhs_hint = false} : vector<1024x128xf32>, vector<128x256xf32>, vector<1024x256xf32> -> vector<1024x256xf32>
    %slice3A_15 = vector.extract_strided_slice %dot_general3A_14 {offsets = [0, 0], sizes = [1024, 128], strides = [1, 1]} : vector<1024x256xf32> to vector<1024x128xf32>
    %mul3A = vector.broadcast %rsqrt3A : vector<1024x1xf32> to vector<1024x128xf32>
    %mul3A_16 = arith.mulf %slice3A_15, %mul3A : vector<1024x128xf32>
    %swap3A = arith.constant 0 : index
    %swap3A_17 = arith.constant 0 : index
    %swap3A_18 = vector.load %arg4[%swap3A, %swap3A_17] : memref<1024x128xf32, #tpu.memory_space<vmem>>, vector<1024x128xf32>
    tpu.vector_store %arg4[%swap3A, %swap3A_17], %mul3A_16 {strides = array<i32>} : memref<1024x128xf32, #tpu.memory_space<vmem>>, vector<1024x128xf32>,
    %slice3A_19 = vector.extract_strided_slice %dot_general3A_14 {offsets = [0, 128], sizes = [1024, 128], strides = [1, 1]} : vector<1024x256xf32> to vector<1024x128xf32>
    %mul3A_20 = vector.broadcast %rsqrt3A : vector<1024x1xf32> to vector<1024x128xf32>
    %mul3A_21 = arith.mulf %slice3A_19, %mul3A_20 : vector<1024x128xf32>
    %swap3A_22 = arith.constant 0 : index
    %swap3A_23 = arith.constant 0 : index
    %swap3A_24 = vector.load %arg5[%swap3A_22, %swap3A_23] : memref<1024x128xf32, #tpu.memory_space<vmem>>, vector<1024x128xf32>
    tpu.vector_store %arg5[%swap3A_22, %swap3A_23], %mul3A_21 {strides = array<i32>} : memref<1024x128xf32, #tpu.memory_space<vmem>>, vector<1024x128xf32>,
    %swap3A_25 = arith.constant 0 : index
    %swap3A_26 = arith.constant 0 : index
    %swap3A_27 = vector.load %arg6[%swap3A_25, %swap3A_26] : memref<1024x1xf32, #tpu.memory_space<vmem>>, vector<1024x1xf32>
    tpu.vector_store %arg6[%swap3A_25, %swap3A_26], %rsqrt3A {strides = array<i32>} : memref<1024x1xf32, #tpu.memory_space<vmem>>, vector<1024x1xf32>,
    return
  }
  func.func @transform_0(%arg0: i32) -> (i32, i32) {
    %c0_i32 = arith.constant 0 : i32
    %c0_i32_0 = arith.constant 0 : i32
    return %arg0, %c0_i32 : i32, i32
  }
  func.func @transform_1(%arg0: i32) -> (i32, i32) {
    %c0_i32 = arith.constant 0 : i32
    %c0_i32_0 = arith.constant 0 : i32
    %c0_i32_1 = arith.constant 0 : i32
    return %c0_i32, %c0_i32_0 : i32, i32
  }
  func.func @transform_2(%arg0: i32) -> (i32, i32, i32) {
    %c0_i32 = arith.constant 0 : i32
    %c0_i32_0 = arith.constant 0 : i32
    %c0_i32_1 = arith.constant 0 : i32
    return %c0_i32, %arg0, %c0_i32_0 : i32, i32, i32
  }
  func.func @transform_3(%arg0: i32) -> (i32, i32) {
    %c0_i32 = arith.constant 0 : i32
    %c0_i32_0 = arith.constant 0 : i32
    return %arg0, %c0_i32 : i32, i32
  }
  func.func @transform_4(%arg0: i32) -> (i32, i32) {
    %c0_i32 = arith.constant 0 : i32
    %c0_i32_0 = arith.constant 0 : i32
    return %arg0, %c0_i32 : i32, i32
  }
  func.func @transform_5(%arg0: i32) -> (i32, i32) {
    %c0_i32 = arith.constant 0 : i32
    %c0_i32_0 = arith.constant 0 : i32
    return %arg0, %c0_i32 : i32, i32
  }
}

module attributes {stable_mosaic.version = 14 : i64} {
  func.func @body(%arg0: i32, %arg1: memref<2x1024x128xf32, #tpu.memory_space<vmem>>, %arg2: memref<2x1024x128xf32, #tpu.memory_space<vmem>>, %arg3: memref<1024x128xf32, #tpu.memory_space<vmem>>, %arg4: memref<1024x128xf32, #tpu.memory_space<vmem>>, %arg5: memref<1024x1xf32, #tpu.memory_space<vmem>>, %arg6: memref<1x256xf32, #tpu.memory_space<vmem>>, %arg7: memref<256x128xf32, #tpu.memory_space<vmem>>, %arg8: memref<1024x128xf32, #tpu.memory_space<vmem>>) attributes {dimension_semantics = [#tpu.dimension_semantics<arbitrary>], iteration_bounds = array<i64: 10>, scalar_prefetch = 0 : i64, scratch_operands = 0 : i64, tpu.core_type = #tpu.core_type<tc>, window_params = [{transform_indices = @transform_0, window_bounds = array<i64: 2, 1024, 128>}, {transform_indices = @transform_1, window_bounds = array<i64: 2, 1024, 128>}, {transform_indices = @transform_2, window_bounds = array<i64: 1024, 128>}, {transform_indices = @transform_3, window_bounds = array<i64: 1024, 128>}, {transform_indices = @transform_4, window_bounds = array<i64: 1024, 1>}, {pipeline_mode = #tpu.pipeline_mode<synchronous>, transform_indices = @transform_5, window_bounds = array<i64: 1, 256>}, {pipeline_mode = #tpu.pipeline_mode<synchronous>, transform_indices = @transform_6, window_bounds = array<i64: 256, 128>}, {transform_indices = @transform_7, window_bounds = array<i64: 1024, 128>}]} {
    %get3A = arith.constant 0 : index
    %get3A_0 = arith.constant 0 : index
    %get3A_1 = vector.load %arg5[%get3A, %get3A_0] : memref<1024x1xf32, #tpu.memory_space<vmem>>, vector<1024x1xf32>
    %get3A_2 = arith.constant 0 : index
    %get3A_3 = arith.constant 0 : index
    %get3A_4 = arith.constant 0 : index
    %get3A_5 = vector.load %arg1[%get3A_2, %get3A_3, %get3A_4] : memref<2x1024x128xf32, #tpu.memory_space<vmem>>, vector<2x1024x128xf32>
    %get3A_6 = arith.constant 0 : index
    %get3A_7 = arith.constant 0 : index
    %get3A_8 = arith.constant 0 : index
    %get3A_9 = vector.load %arg2[%get3A_6, %get3A_7, %get3A_8] : memref<2x1024x128xf32, #tpu.memory_space<vmem>>, vector<2x1024x128xf32>
    %get3A_10 = arith.constant 0 : index
    %get3A_11 = arith.constant 0 : index
    %get3A_12 = vector.load %arg6[%get3A_10, %get3A_11] : memref<1x256xf32, #tpu.memory_space<vmem>>, vector<1x256xf32>
    %slice3A = vector.extract_strided_slice %get3A_5 {offsets = [0, 0, 0], sizes = [1, 1024, 128], strides = [1, 1, 1]} : vector<2x1024x128xf32> to vector<1x1024x128xf32>
    %squeeze3A = vector.shape_cast %slice3A : vector<1x1024x128xf32> to vector<1024x128xf32>
    %slice3A_13 = vector.extract_strided_slice %get3A_5 {offsets = [1, 0, 0], sizes = [1, 1024, 128], strides = [1, 1, 1]} : vector<2x1024x128xf32> to vector<1x1024x128xf32>
    %squeeze3A_14 = vector.shape_cast %slice3A_13 : vector<1x1024x128xf32> to vector<1024x128xf32>
    %add3A = arith.addf %squeeze3A, %squeeze3A_14 : vector<1024x128xf32>
    %get3A_15 = arith.constant 0 : index
    %get3A_16 = arith.constant 0 : index
    %get3A_17 = vector.load %arg3[%get3A_15, %get3A_16] : memref<1024x128xf32, #tpu.memory_space<vmem>>, vector<1024x128xf32>
    %add3A_18 = arith.addf %add3A, %get3A_17 : vector<1024x128xf32>
    %mul3A = vector.broadcast %get3A_1 : vector<1024x1xf32> to vector<1024x128xf32>
    %mul3A_19 = arith.mulf %add3A_18, %mul3A : vector<1024x128xf32>
    %slice3A_20 = vector.extract_strided_slice %get3A_12 {offsets = [0, 0], sizes = [1, 128], strides = [1, 1]} : vector<1x256xf32> to vector<1x128xf32>
    %add3A_21 = vector.broadcast %slice3A_20 : vector<1x128xf32> to vector<1024x128xf32>
    %add3A_22 = arith.addf %mul3A_19, %add3A_21 : vector<1024x128xf32>
    %max3A = arith.constant 0.000000e+00 : f32
    %max3A_23 = vector.broadcast %max3A : f32 to vector<1024x128xf32>
    %max3A_24 = arith.maximumf %add3A_22, %max3A_23 : vector<1024x128xf32>
    %slice3A_25 = vector.extract_strided_slice %get3A_9 {offsets = [0, 0, 0], sizes = [1, 1024, 128], strides = [1, 1, 1]} : vector<2x1024x128xf32> to vector<1x1024x128xf32>
    %squeeze3A_26 = vector.shape_cast %slice3A_25 : vector<1x1024x128xf32> to vector<1024x128xf32>
    %slice3A_27 = vector.extract_strided_slice %get3A_9 {offsets = [1, 0, 0], sizes = [1, 1024, 128], strides = [1, 1, 1]} : vector<2x1024x128xf32> to vector<1x1024x128xf32>
    %squeeze3A_28 = vector.shape_cast %slice3A_27 : vector<1x1024x128xf32> to vector<1024x128xf32>
    %add3A_29 = arith.addf %squeeze3A_26, %squeeze3A_28 : vector<1024x128xf32>
    %get3A_30 = arith.constant 0 : index
    %get3A_31 = arith.constant 0 : index
    %get3A_32 = vector.load %arg4[%get3A_30, %get3A_31] : memref<1024x128xf32, #tpu.memory_space<vmem>>, vector<1024x128xf32>
    %add3A_33 = arith.addf %add3A_29, %get3A_32 : vector<1024x128xf32>
    %mul3A_34 = vector.broadcast %get3A_1 : vector<1024x1xf32> to vector<1024x128xf32>
    %mul3A_35 = arith.mulf %add3A_33, %mul3A_34 : vector<1024x128xf32>
    %slice3A_36 = vector.extract_strided_slice %get3A_12 {offsets = [0, 128], sizes = [1, 128], strides = [1, 1]} : vector<1x256xf32> to vector<1x128xf32>
    %add3A_37 = vector.broadcast %slice3A_36 : vector<1x128xf32> to vector<1024x128xf32>
    %add3A_38 = arith.addf %mul3A_35, %add3A_37 : vector<1024x128xf32>
    %max3A_39 = arith.constant 0.000000e+00 : f32
    %max3A_40 = vector.broadcast %max3A_39 : f32 to vector<1024x128xf32>
    %max3A_41 = arith.maximumf %add3A_38, %max3A_40 : vector<1024x128xf32>
    %get3A_42 = arith.constant 0 : index
    %get3A_43 = arith.constant 0 : index
    %get3A_44 = vector.load %arg7[%get3A_42, %get3A_43] : memref<256x128xf32, #tpu.memory_space<vmem>>, vector<256x128xf32>
    %slice3A_45 = vector.extract_strided_slice %get3A_44 {offsets = [0, 0], sizes = [128, 128], strides = [1, 1]} : vector<256x128xf32> to vector<128x128xf32>
    %dot_general3A = arith.constant dense<0.000000e+00> : vector<1024x128xf32>
    %dot_general3A_46 = tpu.matmul %max3A_24, %slice3A_45, %dot_general3A {dimension_numbers = #tpu.dot_dimension_numbers<[1], [0], [0], [1], [0, 0, 1, 1], [], []>, transpose_lhs_hint = false} : vector<1024x128xf32>, vector<128x128xf32>, vector<1024x128xf32> -> vector<1024x128xf32>
    %slice3A_47 = vector.extract_strided_slice %get3A_44 {offsets = [128, 0], sizes = [128, 128], strides = [1, 1]} : vector<256x128xf32> to vector<128x128xf32>
    %dot_general3A_48 = arith.constant dense<0.000000e+00> : vector<1024x128xf32>
    %dot_general3A_49 = tpu.matmul %max3A_41, %slice3A_47, %dot_general3A_48 {dimension_numbers = #tpu.dot_dimension_numbers<[1], [0], [0], [1], [0, 0, 1, 1], [], []>, transpose_lhs_hint = false} : vector<1024x128xf32>, vector<128x128xf32>, vector<1024x128xf32> -> vector<1024x128xf32>
    %add3A_50 = arith.addf %dot_general3A_46, %dot_general3A_49 : vector<1024x128xf32>
    %mul3A_51 = vector.broadcast %get3A_1 : vector<1024x1xf32> to vector<1024x128xf32>
    %mul3A_52 = arith.mulf %add3A_50, %mul3A_51 : vector<1024x128xf32>
    %swap3A = arith.constant 0 : index
    %swap3A_53 = arith.constant 0 : index
    %swap3A_54 = vector.load %arg8[%swap3A, %swap3A_53] : memref<1024x128xf32, #tpu.memory_space<vmem>>, vector<1024x128xf32>
    tpu.vector_store %arg8[%swap3A, %swap3A_53], %mul3A_52 {strides = array<i32>} : memref<1024x128xf32, #tpu.memory_space<vmem>>, vector<1024x128xf32>,
    return
  }
  func.func @transform_0(%arg0: i32) -> (i32, i32, i32) {
    %c0_i32 = arith.constant 0 : i32
    %c0_i32_0 = arith.constant 0 : i32
    %c0_i32_1 = arith.constant 0 : i32
    return %c0_i32, %arg0, %c0_i32_0 : i32, i32, i32
  }
  func.func @transform_1(%arg0: i32) -> (i32, i32, i32) {
    %c0_i32 = arith.constant 0 : i32
    %c0_i32_0 = arith.constant 0 : i32
    %c0_i32_1 = arith.constant 0 : i32
    return %c0_i32, %arg0, %c0_i32_0 : i32, i32, i32
  }
  func.func @transform_2(%arg0: i32) -> (i32, i32) {
    %c0_i32 = arith.constant 0 : i32
    %c0_i32_0 = arith.constant 0 : i32
    return %arg0, %c0_i32 : i32, i32
  }
  func.func @transform_3(%arg0: i32) -> (i32, i32) {
    %c0_i32 = arith.constant 0 : i32
    %c0_i32_0 = arith.constant 0 : i32
    return %arg0, %c0_i32 : i32, i32
  }
  func.func @transform_4(%arg0: i32) -> (i32, i32) {
    %c0_i32 = arith.constant 0 : i32
    %c0_i32_0 = arith.constant 0 : i32
    return %arg0, %c0_i32 : i32, i32
  }
  func.func @transform_5(%arg0: i32) -> (i32, i32) {
    %c0_i32 = arith.constant 0 : i32
    %c0_i32_0 = arith.constant 0 : i32
    %c0_i32_1 = arith.constant 0 : i32
    return %c0_i32, %c0_i32_0 : i32, i32
  }
  func.func @transform_6(%arg0: i32) -> (i32, i32) {
    %c0_i32 = arith.constant 0 : i32
    %c0_i32_0 = arith.constant 0 : i32
    %c0_i32_1 = arith.constant 0 : i32
    return %c0_i32, %c0_i32_0 : i32, i32
  }
  func.func @transform_7(%arg0: i32) -> (i32, i32) {
    %c0_i32 = arith.constant 0 : i32
    %c0_i32_0 = arith.constant 0 : i32
    return %arg0, %c0_i32 : i32, i32
  }
}

module attributes {stable_mosaic.version = 14 : i64} {
  func.func @body(%arg0: i32, %arg1: memref<2x1024x128xf32, #tpu.memory_space<vmem>>, %arg2: memref<1024x128xf32, #tpu.memory_space<vmem>>, %arg3: memref<1024x1xf32, #tpu.memory_space<vmem>>, %arg4: memref<1x128xf32, #tpu.memory_space<vmem>>, %arg5: memref<1024x128xf32, #tpu.memory_space<vmem>>) attributes {dimension_semantics = [#tpu.dimension_semantics<arbitrary>], iteration_bounds = array<i64: 10>, scalar_prefetch = 0 : i64, scratch_operands = 0 : i64, tpu.core_type = #tpu.core_type<tc>, window_params = [{transform_indices = @transform_0, window_bounds = array<i64: 2, 1024, 128>}, {transform_indices = @transform_1, window_bounds = array<i64: 1024, 128>}, {transform_indices = @transform_2, window_bounds = array<i64: 1024, 1>}, {pipeline_mode = #tpu.pipeline_mode<synchronous>, transform_indices = @transform_3, window_bounds = array<i64: 1, 128>}, {transform_indices = @transform_4, window_bounds = array<i64: 1024, 128>}]} {
    %get3A = arith.constant 0 : index
    %get3A_0 = arith.constant 0 : index
    %get3A_1 = arith.constant 0 : index
    %get3A_2 = vector.load %arg1[%get3A, %get3A_0, %get3A_1] : memref<2x1024x128xf32, #tpu.memory_space<vmem>>, vector<2x1024x128xf32>
    %slice3A = vector.extract_strided_slice %get3A_2 {offsets = [0, 0, 0], sizes = [1, 1024, 128], strides = [1, 1, 1]} : vector<2x1024x128xf32> to vector<1x1024x128xf32>
    %squeeze3A = vector.shape_cast %slice3A : vector<1x1024x128xf32> to vector<1024x128xf32>
    %slice3A_3 = vector.extract_strided_slice %get3A_2 {offsets = [1, 0, 0], sizes = [1, 1024, 128], strides = [1, 1, 1]} : vector<2x1024x128xf32> to vector<1x1024x128xf32>
    %squeeze3A_4 = vector.shape_cast %slice3A_3 : vector<1x1024x128xf32> to vector<1024x128xf32>
    %add3A = arith.addf %squeeze3A, %squeeze3A_4 : vector<1024x128xf32>
    %get3A_5 = arith.constant 0 : index
    %get3A_6 = arith.constant 0 : index
    %get3A_7 = vector.load %arg2[%get3A_5, %get3A_6] : memref<1024x128xf32, #tpu.memory_space<vmem>>, vector<1024x128xf32>
    %add3A_8 = arith.addf %add3A, %get3A_7 : vector<1024x128xf32>
    %get3A_9 = arith.constant 0 : index
    %get3A_10 = arith.constant 0 : index
    %get3A_11 = vector.load %arg3[%get3A_9, %get3A_10] : memref<1024x1xf32, #tpu.memory_space<vmem>>, vector<1024x1xf32>
    %mul3A = vector.broadcast %get3A_11 : vector<1024x1xf32> to vector<1024x128xf32>
    %mul3A_12 = arith.mulf %add3A_8, %mul3A : vector<1024x128xf32>
    %get3A_13 = arith.constant 0 : index
    %get3A_14 = arith.constant 0 : index
    %get3A_15 = vector.load %arg4[%get3A_13, %get3A_14] : memref<1x128xf32, #tpu.memory_space<vmem>>, vector<1x128xf32>
    %add3A_16 = vector.broadcast %get3A_15 : vector<1x128xf32> to vector<1024x128xf32>
    %add3A_17 = arith.addf %mul3A_12, %add3A_16 : vector<1024x128xf32>
    %swap3A = arith.constant 0 : index
    %swap3A_18 = arith.constant 0 : index
    %swap3A_19 = vector.load %arg5[%swap3A, %swap3A_18] : memref<1024x128xf32, #tpu.memory_space<vmem>>, vector<1024x128xf32>
    tpu.vector_store %arg5[%swap3A, %swap3A_18], %add3A_17 {strides = array<i32>} : memref<1024x128xf32, #tpu.memory_space<vmem>>, vector<1024x128xf32>,
    return
  }
  func.func @transform_0(%arg0: i32) -> (i32, i32, i32) {
    %c0_i32 = arith.constant 0 : i32
    %c0_i32_0 = arith.constant 0 : i32
    %c0_i32_1 = arith.constant 0 : i32
    return %c0_i32, %arg0, %c0_i32_0 : i32, i32, i32
  }
  func.func @transform_1(%arg0: i32) -> (i32, i32) {
    %c0_i32 = arith.constant 0 : i32
    %c0_i32_0 = arith.constant 0 : i32
    return %arg0, %c0_i32 : i32, i32
  }
  func.func @transform_2(%arg0: i32) -> (i32, i32) {
    %c0_i32 = arith.constant 0 : i32
    %c0_i32_0 = arith.constant 0 : i32
    return %arg0, %c0_i32 : i32, i32
  }
  func.func @transform_3(%arg0: i32) -> (i32, i32) {
    %c0_i32 = arith.constant 0 : i32
    %c0_i32_0 = arith.constant 0 : i32
    %c0_i32_1 = arith.constant 0 : i32
    return %c0_i32, %c0_i32_0 : i32, i32
  }
  func.func @transform_4(%arg0: i32) -> (i32, i32) {
    %c0_i32 = arith.constant 0 : i32
    %c0_i32_0 = arith.constant 0 : i32
    return %arg0, %c0_i32 : i32, i32
  }
}

</mosaic_0001>

<sc_bundles>
// kernel: kernel.11.cloned.1.call-start
scs
__scs_entry_jumppad:
0x0: {  	(pc) =	sbr.rel $0x88, $3  }
0x1: {  	(tag) =	ssettag $0x0;
	lr =	simm.s32 $0x1  }
0x2: {  	[smem:$0x3F9B] =	sst lr;
	_ =	strace $0xD0000000  }
0x3: {  	_ = 	snop  }
0x4: {  	_ = 	snop  }
0x5: {  	_ = 	snop  }
0x6: {  	_ = 	snop  }
0x7: {  	_ = 	snop  }
__scs_overlays_trampoline_lowered:
0x8: {  	[smem:$0x3FAA] =	sst s0  }
0x9: {  	[smem:$0x3FAB] =	sst s1  }
0xa: {  	[smem:$0x3FAC] =	sst s2  }
0xb: {  	[smem:$0x3FAD] =	sst s3  }
0xc: {  	[smem:$0x3FAE] =	sst s4  }
0xd: {  	[smem:$0x3FAF] =	sst s5  }
0xe: {  	[smem:$0x3FB0] =	sst s6  }
0xf: {  	[smem:$0x3FB1] =	sst s7  }
0x10: {  	[smem:$0x3FB2] =	sst s8  }
0x11: {  	[smem:$0x3FB3] =	sst s9;
	s0 =	simm.s32 @!p0 $0x0  }
0x12: {  	s1 =	sld [smem:$0x3F99];
	s0 =	simm.s32 @p0 $0x1  }
0x13: {  	[smem:$0x3FB4] =	sst s0;
	s0 =	simm.s32 @!p1 $0x0  }
0x14: {  	s2 =	sld [smem:$0x3F98];
	s0 =	simm.s32 @p1 $0x1  }
0x15: {  	[smem:$0x3FB5] =	sst s0;
	s0 =	simm.s32 @!p2 $0x0  }
0x16: {  	s3 =	sld [smem:$0x3FDB];
	s0 =	simm.s32 @p2 $0x1  }
0x17: {  	s4 =	simm.s32 $0x1BF5;
	[smem:$0x3FB7] =	sst s0  }
0x18: {  	s0 =	sld [smem:$0x3F9A];
	_ =	swait.ge [sflag:s4], $0x0  }
0x19: {  	s7 =	sld [smem:$0x3F9B]  }
0x1a: {  	s8 =	sadd.s32 $0xFFFFE003, lr  }
0x1b: {  	s9 =	sadd.s32 $0xFFFFFEF7, lr;
	s5 =	simm.s32 $0xFFFFFFFF;
	p2 =	slt.u32 s8, $0xFFFFF086  }
0x1c: {  	p1 =	slt.u32 s9, $0xF7A;
	s5 =	simm.s32 @!p2 $0x0  }
0x1d: {  	s5 =	simm.s32 @p1 $0x1;
	p0 =	seq.s32 s7, s2  }
0x1e: {  	s7 =	smul.u32 @!p0 $0xF7A, s2;
	p2 =	seq.s32 @!p0 s5, $0x0  }
0x1f: {  	s9 =	smul.u32 $0xF7A, s1;
	s8 =	simm.s32 @!p0 $0x1BF5;
	p2 =	por !p2, p0  }
0x20: {  	[sflag:s8] =	ssyncset.s32 @!p0 $0xFFFFF086;
	s6 =	sadd.s32 @!p0 s3, s7;
	s7 =	simm.s32 @!p0 $0x108  }
0x21: {  	s3 =	sadd.s32 s3, s9;
	s6 =	sadd.s32 @!p0 $0x88, s6;
	s7 =	simm.s32 @p2 $0x1082  }
0x22: {  	[simem:s7], [sflag:s8] =	dma.local @!p0 [hbm:s6], $0xF7A  }
0x23: {  	s9 =	sor.u32 $0xD0000000, s2;
	s6 =	simm.s32 $0x108;
	_ =	swait.ge @!p0 [sflag:s8], $0x0  }
0x24: {  	s3 =	sadd.s32 $0x88, s3;
	s6 =	simm.s32 @!p1 $0x1082;
	[sflag:s4] =	ssyncset.s32 $0xFFFFF086  }
0x25: {  	[simem:s6], [sflag:s4] =	dma.local [hbm:s3], $0xF7A  }
0x26: {  	[smem:$0x3F9B] =	sst s1;
	(tag) =	ssettag s2;
	_ =	strace s9  }
0x27: {  	s1 =	sld [smem:$0x3FAB]  }
0x28: {  	s2 =	sld [smem:$0x3FAC]  }
0x29: {  	s4 =	sld [smem:$0x3FAE]  }
0x2a: {  	p0 =	seq.s32 s5, $0x0;
	s5 =	sld [smem:$0x3FAF]  }
0x2b: {  	s6 =	sld [smem:$0x3FB0]  }
0x2c: {  	s7 =	sld [smem:$0x3FB1]  }
0x2d: {  	s3 =	simm.s32 $0x108;
	s8 =	sld [smem:$0x3FB2]  }
0x2e: {  	s3 =	simm.s32 @!p0 $0x1082;
	s9 =	sld [smem:$0x3FB3]  }
0x2f: {  	lr =	sadd.s32 s0, s3;
	s0 =	sld [smem:$0x3FAA]  }
0x30: {  	s3 =	sld [smem:$0x3FAD]  }
0x31: {  	[smem:$0x3FB6] =	sst s10  }
0x32: {  	s10 =	sld [smem:$0x3FB4];
	_ =	sdelay $0x3  }
0x33: {  	p0 =	seq.s32 s10, $0x1;
	s10 =	sld [smem:$0x3FB6];
	_ =	sdelay $0x3  }
0x34: {  	[smem:$0x3FB6] =	sst s10  }
0x35: {  	s10 =	sld [smem:$0x3FB5];
	_ =	sdelay $0x3  }
0x36: {  	p1 =	seq.s32 s10, $0x1;
	s10 =	sld [smem:$0x3FB6];
	_ =	sdelay $0x3  }
0x37: {  	[smem:$0x3FB6] =	sst s10  }
0x38: {  	s10 =	sld [smem:$0x3FB7]  }
0x39: {  	_ = 	snop;
	(pc) =	sbr.ind lr, $3  }
0x3a: {  	_ = 	snop  }
0x3b: {  	_ = 	snop  }
0x3c: {  	p2 =	seq.s32 s10, $0x1;
	s10 =	sld [smem:$0x3FB6]  }
0x3d: {  	_ =	shalt  }
0x3e: {  	_ =	shalt  }
0x3f: {  	_ =	shalt  }
0x40: {  	_ =	shalt  }
0x41: {  	_ =	shalt  }
0x42: {  	_ =	shalt  }
0x43: {  	_ =	shalt  }
0x44: {  	_ =	shalt  }
0x45: {  	_ =	shalt  }
0x46: {  	_ =	shalt  }
0x47: {  	_ =	shalt  }
0x48: {  	_ =	shalt  }
0x49: {  	_ =	shalt  }
0x4a: {  	_ =	shalt  }
0x4b: {  	_ =	shalt  }
0x4c: {  	_ =	shalt  }
0x4d: {  	_ =	shalt  }
0x4e: {  	_ =	shalt  }
0x4f: {  	_ =	shalt  }
0x50: {  	_ =	shalt  }
0x51: {  	_ =	shalt  }
0x52: {  	_ =	shalt  }
0x53: {  	_ =	shalt  }
0x54: {  	_ =	shalt  }
0x55: {  	_ =	shalt  }
0x56: {  	_ =	shalt  }
0x57: {  	_ =	shalt  }
0x58: {  	_ =	shalt  }
0x59: {  	_ =	shalt  }
0x5a: {  	_ =	shalt  }
0x5b: {  	_ =	shalt  }
0x5c: {  	_ =	shalt  }
0x5d: {  	_ =	shalt  }
0x5e: {  	_ =	shalt  }
0x5f: {  	_ =	shalt  }
0x60: {  	_ =	shalt  }
0x61: {  	_ =	shalt  }
0x62: {  	_ =	shalt  }
0x63: {  	_ =	shalt  }
0x64: {  	_ =	shalt  }
0x65: {  	_ =	shalt  }
0x66: {  	_ =	shalt  }
0x67: {  	_ =	shalt  }
0x68: {  	_ =	shalt  }
0x69: {  	_ =	shalt  }
0x6a: {  	_ =	shalt  }
0x6b: {  	_ =	shalt  }
0x6c: {  	_ =	shalt  }
0x6d: {  	_ =	shalt  }
0x6e: {  	_ =	shalt  }
0x6f: {  	_ =	shalt  }
0x70: {  	_ =	shalt  }
0x71: {  	_ =	shalt  }
0x72: {  	_ =	shalt  }
0x73: {  	_ =	shalt  }
0x74: {  	_ =	shalt  }
0x75: {  	_ =	shalt  }
0x76: {  	_ =	shalt  }
0x77: {  	_ =	shalt  }
0x78: {  	_ =	shalt  }
0x79: {  	_ =	shalt  }
0x7a: {  	_ =	shalt  }
0x7b: {  	_ =	shalt  }
0x7c: {  	_ =	shalt  }
0x7d: {  	_ =	shalt  }
0x7e: {  	_ =	shalt  }
0x7f: {  	_ =	shalt  }
0x80: {  	_ =	shalt  }
0x81: {  	_ =	shalt  }
0x82: {  	_ =	shalt  }
0x83: {  	_ =	shalt  }
0x84: {  	_ =	shalt  }
0x85: {  	_ =	shalt  }
0x86: {  	_ =	shalt  }
0x87: {  	_ =	shalt  }
.Lfunc_end0:
.L_simem_size_0:
called_computation.1_lowered:
.L_overlay_start_0:
0x88: {  	s2 =	sld [smem:$0x3FD9]  }
0x89: {  	s3 =	sld [smem:$0x3FFE];
	_ =	sdelay $0x1  }
0x8a: {  	s1 =	srdreg.scid  }
0x8b: {  	s0 =	sand.u32 $0x1, s1  }
0x8c: {  	s17 =	sshll.u32 s0, $0xA;
	s2 =	sadd.s32 s3, s2  }
0x8d: {  	s2 =	sadd.s32 s2, s17  }
0x8e: {  	[smem:$0x3FC2] =	sst s2  }
0x8f: {  	_ = 	snop  }
0x90: {  	s2 =	sld [smem:$0x3FD0];
	(tm) =	ssettm $0x1  }
0x91: {  	s18 =	sld [smem:$0x3FFB];
	_ =	sdelay $0x3  }
0x92: {  	_ =	strace s18  }
0x93: {  	s3 =	sld [smem:$0x3FFC];
	_ =	sdelay $0x3  }
0x94: {  	_ =	strace s3  }
0x95: {  	s3 =	sld [smem:$0x3FFD];
	_ =	sdelay $0x3  }
0x96: {  	_ =	strace s3  }
0x97: {  	_ =	strace $0x8FFFFFFF  }
0x98: {  	s19 =	sld [smem:$0x3FDB];
	_ =	sdelay $0x1  }
0x99: {  	s4 =	simm.s32 $_scs_section_size  }
0x9a: {  	s5 =	simm.s32 $_size__tile_overlayer_lowered;
	s6 =	simm.s32 $_tile_overlayer_lowered  }
0x9b: {  	s22 =	simm.s32 $0x1BFF;
	s21 =	sshll.u32 s6, $0x1;
	s3 =	sadd.s32 s4, s19  }
0x9c: {  	s7 =	simm.s32 $0x0;
	s20 =	sshll.u32 s5, $0x1;
	s5 =	sadd.s32 s21, s3  }
0x9d: {  	[timem:s7], [sflag:s22] =	dma.local [hbm:s5], s20  }
0x9e: {  	_ =	swait.ge [sflag:s22], s20  }
0x9f: {  	s4 =	ssub.s32 $0x0, s20;
	[sflag:s22] =	ssyncset.done $0x0  }
0xa0: {  	[sflag:s22] =	ssyncadd.s32 s4;
	_ =	sdelay $0x1  }
0xa1: {  	s23 =	simm.s32 $0x1B8B  }
0xa2: {  	_ =	swait.ge [sflag:s23], $0x1  }
0xa3: {  	[sflag:s23] =	ssyncset.done $0x0  }
0xa4: {  	s25 =	simm.s32 $0x1B8E;
	s24 =	sld [smem:$0x3FFE];
	[sflag:s23] =	ssyncadd.s32 $0xFFFFFFFF  }
0xa5: {  	s26 =	simm.s32 $execute0_lowered;
	[smem:$0x3FD2] =	sst s25  }
0xa6: {  	s5 =	sshll.u32 s26, $0x1;
	_ =	strace $0x80000049;
	[dreg:$0x1] =	wrdreg $0xFFFFFFFF  }
0xa7: {  	s28 =	simm.s32 $_size_execute0_lowered;
	s3 =	sadd.s32 s3, s5;
	[dreg:$0x0] =	wrdreg $0x0  }
0xa8: {  	s5 =	sshll.u32 s28, $0x1;
	[dreg:$0x2] =	wrdreg s3  }
0xa9: {  	[dreg:$0x3] =	wrdreg s5  }
0xaa: {  	[dreg:$0x4] =	wrdreg $0xC0  }
0xab: {  	_ =	task [dreg:s7], $0x5FFFF  }
0xac: {  	[dreg:$0x1] =	wrdreg $0xFFFFFFFF  }
0xad: {  	[dreg:$0x0] =	wrdreg $0x60  }
0xae: {  	[dreg:$0x2] =	wrdreg s24  }
0xaf: {  	[dreg:$0x3] =	wrdreg s2  }
0xb0: {  	[dreg:$0x4] =	wrdreg $0x90000  }
0xb1: {  	[dreg:$0x5] =	wrdreg $0x9  }
0xb2: {  	_ =	task.clear_ibuf [dreg:s7], $0x6FFFF;
	_ =	strace $0x90000049  }
0xb3: {  	s29 =	simm.s32 $0x9;
	_ =	strace $0x8000004B  }
0xb4: {  	_ =	swait.ge [sflag:s29], $0x1  }
0xb5: {  	[sflag:s29] =	ssyncadd.s32 $0xFFFFFFFF  }
0xb6: {  	_ =	strace $0x9000004B  }
0xb7: {  	_ =	sfence  }
0xb8: {  	s30 =	sld [smem:$0x0];
	_ =	sdelay $0x2  }
0xb9: {  	s31 =	sshll.u32 s1, $0xD;
	s1 =	sshrl.u32 s1, $0x2  }
0xba: {  	s3 =	sand.u32 $0x4000, s31;
	s1 =	sadd.s32 s1, s30  }
0xbb: {  	s0 =	sor.u32 s3, s0;
	s1 =	sshll.u32 s1, $0x11  }
0xbc: {  	s0 =	sor.u32 s1, s0  }
0xbd: {  	s0 =	sadd.s32 $0x8F2B, s0  }
0xbe: {  	[sflag:s0] =	ssyncadd.remote.s32 $0x1  }
0xbf: {  	_ =	sfence.sel $0xFFFF  }
0xc0: {  	[dreg:$0x0] =	wrdreg $0xFFFFFFFF;
	(pc) =	sbr.abs _section_cstart, $3  }
0xc1: {  	[dreg:$0x1] =	wrdreg $0xFFFFFFFF  }
0xc2: {  	_ =	task.clear_ibuf [dreg:s7], $0x2FFFF;
	_ =	strace $0x9FFFFFFF  }
0xc3: {  	(tm) =	ssettm $0x7FFFFFFF  }
tec
execute0_lowered:
.L_overlay_start_1:
0x0: {  	(tag) =	ssettag $0x1  }
0x1: {  	s0 =	rddreg [dreg:$0x0];
	s1 =	srdreg.scid  }
0x2: {  	s6 =	rddreg [dreg:$0x1];
	s11 =	stileid.u32  }
0x3: {  	s2 =	rddreg [dreg:$0x2];
	s3 =	simm.s32 $0x0;
	s14 =	simm.s32 $0x5  }
0x4: {  	s16 =	simm.s32 $0x80;
	s17 =	simm.s32 $0x1000;
	s18 =	simm.s32 $0x1  }
0x5: {  	s19 =	simm.s32 $0x5000;
	s28 =	simm.s32 $0x500;
	s29 =	simm.s32 $0xC80  }
0x6: {  	s30 =	simm.s32 $0xD00;
	s31 =	simm.s32 $0x580;
	s7 =	smul.u32 $0x2800, s11  }
0x7: {  	s15 =	simm.s32 $0x780;
	s1 =	sand.u32 $0x1, s1;
	s9 =	smul.u32 $0x14000, s11  }
0x8: {  	[smem:$0x7FF] =	sst s3;
	s4 =	sadd.s32 $0xD400, s0;
	s10 =	smul.u32 $0x50000, s11  }
0x9: {  	s12 =	sadd.s32 $0x5D400, s0;
	s11 =	sshll.u32 s11, $0x6;
	s5 =	smul.u32 $0x28000, s1  }
0xa: {  	s8 =	smul.u32 $0x140000, s1;
	_ =	strace $0x8000004A;
	[dreg:$0x6] =	wrdreg s12  }
0xb: {  	s1 =	ssub.s32 $0x2, s1;
	s13 =	sor.u32 $0x1C05, s11;
	s11 =	simm.s32 $0xE80  }
0xc: {  	s12 =	simm.s32 $0xF00;
	s21 =	sshrl.u32 s1, $0x1;
	s10 =	sshrl.u32 s10, $0x2  }
0xd: {  	[dreg:$0x7] =	wrdreg s13;
	s7 =	sadd.s32 s7, s5;
	s5 =	sadd.s32 $0x35400, s0  }
0xe: {  	s8 =	sadd.s32 s9, s8;
	s1 =	ssub.s32 s1, s21;
	s22 =	sadd.s32 s10, s2  }
0xf: {  	s9 =	simm.s32 $0x680;
	s10 =	simm.s32 $0x700;
	s21 =	simm.s32 $0x0  }
0x10: {  	s7 =	sshrl.u32 s7, $0x3;
	s8 =	sshrl.u32 s8, $0x3;
	s24 =	smax.u32 s1, $0x1  }
0x11: {  	s1 =	simm.s32 $0x600;
	s20 =	sadd.s32 s7, s0;
	s0 =	sadd.s32 s8, s0  }
0x12: {  	[dreg:$0xa] =	wrdreg s24;
	s25 =	sadd.s32 s7, s6;
	s7 =	sshrl.u32 s22, $0x3  }
0x13: {  	s22 =	simm.s32 $0x2;
	s8 =	simm.s32 $0xE00;
	[dreg:$0x4] =	wrdreg s25  }
0x14: {  	s24 =	simm.s32 $0xF80;
	s23 =	sadd.s32 $0x5FC00, s0;
	[dreg:$0xb] =	wrdreg s7  }
0x15: {  	s0 =	sadd.s32 $0xAFC00, s0;
	s26 =	sadd.s32 $0x3400, s20;
	[dreg:$0x8] =	wrdreg s23  }
0x16: {  	s20 =	simm.s32 $0x3;
	s25 =	simm.s32 $0x4;
	[dreg:$0x9] =	wrdreg s0  }
0x17: {  	[dreg:$0x5] =	wrdreg s26;
	s26 =	simm.s32 $0x480;
	s0 =	simm.s32 $0xD80  }
.LBB2_1:
0x18: {  	[dreg:$0xc] =	wrdreg s21  }
0x19: {  	s6 =	rddreg [dreg:$0x6]  }
0x1a: {  	[spmem:s7], [sflag:s13] =	dma.local [hbm:s6], $0x2800  }
0x1b: {  	_ =	swait.ge [sflag:s14], $0x2800  }
0x1c: {  	[sflag:s14] =	ssyncset.done $0x0  }
0x1d: {  	[sflag:s14] =	ssyncadd.s32 $0xFFFFD800  }
0x1e: {  	[bflag:$0x0] =	sbarrier.arrive $0xFFFF  }
0x1f: {  	s13 =	rddreg [dreg:$0x5]  }
0x20: {  	s6 =	sadd.s32 $0x0, s13  }
0x21: {  	[tilespmem:s3], [sflag:$0x5] =	stream.linear.gather [hbm4b:s6+s3], $0x800, $0x38;
	[tilespmem:$0x1D000] =	vst v63  }
0x22: {  	_ =	swait.ge [sflag:s14], $0x800  }
0x23: {  	[sflag:s14] =	ssyncset.done $0x0;
	s21 =	rddreg [dreg:$0x4]  }
0x24: {  	s23 =	simm.s32 $0x800;
	[sflag:s14] =	ssyncadd.s32 $0xFFFFF800;
	s6 =	sadd.s32 $0x0, s21  }
0x25: {  	[tilespmem:s23], [sflag:$0x5] =	stream.linear.gather [hbm4b:s6+s3], $0x800, $0x38;
	[tilespmem:$0x1D000] =	vst v63  }
0x26: {  	_ =	swait.ge [sflag:s14], $0x800  }
0x27: {  	[sflag:s14] =	ssyncset.done $0x0  }
0x28: {  	[sflag:s14] =	ssyncadd.s32 $0xFFFFF800  }
0x29: {  	[tilespmem:s17], [sflag:$0x1] =	stream.indirect.gather [hbm4b:s4+s16], $0x80, s3, s16, $0xb8;
	[tilespmem:$0x1D000] =	vst v63  }
0x2a: {  	_ =	swait.ge [sflag:s18], $0x4000  }
0x2b: {  	[sflag:s18] =	ssyncset.done $0x0  }
0x2c: {  	[sflag:s18] =	ssyncadd.s32 $0xFFFFC000  }
0x2d: {  	[spmem:s2] =	stream.indirect.scatter.add.f32 [tilespmem:s17], [sflag:$0x3], $0x80, s23, s16, $0xb8;
	[tilespmem:$0x1D000] =	vst v63  }
0x2e: {  	_ = 	snop  }
0x2f: {  	[tilespmem:s19], [sflag:$0x2] =	stream.indirect.gather [hbm4b:s4+s16], $0x80, s16, s16, $0xb8;
	[tilespmem:$0x1D000] =	vst v63  }
0x30: {  	_ =	swait.ge [sflag:s20], $0x4000  }
0x31: {  	[sflag:s20] =	ssyncset.done $0x0  }
0x32: {  	s13 =	simm.s32 $0x100;
	[sflag:s20] =	ssyncadd.s32 $0xFFFFC000  }
0x33: {  	[tilespmem:s17], [sflag:$0x1] =	stream.indirect.gather [hbm4b:s4+s16], $0x80, s13, s16, $0xb8;
	[tilespmem:$0x1D000] =	vst v63  }
0x34: {  	_ =	swait.ge [sflag:s22], $0x4000  }
0x35: {  	[sflag:s22] =	ssyncset.done $0x0  }
0x36: {  	s21 =	simm.s32 $0x880;
	[sflag:s22] =	ssyncadd.s32 $0xFFFFC000  }
0x37: {  	[spmem:s2] =	stream.indirect.scatter.add.f32 [tilespmem:s19], [sflag:$0x4], $0x80, s21, s16, $0xb8;
	[tilespmem:$0x1D000] =	vst v63  }
0x38: {  	_ =	swait.ge [sflag:s18], $0x4000  }
0x39: {  	[sflag:s18] =	ssyncset.done $0x0  }
0x3a: {  	s23 =	simm.s32 $0x900;
	[sflag:s18] =	ssyncadd.s32 $0xFFFFC000  }
0x3b: {  	[spmem:s2] =	stream.indirect.scatter.add.f32 [tilespmem:s17], [sflag:$0x3], $0x80, s23, s16, $0xb8;
	[tilespmem:$0x1D000] =	vst v63  }
0x3c: {  	_ =	swait.ge [sflag:s25], $0x4000  }
0x3d: {  	[sflag:s25] =	ssyncset.done $0x0  }
0x3e: {  	s7 =	simm.s32 $0x180;
	[sflag:s25] =	ssyncadd.s32 $0xFFFFC000  }
0x3f: {  	[tilespmem:s19], [sflag:$0x2] =	stream.indirect.gather [hbm4b:s4+s16], $0x80, s7, s16, $0xb8;
	[tilespmem:$0x1D000] =	vst v63  }
0x40: {  	_ =	swait.ge [sflag:s20], $0x4000  }
0x41: {  	[sflag:s20] =	ssyncset.done $0x0  }
0x42: {  	s13 =	simm.s32 $0x200;
	[sflag:s20] =	ssyncadd.s32 $0xFFFFC000  }
0x43: {  	[tilespmem:s17], [sflag:$0x1] =	stream.indirect.gather [hbm4b:s4+s16], $0x80, s13, s16, $0xb8;
	[tilespmem:$0x1D000] =	vst v63  }
0x44: {  	_ =	swait.ge [sflag:s22], $0x4000  }
0x45: {  	[sflag:s22] =	ssyncset.done $0x0  }
0x46: {  	s21 =	simm.s32 $0x980;
	[sflag:s22] =	ssyncadd.s32 $0xFFFFC000  }
0x47: {  	[spmem:s2] =	stream.indirect.scatter.add.f32 [tilespmem:s19], [sflag:$0x4], $0x80, s21, s16, $0xb8;
	[tilespmem:$0x1D000] =	vst v63  }
0x48: {  	_ =	swait.ge [sflag:s18], $0x4000  }
0x49: {  	[sflag:s18] =	ssyncset.done $0x0  }
0x4a: {  	s23 =	simm.s32 $0xA00;
	[sflag:s18] =	ssyncadd.s32 $0xFFFFC000  }
0x4b: {  	[spmem:s2] =	stream.indirect.scatter.add.f32 [tilespmem:s17], [sflag:$0x3], $0x80, s23, s16, $0xb8;
	[tilespmem:$0x1D000] =	vst v63  }
0x4c: {  	_ =	swait.ge [sflag:s25], $0x4000  }
0x4d: {  	[sflag:s25] =	ssyncset.done $0x0  }
0x4e: {  	s7 =	simm.s32 $0x280;
	[sflag:s25] =	ssyncadd.s32 $0xFFFFC000  }
0x4f: {  	[tilespmem:s19], [sflag:$0x2] =	stream.indirect.gather [hbm4b:s4+s16], $0x80, s7, s16, $0xb8;
	[tilespmem:$0x1D000] =	vst v63  }
0x50: {  	_ =	swait.ge [sflag:s20], $0x4000  }
0x51: {  	[sflag:s20] =	ssyncset.done $0x0  }
0x52: {  	s13 =	simm.s32 $0x300;
	[sflag:s20] =	ssyncadd.s32 $0xFFFFC000  }
0x53: {  	[tilespmem:s17], [sflag:$0x1] =	stream.indirect.gather [hbm4b:s4+s16], $0x80, s13, s16, $0xb8;
	[tilespmem:$0x1D000] =	vst v63  }
0x54: {  	_ =	swait.ge [sflag:s22], $0x4000  }
0x55: {  	[sflag:s22] =	ssyncset.done $0x0  }
0x56: {  	s21 =	simm.s32 $0xA80;
	[sflag:s22] =	ssyncadd.s32 $0xFFFFC000  }
0x57: {  	[spmem:s2] =	stream.indirect.scatter.add.f32 [tilespmem:s19], [sflag:$0x4], $0x80, s21, s16, $0xb8;
	[tilespmem:$0x1D000] =	vst v63  }
0x58: {  	_ =	swait.ge [sflag:s18], $0x4000  }
0x59: {  	[sflag:s18] =	ssyncset.done $0x0  }
0x5a: {  	s23 =	simm.s32 $0xB00;
	[sflag:s18] =	ssyncadd.s32 $0xFFFFC000  }
0x5b: {  	[spmem:s2] =	stream.indirect.scatter.add.f32 [tilespmem:s17], [sflag:$0x3], $0x80, s23, s16, $0xb8;
	[tilespmem:$0x1D000] =	vst v63  }
0x5c: {  	_ =	swait.ge [sflag:s25], $0x4000  }
0x5d: {  	[sflag:s25] =	ssyncset.done $0x0  }
0x5e: {  	s7 =	simm.s32 $0x380;
	[sflag:s25] =	ssyncadd.s32 $0xFFFFC000  }
0x5f: {  	[tilespmem:s19], [sflag:$0x2] =	stream.indirect.gather [hbm4b:s4+s16], $0x80, s7, s16, $0xb8;
	[tilespmem:$0x1D000] =	vst v63  }
0x60: {  	_ =	swait.ge [sflag:s20], $0x4000  }
0x61: {  	[sflag:s20] =	ssyncset.done $0x0  }
0x62: {  	s13 =	simm.s32 $0x400;
	[sflag:s20] =	ssyncadd.s32 $0xFFFFC000  }
0x63: {  	[tilespmem:s17], [sflag:$0x1] =	stream.indirect.gather [hbm4b:s4+s16], $0x80, s13, s16, $0xb8;
	[tilespmem:$0x1D000] =	vst v63  }
0x64: {  	_ =	swait.ge [sflag:s22], $0x4000  }
0x65: {  	[sflag:s22] =	ssyncset.done $0x0  }
0x66: {  	s21 =	simm.s32 $0xB80;
	[sflag:s22] =	ssyncadd.s32 $0xFFFFC000  }
0x67: {  	[spmem:s2] =	stream.indirect.scatter.add.f32 [tilespmem:s19], [sflag:$0x4], $0x80, s21, s16, $0xb8;
	[tilespmem:$0x1D000] =	vst v63  }
0x68: {  	_ =	swait.ge [sflag:s18], $0x4000  }
0x69: {  	[sflag:s18] =	ssyncset.done $0x0  }
0x6a: {  	s23 =	simm.s32 $0xC00;
	[sflag:s18] =	ssyncadd.s32 $0xFFFFC000  }
0x6b: {  	[spmem:s2] =	stream.indirect.scatter.add.f32 [tilespmem:s17], [sflag:$0x3], $0x80, s23, s16, $0xb8;
	[tilespmem:$0x1D000] =	vst v63  }
0x6c: {  	_ =	swait.ge [sflag:s25], $0x4000  }
0x6d: {  	[sflag:s25] =	ssyncset.done $0x0  }
0x6e: {  	[sflag:s25] =	ssyncadd.s32 $0xFFFFC000  }
0x6f: {  	[tilespmem:s19], [sflag:$0x2] =	stream.indirect.gather [hbm4b:s4+s16], $0x80, s26, s16, $0xb8;
	[tilespmem:$0x1D000] =	vst v63  }
0x70: {  	_ =	swait.ge [sflag:s20], $0x4000  }
0x71: {  	[sflag:s20] =	ssyncset.done $0x0  }
0x72: {  	[sflag:s20] =	ssyncadd.s32 $0xFFFFC000  }
0x73: {  	[tilespmem:s17], [sflag:$0x1] =	stream.indirect.gather [hbm4b:s4+s16], $0x80, s28, s16, $0xb8;
	[tilespmem:$0x1D000] =	vst v63  }
0x74: {  	_ =	swait.ge [sflag:s22], $0x4000  }
0x75: {  	[sflag:s22] =	ssyncset.done $0x0  }
0x76: {  	[sflag:s22] =	ssyncadd.s32 $0xFFFFC000  }
0x77: {  	[spmem:s2] =	stream.indirect.scatter.add.f32 [tilespmem:s19], [sflag:$0x4], $0x80, s29, s16, $0xb8;
	[tilespmem:$0x1D000] =	vst v63  }
0x78: {  	_ =	swait.ge [sflag:s18], $0x4000  }
0x79: {  	[sflag:s18] =	ssyncset.done $0x0  }
0x7a: {  	[sflag:s18] =	ssyncadd.s32 $0xFFFFC000  }
0x7b: {  	[spmem:s2] =	stream.indirect.scatter.add.f32 [tilespmem:s17], [sflag:$0x3], $0x80, s30, s16, $0xb8;
	[tilespmem:$0x1D000] =	vst v63  }
0x7c: {  	_ =	swait.ge [sflag:s25], $0x4000  }
0x7d: {  	[sflag:s25] =	ssyncset.done $0x0  }
0x7e: {  	[sflag:s25] =	ssyncadd.s32 $0xFFFFC000  }
0x7f: {  	[tilespmem:s19], [sflag:$0x2] =	stream.indirect.gather [hbm4b:s4+s16], $0x80, s31, s16, $0xb8;
	[tilespmem:$0x1D000] =	vst v63  }
0x80: {  	_ =	swait.ge [sflag:s20], $0x4000  }
0x81: {  	[sflag:s20] =	ssyncset.done $0x0  }
0x82: {  	[sflag:s20] =	ssyncadd.s32 $0xFFFFC000  }
0x83: {  	[tilespmem:s17], [sflag:$0x1] =	stream.indirect.gather [hbm4b:s4+s16], $0x80, s1, s16, $0xb8;
	[tilespmem:$0x1D000] =	vst v63  }
0x84: {  	_ =	swait.ge [sflag:s22], $0x4000  }
0x85: {  	[sflag:s22] =	ssyncset.done $0x0  }
0x86: {  	[sflag:s22] =	ssyncadd.s32 $0xFFFFC000  }
0x87: {  	[spmem:s2] =	stream.indirect.scatter.add.f32 [tilespmem:s19], [sflag:$0x4], $0x80, s0, s16, $0xb8;
	[tilespmem:$0x1D000] =	vst v63  }
0x88: {  	_ =	swait.ge [sflag:s18], $0x4000  }
0x89: {  	[sflag:s18] =	ssyncset.done $0x0  }
0x8a: {  	[sflag:s18] =	ssyncadd.s32 $0xFFFFC000  }
0x8b: {  	[spmem:s2] =	stream.indirect.scatter.add.f32 [tilespmem:s17], [sflag:$0x3], $0x80, s8, s16, $0xb8;
	[tilespmem:$0x1D000] =	vst v63  }
0x8c: {  	_ =	swait.ge [sflag:s25], $0x4000  }
0x8d: {  	[sflag:s25] =	ssyncset.done $0x0  }
0x8e: {  	[sflag:s25] =	ssyncadd.s32 $0xFFFFC000  }
0x8f: {  	[tilespmem:s19], [sflag:$0x2] =	stream.indirect.gather [hbm4b:s4+s16], $0x80, s9, s16, $0xb8;
	[tilespmem:$0x1D000] =	vst v63  }
0x90: {  	_ =	swait.ge [sflag:s20], $0x4000  }
0x91: {  	[sflag:s20] =	ssyncset.done $0x0  }
0x92: {  	[sflag:s20] =	ssyncadd.s32 $0xFFFFC000  }
0x93: {  	[tilespmem:s17], [sflag:$0x1] =	stream.indirect.gather [hbm4b:s4+s16], $0x80, s10, s16, $0xb8;
	[tilespmem:$0x1D000] =	vst v63  }
0x94: {  	_ =	swait.ge [sflag:s22], $0x4000  }
0x95: {  	[sflag:s22] =	ssyncset.done $0x0  }
0x96: {  	[sflag:s22] =	ssyncadd.s32 $0xFFFFC000  }
0x97: {  	[spmem:s2] =	stream.indirect.scatter.add.f32 [tilespmem:s19], [sflag:$0x4], $0x80, s11, s16, $0xb8;
	[tilespmem:$0x1D000] =	vst v63  }
0x98: {  	_ =	swait.ge [sflag:s18], $0x4000  }
0x99: {  	[sflag:s18] =	ssyncset.done $0x0  }
0x9a: {  	[sflag:s18] =	ssyncadd.s32 $0xFFFFC000  }
0x9b: {  	[spmem:s2] =	stream.indirect.scatter.add.f32 [tilespmem:s17], [sflag:$0x3], $0x80, s12, s16, $0xb8;
	[tilespmem:$0x1D000] =	vst v63  }
0x9c: {  	_ =	swait.ge [sflag:s25], $0x4000  }
0x9d: {  	[sflag:s25] =	ssyncset.done $0x0  }
0x9e: {  	[sflag:s25] =	ssyncadd.s32 $0xFFFFC000  }
0x9f: {  	[tilespmem:s19], [sflag:$0x2] =	stream.indirect.gather [hbm4b:s4+s16], $0x80, s15, s16, $0xb8;
	[tilespmem:$0x1D000] =	vst v63  }
0xa0: {  	_ =	swait.ge [sflag:s20], $0x4000  }
0xa1: {  	[sflag:s20] =	ssyncset.done $0x0  }
0xa2: {  	[sflag:s20] =	ssyncadd.s32 $0xFFFFC000  }
0xa3: {  	_ =	swait.ge [sflag:s22], $0x4000  }
0xa4: {  	[sflag:s22] =	ssyncset.done $0x0  }
0xa5: {  	[sflag:s22] =	ssyncadd.s32 $0xFFFFC000  }
0xa6: {  	[spmem:s2] =	stream.indirect.scatter.add.f32 [tilespmem:s19], [sflag:$0x4], $0x80, s24, s16, $0xb8;
	[tilespmem:$0x1D000] =	vst v63  }
0xa7: {  	_ =	swait.ge [sflag:s25], $0x4000  }
0xa8: {  	s6 =	simm.s32 $0x100;
	s7 =	simm.s32 $0x200;
	[sflag:s25] =	ssyncset.done $0x0  }
.LBB2_2:
0xa9: {  	s13 =	rddreg [dreg:$0x5]  }
0xaa: {  	[sflag:s25] =	ssyncadd.s32 $0xFFFFC000;
	s21 =	sadd.s32 s6, s13  }
0xab: {  	[tilespmem:s3], [sflag:$0x5] =	stream.linear.gather [hbm4b:s21+s3], $0x800, $0x38;
	[tilespmem:$0x1D000] =	vst v63  }
0xac: {  	_ =	swait.ge [sflag:s14], $0x800  }
0xad: {  	s23 =	smov.u32 s7;
	p0 =	sne.s32 s7, $0x400;
	[sflag:s14] =	ssyncset.done $0x0  }
0xae: {  	s13 =	sadd.s32 $0x100, s7;
	s21 =	rddreg [dreg:$0x4];
	[sflag:s14] =	ssyncadd.s32 $0xFFFFF800  }
0xaf: {  	s7 =	sadd.s32 s6, s21;
	s6 =	smov.u32 s23;
	s23 =	simm.s32 $0x800  }
0xb0: {  	[tilespmem:s23], [sflag:$0x5] =	stream.linear.gather [hbm4b:s7+s3], $0x800, $0x38;
	[tilespmem:$0x1D000] =	vst v63  }
0xb1: {  	_ =	swait.ge [sflag:s14], $0x800  }
0xb2: {  	[sflag:s14] =	ssyncset.done $0x0  }
0xb3: {  	[sflag:s14] =	ssyncadd.s32 $0xFFFFF800  }
0xb4: {  	[tilespmem:s17], [sflag:$0x1] =	stream.indirect.gather [hbm4b:s4+s16], $0x80, s3, s16, $0xb8;
	[tilespmem:$0x1D000] =	vst v63  }
0xb5: {  	_ =	swait.ge [sflag:s18], $0x4000  }
0xb6: {  	[sflag:s18] =	ssyncset.done $0x0  }
0xb7: {  	[sflag:s18] =	ssyncadd.s32 $0xFFFFC000  }
0xb8: {  	[spmem:s2] =	stream.indirect.scatter.add.f32 [tilespmem:s17], [sflag:$0x3], $0x80, s23, s16, $0xb8;
	[tilespmem:$0x1D000] =	vst v63  }
0xb9: {  	_ = 	snop  }
0xba: {  	[tilespmem:s19], [sflag:$0x2] =	stream.indirect.gather [hbm4b:s4+s16], $0x80, s16, s16, $0xb8;
	[tilespmem:$0x1D000] =	vst v63  }
0xbb: {  	_ =	swait.ge [sflag:s20], $0x4000  }
0xbc: {  	[sflag:s20] =	ssyncset.done $0x0  }
0xbd: {  	s23 =	simm.s32 $0x100;
	[sflag:s20] =	ssyncadd.s32 $0xFFFFC000  }
0xbe: {  	[tilespmem:s17], [sflag:$0x1] =	stream.indirect.gather [hbm4b:s4+s16], $0x80, s23, s16, $0xb8;
	[tilespmem:$0x1D000] =	vst v63  }
0xbf: {  	_ =	swait.ge [sflag:s22], $0x4000  }
0xc0: {  	[sflag:s22] =	ssyncset.done $0x0  }
0xc1: {  	s21 =	simm.s32 $0x880;
	[sflag:s22] =	ssyncadd.s32 $0xFFFFC000  }
0xc2: {  	[spmem:s2] =	stream.indirect.scatter.add.f32 [tilespmem:s19], [sflag:$0x4], $0x80, s21, s16, $0xb8;
	[tilespmem:$0x1D000] =	vst v63  }
0xc3: {  	_ =	swait.ge [sflag:s18], $0x4000  }
0xc4: {  	[sflag:s18] =	ssyncset.done $0x0  }
0xc5: {  	s23 =	simm.s32 $0x900;
	[sflag:s18] =	ssyncadd.s32 $0xFFFFC000  }
0xc6: {  	[spmem:s2] =	stream.indirect.scatter.add.f32 [tilespmem:s17], [sflag:$0x3], $0x80, s23, s16, $0xb8;
	[tilespmem:$0x1D000] =	vst v63  }
0xc7: {  	_ =	swait.ge [sflag:s25], $0x4000  }
0xc8: {  	[sflag:s25] =	ssyncset.done $0x0  }
0xc9: {  	s21 =	simm.s32 $0x180;
	[sflag:s25] =	ssyncadd.s32 $0xFFFFC000  }
0xca: {  	[tilespmem:s19], [sflag:$0x2] =	stream.indirect.gather [hbm4b:s4+s16], $0x80, s21, s16, $0xb8;
	[tilespmem:$0x1D000] =	vst v63  }
0xcb: {  	_ =	swait.ge [sflag:s20], $0x4000  }
0xcc: {  	[sflag:s20] =	ssyncset.done $0x0  }
0xcd: {  	s23 =	simm.s32 $0x200;
	[sflag:s20] =	ssyncadd.s32 $0xFFFFC000  }
0xce: {  	[tilespmem:s17], [sflag:$0x1] =	stream.indirect.gather [hbm4b:s4+s16], $0x80, s23, s16, $0xb8;
	[tilespmem:$0x1D000] =	vst v63  }
0xcf: {  	_ =	swait.ge [sflag:s22], $0x4000  }
0xd0: {  	[sflag:s22] =	ssyncset.done $0x0  }
0xd1: {  	s21 =	simm.s32 $0x980;
	[sflag:s22] =	ssyncadd.s32 $0xFFFFC000  }
0xd2: {  	[spmem:s2] =	stream.indirect.scatter.add.f32 [tilespmem:s19], [sflag:$0x4], $0x80, s21, s16, $0xb8;
	[tilespmem:$0x1D000] =	vst v63  }
0xd3: {  	_ =	swait.ge [sflag:s18], $0x4000  }
0xd4: {  	[sflag:s18] =	ssyncset.done $0x0  }
0xd5: {  	s23 =	simm.s32 $0xA00;
	[sflag:s18] =	ssyncadd.s32 $0xFFFFC000  }
0xd6: {  	[spmem:s2] =	stream.indirect.scatter.add.f32 [tilespmem:s17], [sflag:$0x3], $0x80, s23, s16, $0xb8;
	[tilespmem:$0x1D000] =	vst v63  }
0xd7: {  	_ =	swait.ge [sflag:s25], $0x4000  }
0xd8: {  	[sflag:s25] =	ssyncset.done $0x0  }
0xd9: {  	s21 =	simm.s32 $0x280;
	[sflag:s25] =	ssyncadd.s32 $0xFFFFC000  }
0xda: {  	[tilespmem:s19], [sflag:$0x2] =	stream.indirect.gather [hbm4b:s4+s16], $0x80, s21, s16, $0xb8;
	[tilespmem:$0x1D000] =	vst v63  }
0xdb: {  	_ =	swait.ge [sflag:s20], $0x4000  }
0xdc: {  	[sflag:s20] =	ssyncset.done $0x0  }
0xdd: {  	s23 =	simm.s32 $0x300;
	[sflag:s20] =	ssyncadd.s32 $0xFFFFC000  }
0xde: {  	[tilespmem:s17], [sflag:$0x1] =	stream.indirect.gather [hbm4b:s4+s16], $0x80, s23, s16, $0xb8;
	[tilespmem:$0x1D000] =	vst v63  }
0xdf: {  	_ =	swait.ge [sflag:s22], $0x4000  }
0xe0: {  	[sflag:s22] =	ssyncset.done $0x0  }
0xe1: {  	s21 =	simm.s32 $0xA80;
	[sflag:s22] =	ssyncadd.s32 $0xFFFFC000  }
0xe2: {  	[spmem:s2] =	stream.indirect.scatter.add.f32 [tilespmem:s19], [sflag:$0x4], $0x80, s21, s16, $0xb8;
	[tilespmem:$0x1D000] =	vst v63  }
0xe3: {  	_ =	swait.ge [sflag:s18], $0x4000  }
0xe4: {  	[sflag:s18] =	ssyncset.done $0x0  }
0xe5: {  	s23 =	simm.s32 $0xB00;
	[sflag:s18] =	ssyncadd.s32 $0xFFFFC000  }
0xe6: {  	[spmem:s2] =	stream.indirect.scatter.add.f32 [tilespmem:s17], [sflag:$0x3], $0x80, s23, s16, $0xb8;
	[tilespmem:$0x1D000] =	vst v63  }
0xe7: {  	_ =	swait.ge [sflag:s25], $0x4000  }
0xe8: {  	[sflag:s25] =	ssyncset.done $0x0  }
0xe9: {  	s21 =	simm.s32 $0x380;
	[sflag:s25] =	ssyncadd.s32 $0xFFFFC000  }
0xea: {  	[tilespmem:s19], [sflag:$0x2] =	stream.indirect.gather [hbm4b:s4+s16], $0x80, s21, s16, $0xb8;
	[tilespmem:$0x1D000] =	vst v63  }
0xeb: {  	_ =	swait.ge [sflag:s20], $0x4000  }
0xec: {  	[sflag:s20] =	ssyncset.done $0x0  }
0xed: {  	s23 =	simm.s32 $0x400;
	[sflag:s20] =	ssyncadd.s32 $0xFFFFC000  }
0xee: {  	[tilespmem:s17], [sflag:$0x1] =	stream.indirect.gather [hbm4b:s4+s16], $0x80, s23, s16, $0xb8;
	[tilespmem:$0x1D000] =	vst v63  }
0xef: {  	_ =	swait.ge [sflag:s22], $0x4000  }
0xf0: {  	[sflag:s22] =	ssyncset.done $0x0  }
0xf1: {  	s21 =	simm.s32 $0xB80;
	[sflag:s22] =	ssyncadd.s32 $0xFFFFC000  }
0xf2: {  	[spmem:s2] =	stream.indirect.scatter.add.f32 [tilespmem:s19], [sflag:$0x4], $0x80, s21, s16, $0xb8;
	[tilespmem:$0x1D000] =	vst v63  }
0xf3: {  	_ =	swait.ge [sflag:s18], $0x4000  }
0xf4: {  	[sflag:s18] =	ssyncset.done $0x0  }
0xf5: {  	s23 =	simm.s32 $0xC00;
	[sflag:s18] =	ssyncadd.s32 $0xFFFFC000  }
0xf6: {  	[spmem:s2] =	stream.indirect.scatter.add.f32 [tilespmem:s17], [sflag:$0x3], $0x80, s23, s16, $0xb8;
	[tilespmem:$0x1D000] =	vst v63  }
0xf7: {  	_ =	swait.ge [sflag:s25], $0x4000  }
0xf8: {  	[sflag:s25] =	ssyncset.done $0x0  }
0xf9: {  	[sflag:s25] =	ssyncadd.s32 $0xFFFFC000  }
0xfa: {  	[tilespmem:s19], [sflag:$0x2] =	stream.indirect.gather [hbm4b:s4+s16], $0x80, s26, s16, $0xb8;
	[tilespmem:$0x1D000] =	vst v63  }
0xfb: {  	_ =	swait.ge [sflag:s20], $0x4000  }
0xfc: {  	[sflag:s20] =	ssyncset.done $0x0  }
0xfd: {  	[sflag:s20] =	ssyncadd.s32 $0xFFFFC000  }
0xfe: {  	[tilespmem:s17], [sflag:$0x1] =	stream.indirect.gather [hbm4b:s4+s16], $0x80, s28, s16, $0xb8;
	[tilespmem:$0x1D000] =	vst v63  }
0xff: {  	_ =	swait.ge [sflag:s22], $0x4000  }
0x100: {  	[sflag:s22] =	ssyncset.done $0x0  }
0x101: {  	[sflag:s22] =	ssyncadd.s32 $0xFFFFC000  }
0x102: {  	[spmem:s2] =	stream.indirect.scatter.add.f32 [tilespmem:s19], [sflag:$0x4], $0x80, s29, s16, $0xb8;
	[tilespmem:$0x1D000] =	vst v63  }
0x103: {  	_ =	swait.ge [sflag:s18], $0x4000  }
0x104: {  	[sflag:s18] =	ssyncset.done $0x0  }
0x105: {  	[sflag:s18] =	ssyncadd.s32 $0xFFFFC000  }
0x106: {  	[spmem:s2] =	stream.indirect.scatter.add.f32 [tilespmem:s17], [sflag:$0x3], $0x80, s30, s16, $0xb8;
	[tilespmem:$0x1D000] =	vst v63  }
0x107: {  	_ =	swait.ge [sflag:s25], $0x4000  }
0x108: {  	[sflag:s25] =	ssyncset.done $0x0  }
0x109: {  	[sflag:s25] =	ssyncadd.s32 $0xFFFFC000  }
0x10a: {  	[tilespmem:s19], [sflag:$0x2] =	stream.indirect.gather [hbm4b:s4+s16], $0x80, s31, s16, $0xb8;
	[tilespmem:$0x1D000] =	vst v63  }
0x10b: {  	_ =	swait.ge [sflag:s20], $0x4000  }
0x10c: {  	[sflag:s20] =	ssyncset.done $0x0  }
0x10d: {  	[sflag:s20] =	ssyncadd.s32 $0xFFFFC000  }
0x10e: {  	[tilespmem:s17], [sflag:$0x1] =	stream.indirect.gather [hbm4b:s4+s16], $0x80, s1, s16, $0xb8;
	[tilespmem:$0x1D000] =	vst v63  }
0x10f: {  	_ =	swait.ge [sflag:s22], $0x4000  }
0x110: {  	[sflag:s22] =	ssyncset.done $0x0  }
0x111: {  	[sflag:s22] =	ssyncadd.s32 $0xFFFFC000  }
0x112: {  	[spmem:s2] =	stream.indirect.scatter.add.f32 [tilespmem:s19], [sflag:$0x4], $0x80, s0, s16, $0xb8;
	[tilespmem:$0x1D000] =	vst v63  }
0x113: {  	_ =	swait.ge [sflag:s18], $0x4000  }
0x114: {  	[sflag:s18] =	ssyncset.done $0x0  }
0x115: {  	[sflag:s18] =	ssyncadd.s32 $0xFFFFC000  }
0x116: {  	[spmem:s2] =	stream.indirect.scatter.add.f32 [tilespmem:s17], [sflag:$0x3], $0x80, s8, s16, $0xb8;
	[tilespmem:$0x1D000] =	vst v63  }
0x117: {  	_ =	swait.ge [sflag:s25], $0x4000  }
0x118: {  	[sflag:s25] =	ssyncset.done $0x0  }
0x119: {  	[sflag:s25] =	ssyncadd.s32 $0xFFFFC000  }
0x11a: {  	[tilespmem:s19], [sflag:$0x2] =	stream.indirect.gather [hbm4b:s4+s16], $0x80, s9, s16, $0xb8;
	[tilespmem:$0x1D000] =	vst v63  }
0x11b: {  	_ =	swait.ge [sflag:s20], $0x4000  }
0x11c: {  	[sflag:s20] =	ssyncset.done $0x0  }
0x11d: {  	[sflag:s20] =	ssyncadd.s32 $0xFFFFC000  }
0x11e: {  	[tilespmem:s17], [sflag:$0x1] =	stream.indirect.gather [hbm4b:s4+s16], $0x80, s10, s16, $0xb8;
	[tilespmem:$0x1D000] =	vst v63  }
0x11f: {  	_ =	swait.ge [sflag:s22], $0x4000  }
0x120: {  	[sflag:s22] =	ssyncset.done $0x0  }
0x121: {  	[sflag:s22] =	ssyncadd.s32 $0xFFFFC000  }
0x122: {  	[spmem:s2] =	stream.indirect.scatter.add.f32 [tilespmem:s19], [sflag:$0x4], $0x80, s11, s16, $0xb8;
	[tilespmem:$0x1D000] =	vst v63  }
0x123: {  	_ =	swait.ge [sflag:s18], $0x4000  }
0x124: {  	[sflag:s18] =	ssyncset.done $0x0  }
0x125: {  	[sflag:s18] =	ssyncadd.s32 $0xFFFFC000  }
0x126: {  	[spmem:s2] =	stream.indirect.scatter.add.f32 [tilespmem:s17], [sflag:$0x3], $0x80, s12, s16, $0xb8;
	[tilespmem:$0x1D000] =	vst v63  }
0x127: {  	_ =	swait.ge [sflag:s25], $0x4000  }
0x128: {  	[sflag:s25] =	ssyncset.done $0x0  }
0x129: {  	[sflag:s25] =	ssyncadd.s32 $0xFFFFC000  }
0x12a: {  	[tilespmem:s19], [sflag:$0x2] =	stream.indirect.gather [hbm4b:s4+s16], $0x80, s15, s16, $0xb8;
	[tilespmem:$0x1D000] =	vst v63  }
0x12b: {  	_ =	swait.ge [sflag:s20], $0x4000  }
0x12c: {  	[sflag:s20] =	ssyncset.done $0x0  }
0x12d: {  	[sflag:s20] =	ssyncadd.s32 $0xFFFFC000  }
0x12e: {  	_ =	swait.ge [sflag:s22], $0x4000  }
.Ltmp0:
0x12f: {  	[sflag:s22] =	ssyncset.done $0x0;
	(pc) =	sbr.rel @p0 .LBB2_2-.Ltmp0, $4  }
0x130: {  	[sflag:s22] =	ssyncadd.s32 $0xFFFFC000  }
0x131: {  	[spmem:s2] =	stream.indirect.scatter.add.f32 [tilespmem:s19], [sflag:$0x4], $0x80, s24, s16, $0xb8;
	[tilespmem:$0x1D000] =	vst v63  }
0x132: {  	_ =	swait.ge [sflag:s25], $0x4000  }
0x133: {  	s7 =	smov.u32 s13;
	[sflag:s25] =	ssyncset.done $0x0  }
0x134: {  	s1 =	rddreg [dreg:$0x5]  }
0x135: {  	[sflag:s25] =	ssyncadd.s32 $0xFFFFC000;
	s7 =	sadd.s32 s6, s1  }
0x136: {  	[tilespmem:s3], [sflag:$0x5] =	stream.linear.gather [hbm4b:s7+s3], $0x800, $0x38;
	[tilespmem:$0x1D000] =	vst v63  }
0x137: {  	_ =	swait.ge [sflag:s14], $0x800  }
0x138: {  	[sflag:s14] =	ssyncset.done $0x0;
	s0 =	rddreg [dreg:$0x4]  }
0x139: {  	s8 =	simm.s32 $0x800;
	[sflag:s14] =	ssyncadd.s32 $0xFFFFF800;
	s26 =	sadd.s32 s6, s0  }
0x13a: {  	[tilespmem:s8], [sflag:$0x5] =	stream.linear.gather [hbm4b:s26+s3], $0x800, $0x38;
	[tilespmem:$0x1D000] =	vst v63  }
0x13b: {  	_ =	swait.ge [sflag:s14], $0x800  }
0x13c: {  	[sflag:s14] =	ssyncset.done $0x0  }
0x13d: {  	[sflag:s14] =	ssyncadd.s32 $0xFFFFF800  }
0x13e: {  	[tilespmem:s17], [sflag:$0x1] =	stream.indirect.gather [hbm4b:s4+s16], $0x80, s3, s16, $0xb8;
	[tilespmem:$0x1D000] =	vst v63  }
0x13f: {  	_ =	swait.ge [sflag:s18], $0x4000  }
0x140: {  	[sflag:s18] =	ssyncset.done $0x0  }
0x141: {  	[sflag:s18] =	ssyncadd.s32 $0xFFFFC000  }
0x142: {  	[spmem:s2] =	stream.indirect.scatter.add.f32 [tilespmem:s17], [sflag:$0x3], $0x80, s8, s16, $0xb8;
	[tilespmem:$0x1D000] =	vst v63  }
0x143: {  	_ = 	snop  }
0x144: {  	[tilespmem:s19], [sflag:$0x2] =	stream.indirect.gather [hbm4b:s4+s16], $0x80, s16, s16, $0xb8;
	[tilespmem:$0x1D000] =	vst v63  }
0x145: {  	_ =	swait.ge [sflag:s20], $0x4000  }
0x146: {  	[sflag:s20] =	ssyncset.done $0x0  }
0x147: {  	s21 =	simm.s32 $0x100;
	[sflag:s20] =	ssyncadd.s32 $0xFFFFC000  }
0x148: {  	[tilespmem:s17], [sflag:$0x1] =	stream.indirect.gather [hbm4b:s4+s16], $0x80, s21, s16, $0xb8;
	[tilespmem:$0x1D000] =	vst v63  }
0x149: {  	_ =	swait.ge [sflag:s22], $0x4000  }
0x14a: {  	[sflag:s22] =	ssyncset.done $0x0  }
0x14b: {  	s23 =	simm.s32 $0x880;
	[sflag:s22] =	ssyncadd.s32 $0xFFFFC000  }
0x14c: {  	[spmem:s2] =	stream.indirect.scatter.add.f32 [tilespmem:s19], [sflag:$0x4], $0x80, s23, s16, $0xb8;
	[tilespmem:$0x1D000] =	vst v63  }
0x14d: {  	_ =	swait.ge [sflag:s18], $0x4000  }
0x14e: {  	[sflag:s18] =	ssyncset.done $0x0  }
0x14f: {  	s9 =	simm.s32 $0x900;
	[sflag:s18] =	ssyncadd.s32 $0xFFFFC000  }
0x150: {  	[spmem:s2] =	stream.indirect.scatter.add.f32 [tilespmem:s17], [sflag:$0x3], $0x80, s9, s16, $0xb8;
	[tilespmem:$0x1D000] =	vst v63  }
0x151: {  	_ =	swait.ge [sflag:s25], $0x4000  }
0x152: {  	[sflag:s25] =	ssyncset.done $0x0  }
0x153: {  	s10 =	simm.s32 $0x180;
	[sflag:s25] =	ssyncadd.s32 $0xFFFFC000  }
0x154: {  	[tilespmem:s19], [sflag:$0x2] =	stream.indirect.gather [hbm4b:s4+s16], $0x80, s10, s16, $0xb8;
	[tilespmem:$0x1D000] =	vst v63  }
0x155: {  	_ =	swait.ge [sflag:s20], $0x4000  }
0x156: {  	[sflag:s20] =	ssyncset.done $0x0  }
0x157: {  	s11 =	simm.s32 $0x200;
	[sflag:s20] =	ssyncadd.s32 $0xFFFFC000  }
0x158: {  	[tilespmem:s17], [sflag:$0x1] =	stream.indirect.gather [hbm4b:s4+s16], $0x80, s11, s16, $0xb8;
	[tilespmem:$0x1D000] =	vst v63  }
0x159: {  	_ =	swait.ge [sflag:s22], $0x4000  }
0x15a: {  	[sflag:s22] =	ssyncset.done $0x0  }
0x15b: {  	s12 =	simm.s32 $0x980;
	[sflag:s22] =	ssyncadd.s32 $0xFFFFC000  }
0x15c: {  	[spmem:s2] =	stream.indirect.scatter.add.f32 [tilespmem:s19], [sflag:$0x4], $0x80, s12, s16, $0xb8;
	[tilespmem:$0x1D000] =	vst v63  }
0x15d: {  	_ =	swait.ge [sflag:s18], $0x4000  }
0x15e: {  	[sflag:s18] =	ssyncset.done $0x0  }
0x15f: {  	s15 =	simm.s32 $0xA00;
	[sflag:s18] =	ssyncadd.s32 $0xFFFFC000  }
0x160: {  	[spmem:s2] =	stream.indirect.scatter.add.f32 [tilespmem:s17], [sflag:$0x3], $0x80, s15, s16, $0xb8;
	[tilespmem:$0x1D000] =	vst v63  }
0x161: {  	_ =	swait.ge [sflag:s25], $0x4000  }
0x162: {  	[sflag:s25] =	ssyncset.done $0x0  }
0x163: {  	s24 =	simm.s32 $0x280;
	[sflag:s25] =	ssyncadd.s32 $0xFFFFC000  }
0x164: {  	[tilespmem:s19], [sflag:$0x2] =	stream.indirect.gather [hbm4b:s4+s16], $0x80, s24, s16, $0xb8;
	[tilespmem:$0x1D000] =	vst v63  }
0x165: {  	_ =	swait.ge [sflag:s20], $0x4000  }
0x166: {  	[sflag:s20] =	ssyncset.done $0x0  }
0x167: {  	s26 =	simm.s32 $0x300;
	[sflag:s20] =	ssyncadd.s32 $0xFFFFC000  }
0x168: {  	[tilespmem:s17], [sflag:$0x1] =	stream.indirect.gather [hbm4b:s4+s16], $0x80, s26, s16, $0xb8;
	[tilespmem:$0x1D000] =	vst v63  }
0x169: {  	_ =	swait.ge [sflag:s22], $0x4000  }
0x16a: {  	[sflag:s22] =	ssyncset.done $0x0  }
0x16b: {  	s28 =	simm.s32 $0xA80;
	[sflag:s22] =	ssyncadd.s32 $0xFFFFC000  }
0x16c: {  	[spmem:s2] =	stream.indirect.scatter.add.f32 [tilespmem:s19], [sflag:$0x4], $0x80, s28, s16, $0xb8;
	[tilespmem:$0x1D000] =	vst v63  }
0x16d: {  	_ =	swait.ge [sflag:s18], $0x4000  }
0x16e: {  	[sflag:s18] =	ssyncset.done $0x0  }
0x16f: {  	s29 =	simm.s32 $0xB00;
	[sflag:s18] =	ssyncadd.s32 $0xFFFFC000  }
0x170: {  	[spmem:s2] =	stream.indirect.scatter.add.f32 [tilespmem:s17], [sflag:$0x3], $0x80, s29, s16, $0xb8;
	[tilespmem:$0x1D000] =	vst v63  }
0x171: {  	_ =	swait.ge [sflag:s25], $0x4000  }
0x172: {  	[sflag:s25] =	ssyncset.done $0x0  }
0x173: {  	s30 =	simm.s32 $0x380;
	[sflag:s25] =	ssyncadd.s32 $0xFFFFC000  }
0x174: {  	[tilespmem:s19], [sflag:$0x2] =	stream.indirect.gather [hbm4b:s4+s16], $0x80, s30, s16, $0xb8;
	[tilespmem:$0x1D000] =	vst v63  }
0x175: {  	_ =	swait.ge [sflag:s20], $0x4000  }
0x176: {  	[sflag:s20] =	ssyncset.done $0x0  }
0x177: {  	s31 =	simm.s32 $0x400;
	[sflag:s20] =	ssyncadd.s32 $0xFFFFC000  }
0x178: {  	[tilespmem:s17], [sflag:$0x1] =	stream.indirect.gather [hbm4b:s4+s16], $0x80, s31, s16, $0xb8;
	[tilespmem:$0x1D000] =	vst v63  }
0x179: {  	_ =	swait.ge [sflag:s22], $0x4000  }
0x17a: {  	[sflag:s22] =	ssyncset.done $0x0  }
0x17b: {  	s7 =	simm.s32 $0xB80;
	[sflag:s22] =	ssyncadd.s32 $0xFFFFC000  }
0x17c: {  	[spmem:s2] =	stream.indirect.scatter.add.f32 [tilespmem:s19], [sflag:$0x4], $0x80, s7, s16, $0xb8;
	[tilespmem:$0x1D000] =	vst v63  }
0x17d: {  	_ =	swait.ge [sflag:s18], $0x4000  }
0x17e: {  	[sflag:s18] =	ssyncset.done $0x0  }
0x17f: {  	s13 =	simm.s32 $0xC00;
	[sflag:s18] =	ssyncadd.s32 $0xFFFFC000  }
0x180: {  	[spmem:s2] =	stream.indirect.scatter.add.f32 [tilespmem:s17], [sflag:$0x3], $0x80, s13, s16, $0xb8;
	[tilespmem:$0x1D000] =	vst v63  }
0x181: {  	_ =	swait.ge [sflag:s25], $0x4000  }
0x182: {  	[sflag:s25] =	ssyncset.done $0x0  }
0x183: {  	s7 =	simm.s32 $0x480;
	[sflag:s25] =	ssyncadd.s32 $0xFFFFC000  }
0x184: {  	[tilespmem:s19], [sflag:$0x2] =	stream.indirect.gather [hbm4b:s4+s16], $0x80, s7, s16, $0xb8;
	[tilespmem:$0x1D000] =	vst v63  }
0x185: {  	_ =	swait.ge [sflag:s20], $0x4000  }
0x186: {  	[sflag:s20] =	ssyncset.done $0x0  }
0x187: {  	s13 =	simm.s32 $0x500;
	[sflag:s20] =	ssyncadd.s32 $0xFFFFC000  }
0x188: {  	[tilespmem:s17], [sflag:$0x1] =	stream.indirect.gather [hbm4b:s4+s16], $0x80, s13, s16, $0xb8;
	[tilespmem:$0x1D000] =	vst v63  }
0x189: {  	_ =	swait.ge [sflag:s22], $0x4000  }
0x18a: {  	[sflag:s22] =	ssyncset.done $0x0  }
0x18b: {  	s7 =	simm.s32 $0xC80;
	[sflag:s22] =	ssyncadd.s32 $0xFFFFC000  }
0x18c: {  	[spmem:s2] =	stream.indirect.scatter.add.f32 [tilespmem:s19], [sflag:$0x4], $0x80, s7, s16, $0xb8;
	[tilespmem:$0x1D000] =	vst v63  }
0x18d: {  	_ =	swait.ge [sflag:s18], $0x4000  }
0x18e: {  	[sflag:s18] =	ssyncset.done $0x0  }
0x18f: {  	s13 =	simm.s32 $0xD00;
	[sflag:s18] =	ssyncadd.s32 $0xFFFFC000  }
0x190: {  	[spmem:s2] =	stream.indirect.scatter.add.f32 [tilespmem:s17], [sflag:$0x3], $0x80, s13, s16, $0xb8;
	[tilespmem:$0x1D000] =	vst v63  }
0x191: {  	_ =	swait.ge [sflag:s25], $0x4000  }
0x192: {  	[sflag:s25] =	ssyncset.done $0x0  }
0x193: {  	s7 =	simm.s32 $0x580;
	[sflag:s25] =	ssyncadd.s32 $0xFFFFC000  }
0x194: {  	[tilespmem:s19], [sflag:$0x2] =	stream.indirect.gather [hbm4b:s4+s16], $0x80, s7, s16, $0xb8;
	[tilespmem:$0x1D000] =	vst v63  }
0x195: {  	_ =	swait.ge [sflag:s20], $0x4000  }
0x196: {  	[sflag:s20] =	ssyncset.done $0x0  }
0x197: {  	s13 =	simm.s32 $0x600;
	[sflag:s20] =	ssyncadd.s32 $0xFFFFC000  }
0x198: {  	[tilespmem:s17], [sflag:$0x1] =	stream.indirect.gather [hbm4b:s4+s16], $0x80, s13, s16, $0xb8;
	[tilespmem:$0x1D000] =	vst v63  }
0x199: {  	_ =	swait.ge [sflag:s22], $0x4000  }
0x19a: {  	[sflag:s22] =	ssyncset.done $0x0  }
0x19b: {  	s7 =	simm.s32 $0xD80;
	[sflag:s22] =	ssyncadd.s32 $0xFFFFC000  }
0x19c: {  	[spmem:s2] =	stream.indirect.scatter.add.f32 [tilespmem:s19], [sflag:$0x4], $0x80, s7, s16, $0xb8;
	[tilespmem:$0x1D000] =	vst v63  }
0x19d: {  	_ =	swait.ge [sflag:s18], $0x4000  }
0x19e: {  	[sflag:s18] =	ssyncset.done $0x0  }
0x19f: {  	s13 =	simm.s32 $0xE00;
	[sflag:s18] =	ssyncadd.s32 $0xFFFFC000  }
0x1a0: {  	[spmem:s2] =	stream.indirect.scatter.add.f32 [tilespmem:s17], [sflag:$0x3], $0x80, s13, s16, $0xb8;
	[tilespmem:$0x1D000] =	vst v63  }
0x1a1: {  	_ =	swait.ge [sflag:s25], $0x4000  }
0x1a2: {  	[sflag:s25] =	ssyncset.done $0x0  }
0x1a3: {  	s7 =	simm.s32 $0x680;
	[sflag:s25] =	ssyncadd.s32 $0xFFFFC000  }
0x1a4: {  	[tilespmem:s19], [sflag:$0x2] =	stream.indirect.gather [hbm4b:s4+s16], $0x80, s7, s16, $0xb8;
	[tilespmem:$0x1D000] =	vst v63  }
0x1a5: {  	_ =	swait.ge [sflag:s20], $0x4000  }
0x1a6: {  	[sflag:s20] =	ssyncset.done $0x0  }
0x1a7: {  	s13 =	simm.s32 $0x700;
	[sflag:s20] =	ssyncadd.s32 $0xFFFFC000  }
0x1a8: {  	[tilespmem:s17], [sflag:$0x1] =	stream.indirect.gather [hbm4b:s4+s16], $0x80, s13, s16, $0xb8;
	[tilespmem:$0x1D000] =	vst v63  }
0x1a9: {  	_ =	swait.ge [sflag:s22], $0x4000  }
0x1aa: {  	[sflag:s22] =	ssyncset.done $0x0  }
0x1ab: {  	s7 =	simm.s32 $0xE80;
	[sflag:s22] =	ssyncadd.s32 $0xFFFFC000  }
0x1ac: {  	[spmem:s2] =	stream.indirect.scatter.add.f32 [tilespmem:s19], [sflag:$0x4], $0x80, s7, s16, $0xb8;
	[tilespmem:$0x1D000] =	vst v63  }
0x1ad: {  	_ =	swait.ge [sflag:s18], $0x4000  }
0x1ae: {  	[sflag:s18] =	ssyncset.done $0x0  }
0x1af: {  	s13 =	simm.s32 $0xF00;
	[sflag:s18] =	ssyncadd.s32 $0xFFFFC000  }
0x1b0: {  	[spmem:s2] =	stream.indirect.scatter.add.f32 [tilespmem:s17], [sflag:$0x3], $0x80, s13, s16, $0xb8;
	[tilespmem:$0x1D000] =	vst v63  }
0x1b1: {  	_ =	swait.ge [sflag:s25], $0x4000  }
0x1b2: {  	[sflag:s25] =	ssyncset.done $0x0  }
0x1b3: {  	s7 =	simm.s32 $0x780;
	[sflag:s25] =	ssyncadd.s32 $0xFFFFC000  }
0x1b4: {  	[tilespmem:s19], [sflag:$0x2] =	stream.indirect.gather [hbm4b:s4+s16], $0x80, s7, s16, $0xb8;
	[tilespmem:$0x1D000] =	vst v63  }
0x1b5: {  	_ =	swait.ge [sflag:s20], $0x4000  }
0x1b6: {  	[sflag:s20] =	ssyncset.done $0x0  }
0x1b7: {  	[sflag:s20] =	ssyncadd.s32 $0xFFFFC000  }
0x1b8: {  	_ =	swait.ge [sflag:s22], $0x4000  }
0x1b9: {  	[sflag:s22] =	ssyncset.done $0x0  }
0x1ba: {  	s13 =	simm.s32 $0xF80;
	[sflag:s22] =	ssyncadd.s32 $0xFFFFC000  }
0x1bb: {  	[spmem:s2] =	stream.indirect.scatter.add.f32 [tilespmem:s19], [sflag:$0x4], $0x80, s13, s16, $0xb8;
	[tilespmem:$0x1D000] =	vst v63  }
0x1bc: {  	_ =	swait.ge [sflag:s25], $0x4000  }
0x1bd: {  	[sflag:s25] =	ssyncset.done $0x0  }
0x1be: {  	[sflag:s25] =	ssyncadd.s32 $0xFFFFC000  }
0x1bf: {  	[bflag:$0x0] =	sbarrier.arrive $0xFFFF  }
0x1c0: {  	s7 =	rddreg [dreg:$0x7]  }
0x1c1: {  	s6 =	rddreg [dreg:$0x8]  }
0x1c2: {  	s13 =	rddreg [dreg:$0xb]  }
0x1c3: {  	[hbm:s6], [sflag:s7] =	dma.local [spmem:s13], $0x2800  }
0x1c4: {  	_ =	swait.ge [sflag:s14], $0x2800  }
0x1c5: {  	[sflag:s14] =	ssyncset.done $0x0  }
0x1c6: {  	[sflag:s14] =	ssyncadd.s32 $0xFFFFD800  }
0x1c7: {  	[bflag:$0x0] =	sbarrier.arrive $0xFFFF  }
0x1c8: {  	s6 =	rddreg [dreg:$0x6]  }
0x1c9: {  	[spmem:s13], [sflag:s7] =	dma.local [hbm:s6], $0x2800  }
0x1ca: {  	_ =	swait.ge [sflag:s14], $0x2800  }
0x1cb: {  	[sflag:s14] =	ssyncset.done $0x0  }
0x1cc: {  	[sflag:s14] =	ssyncadd.s32 $0xFFFFD800  }
0x1cd: {  	s7 =	sadd.s32 $0x0, s1;
	[bflag:$0x0] =	sbarrier.arrive $0xFFFF  }
0x1ce: {  	[tilespmem:s3], [sflag:$0x5] =	stream.linear.gather [hbm4b:s7+s3], $0x800, $0x38;
	[tilespmem:$0x1D000] =	vst v63  }
0x1cf: {  	_ =	swait.ge [sflag:s14], $0x800  }
0x1d0: {  	[sflag:s14] =	ssyncset.done $0x0  }
0x1d1: {  	s13 =	sadd.s32 $0x0, s0;
	[sflag:s14] =	ssyncadd.s32 $0xFFFFF800  }
0x1d2: {  	[tilespmem:s8], [sflag:$0x5] =	stream.linear.gather [hbm4b:s13+s3], $0x800, $0x38;
	[tilespmem:$0x1D000] =	vst v63  }
0x1d3: {  	_ =	swait.ge [sflag:s14], $0x800  }
0x1d4: {  	[sflag:s14] =	ssyncset.done $0x0  }
0x1d5: {  	[sflag:s14] =	ssyncadd.s32 $0xFFFFF800  }
0x1d6: {  	[tilespmem:s17], [sflag:$0x1] =	stream.indirect.gather [hbm4b:s5+s16], $0x80, s3, s16, $0xb8;
	[tilespmem:$0x1D000] =	vst v63  }
0x1d7: {  	_ =	swait.ge [sflag:s18], $0x4000  }
0x1d8: {  	[sflag:s18] =	ssyncset.done $0x0  }
0x1d9: {  	[sflag:s18] =	ssyncadd.s32 $0xFFFFC000  }
0x1da: {  	[spmem:s2] =	stream.indirect.scatter.add.f32 [tilespmem:s17], [sflag:$0x3], $0x80, s8, s16, $0xb8;
	[tilespmem:$0x1D000] =	vst v63  }
0x1db: {  	_ = 	snop  }
0x1dc: {  	[tilespmem:s19], [sflag:$0x2] =	stream.indirect.gather [hbm4b:s5+s16], $0x80, s16, s16, $0xb8;
	[tilespmem:$0x1D000] =	vst v63  }
0x1dd: {  	_ =	swait.ge [sflag:s20], $0x4000  }
0x1de: {  	[sflag:s20] =	ssyncset.done $0x0  }
0x1df: {  	[sflag:s20] =	ssyncadd.s32 $0xFFFFC000  }
0x1e0: {  	[tilespmem:s17], [sflag:$0x1] =	stream.indirect.gather [hbm4b:s5+s16], $0x80, s21, s16, $0xb8;
	[tilespmem:$0x1D000] =	vst v63  }
0x1e1: {  	_ =	swait.ge [sflag:s22], $0x4000  }
0x1e2: {  	[sflag:s22] =	ssyncset.done $0x0  }
0x1e3: {  	[sflag:s22] =	ssyncadd.s32 $0xFFFFC000  }
0x1e4: {  	[spmem:s2] =	stream.indirect.scatter.add.f32 [tilespmem:s19], [sflag:$0x4], $0x80, s23, s16, $0xb8;
	[tilespmem:$0x1D000] =	vst v63  }
0x1e5: {  	_ =	swait.ge [sflag:s18], $0x4000  }
0x1e6: {  	[sflag:s18] =	ssyncset.done $0x0  }
0x1e7: {  	[sflag:s18] =	ssyncadd.s32 $0xFFFFC000  }
0x1e8: {  	[spmem:s2] =	stream.indirect.scatter.add.f32 [tilespmem:s17], [sflag:$0x3], $0x80, s9, s16, $0xb8;
	[tilespmem:$0x1D000] =	vst v63  }
0x1e9: {  	_ =	swait.ge [sflag:s25], $0x4000  }
0x1ea: {  	[sflag:s25] =	ssyncset.done $0x0  }
0x1eb: {  	[sflag:s25] =	ssyncadd.s32 $0xFFFFC000  }
0x1ec: {  	[tilespmem:s19], [sflag:$0x2] =	stream.indirect.gather [hbm4b:s5+s16], $0x80, s10, s16, $0xb8;
	[tilespmem:$0x1D000] =	vst v63  }
0x1ed: {  	_ =	swait.ge [sflag:s20], $0x4000  }
0x1ee: {  	[sflag:s20] =	ssyncset.done $0x0  }
0x1ef: {  	[sflag:s20] =	ssyncadd.s32 $0xFFFFC000  }
0x1f0: {  	[tilespmem:s17], [sflag:$0x1] =	stream.indirect.gather [hbm4b:s5+s16], $0x80, s11, s16, $0xb8;
	[tilespmem:$0x1D000] =	vst v63  }
0x1f1: {  	_ =	swait.ge [sflag:s22], $0x4000  }
0x1f2: {  	[sflag:s22] =	ssyncset.done $0x0  }
0x1f3: {  	[sflag:s22] =	ssyncadd.s32 $0xFFFFC000  }
0x1f4: {  	[spmem:s2] =	stream.indirect.scatter.add.f32 [tilespmem:s19], [sflag:$0x4], $0x80, s12, s16, $0xb8;
	[tilespmem:$0x1D000] =	vst v63  }
0x1f5: {  	_ =	swait.ge [sflag:s18], $0x4000  }
0x1f6: {  	[sflag:s18] =	ssyncset.done $0x0  }
0x1f7: {  	[sflag:s18] =	ssyncadd.s32 $0xFFFFC000  }
0x1f8: {  	[spmem:s2] =	stream.indirect.scatter.add.f32 [tilespmem:s17], [sflag:$0x3], $0x80, s15, s16, $0xb8;
	[tilespmem:$0x1D000] =	vst v63  }
0x1f9: {  	_ =	swait.ge [sflag:s25], $0x4000  }
0x1fa: {  	[sflag:s25] =	ssyncset.done $0x0  }
0x1fb: {  	[sflag:s25] =	ssyncadd.s32 $0xFFFFC000  }
0x1fc: {  	[tilespmem:s19], [sflag:$0x2] =	stream.indirect.gather [hbm4b:s5+s16], $0x80, s24, s16, $0xb8;
	[tilespmem:$0x1D000] =	vst v63  }
0x1fd: {  	_ =	swait.ge [sflag:s20], $0x4000  }
0x1fe: {  	[sflag:s20] =	ssyncset.done $0x0  }
0x1ff: {  	[sflag:s20] =	ssyncadd.s32 $0xFFFFC000  }
0x200: {  	[tilespmem:s17], [sflag:$0x1] =	stream.indirect.gather [hbm4b:s5+s16], $0x80, s26, s16, $0xb8;
	[tilespmem:$0x1D000] =	vst v63  }
0x201: {  	_ =	swait.ge [sflag:s22], $0x4000  }
0x202: {  	[sflag:s22] =	ssyncset.done $0x0  }
0x203: {  	[sflag:s22] =	ssyncadd.s32 $0xFFFFC000  }
0x204: {  	[spmem:s2] =	stream.indirect.scatter.add.f32 [tilespmem:s19], [sflag:$0x4], $0x80, s28, s16, $0xb8;
	[tilespmem:$0x1D000] =	vst v63  }
0x205: {  	_ =	swait.ge [sflag:s18], $0x4000  }
0x206: {  	[sflag:s18] =	ssyncset.done $0x0  }
0x207: {  	[sflag:s18] =	ssyncadd.s32 $0xFFFFC000  }
0x208: {  	[spmem:s2] =	stream.indirect.scatter.add.f32 [tilespmem:s17], [sflag:$0x3], $0x80, s29, s16, $0xb8;
	[tilespmem:$0x1D000] =	vst v63  }
0x209: {  	_ =	swait.ge [sflag:s25], $0x4000  }
0x20a: {  	[sflag:s25] =	ssyncset.done $0x0  }
0x20b: {  	[sflag:s25] =	ssyncadd.s32 $0xFFFFC000  }
0x20c: {  	[tilespmem:s19], [sflag:$0x2] =	stream.indirect.gather [hbm4b:s5+s16], $0x80, s30, s16, $0xb8;
	[tilespmem:$0x1D000] =	vst v63  }
0x20d: {  	_ =	swait.ge [sflag:s20], $0x4000  }
0x20e: {  	[sflag:s20] =	ssyncset.done $0x0  }
0x20f: {  	[sflag:s20] =	ssyncadd.s32 $0xFFFFC000  }
0x210: {  	[tilespmem:s17], [sflag:$0x1] =	stream.indirect.gather [hbm4b:s5+s16], $0x80, s31, s16, $0xb8;
	[tilespmem:$0x1D000] =	vst v63  }
0x211: {  	_ =	swait.ge [sflag:s22], $0x4000  }
0x212: {  	[sflag:s22] =	ssyncset.done $0x0  }
0x213: {  	s15 =	simm.s32 $0xB80;
	[sflag:s22] =	ssyncadd.s32 $0xFFFFC000  }
0x214: {  	[spmem:s2] =	stream.indirect.scatter.add.f32 [tilespmem:s19], [sflag:$0x4], $0x80, s15, s16, $0xb8;
	[tilespmem:$0x1D000] =	vst v63  }
0x215: {  	_ =	swait.ge [sflag:s18], $0x4000  }
0x216: {  	[sflag:s18] =	ssyncset.done $0x0  }
0x217: {  	s21 =	simm.s32 $0xC00;
	[sflag:s18] =	ssyncadd.s32 $0xFFFFC000  }
0x218: {  	[spmem:s2] =	stream.indirect.scatter.add.f32 [tilespmem:s17], [sflag:$0x3], $0x80, s21, s16, $0xb8;
	[tilespmem:$0x1D000] =	vst v63  }
0x219: {  	_ =	swait.ge [sflag:s25], $0x4000  }
0x21a: {  	[sflag:s25] =	ssyncset.done $0x0  }
0x21b: {  	s23 =	simm.s32 $0x480;
	[sflag:s25] =	ssyncadd.s32 $0xFFFFC000  }
0x21c: {  	[tilespmem:s19], [sflag:$0x2] =	stream.indirect.gather [hbm4b:s5+s16], $0x80, s23, s16, $0xb8;
	[tilespmem:$0x1D000] =	vst v63  }
0x21d: {  	_ =	swait.ge [sflag:s20], $0x4000  }
0x21e: {  	[sflag:s20] =	ssyncset.done $0x0  }
0x21f: {  	s24 =	simm.s32 $0x500;
	[sflag:s20] =	ssyncadd.s32 $0xFFFFC000  }
0x220: {  	[tilespmem:s17], [sflag:$0x1] =	stream.indirect.gather [hbm4b:s5+s16], $0x80, s24, s16, $0xb8;
	[tilespmem:$0x1D000] =	vst v63  }
0x221: {  	_ =	swait.ge [sflag:s22], $0x4000  }
0x222: {  	[sflag:s22] =	ssyncset.done $0x0  }
0x223: {  	s1 =	simm.s32 $0xC80;
	[sflag:s22] =	ssyncadd.s32 $0xFFFFC000  }
0x224: {  	[spmem:s2] =	stream.indirect.scatter.add.f32 [tilespmem:s19], [sflag:$0x4], $0x80, s1, s16, $0xb8;
	[tilespmem:$0x1D000] =	vst v63  }
0x225: {  	_ =	swait.ge [sflag:s18], $0x4000  }
0x226: {  	[sflag:s18] =	ssyncset.done $0x0  }
0x227: {  	s6 =	simm.s32 $0xD00;
	[sflag:s18] =	ssyncadd.s32 $0xFFFFC000  }
0x228: {  	[spmem:s2] =	stream.indirect.scatter.add.f32 [tilespmem:s17], [sflag:$0x3], $0x80, s6, s16, $0xb8;
	[tilespmem:$0x1D000] =	vst v63  }
0x229: {  	_ =	swait.ge [sflag:s25], $0x4000  }
0x22a: {  	[sflag:s25] =	ssyncset.done $0x0  }
0x22b: {  	s7 =	simm.s32 $0x580;
	[sflag:s25] =	ssyncadd.s32 $0xFFFFC000  }
0x22c: {  	[tilespmem:s19], [sflag:$0x2] =	stream.indirect.gather [hbm4b:s5+s16], $0x80, s7, s16, $0xb8;
	[tilespmem:$0x1D000] =	vst v63  }
0x22d: {  	_ =	swait.ge [sflag:s20], $0x4000  }
0x22e: {  	[sflag:s20] =	ssyncset.done $0x0  }
0x22f: {  	s8 =	simm.s32 $0x600;
	[sflag:s20] =	ssyncadd.s32 $0xFFFFC000  }
0x230: {  	[tilespmem:s17], [sflag:$0x1] =	stream.indirect.gather [hbm4b:s5+s16], $0x80, s8, s16, $0xb8;
	[tilespmem:$0x1D000] =	vst v63  }
0x231: {  	_ =	swait.ge [sflag:s22], $0x4000  }
0x232: {  	[sflag:s22] =	ssyncset.done $0x0  }
0x233: {  	s9 =	simm.s32 $0xD80;
	[sflag:s22] =	ssyncadd.s32 $0xFFFFC000  }
0x234: {  	[spmem:s2] =	stream.indirect.scatter.add.f32 [tilespmem:s19], [sflag:$0x4], $0x80, s9, s16, $0xb8;
	[tilespmem:$0x1D000] =	vst v63  }
0x235: {  	_ =	swait.ge [sflag:s18], $0x4000  }
0x236: {  	[sflag:s18] =	ssyncset.done $0x0  }
0x237: {  	s10 =	simm.s32 $0xE00;
	[sflag:s18] =	ssyncadd.s32 $0xFFFFC000  }
0x238: {  	[spmem:s2] =	stream.indirect.scatter.add.f32 [tilespmem:s17], [sflag:$0x3], $0x80, s10, s16, $0xb8;
	[tilespmem:$0x1D000] =	vst v63  }
0x239: {  	_ =	swait.ge [sflag:s25], $0x4000  }
0x23a: {  	[sflag:s25] =	ssyncset.done $0x0  }
0x23b: {  	s11 =	simm.s32 $0x680;
	[sflag:s25] =	ssyncadd.s32 $0xFFFFC000  }
0x23c: {  	[tilespmem:s19], [sflag:$0x2] =	stream.indirect.gather [hbm4b:s5+s16], $0x80, s11, s16, $0xb8;
	[tilespmem:$0x1D000] =	vst v63  }
0x23d: {  	_ =	swait.ge [sflag:s20], $0x4000  }
0x23e: {  	[sflag:s20] =	ssyncset.done $0x0  }
0x23f: {  	s12 =	simm.s32 $0x700;
	[sflag:s20] =	ssyncadd.s32 $0xFFFFC000  }
0x240: {  	[tilespmem:s17], [sflag:$0x1] =	stream.indirect.gather [hbm4b:s5+s16], $0x80, s12, s16, $0xb8;
	[tilespmem:$0x1D000] =	vst v63  }
0x241: {  	_ =	swait.ge [sflag:s22], $0x4000  }
0x242: {  	[sflag:s22] =	ssyncset.done $0x0  }
0x243: {  	s13 =	simm.s32 $0xE80;
	[sflag:s22] =	ssyncadd.s32 $0xFFFFC000  }
0x244: {  	[spmem:s2] =	stream.indirect.scatter.add.f32 [tilespmem:s19], [sflag:$0x4], $0x80, s13, s16, $0xb8;
	[tilespmem:$0x1D000] =	vst v63  }
0x245: {  	_ =	swait.ge [sflag:s18], $0x4000  }
0x246: {  	[sflag:s18] =	ssyncset.done $0x0  }
0x247: {  	s15 =	simm.s32 $0xF00;
	[sflag:s18] =	ssyncadd.s32 $0xFFFFC000  }
0x248: {  	[spmem:s2] =	stream.indirect.scatter.add.f32 [tilespmem:s17], [sflag:$0x3], $0x80, s15, s16, $0xb8;
	[tilespmem:$0x1D000] =	vst v63  }
0x249: {  	_ =	swait.ge [sflag:s25], $0x4000  }
0x24a: {  	[sflag:s25] =	ssyncset.done $0x0  }
0x24b: {  	s0 =	simm.s32 $0xD80;
	s21 =	simm.s32 $0x780;
	[sflag:s25] =	ssyncadd.s32 $0xFFFFC000  }
0x24c: {  	[tilespmem:s19], [sflag:$0x2] =	stream.indirect.gather [hbm4b:s5+s16], $0x80, s21, s16, $0xb8;
	[tilespmem:$0x1D000] =	vst v63  }
0x24d: {  	s26 =	simm.s32 $0x480;
	s28 =	simm.s32 $0x500;
	_ =	swait.ge [sflag:s20], $0x4000  }
0x24e: {  	s29 =	simm.s32 $0xC80;
	s30 =	simm.s32 $0xD00;
	[sflag:s20] =	ssyncset.done $0x0  }
0x24f: {  	s31 =	simm.s32 $0x580;
	s23 =	simm.s32 $0xF80;
	[sflag:s20] =	ssyncadd.s32 $0xFFFFC000  }
0x250: {  	s24 =	simm.s32 $0xF80;
	s1 =	simm.s32 $0x600;
	_ =	swait.ge [sflag:s22], $0x4000  }
0x251: {  	s6 =	simm.s32 $0x100;
	s8 =	simm.s32 $0xE00;
	[sflag:s22] =	ssyncset.done $0x0  }
0x252: {  	s9 =	simm.s32 $0x680;
	s10 =	simm.s32 $0x700;
	[sflag:s22] =	ssyncadd.s32 $0xFFFFC000  }
0x253: {  	[spmem:s2] =	stream.indirect.scatter.add.f32 [tilespmem:s19], [sflag:$0x4], $0x80, s23, s16, $0xb8;
	[tilespmem:$0x1D000] =	vst v63  }
0x254: {  	s11 =	simm.s32 $0xE80;
	s12 =	simm.s32 $0xF00;
	_ =	swait.ge [sflag:s25], $0x4000  }
0x255: {  	s13 =	simm.s32 $0x200;
	s15 =	simm.s32 $0x780;
	[sflag:s25] =	ssyncset.done $0x0  }
.LBB2_4:
0x256: {  	s7 =	rddreg [dreg:$0x5]  }
0x257: {  	[sflag:s25] =	ssyncadd.s32 $0xFFFFC000;
	s21 =	sadd.s32 s6, s7  }
0x258: {  	[tilespmem:s3], [sflag:$0x5] =	stream.linear.gather [hbm4b:s21+s3], $0x800, $0x38;
	[tilespmem:$0x1D000] =	vst v63  }
0x259: {  	_ =	swait.ge [sflag:s14], $0x800  }
0x25a: {  	s23 =	smov.u32 s13;
	p0 =	sne.s32 s13, $0x400;
	[sflag:s14] =	ssyncset.done $0x0  }
0x25b: {  	s7 =	sadd.s32 $0x100, s13;
	s21 =	rddreg [dreg:$0x4];
	[sflag:s14] =	ssyncadd.s32 $0xFFFFF800  }
0x25c: {  	s13 =	sadd.s32 s6, s21;
	s6 =	smov.u32 s23;
	s23 =	simm.s32 $0x800  }
0x25d: {  	[tilespmem:s23], [sflag:$0x5] =	stream.linear.gather [hbm4b:s13+s3], $0x800, $0x38;
	[tilespmem:$0x1D000] =	vst v63  }
0x25e: {  	_ =	swait.ge [sflag:s14], $0x800  }
0x25f: {  	[sflag:s14] =	ssyncset.done $0x0  }
0x260: {  	[sflag:s14] =	ssyncadd.s32 $0xFFFFF800  }
0x261: {  	[tilespmem:s17], [sflag:$0x1] =	stream.indirect.gather [hbm4b:s5+s16], $0x80, s3, s16, $0xb8;
	[tilespmem:$0x1D000] =	vst v63  }
0x262: {  	_ =	swait.ge [sflag:s18], $0x4000  }
0x263: {  	[sflag:s18] =	ssyncset.done $0x0  }
0x264: {  	[sflag:s18] =	ssyncadd.s32 $0xFFFFC000  }
0x265: {  	[spmem:s2] =	stream.indirect.scatter.add.f32 [tilespmem:s17], [sflag:$0x3], $0x80, s23, s16, $0xb8;
	[tilespmem:$0x1D000] =	vst v63  }
0x266: {  	_ = 	snop  }
0x267: {  	[tilespmem:s19], [sflag:$0x2] =	stream.indirect.gather [hbm4b:s5+s16], $0x80, s16, s16, $0xb8;
	[tilespmem:$0x1D000] =	vst v63  }
0x268: {  	_ =	swait.ge [sflag:s20], $0x4000  }
0x269: {  	[sflag:s20] =	ssyncset.done $0x0  }
0x26a: {  	s23 =	simm.s32 $0x100;
	[sflag:s20] =	ssyncadd.s32 $0xFFFFC000  }
0x26b: {  	[tilespmem:s17], [sflag:$0x1] =	stream.indirect.gather [hbm4b:s5+s16], $0x80, s23, s16, $0xb8;
	[tilespmem:$0x1D000] =	vst v63  }
0x26c: {  	_ =	swait.ge [sflag:s22], $0x4000  }
0x26d: {  	[sflag:s22] =	ssyncset.done $0x0  }
0x26e: {  	s21 =	simm.s32 $0x880;
	[sflag:s22] =	ssyncadd.s32 $0xFFFFC000  }
0x26f: {  	[spmem:s2] =	stream.indirect.scatter.add.f32 [tilespmem:s19], [sflag:$0x4], $0x80, s21, s16, $0xb8;
	[tilespmem:$0x1D000] =	vst v63  }
0x270: {  	_ =	swait.ge [sflag:s18], $0x4000  }
0x271: {  	[sflag:s18] =	ssyncset.done $0x0  }
0x272: {  	s23 =	simm.s32 $0x900;
	[sflag:s18] =	ssyncadd.s32 $0xFFFFC000  }
0x273: {  	[spmem:s2] =	stream.indirect.scatter.add.f32 [tilespmem:s17], [sflag:$0x3], $0x80, s23, s16, $0xb8;
	[tilespmem:$0x1D000] =	vst v63  }
0x274: {  	_ =	swait.ge [sflag:s25], $0x4000  }
0x275: {  	[sflag:s25] =	ssyncset.done $0x0  }
0x276: {  	s21 =	simm.s32 $0x180;
	[sflag:s25] =	ssyncadd.s32 $0xFFFFC000  }
0x277: {  	[tilespmem:s19], [sflag:$0x2] =	stream.indirect.gather [hbm4b:s5+s16], $0x80, s21, s16, $0xb8;
	[tilespmem:$0x1D000] =	vst v63  }
0x278: {  	_ =	swait.ge [sflag:s20], $0x4000  }
0x279: {  	[sflag:s20] =	ssyncset.done $0x0  }
0x27a: {  	s23 =	simm.s32 $0x200;
	[sflag:s20] =	ssyncadd.s32 $0xFFFFC000  }
0x27b: {  	[tilespmem:s17], [sflag:$0x1] =	stream.indirect.gather [hbm4b:s5+s16], $0x80, s23, s16, $0xb8;
	[tilespmem:$0x1D000] =	vst v63  }
0x27c: {  	_ =	swait.ge [sflag:s22], $0x4000  }
0x27d: {  	[sflag:s22] =	ssyncset.done $0x0  }
0x27e: {  	s21 =	simm.s32 $0x980;
	[sflag:s22] =	ssyncadd.s32 $0xFFFFC000  }
0x27f: {  	[spmem:s2] =	stream.indirect.scatter.add.f32 [tilespmem:s19], [sflag:$0x4], $0x80, s21, s16, $0xb8;
	[tilespmem:$0x1D000] =	vst v63  }
0x280: {  	_ =	swait.ge [sflag:s18], $0x4000  }
0x281: {  	[sflag:s18] =	ssyncset.done $0x0  }
0x282: {  	s23 =	simm.s32 $0xA00;
	[sflag:s18] =	ssyncadd.s32 $0xFFFFC000  }
0x283: {  	[spmem:s2] =	stream.indirect.scatter.add.f32 [tilespmem:s17], [sflag:$0x3], $0x80, s23, s16, $0xb8;
	[tilespmem:$0x1D000] =	vst v63  }
0x284: {  	_ =	swait.ge [sflag:s25], $0x4000  }
0x285: {  	[sflag:s25] =	ssyncset.done $0x0  }
0x286: {  	s21 =	simm.s32 $0x280;
	[sflag:s25] =	ssyncadd.s32 $0xFFFFC000  }
0x287: {  	[tilespmem:s19], [sflag:$0x2] =	stream.indirect.gather [hbm4b:s5+s16], $0x80, s21, s16, $0xb8;
	[tilespmem:$0x1D000] =	vst v63  }
0x288: {  	_ =	swait.ge [sflag:s20], $0x4000  }
0x289: {  	[sflag:s20] =	ssyncset.done $0x0  }
0x28a: {  	s23 =	simm.s32 $0x300;
	[sflag:s20] =	ssyncadd.s32 $0xFFFFC000  }
0x28b: {  	[tilespmem:s17], [sflag:$0x1] =	stream.indirect.gather [hbm4b:s5+s16], $0x80, s23, s16, $0xb8;
	[tilespmem:$0x1D000] =	vst v63  }
0x28c: {  	_ =	swait.ge [sflag:s22], $0x4000  }
0x28d: {  	[sflag:s22] =	ssyncset.done $0x0  }
0x28e: {  	s21 =	simm.s32 $0xA80;
	[sflag:s22] =	ssyncadd.s32 $0xFFFFC000  }
0x28f: {  	[spmem:s2] =	stream.indirect.scatter.add.f32 [tilespmem:s19], [sflag:$0x4], $0x80, s21, s16, $0xb8;
	[tilespmem:$0x1D000] =	vst v63  }
0x290: {  	_ =	swait.ge [sflag:s18], $0x4000  }
0x291: {  	[sflag:s18] =	ssyncset.done $0x0  }
0x292: {  	s23 =	simm.s32 $0xB00;
	[sflag:s18] =	ssyncadd.s32 $0xFFFFC000  }
0x293: {  	[spmem:s2] =	stream.indirect.scatter.add.f32 [tilespmem:s17], [sflag:$0x3], $0x80, s23, s16, $0xb8;
	[tilespmem:$0x1D000] =	vst v63  }
0x294: {  	_ =	swait.ge [sflag:s25], $0x4000  }
0x295: {  	[sflag:s25] =	ssyncset.done $0x0  }
0x296: {  	s21 =	simm.s32 $0x380;
	[sflag:s25] =	ssyncadd.s32 $0xFFFFC000  }
0x297: {  	[tilespmem:s19], [sflag:$0x2] =	stream.indirect.gather [hbm4b:s5+s16], $0x80, s21, s16, $0xb8;
	[tilespmem:$0x1D000] =	vst v63  }
0x298: {  	_ =	swait.ge [sflag:s20], $0x4000  }
0x299: {  	[sflag:s20] =	ssyncset.done $0x0  }
0x29a: {  	s23 =	simm.s32 $0x400;
	[sflag:s20] =	ssyncadd.s32 $0xFFFFC000  }
0x29b: {  	[tilespmem:s17], [sflag:$0x1] =	stream.indirect.gather [hbm4b:s5+s16], $0x80, s23, s16, $0xb8;
	[tilespmem:$0x1D000] =	vst v63  }
0x29c: {  	_ =	swait.ge [sflag:s22], $0x4000  }
0x29d: {  	[sflag:s22] =	ssyncset.done $0x0  }
0x29e: {  	s21 =	simm.s32 $0xB80;
	[sflag:s22] =	ssyncadd.s32 $0xFFFFC000  }
0x29f: {  	[spmem:s2] =	stream.indirect.scatter.add.f32 [tilespmem:s19], [sflag:$0x4], $0x80, s21, s16, $0xb8;
	[tilespmem:$0x1D000] =	vst v63  }
0x2a0: {  	_ =	swait.ge [sflag:s18], $0x4000  }
0x2a1: {  	[sflag:s18] =	ssyncset.done $0x0  }
0x2a2: {  	s23 =	simm.s32 $0xC00;
	[sflag:s18] =	ssyncadd.s32 $0xFFFFC000  }
0x2a3: {  	[spmem:s2] =	stream.indirect.scatter.add.f32 [tilespmem:s17], [sflag:$0x3], $0x80, s23, s16, $0xb8;
	[tilespmem:$0x1D000] =	vst v63  }
0x2a4: {  	_ =	swait.ge [sflag:s25], $0x4000  }
0x2a5: {  	[sflag:s25] =	ssyncset.done $0x0  }
0x2a6: {  	[sflag:s25] =	ssyncadd.s32 $0xFFFFC000  }
0x2a7: {  	[tilespmem:s19], [sflag:$0x2] =	stream.indirect.gather [hbm4b:s5+s16], $0x80, s26, s16, $0xb8;
	[tilespmem:$0x1D000] =	vst v63  }
0x2a8: {  	_ =	swait.ge [sflag:s20], $0x4000  }
0x2a9: {  	[sflag:s20] =	ssyncset.done $0x0  }
0x2aa: {  	[sflag:s20] =	ssyncadd.s32 $0xFFFFC000  }
0x2ab: {  	[tilespmem:s17], [sflag:$0x1] =	stream.indirect.gather [hbm4b:s5+s16], $0x80, s28, s16, $0xb8;
	[tilespmem:$0x1D000] =	vst v63  }
0x2ac: {  	_ =	swait.ge [sflag:s22], $0x4000  }
0x2ad: {  	[sflag:s22] =	ssyncset.done $0x0  }
0x2ae: {  	[sflag:s22] =	ssyncadd.s32 $0xFFFFC000  }
0x2af: {  	[spmem:s2] =	stream.indirect.scatter.add.f32 [tilespmem:s19], [sflag:$0x4], $0x80, s29, s16, $0xb8;
	[tilespmem:$0x1D000] =	vst v63  }
0x2b0: {  	_ =	swait.ge [sflag:s18], $0x4000  }
0x2b1: {  	[sflag:s18] =	ssyncset.done $0x0  }
0x2b2: {  	[sflag:s18] =	ssyncadd.s32 $0xFFFFC000  }
0x2b3: {  	[spmem:s2] =	stream.indirect.scatter.add.f32 [tilespmem:s17], [sflag:$0x3], $0x80, s30, s16, $0xb8;
	[tilespmem:$0x1D000] =	vst v63  }
0x2b4: {  	_ =	swait.ge [sflag:s25], $0x4000  }
0x2b5: {  	[sflag:s25] =	ssyncset.done $0x0  }
0x2b6: {  	[sflag:s25] =	ssyncadd.s32 $0xFFFFC000  }
0x2b7: {  	[tilespmem:s19], [sflag:$0x2] =	stream.indirect.gather [hbm4b:s5+s16], $0x80, s31, s16, $0xb8;
	[tilespmem:$0x1D000] =	vst v63  }
0x2b8: {  	_ =	swait.ge [sflag:s20], $0x4000  }
0x2b9: {  	[sflag:s20] =	ssyncset.done $0x0  }
0x2ba: {  	[sflag:s20] =	ssyncadd.s32 $0xFFFFC000  }
0x2bb: {  	[tilespmem:s17], [sflag:$0x1] =	stream.indirect.gather [hbm4b:s5+s16], $0x80, s1, s16, $0xb8;
	[tilespmem:$0x1D000] =	vst v63  }
0x2bc: {  	_ =	swait.ge [sflag:s22], $0x4000  }
0x2bd: {  	[sflag:s22] =	ssyncset.done $0x0  }
0x2be: {  	[sflag:s22] =	ssyncadd.s32 $0xFFFFC000  }
0x2bf: {  	[spmem:s2] =	stream.indirect.scatter.add.f32 [tilespmem:s19], [sflag:$0x4], $0x80, s0, s16, $0xb8;
	[tilespmem:$0x1D000] =	vst v63  }
0x2c0: {  	_ =	swait.ge [sflag:s18], $0x4000  }
0x2c1: {  	[sflag:s18] =	ssyncset.done $0x0  }
0x2c2: {  	[sflag:s18] =	ssyncadd.s32 $0xFFFFC000  }
0x2c3: {  	[spmem:s2] =	stream.indirect.scatter.add.f32 [tilespmem:s17], [sflag:$0x3], $0x80, s8, s16, $0xb8;
	[tilespmem:$0x1D000] =	vst v63  }
0x2c4: {  	_ =	swait.ge [sflag:s25], $0x4000  }
0x2c5: {  	[sflag:s25] =	ssyncset.done $0x0  }
0x2c6: {  	[sflag:s25] =	ssyncadd.s32 $0xFFFFC000  }
0x2c7: {  	[tilespmem:s19], [sflag:$0x2] =	stream.indirect.gather [hbm4b:s5+s16], $0x80, s9, s16, $0xb8;
	[tilespmem:$0x1D000] =	vst v63  }
0x2c8: {  	_ =	swait.ge [sflag:s20], $0x4000  }
0x2c9: {  	[sflag:s20] =	ssyncset.done $0x0  }
0x2ca: {  	[sflag:s20] =	ssyncadd.s32 $0xFFFFC000  }
0x2cb: {  	[tilespmem:s17], [sflag:$0x1] =	stream.indirect.gather [hbm4b:s5+s16], $0x80, s10, s16, $0xb8;
	[tilespmem:$0x1D000] =	vst v63  }
0x2cc: {  	_ =	swait.ge [sflag:s22], $0x4000  }
0x2cd: {  	[sflag:s22] =	ssyncset.done $0x0  }
0x2ce: {  	[sflag:s22] =	ssyncadd.s32 $0xFFFFC000  }
0x2cf: {  	[spmem:s2] =	stream.indirect.scatter.add.f32 [tilespmem:s19], [sflag:$0x4], $0x80, s11, s16, $0xb8;
	[tilespmem:$0x1D000] =	vst v63  }
0x2d0: {  	_ =	swait.ge [sflag:s18], $0x4000  }
0x2d1: {  	[sflag:s18] =	ssyncset.done $0x0  }
0x2d2: {  	[sflag:s18] =	ssyncadd.s32 $0xFFFFC000  }
0x2d3: {  	[spmem:s2] =	stream.indirect.scatter.add.f32 [tilespmem:s17], [sflag:$0x3], $0x80, s12, s16, $0xb8;
	[tilespmem:$0x1D000] =	vst v63  }
0x2d4: {  	_ =	swait.ge [sflag:s25], $0x4000  }
0x2d5: {  	[sflag:s25] =	ssyncset.done $0x0  }
0x2d6: {  	[sflag:s25] =	ssyncadd.s32 $0xFFFFC000  }
0x2d7: {  	[tilespmem:s19], [sflag:$0x2] =	stream.indirect.gather [hbm4b:s5+s16], $0x80, s15, s16, $0xb8;
	[tilespmem:$0x1D000] =	vst v63  }
0x2d8: {  	_ =	swait.ge [sflag:s20], $0x4000  }
0x2d9: {  	[sflag:s20] =	ssyncset.done $0x0  }
0x2da: {  	[sflag:s20] =	ssyncadd.s32 $0xFFFFC000  }
0x2db: {  	_ =	swait.ge [sflag:s22], $0x4000  }
.Ltmp1:
0x2dc: {  	[sflag:s22] =	ssyncset.done $0x0;
	(pc) =	sbr.rel @p0 .LBB2_4-.Ltmp1, $4  }
0x2dd: {  	[sflag:s22] =	ssyncadd.s32 $0xFFFFC000  }
0x2de: {  	[spmem:s2] =	stream.indirect.scatter.add.f32 [tilespmem:s19], [sflag:$0x4], $0x80, s24, s16, $0xb8;
	[tilespmem:$0x1D000] =	vst v63  }
0x2df: {  	_ =	swait.ge [sflag:s25], $0x4000  }
0x2e0: {  	s13 =	smov.u32 s7;
	[sflag:s25] =	ssyncset.done $0x0  }
0x2e1: {  	s7 =	rddreg [dreg:$0x5]  }
0x2e2: {  	[sflag:s25] =	ssyncadd.s32 $0xFFFFC000;
	s7 =	sadd.s32 s6, s7  }
0x2e3: {  	[tilespmem:s3], [sflag:$0x5] =	stream.linear.gather [hbm4b:s7+s3], $0x800, $0x38;
	[tilespmem:$0x1D000] =	vst v63  }
0x2e4: {  	_ =	swait.ge [sflag:s14], $0x800  }
0x2e5: {  	[sflag:s14] =	ssyncset.done $0x0;
	s23 =	rddreg [dreg:$0x4]  }
0x2e6: {  	s21 =	simm.s32 $0x800;
	[sflag:s14] =	ssyncadd.s32 $0xFFFFF800;
	s13 =	sadd.s32 s6, s23  }
0x2e7: {  	[tilespmem:s21], [sflag:$0x5] =	stream.linear.gather [hbm4b:s13+s3], $0x800, $0x38;
	[tilespmem:$0x1D000] =	vst v63  }
0x2e8: {  	_ =	swait.ge [sflag:s14], $0x800  }
0x2e9: {  	[sflag:s14] =	ssyncset.done $0x0  }
0x2ea: {  	[sflag:s14] =	ssyncadd.s32 $0xFFFFF800  }
0x2eb: {  	[tilespmem:s17], [sflag:$0x1] =	stream.indirect.gather [hbm4b:s5+s16], $0x80, s3, s16, $0xb8;
	[tilespmem:$0x1D000] =	vst v63  }
0x2ec: {  	_ =	swait.ge [sflag:s18], $0x4000  }
0x2ed: {  	[sflag:s18] =	ssyncset.done $0x0  }
0x2ee: {  	[sflag:s18] =	ssyncadd.s32 $0xFFFFC000  }
0x2ef: {  	[spmem:s2] =	stream.indirect.scatter.add.f32 [tilespmem:s17], [sflag:$0x3], $0x80, s21, s16, $0xb8;
	[tilespmem:$0x1D000] =	vst v63  }
0x2f0: {  	_ = 	snop  }
0x2f1: {  	[tilespmem:s19], [sflag:$0x2] =	stream.indirect.gather [hbm4b:s5+s16], $0x80, s16, s16, $0xb8;
	[tilespmem:$0x1D000] =	vst v63  }
0x2f2: {  	_ =	swait.ge [sflag:s20], $0x4000  }
0x2f3: {  	[sflag:s20] =	ssyncset.done $0x0  }
0x2f4: {  	s23 =	simm.s32 $0x100;
	[sflag:s20] =	ssyncadd.s32 $0xFFFFC000  }
0x2f5: {  	[tilespmem:s17], [sflag:$0x1] =	stream.indirect.gather [hbm4b:s5+s16], $0x80, s23, s16, $0xb8;
	[tilespmem:$0x1D000] =	vst v63  }
0x2f6: {  	_ =	swait.ge [sflag:s22], $0x4000  }
0x2f7: {  	[sflag:s22] =	ssyncset.done $0x0  }
0x2f8: {  	s7 =	simm.s32 $0x880;
	[sflag:s22] =	ssyncadd.s32 $0xFFFFC000  }
0x2f9: {  	[spmem:s2] =	stream.indirect.scatter.add.f32 [tilespmem:s19], [sflag:$0x4], $0x80, s7, s16, $0xb8;
	[tilespmem:$0x1D000] =	vst v63  }
0x2fa: {  	_ =	swait.ge [sflag:s18], $0x4000  }
0x2fb: {  	[sflag:s18] =	ssyncset.done $0x0  }
0x2fc: {  	s13 =	simm.s32 $0x900;
	[sflag:s18] =	ssyncadd.s32 $0xFFFFC000  }
0x2fd: {  	[spmem:s2] =	stream.indirect.scatter.add.f32 [tilespmem:s17], [sflag:$0x3], $0x80, s13, s16, $0xb8;
	[tilespmem:$0x1D000] =	vst v63  }
0x2fe: {  	_ =	swait.ge [sflag:s25], $0x4000  }
0x2ff: {  	[sflag:s25] =	ssyncset.done $0x0  }
0x300: {  	s21 =	simm.s32 $0x180;
	[sflag:s25] =	ssyncadd.s32 $0xFFFFC000  }
0x301: {  	[tilespmem:s19], [sflag:$0x2] =	stream.indirect.gather [hbm4b:s5+s16], $0x80, s21, s16, $0xb8;
	[tilespmem:$0x1D000] =	vst v63  }
0x302: {  	_ =	swait.ge [sflag:s20], $0x4000  }
0x303: {  	[sflag:s20] =	ssyncset.done $0x0  }
0x304: {  	s23 =	simm.s32 $0x200;
	[sflag:s20] =	ssyncadd.s32 $0xFFFFC000  }
0x305: {  	[tilespmem:s17], [sflag:$0x1] =	stream.indirect.gather [hbm4b:s5+s16], $0x80, s23, s16, $0xb8;
	[tilespmem:$0x1D000] =	vst v63  }
0x306: {  	_ =	swait.ge [sflag:s22], $0x4000  }
0x307: {  	[sflag:s22] =	ssyncset.done $0x0  }
0x308: {  	s7 =	simm.s32 $0x980;
	[sflag:s22] =	ssyncadd.s32 $0xFFFFC000  }
0x309: {  	[spmem:s2] =	stream.indirect.scatter.add.f32 [tilespmem:s19], [sflag:$0x4], $0x80, s7, s16, $0xb8;
	[tilespmem:$0x1D000] =	vst v63  }
0x30a: {  	_ =	swait.ge [sflag:s18], $0x4000  }
0x30b: {  	[sflag:s18] =	ssyncset.done $0x0  }
0x30c: {  	s13 =	simm.s32 $0xA00;
	[sflag:s18] =	ssyncadd.s32 $0xFFFFC000  }
0x30d: {  	[spmem:s2] =	stream.indirect.scatter.add.f32 [tilespmem:s17], [sflag:$0x3], $0x80, s13, s16, $0xb8;
	[tilespmem:$0x1D000] =	vst v63  }
0x30e: {  	_ =	swait.ge [sflag:s25], $0x4000  }
0x30f: {  	[sflag:s25] =	ssyncset.done $0x0  }
0x310: {  	s21 =	simm.s32 $0x280;
	[sflag:s25] =	ssyncadd.s32 $0xFFFFC000  }
0x311: {  	[tilespmem:s19], [sflag:$0x2] =	stream.indirect.gather [hbm4b:s5+s16], $0x80, s21, s16, $0xb8;
	[tilespmem:$0x1D000] =	vst v63  }
0x312: {  	_ =	swait.ge [sflag:s20], $0x4000  }
0x313: {  	[sflag:s20] =	ssyncset.done $0x0  }
0x314: {  	s23 =	simm.s32 $0x300;
	[sflag:s20] =	ssyncadd.s32 $0xFFFFC000  }
0x315: {  	[tilespmem:s17], [sflag:$0x1] =	stream.indirect.gather [hbm4b:s5+s16], $0x80, s23, s16, $0xb8;
	[tilespmem:$0x1D000] =	vst v63  }
0x316: {  	_ =	swait.ge [sflag:s22], $0x4000  }
0x317: {  	[sflag:s22] =	ssyncset.done $0x0  }
0x318: {  	s7 =	simm.s32 $0xA80;
	[sflag:s22] =	ssyncadd.s32 $0xFFFFC000  }
0x319: {  	[spmem:s2] =	stream.indirect.scatter.add.f32 [tilespmem:s19], [sflag:$0x4], $0x80, s7, s16, $0xb8;
	[tilespmem:$0x1D000] =	vst v63  }
0x31a: {  	_ =	swait.ge [sflag:s18], $0x4000  }
0x31b: {  	[sflag:s18] =	ssyncset.done $0x0  }
0x31c: {  	s13 =	simm.s32 $0xB00;
	[sflag:s18] =	ssyncadd.s32 $0xFFFFC000  }
0x31d: {  	[spmem:s2] =	stream.indirect.scatter.add.f32 [tilespmem:s17], [sflag:$0x3], $0x80, s13, s16, $0xb8;
	[tilespmem:$0x1D000] =	vst v63  }
0x31e: {  	_ =	swait.ge [sflag:s25], $0x4000  }
0x31f: {  	[sflag:s25] =	ssyncset.done $0x0  }
0x320: {  	s21 =	simm.s32 $0x380;
	[sflag:s25] =	ssyncadd.s32 $0xFFFFC000  }
0x321: {  	[tilespmem:s19], [sflag:$0x2] =	stream.indirect.gather [hbm4b:s5+s16], $0x80, s21, s16, $0xb8;
	[tilespmem:$0x1D000] =	vst v63  }
0x322: {  	_ =	swait.ge [sflag:s20], $0x4000  }
0x323: {  	[sflag:s20] =	ssyncset.done $0x0  }
0x324: {  	s23 =	simm.s32 $0x400;
	[sflag:s20] =	ssyncadd.s32 $0xFFFFC000  }
0x325: {  	[tilespmem:s17], [sflag:$0x1] =	stream.indirect.gather [hbm4b:s5+s16], $0x80, s23, s16, $0xb8;
	[tilespmem:$0x1D000] =	vst v63  }
0x326: {  	_ =	swait.ge [sflag:s22], $0x4000  }
0x327: {  	[sflag:s22] =	ssyncset.done $0x0  }
0x328: {  	s7 =	simm.s32 $0xB80;
	[sflag:s22] =	ssyncadd.s32 $0xFFFFC000  }
0x329: {  	[spmem:s2] =	stream.indirect.scatter.add.f32 [tilespmem:s19], [sflag:$0x4], $0x80, s7, s16, $0xb8;
	[tilespmem:$0x1D000] =	vst v63  }
0x32a: {  	_ =	swait.ge [sflag:s18], $0x4000  }
0x32b: {  	[sflag:s18] =	ssyncset.done $0x0  }
0x32c: {  	s13 =	simm.s32 $0xC00;
	[sflag:s18] =	ssyncadd.s32 $0xFFFFC000  }
0x32d: {  	[spmem:s2] =	stream.indirect.scatter.add.f32 [tilespmem:s17], [sflag:$0x3], $0x80, s13, s16, $0xb8;
	[tilespmem:$0x1D000] =	vst v63  }
0x32e: {  	_ =	swait.ge [sflag:s25], $0x4000  }
0x32f: {  	[sflag:s25] =	ssyncset.done $0x0  }
0x330: {  	[sflag:s25] =	ssyncadd.s32 $0xFFFFC000  }
0x331: {  	[tilespmem:s19], [sflag:$0x2] =	stream.indirect.gather [hbm4b:s5+s16], $0x80, s26, s16, $0xb8;
	[tilespmem:$0x1D000] =	vst v63  }
0x332: {  	_ =	swait.ge [sflag:s20], $0x4000  }
0x333: {  	[sflag:s20] =	ssyncset.done $0x0  }
0x334: {  	[sflag:s20] =	ssyncadd.s32 $0xFFFFC000  }
0x335: {  	[tilespmem:s17], [sflag:$0x1] =	stream.indirect.gather [hbm4b:s5+s16], $0x80, s28, s16, $0xb8;
	[tilespmem:$0x1D000] =	vst v63  }
0x336: {  	_ =	swait.ge [sflag:s22], $0x4000  }
0x337: {  	[sflag:s22] =	ssyncset.done $0x0  }
0x338: {  	[sflag:s22] =	ssyncadd.s32 $0xFFFFC000  }
0x339: {  	[spmem:s2] =	stream.indirect.scatter.add.f32 [tilespmem:s19], [sflag:$0x4], $0x80, s29, s16, $0xb8;
	[tilespmem:$0x1D000] =	vst v63  }
0x33a: {  	_ =	swait.ge [sflag:s18], $0x4000  }
0x33b: {  	[sflag:s18] =	ssyncset.done $0x0  }
0x33c: {  	[sflag:s18] =	ssyncadd.s32 $0xFFFFC000  }
0x33d: {  	[spmem:s2] =	stream.indirect.scatter.add.f32 [tilespmem:s17], [sflag:$0x3], $0x80, s30, s16, $0xb8;
	[tilespmem:$0x1D000] =	vst v63  }
0x33e: {  	_ =	swait.ge [sflag:s25], $0x4000  }
0x33f: {  	[sflag:s25] =	ssyncset.done $0x0  }
0x340: {  	[sflag:s25] =	ssyncadd.s32 $0xFFFFC000  }
0x341: {  	[tilespmem:s19], [sflag:$0x2] =	stream.indirect.gather [hbm4b:s5+s16], $0x80, s31, s16, $0xb8;
	[tilespmem:$0x1D000] =	vst v63  }
0x342: {  	_ =	swait.ge [sflag:s20], $0x4000  }
0x343: {  	[sflag:s20] =	ssyncset.done $0x0  }
0x344: {  	[sflag:s20] =	ssyncadd.s32 $0xFFFFC000  }
0x345: {  	[tilespmem:s17], [sflag:$0x1] =	stream.indirect.gather [hbm4b:s5+s16], $0x80, s1, s16, $0xb8;
	[tilespmem:$0x1D000] =	vst v63  }
0x346: {  	_ =	swait.ge [sflag:s22], $0x4000  }
0x347: {  	[sflag:s22] =	ssyncset.done $0x0  }
0x348: {  	[sflag:s22] =	ssyncadd.s32 $0xFFFFC000  }
0x349: {  	[spmem:s2] =	stream.indirect.scatter.add.f32 [tilespmem:s19], [sflag:$0x4], $0x80, s0, s16, $0xb8;
	[tilespmem:$0x1D000] =	vst v63  }
0x34a: {  	_ =	swait.ge [sflag:s18], $0x4000  }
0x34b: {  	[sflag:s18] =	ssyncset.done $0x0  }
0x34c: {  	[sflag:s18] =	ssyncadd.s32 $0xFFFFC000  }
0x34d: {  	[spmem:s2] =	stream.indirect.scatter.add.f32 [tilespmem:s17], [sflag:$0x3], $0x80, s8, s16, $0xb8;
	[tilespmem:$0x1D000] =	vst v63  }
0x34e: {  	_ =	swait.ge [sflag:s25], $0x4000  }
0x34f: {  	[sflag:s25] =	ssyncset.done $0x0  }
0x350: {  	[sflag:s25] =	ssyncadd.s32 $0xFFFFC000  }
0x351: {  	[tilespmem:s19], [sflag:$0x2] =	stream.indirect.gather [hbm4b:s5+s16], $0x80, s9, s16, $0xb8;
	[tilespmem:$0x1D000] =	vst v63  }
0x352: {  	_ =	swait.ge [sflag:s20], $0x4000  }
0x353: {  	[sflag:s20] =	ssyncset.done $0x0  }
0x354: {  	[sflag:s20] =	ssyncadd.s32 $0xFFFFC000  }
0x355: {  	[tilespmem:s17], [sflag:$0x1] =	stream.indirect.gather [hbm4b:s5+s16], $0x80, s10, s16, $0xb8;
	[tilespmem:$0x1D000] =	vst v63  }
0x356: {  	_ =	swait.ge [sflag:s22], $0x4000  }
0x357: {  	[sflag:s22] =	ssyncset.done $0x0  }
0x358: {  	[sflag:s22] =	ssyncadd.s32 $0xFFFFC000  }
0x359: {  	[spmem:s2] =	stream.indirect.scatter.add.f32 [tilespmem:s19], [sflag:$0x4], $0x80, s11, s16, $0xb8;
	[tilespmem:$0x1D000] =	vst v63  }
0x35a: {  	_ =	swait.ge [sflag:s18], $0x4000  }
0x35b: {  	[sflag:s18] =	ssyncset.done $0x0  }
0x35c: {  	[sflag:s18] =	ssyncadd.s32 $0xFFFFC000  }
0x35d: {  	[spmem:s2] =	stream.indirect.scatter.add.f32 [tilespmem:s17], [sflag:$0x3], $0x80, s12, s16, $0xb8;
	[tilespmem:$0x1D000] =	vst v63  }
0x35e: {  	_ =	swait.ge [sflag:s25], $0x4000  }
0x35f: {  	[sflag:s25] =	ssyncset.done $0x0  }
0x360: {  	[sflag:s25] =	ssyncadd.s32 $0xFFFFC000  }
0x361: {  	[tilespmem:s19], [sflag:$0x2] =	stream.indirect.gather [hbm4b:s5+s16], $0x80, s15, s16, $0xb8;
	[tilespmem:$0x1D000] =	vst v63  }
0x362: {  	_ =	swait.ge [sflag:s20], $0x4000  }
0x363: {  	[sflag:s20] =	ssyncset.done $0x0  }
0x364: {  	[sflag:s20] =	ssyncadd.s32 $0xFFFFC000  }
0x365: {  	_ =	swait.ge [sflag:s22], $0x4000  }
0x366: {  	[sflag:s22] =	ssyncset.done $0x0  }
0x367: {  	[sflag:s22] =	ssyncadd.s32 $0xFFFFC000  }
0x368: {  	[spmem:s2] =	stream.indirect.scatter.add.f32 [tilespmem:s19], [sflag:$0x4], $0x80, s24, s16, $0xb8;
	[tilespmem:$0x1D000] =	vst v63  }
0x369: {  	_ =	swait.ge [sflag:s25], $0x4000  }
0x36a: {  	[sflag:s25] =	ssyncset.done $0x0  }
0x36b: {  	[sflag:s25] =	ssyncadd.s32 $0xFFFFC000  }
0x36c: {  	[bflag:$0x0] =	sbarrier.arrive $0xFFFF  }
0x36d: {  	s13 =	rddreg [dreg:$0x7]  }
0x36e: {  	s21 =	rddreg [dreg:$0x9]  }
0x36f: {  	s7 =	rddreg [dreg:$0xb]  }
0x370: {  	[hbm:s21], [sflag:s13] =	dma.local [spmem:s7], $0x2800  }
0x371: {  	_ =	swait.ge [sflag:s14], $0x2800  }
0x372: {  	s21 =	rddreg [dreg:$0xc]  }
0x373: {  	s23 =	rddreg [dreg:$0xa];
	s21 =	sadd.s32 $0x1, s21  }
0x374: {  	p0 =	sne.s32 s21, s23  }
.Ltmp2:
0x375: {  	_ = 	snop;
	(pc) =	sbr.rel @p0 .LBB2_1-.Ltmp2, $3  }
0x376: {  	[sflag:s14] =	ssyncset.done $0x0  }
0x377: {  	[sflag:s14] =	ssyncadd.s32 $0xFFFFD800  }
0x378: {  	[bflag:$0x0] =	sbarrier.arrive $0xFFFF;
	_ =	sdelay $0x1  }
0x379: {  	_ =	sfence.sel $0x180000  }
0x37a: {  	[bflag:$0x0] =	sbarrier.arrive $0xFFFF  }
0x37b: {  	_ =	strace $0x9000004A  }
0x37c: {  	s0 =	stileid.u32;
	[bflag:$0x2] =	sbarrier.arrive $0xFFFF  }
0x37d: {  	p0 =	sne.s32 s0, $0x0;
	s0 =	rddreg [dreg:$0x3]  }
0x37e: {  	s0 =	sadd.s32 @!p0 $0x100000, s0  }
0x37f: {  	[sflag:s0] =	ssyncadd.tile.s32 @!p0 $0x1;
	_ =	shalt  }
.Lfunc_end2:
_tile_overlayer_lowered:
.L_overlay_start_2:
0x380: {  	(tag) =	ssettag $0x2  }
0x381: {  	s0 =	rddreg [dreg:$0x0];
	s2 =	stileid.u32  }
0x382: {  	s1 =	rddreg [dreg:$0x1];
	p0 =	sne.s32 s2, $0x0  }
0x383: {  	s3 =	rddreg [dreg:$0x2];
	[bflag:$0x3] =	sbarrier.arrive $0xFFFF;
	s2 =	simm.s32 @!p0 $0x1C05  }
0x384: {  	[timem:s3], [sflag:s2] =	dma.local @!p0 [hbm:s0], s1  }
0x385: {  	s0 =	simm.s32 @!p0 $0x5  }
0x386: {  	_ =	swait.ge @!p0 [sflag:s0], s1  }
0x387: {  	s1 =	ssub.s32 @!p0 $0x0, s1;
	[sflag:s0] =	ssyncset.done @!p0 $0x0  }
0x388: {  	[sflag:s0] =	ssyncadd.s32 @!p0 s1  }
0x389: {  	[bflag:$0x3] =	sbarrier.arrive $0xFFFF  }
0x38a: {  	_ =	shalt  }

// kernel: kernel.14.cloned.1.call-start
scs
__scs_entry_jumppad:
0x0: {  	(pc) =	sbr.rel $0x88, $3  }
0x1: {  	(tag) =	ssettag $0x0;
	lr =	simm.s32 $0x1  }
0x2: {  	[smem:$0x3F9B] =	sst lr;
	_ =	strace $0xD0000000  }
0x3: {  	_ = 	snop  }
0x4: {  	_ = 	snop  }
0x5: {  	_ = 	snop  }
0x6: {  	_ = 	snop  }
0x7: {  	_ = 	snop  }
__scs_overlays_trampoline_lowered:
0x8: {  	[smem:$0x3FAA] =	sst s0  }
0x9: {  	[smem:$0x3FAB] =	sst s1  }
0xa: {  	[smem:$0x3FAC] =	sst s2  }
0xb: {  	[smem:$0x3FAD] =	sst s3  }
0xc: {  	[smem:$0x3FAE] =	sst s4  }
0xd: {  	[smem:$0x3FAF] =	sst s5  }
0xe: {  	[smem:$0x3FB0] =	sst s6  }
0xf: {  	[smem:$0x3FB1] =	sst s7  }
0x10: {  	[smem:$0x3FB2] =	sst s8  }
0x11: {  	[smem:$0x3FB3] =	sst s9;
	s0 =	simm.s32 @!p0 $0x0  }
0x12: {  	s1 =	sld [smem:$0x3F99];
	s0 =	simm.s32 @p0 $0x1  }
0x13: {  	[smem:$0x3FB4] =	sst s0;
	s0 =	simm.s32 @!p1 $0x0  }
0x14: {  	s2 =	sld [smem:$0x3F98];
	s0 =	simm.s32 @p1 $0x1  }
0x15: {  	[smem:$0x3FB5] =	sst s0;
	s0 =	simm.s32 @!p2 $0x0  }
0x16: {  	s3 =	sld [smem:$0x3FDB];
	s0 =	simm.s32 @p2 $0x1  }
0x17: {  	s4 =	simm.s32 $0x1BF5;
	[smem:$0x3FB7] =	sst s0  }
0x18: {  	s0 =	sld [smem:$0x3F9A];
	_ =	swait.ge [sflag:s4], $0x0  }
0x19: {  	s7 =	sld [smem:$0x3F9B]  }
0x1a: {  	s8 =	sadd.s32 $0xFFFFE003, lr  }
0x1b: {  	s9 =	sadd.s32 $0xFFFFFEF7, lr;
	s5 =	simm.s32 $0xFFFFFFFF;
	p2 =	slt.u32 s8, $0xFFFFF086  }
0x1c: {  	p1 =	slt.u32 s9, $0xF7A;
	s5 =	simm.s32 @!p2 $0x0  }
0x1d: {  	s5 =	simm.s32 @p1 $0x1;
	p0 =	seq.s32 s7, s2  }
0x1e: {  	s7 =	smul.u32 @!p0 $0xF7A, s2;
	p2 =	seq.s32 @!p0 s5, $0x0  }
0x1f: {  	s9 =	smul.u32 $0xF7A, s1;
	s8 =	simm.s32 @!p0 $0x1BF5;
	p2 =	por !p2, p0  }
0x20: {  	[sflag:s8] =	ssyncset.s32 @!p0 $0xFFFFF086;
	s6 =	sadd.s32 @!p0 s3, s7;
	s7 =	simm.s32 @!p0 $0x108  }
0x21: {  	s3 =	sadd.s32 s3, s9;
	s6 =	sadd.s32 @!p0 $0x88, s6;
	s7 =	simm.s32 @p2 $0x1082  }
0x22: {  	[simem:s7], [sflag:s8] =	dma.local @!p0 [hbm:s6], $0xF7A  }
0x23: {  	s9 =	sor.u32 $0xD0000000, s2;
	s6 =	simm.s32 $0x108;
	_ =	swait.ge @!p0 [sflag:s8], $0x0  }
0x24: {  	s3 =	sadd.s32 $0x88, s3;
	s6 =	simm.s32 @!p1 $0x1082;
	[sflag:s4] =	ssyncset.s32 $0xFFFFF086  }
0x25: {  	[simem:s6], [sflag:s4] =	dma.local [hbm:s3], $0xF7A  }
0x26: {  	[smem:$0x3F9B] =	sst s1;
	(tag) =	ssettag s2;
	_ =	strace s9  }
0x27: {  	s1 =	sld [smem:$0x3FAB]  }
0x28: {  	s2 =	sld [smem:$0x3FAC]  }
0x29: {  	s4 =	sld [smem:$0x3FAE]  }
0x2a: {  	p0 =	seq.s32 s5, $0x0;
	s5 =	sld [smem:$0x3FAF]  }
0x2b: {  	s6 =	sld [smem:$0x3FB0]  }
0x2c: {  	s7 =	sld [smem:$0x3FB1]  }
0x2d: {  	s3 =	simm.s32 $0x108;
	s8 =	sld [smem:$0x3FB2]  }
0x2e: {  	s3 =	simm.s32 @!p0 $0x1082;
	s9 =	sld [smem:$0x3FB3]  }
0x2f: {  	lr =	sadd.s32 s0, s3;
	s0 =	sld [smem:$0x3FAA]  }
0x30: {  	s3 =	sld [smem:$0x3FAD]  }
0x31: {  	[smem:$0x3FB6] =	sst s10  }
0x32: {  	s10 =	sld [smem:$0x3FB4];
	_ =	sdelay $0x3  }
0x33: {  	p0 =	seq.s32 s10, $0x1;
	s10 =	sld [smem:$0x3FB6];
	_ =	sdelay $0x3  }
0x34: {  	[smem:$0x3FB6] =	sst s10  }
0x35: {  	s10 =	sld [smem:$0x3FB5];
	_ =	sdelay $0x3  }
0x36: {  	p1 =	seq.s32 s10, $0x1;
	s10 =	sld [smem:$0x3FB6];
	_ =	sdelay $0x3  }
0x37: {  	[smem:$0x3FB6] =	sst s10  }
0x38: {  	s10 =	sld [smem:$0x3FB7]  }
0x39: {  	_ = 	snop;
	(pc) =	sbr.ind lr, $3  }
0x3a: {  	_ = 	snop  }
0x3b: {  	_ = 	snop  }
0x3c: {  	p2 =	seq.s32 s10, $0x1;
	s10 =	sld [smem:$0x3FB6]  }
0x3d: {  	_ =	shalt  }
0x3e: {  	_ =	shalt  }
0x3f: {  	_ =	shalt  }
0x40: {  	_ =	shalt  }
0x41: {  	_ =	shalt  }
0x42: {  	_ =	shalt  }
0x43: {  	_ =	shalt  }
0x44: {  	_ =	shalt  }
0x45: {  	_ =	shalt  }
0x46: {  	_ =	shalt  }
0x47: {  	_ =	shalt  }
0x48: {  	_ =	shalt  }
0x49: {  	_ =	shalt  }
0x4a: {  	_ =	shalt  }
0x4b: {  	_ =	shalt  }
0x4c: {  	_ =	shalt  }
0x4d: {  	_ =	shalt  }
0x4e: {  	_ =	shalt  }
0x4f: {  	_ =	shalt  }
0x50: {  	_ =	shalt  }
0x51: {  	_ =	shalt  }
0x52: {  	_ =	shalt  }
0x53: {  	_ =	shalt  }
0x54: {  	_ =	shalt  }
0x55: {  	_ =	shalt  }
0x56: {  	_ =	shalt  }
0x57: {  	_ =	shalt  }
0x58: {  	_ =	shalt  }
0x59: {  	_ =	shalt  }
0x5a: {  	_ =	shalt  }
0x5b: {  	_ =	shalt  }
0x5c: {  	_ =	shalt  }
0x5d: {  	_ =	shalt  }
0x5e: {  	_ =	shalt  }
0x5f: {  	_ =	shalt  }
0x60: {  	_ =	shalt  }
0x61: {  	_ =	shalt  }
0x62: {  	_ =	shalt  }
0x63: {  	_ =	shalt  }
0x64: {  	_ =	shalt  }
0x65: {  	_ =	shalt  }
0x66: {  	_ =	shalt  }
0x67: {  	_ =	shalt  }
0x68: {  	_ =	shalt  }
0x69: {  	_ =	shalt  }
0x6a: {  	_ =	shalt  }
0x6b: {  	_ =	shalt  }
0x6c: {  	_ =	shalt  }
0x6d: {  	_ =	shalt  }
0x6e: {  	_ =	shalt  }
0x6f: {  	_ =	shalt  }
0x70: {  	_ =	shalt  }
0x71: {  	_ =	shalt  }
0x72: {  	_ =	shalt  }
0x73: {  	_ =	shalt  }
0x74: {  	_ =	shalt  }
0x75: {  	_ =	shalt  }
0x76: {  	_ =	shalt  }
0x77: {  	_ =	shalt  }
0x78: {  	_ =	shalt  }
0x79: {  	_ =	shalt  }
0x7a: {  	_ =	shalt  }
0x7b: {  	_ =	shalt  }
0x7c: {  	_ =	shalt  }
0x7d: {  	_ =	shalt  }
0x7e: {  	_ =	shalt  }
0x7f: {  	_ =	shalt  }
0x80: {  	_ =	shalt  }
0x81: {  	_ =	shalt  }
0x82: {  	_ =	shalt  }
0x83: {  	_ =	shalt  }
0x84: {  	_ =	shalt  }
0x85: {  	_ =	shalt  }
0x86: {  	_ =	shalt  }
0x87: {  	_ =	shalt  }
.Lfunc_end0:
.L_simem_size_0:
called_computation.2_lowered:
.L_overlay_start_0:
0x88: {  	s2 =	sld [smem:$0x3FD9]  }
0x89: {  	s3 =	sld [smem:$0x3FFE];
	_ =	sdelay $0x1  }
0x8a: {  	s1 =	srdreg.scid  }
0x8b: {  	s0 =	sand.u32 $0x1, s1  }
0x8c: {  	s17 =	sshll.u32 s0, $0xA;
	s2 =	sadd.s32 s3, s2  }
0x8d: {  	s2 =	sadd.s32 s2, s17  }
0x8e: {  	[smem:$0x3FC2] =	sst s2  }
0x8f: {  	_ = 	snop  }
0x90: {  	s2 =	sld [smem:$0x3FD0];
	(tm) =	ssettm $0x1  }
0x91: {  	s18 =	sld [smem:$0x3FFB];
	_ =	sdelay $0x3  }
0x92: {  	_ =	strace s18  }
0x93: {  	s3 =	sld [smem:$0x3FFC];
	_ =	sdelay $0x3  }
0x94: {  	_ =	strace s3  }
0x95: {  	s3 =	sld [smem:$0x3FFD];
	_ =	sdelay $0x3  }
0x96: {  	_ =	strace s3  }
0x97: {  	_ =	strace $0x8FFFFFFF  }
0x98: {  	s19 =	sld [smem:$0x3FDB];
	_ =	sdelay $0x1  }
0x99: {  	s4 =	simm.s32 $_scs_section_size  }
0x9a: {  	s5 =	simm.s32 $_size__tile_overlayer_lowered;
	s6 =	simm.s32 $_tile_overlayer_lowered  }
0x9b: {  	s22 =	simm.s32 $0x1BFF;
	s21 =	sshll.u32 s6, $0x1;
	s3 =	sadd.s32 s4, s19  }
0x9c: {  	s7 =	simm.s32 $0x0;
	s20 =	sshll.u32 s5, $0x1;
	s5 =	sadd.s32 s21, s3  }
0x9d: {  	[timem:s7], [sflag:s22] =	dma.local [hbm:s5], s20  }
0x9e: {  	_ =	swait.ge [sflag:s22], s20  }
0x9f: {  	s4 =	ssub.s32 $0x0, s20;
	[sflag:s22] =	ssyncset.done $0x0  }
0xa0: {  	[sflag:s22] =	ssyncadd.s32 s4;
	_ =	sdelay $0x1  }
0xa1: {  	s23 =	simm.s32 $0x1B8B  }
0xa2: {  	_ =	swait.ge [sflag:s23], $0x1  }
0xa3: {  	[sflag:s23] =	ssyncset.done $0x0  }
0xa4: {  	s25 =	simm.s32 $0x1B8E;
	s24 =	sld [smem:$0x3FFE];
	[sflag:s23] =	ssyncadd.s32 $0xFFFFFFFF  }
0xa5: {  	s26 =	simm.s32 $execute0_lowered;
	[smem:$0x3FD2] =	sst s25  }
0xa6: {  	s5 =	sshll.u32 s26, $0x1;
	_ =	strace $0x8000004C;
	[dreg:$0x1] =	wrdreg $0xFFFFFFFF  }
0xa7: {  	s28 =	simm.s32 $_size_execute0_lowered;
	s3 =	sadd.s32 s3, s5;
	[dreg:$0x0] =	wrdreg $0x0  }
0xa8: {  	s5 =	sshll.u32 s28, $0x1;
	[dreg:$0x2] =	wrdreg s3  }
0xa9: {  	[dreg:$0x3] =	wrdreg s5  }
0xaa: {  	[dreg:$0x4] =	wrdreg $0xC0  }
0xab: {  	_ =	task [dreg:s7], $0x5FFFF  }
0xac: {  	[dreg:$0x1] =	wrdreg $0xFFFFFFFF  }
0xad: {  	[dreg:$0x0] =	wrdreg $0x60  }
0xae: {  	[dreg:$0x2] =	wrdreg s24  }
0xaf: {  	[dreg:$0x3] =	wrdreg s2  }
0xb0: {  	[dreg:$0x4] =	wrdreg $0x90000  }
0xb1: {  	[dreg:$0x5] =	wrdreg $0x9  }
0xb2: {  	_ =	task.clear_ibuf [dreg:s7], $0x6FFFF;
	_ =	strace $0x9000004C  }
0xb3: {  	s29 =	simm.s32 $0x9;
	_ =	strace $0x8000004E  }
0xb4: {  	_ =	swait.ge [sflag:s29], $0x1  }
0xb5: {  	[sflag:s29] =	ssyncadd.s32 $0xFFFFFFFF  }
0xb6: {  	_ =	strace $0x9000004E  }
0xb7: {  	_ =	sfence  }
0xb8: {  	s30 =	sld [smem:$0x0];
	_ =	sdelay $0x2  }
0xb9: {  	s31 =	sshll.u32 s1, $0xD;
	s1 =	sshrl.u32 s1, $0x2  }
0xba: {  	s3 =	sand.u32 $0x4000, s31;
	s1 =	sadd.s32 s1, s30  }
0xbb: {  	s0 =	sor.u32 s3, s0;
	s1 =	sshll.u32 s1, $0x11  }
0xbc: {  	s0 =	sor.u32 s1, s0  }
0xbd: {  	s0 =	sadd.s32 $0x8F2B, s0  }
0xbe: {  	[sflag:s0] =	ssyncadd.remote.s32 $0x1  }
0xbf: {  	_ =	sfence.sel $0xFFFF  }
0xc0: {  	[dreg:$0x0] =	wrdreg $0xFFFFFFFF;
	(pc) =	sbr.abs _section_cstart, $3  }
0xc1: {  	[dreg:$0x1] =	wrdreg $0xFFFFFFFF  }
0xc2: {  	_ =	task.clear_ibuf [dreg:s7], $0x2FFFF;
	_ =	strace $0x9FFFFFFF  }
0xc3: {  	(tm) =	ssettm $0x7FFFFFFF  }
tec
execute0_lowered:
.L_overlay_start_1:
0x0: {  	(tag) =	ssettag $0x1  }
0x1: {  	s0 =	rddreg [dreg:$0x0];
	s1 =	srdreg.scid  }
0x2: {  	s5 =	rddreg [dreg:$0x1];
	s11 =	stileid.u32  }
0x3: {  	s2 =	rddreg [dreg:$0x2];
	s3 =	simm.s32 $0x0;
	s12 =	simm.s32 $0x100  }
0x4: {  	s14 =	simm.s32 $0x880;
	s15 =	simm.s32 $0x900;
	s16 =	simm.s32 $0x180  }
0x5: {  	s17 =	simm.s32 $0x200;
	[smem:$0x7FF] =	sst s3;
	s10 =	sadd.s32 $0x5D400, s0  }
0x6: {  	s18 =	simm.s32 $0x980;
	_ =	strace $0x8000004D;
	[dreg:$0x14] =	wrdreg s10  }
0x7: {  	s19 =	simm.s32 $0xA00;
	s20 =	simm.s32 $0x280;
	[dreg:$0x6] =	wrdreg s12  }
0x8: {  	s21 =	simm.s32 $0x300;
	s22 =	simm.s32 $0xA80;
	[dreg:$0x7] =	wrdreg s14  }
0x9: {  	s23 =	simm.s32 $0xB00;
	s28 =	simm.s32 $0xE00;
	[dreg:$0x8] =	wrdreg s15  }
0xa: {  	s29 =	simm.s32 $0x680;
	s30 =	simm.s32 $0x700;
	[dreg:$0x9] =	wrdreg s16  }
0xb: {  	s31 =	simm.s32 $0xE80;
	s6 =	smul.u32 $0x2800, s11;
	[dreg:$0xa] =	wrdreg s17  }
0xc: {  	s1 =	sand.u32 $0x1, s1;
	s8 =	smul.u32 $0x14000, s11;
	[dreg:$0xb] =	wrdreg s18  }
0xd: {  	s26 =	smul.u32 $0x50000, s11;
	s13 =	sshll.u32 s11, $0x6;
	[dreg:$0xc] =	wrdreg s19  }
0xe: {  	s11 =	simm.s32 $0x800;
	s4 =	smul.u32 $0x28000, s1;
	[dreg:$0xd] =	wrdreg s20  }
0xf: {  	s24 =	smul.u32 $0x140000, s1;
	s1 =	ssub.s32 $0x2, s1;
	[dreg:$0xe] =	wrdreg s21  }
0x10: {  	s12 =	simm.s32 $0x80;
	s14 =	simm.s32 $0x1;
	[dreg:$0xf] =	wrdreg s22  }
0x11: {  	s15 =	simm.s32 $0x5000;
	[dreg:$0x10] =	wrdreg s23;
	s16 =	simm.s32 $0x3  }
0x12: {  	s17 =	simm.s32 $0x2;
	s18 =	simm.s32 $0x4;
	s19 =	simm.s32 $0xC00  }
0x13: {  	s20 =	simm.s32 $0x480;
	s21 =	simm.s32 $0x500;
	s22 =	simm.s32 $0xC80  }
0x14: {  	s23 =	simm.s32 $0xD00;
	s25 =	sshrl.u32 s1, $0x1;
	s4 =	sadd.s32 s6, s4  }
0x15: {  	s6 =	sadd.s32 s8, s24;
	s1 =	ssub.s32 s1, s25;
	s8 =	sshrl.u32 s26, $0x2  }
0x16: {  	s24 =	simm.s32 $0x380;
	s25 =	simm.s32 $0x400;
	s26 =	simm.s32 $0xB80  }
0x17: {  	s7 =	sshrl.u32 s4, $0x3;
	s4 =	sadd.s32 $0xD400, s0;
	[dreg:$0x11] =	wrdreg s24  }
0x18: {  	s6 =	sshrl.u32 s6, $0x3;
	s1 =	smax.u32 s1, $0x1;
	[dreg:$0x12] =	wrdreg s25  }
0x19: {  	[dreg:$0x13] =	wrdreg s26;
	s24 =	simm.s32 $0x580;
	s25 =	simm.s32 $0x600  }
0x1a: {  	s26 =	simm.s32 $0xD80;
	s9 =	sadd.s32 s7, s0;
	s0 =	sadd.s32 s6, s0  }
0x1b: {  	s5 =	sadd.s32 s7, s5;
	s6 =	sadd.s32 s8, s2;
	[dreg:$0x17] =	wrdreg s1  }
0x1c: {  	s7 =	sor.u32 $0x1C05, s13;
	s13 =	simm.s32 $0x1000;
	[dreg:$0x4] =	wrdreg s5  }
0x1d: {  	s1 =	simm.s32 $0xF00;
	s10 =	sadd.s32 $0x3400, s9;
	[dreg:$0x15] =	wrdreg s7  }
0x1e: {  	s0 =	sadd.s32 $0x5FC00, s0;
	s8 =	sshrl.u32 s6, $0x3;
	[dreg:$0x5] =	wrdreg s10  }
0x1f: {  	s5 =	simm.s32 $0xF80;
	s9 =	simm.s32 $0x0;
	[dreg:$0x16] =	wrdreg s0  }
0x20: {  	s10 =	simm.s32 $0x5;
	s0 =	simm.s32 $0x780;
	[dreg:$0x18] =	wrdreg s8  }
.LBB2_1:
0x21: {  	[dreg:$0x19] =	wrdreg s9  }
0x22: {  	s6 =	rddreg [dreg:$0x14]  }
0x23: {  	[spmem:s8], [sflag:s7] =	dma.local [hbm:s6], $0x2800  }
0x24: {  	_ =	swait.ge [sflag:s10], $0x2800  }
0x25: {  	[sflag:s10] =	ssyncset.done $0x0  }
0x26: {  	[sflag:s10] =	ssyncadd.s32 $0xFFFFD800  }
0x27: {  	[bflag:$0x0] =	sbarrier.arrive $0xFFFF  }
0x28: {  	s9 =	rddreg [dreg:$0x5]  }
0x29: {  	s6 =	sadd.s32 $0x0, s9  }
0x2a: {  	[tilespmem:s3], [sflag:$0x5] =	stream.linear.gather [hbm4b:s6+s3], $0x800, $0x38;
	[tilespmem:$0x1D000] =	vst v63  }
0x2b: {  	_ =	swait.ge [sflag:s10], $0x800  }
0x2c: {  	s7 =	rddreg [dreg:$0x4];
	[sflag:s10] =	ssyncset.done $0x0  }
0x2d: {  	[sflag:s10] =	ssyncadd.s32 $0xFFFFF800;
	s6 =	sadd.s32 $0x0, s7  }
0x2e: {  	[tilespmem:s11], [sflag:$0x5] =	stream.linear.gather [hbm4b:s6+s3], $0x800, $0x38;
	[tilespmem:$0x1D000] =	vst v63  }
0x2f: {  	_ =	swait.ge [sflag:s10], $0x800  }
0x30: {  	[sflag:s10] =	ssyncset.done $0x0  }
0x31: {  	[sflag:s10] =	ssyncadd.s32 $0xFFFFF800  }
0x32: {  	[tilespmem:s13], [sflag:$0x1] =	stream.indirect.gather [hbm4b:s4+s12], $0x80, s3, s12, $0xb8;
	[tilespmem:$0x1D000] =	vst v63  }
0x33: {  	_ =	swait.ge [sflag:s14], $0x4000  }
0x34: {  	[sflag:s14] =	ssyncset.done $0x0  }
0x35: {  	[sflag:s14] =	ssyncadd.s32 $0xFFFFC000  }
0x36: {  	[spmem:s2] =	stream.indirect.scatter.add.f32 [tilespmem:s13], [sflag:$0x3], $0x80, s11, s12, $0xb8;
	[tilespmem:$0x1D000] =	vst v63  }
0x37: {  	_ = 	snop  }
0x38: {  	[tilespmem:s15], [sflag:$0x2] =	stream.indirect.gather [hbm4b:s4+s12], $0x80, s12, s12, $0xb8;
	[tilespmem:$0x1D000] =	vst v63  }
0x39: {  	_ =	swait.ge [sflag:s16], $0x4000  }
0x3a: {  	[sflag:s16] =	ssyncset.done $0x0  }
0x3b: {  	s8 =	rddreg [dreg:$0x6];
	[sflag:s16] =	ssyncadd.s32 $0xFFFFC000  }
0x3c: {  	[tilespmem:s13], [sflag:$0x1] =	stream.indirect.gather [hbm4b:s4+s12], $0x80, s8, s12, $0xb8;
	[tilespmem:$0x1D000] =	vst v63  }
0x3d: {  	_ =	swait.ge [sflag:s17], $0x4000  }
0x3e: {  	[sflag:s17] =	ssyncset.done $0x0  }
0x3f: {  	s9 =	rddreg [dreg:$0x7];
	[sflag:s17] =	ssyncadd.s32 $0xFFFFC000  }
0x40: {  	[spmem:s2] =	stream.indirect.scatter.add.f32 [tilespmem:s15], [sflag:$0x4], $0x80, s9, s12, $0xb8;
	[tilespmem:$0x1D000] =	vst v63  }
0x41: {  	_ =	swait.ge [sflag:s14], $0x4000  }
0x42: {  	[sflag:s14] =	ssyncset.done $0x0  }
0x43: {  	s7 =	rddreg [dreg:$0x8];
	[sflag:s14] =	ssyncadd.s32 $0xFFFFC000  }
0x44: {  	[spmem:s2] =	stream.indirect.scatter.add.f32 [tilespmem:s13], [sflag:$0x3], $0x80, s7, s12, $0xb8;
	[tilespmem:$0x1D000] =	vst v63  }
0x45: {  	_ =	swait.ge [sflag:s18], $0x4000  }
0x46: {  	[sflag:s18] =	ssyncset.done $0x0  }
0x47: {  	s8 =	rddreg [dreg:$0x9];
	[sflag:s18] =	ssyncadd.s32 $0xFFFFC000  }
0x48: {  	[tilespmem:s15], [sflag:$0x2] =	stream.indirect.gather [hbm4b:s4+s12], $0x80, s8, s12, $0xb8;
	[tilespmem:$0x1D000] =	vst v63  }
0x49: {  	_ =	swait.ge [sflag:s16], $0x4000  }
0x4a: {  	[sflag:s16] =	ssyncset.done $0x0  }
0x4b: {  	s9 =	rddreg [dreg:$0xa];
	[sflag:s16] =	ssyncadd.s32 $0xFFFFC000  }
0x4c: {  	[tilespmem:s13], [sflag:$0x1] =	stream.indirect.gather [hbm4b:s4+s12], $0x80, s9, s12, $0xb8;
	[tilespmem:$0x1D000] =	vst v63  }
0x4d: {  	_ =	swait.ge [sflag:s17], $0x4000  }
0x4e: {  	[sflag:s17] =	ssyncset.done $0x0  }
0x4f: {  	s7 =	rddreg [dreg:$0xb];
	[sflag:s17] =	ssyncadd.s32 $0xFFFFC000  }
0x50: {  	[spmem:s2] =	stream.indirect.scatter.add.f32 [tilespmem:s15], [sflag:$0x4], $0x80, s7, s12, $0xb8;
	[tilespmem:$0x1D000] =	vst v63  }
0x51: {  	_ =	swait.ge [sflag:s14], $0x4000  }
0x52: {  	[sflag:s14] =	ssyncset.done $0x0  }
0x53: {  	s8 =	rddreg [dreg:$0xc];
	[sflag:s14] =	ssyncadd.s32 $0xFFFFC000  }
0x54: {  	[spmem:s2] =	stream.indirect.scatter.add.f32 [tilespmem:s13], [sflag:$0x3], $0x80, s8, s12, $0xb8;
	[tilespmem:$0x1D000] =	vst v63  }
0x55: {  	_ =	swait.ge [sflag:s18], $0x4000  }
0x56: {  	[sflag:s18] =	ssyncset.done $0x0  }
0x57: {  	s9 =	rddreg [dreg:$0xd];
	[sflag:s18] =	ssyncadd.s32 $0xFFFFC000  }
0x58: {  	[tilespmem:s15], [sflag:$0x2] =	stream.indirect.gather [hbm4b:s4+s12], $0x80, s9, s12, $0xb8;
	[tilespmem:$0x1D000] =	vst v63  }
0x59: {  	_ =	swait.ge [sflag:s16], $0x4000  }
0x5a: {  	[sflag:s16] =	ssyncset.done $0x0  }
0x5b: {  	s7 =	rddreg [dreg:$0xe];
	[sflag:s16] =	ssyncadd.s32 $0xFFFFC000  }
0x5c: {  	[tilespmem:s13], [sflag:$0x1] =	stream.indirect.gather [hbm4b:s4+s12], $0x80, s7, s12, $0xb8;
	[tilespmem:$0x1D000] =	vst v63  }
0x5d: {  	_ =	swait.ge [sflag:s17], $0x4000  }
0x5e: {  	[sflag:s17] =	ssyncset.done $0x0  }
0x5f: {  	s8 =	rddreg [dreg:$0xf];
	[sflag:s17] =	ssyncadd.s32 $0xFFFFC000  }
0x60: {  	[spmem:s2] =	stream.indirect.scatter.add.f32 [tilespmem:s15], [sflag:$0x4], $0x80, s8, s12, $0xb8;
	[tilespmem:$0x1D000] =	vst v63  }
0x61: {  	_ =	swait.ge [sflag:s14], $0x4000  }
0x62: {  	[sflag:s14] =	ssyncset.done $0x0  }
0x63: {  	s9 =	rddreg [dreg:$0x10];
	[sflag:s14] =	ssyncadd.s32 $0xFFFFC000  }
0x64: {  	[spmem:s2] =	stream.indirect.scatter.add.f32 [tilespmem:s13], [sflag:$0x3], $0x80, s9, s12, $0xb8;
	[tilespmem:$0x1D000] =	vst v63  }
0x65: {  	_ =	swait.ge [sflag:s18], $0x4000  }
0x66: {  	[sflag:s18] =	ssyncset.done $0x0  }
0x67: {  	s7 =	rddreg [dreg:$0x11];
	[sflag:s18] =	ssyncadd.s32 $0xFFFFC000  }
0x68: {  	[tilespmem:s15], [sflag:$0x2] =	stream.indirect.gather [hbm4b:s4+s12], $0x80, s7, s12, $0xb8;
	[tilespmem:$0x1D000] =	vst v63  }
0x69: {  	_ =	swait.ge [sflag:s16], $0x4000  }
0x6a: {  	[sflag:s16] =	ssyncset.done $0x0  }
0x6b: {  	s8 =	rddreg [dreg:$0x12];
	[sflag:s16] =	ssyncadd.s32 $0xFFFFC000  }
0x6c: {  	[tilespmem:s13], [sflag:$0x1] =	stream.indirect.gather [hbm4b:s4+s12], $0x80, s8, s12, $0xb8;
	[tilespmem:$0x1D000] =	vst v63  }
0x6d: {  	_ =	swait.ge [sflag:s17], $0x4000  }
0x6e: {  	[sflag:s17] =	ssyncset.done $0x0  }
0x6f: {  	s9 =	rddreg [dreg:$0x13];
	[sflag:s17] =	ssyncadd.s32 $0xFFFFC000  }
0x70: {  	[spmem:s2] =	stream.indirect.scatter.add.f32 [tilespmem:s15], [sflag:$0x4], $0x80, s9, s12, $0xb8;
	[tilespmem:$0x1D000] =	vst v63  }
0x71: {  	_ =	swait.ge [sflag:s14], $0x4000  }
0x72: {  	[sflag:s14] =	ssyncset.done $0x0  }
0x73: {  	[sflag:s14] =	ssyncadd.s32 $0xFFFFC000  }
0x74: {  	[spmem:s2] =	stream.indirect.scatter.add.f32 [tilespmem:s13], [sflag:$0x3], $0x80, s19, s12, $0xb8;
	[tilespmem:$0x1D000] =	vst v63  }
0x75: {  	_ =	swait.ge [sflag:s18], $0x4000  }
0x76: {  	[sflag:s18] =	ssyncset.done $0x0  }
0x77: {  	[sflag:s18] =	ssyncadd.s32 $0xFFFFC000  }
0x78: {  	[tilespmem:s15], [sflag:$0x2] =	stream.indirect.gather [hbm4b:s4+s12], $0x80, s20, s12, $0xb8;
	[tilespmem:$0x1D000] =	vst v63  }
0x79: {  	_ =	swait.ge [sflag:s16], $0x4000  }
0x7a: {  	[sflag:s16] =	ssyncset.done $0x0  }
0x7b: {  	[sflag:s16] =	ssyncadd.s32 $0xFFFFC000  }
0x7c: {  	[tilespmem:s13], [sflag:$0x1] =	stream.indirect.gather [hbm4b:s4+s12], $0x80, s21, s12, $0xb8;
	[tilespmem:$0x1D000] =	vst v63  }
0x7d: {  	_ =	swait.ge [sflag:s17], $0x4000  }
0x7e: {  	[sflag:s17] =	ssyncset.done $0x0  }
0x7f: {  	[sflag:s17] =	ssyncadd.s32 $0xFFFFC000  }
0x80: {  	[spmem:s2] =	stream.indirect.scatter.add.f32 [tilespmem:s15], [sflag:$0x4], $0x80, s22, s12, $0xb8;
	[tilespmem:$0x1D000] =	vst v63  }
0x81: {  	_ =	swait.ge [sflag:s14], $0x4000  }
0x82: {  	[sflag:s14] =	ssyncset.done $0x0  }
0x83: {  	[sflag:s14] =	ssyncadd.s32 $0xFFFFC000  }
0x84: {  	[spmem:s2] =	stream.indirect.scatter.add.f32 [tilespmem:s13], [sflag:$0x3], $0x80, s23, s12, $0xb8;
	[tilespmem:$0x1D000] =	vst v63  }
0x85: {  	_ =	swait.ge [sflag:s18], $0x4000  }
0x86: {  	[sflag:s18] =	ssyncset.done $0x0  }
0x87: {  	[sflag:s18] =	ssyncadd.s32 $0xFFFFC000  }
0x88: {  	[tilespmem:s15], [sflag:$0x2] =	stream.indirect.gather [hbm4b:s4+s12], $0x80, s24, s12, $0xb8;
	[tilespmem:$0x1D000] =	vst v63  }
0x89: {  	_ =	swait.ge [sflag:s16], $0x4000  }
0x8a: {  	[sflag:s16] =	ssyncset.done $0x0  }
0x8b: {  	[sflag:s16] =	ssyncadd.s32 $0xFFFFC000  }
0x8c: {  	[tilespmem:s13], [sflag:$0x1] =	stream.indirect.gather [hbm4b:s4+s12], $0x80, s25, s12, $0xb8;
	[tilespmem:$0x1D000] =	vst v63  }
0x8d: {  	_ =	swait.ge [sflag:s17], $0x4000  }
0x8e: {  	[sflag:s17] =	ssyncset.done $0x0  }
0x8f: {  	[sflag:s17] =	ssyncadd.s32 $0xFFFFC000  }
0x90: {  	[spmem:s2] =	stream.indirect.scatter.add.f32 [tilespmem:s15], [sflag:$0x4], $0x80, s26, s12, $0xb8;
	[tilespmem:$0x1D000] =	vst v63  }
0x91: {  	_ =	swait.ge [sflag:s14], $0x4000  }
0x92: {  	[sflag:s14] =	ssyncset.done $0x0  }
0x93: {  	[sflag:s14] =	ssyncadd.s32 $0xFFFFC000  }
0x94: {  	[spmem:s2] =	stream.indirect.scatter.add.f32 [tilespmem:s13], [sflag:$0x3], $0x80, s28, s12, $0xb8;
	[tilespmem:$0x1D000] =	vst v63  }
0x95: {  	_ =	swait.ge [sflag:s18], $0x4000  }
0x96: {  	[sflag:s18] =	ssyncset.done $0x0  }
0x97: {  	[sflag:s18] =	ssyncadd.s32 $0xFFFFC000  }
0x98: {  	[tilespmem:s15], [sflag:$0x2] =	stream.indirect.gather [hbm4b:s4+s12], $0x80, s29, s12, $0xb8;
	[tilespmem:$0x1D000] =	vst v63  }
0x99: {  	_ =	swait.ge [sflag:s16], $0x4000  }
0x9a: {  	[sflag:s16] =	ssyncset.done $0x0  }
0x9b: {  	[sflag:s16] =	ssyncadd.s32 $0xFFFFC000  }
0x9c: {  	[tilespmem:s13], [sflag:$0x1] =	stream.indirect.gather [hbm4b:s4+s12], $0x80, s30, s12, $0xb8;
	[tilespmem:$0x1D000] =	vst v63  }
0x9d: {  	_ =	swait.ge [sflag:s17], $0x4000  }
0x9e: {  	[sflag:s17] =	ssyncset.done $0x0  }
0x9f: {  	[sflag:s17] =	ssyncadd.s32 $0xFFFFC000  }
0xa0: {  	[spmem:s2] =	stream.indirect.scatter.add.f32 [tilespmem:s15], [sflag:$0x4], $0x80, s31, s12, $0xb8;
	[tilespmem:$0x1D000] =	vst v63  }
0xa1: {  	_ =	swait.ge [sflag:s14], $0x4000  }
0xa2: {  	[sflag:s14] =	ssyncset.done $0x0  }
0xa3: {  	[sflag:s14] =	ssyncadd.s32 $0xFFFFC000  }
0xa4: {  	[spmem:s2] =	stream.indirect.scatter.add.f32 [tilespmem:s13], [sflag:$0x3], $0x80, s1, s12, $0xb8;
	[tilespmem:$0x1D000] =	vst v63  }
0xa5: {  	_ =	swait.ge [sflag:s18], $0x4000  }
0xa6: {  	[sflag:s18] =	ssyncset.done $0x0  }
0xa7: {  	[sflag:s18] =	ssyncadd.s32 $0xFFFFC000  }
0xa8: {  	[tilespmem:s15], [sflag:$0x2] =	stream.indirect.gather [hbm4b:s4+s12], $0x80, s0, s12, $0xb8;
	[tilespmem:$0x1D000] =	vst v63  }
0xa9: {  	_ =	swait.ge [sflag:s16], $0x4000  }
0xaa: {  	[sflag:s16] =	ssyncset.done $0x0  }
0xab: {  	[sflag:s16] =	ssyncadd.s32 $0xFFFFC000  }
0xac: {  	_ =	swait.ge [sflag:s17], $0x4000  }
0xad: {  	[sflag:s17] =	ssyncset.done $0x0  }
0xae: {  	[sflag:s17] =	ssyncadd.s32 $0xFFFFC000  }
0xaf: {  	[spmem:s2] =	stream.indirect.scatter.add.f32 [tilespmem:s15], [sflag:$0x4], $0x80, s5, s12, $0xb8;
	[tilespmem:$0x1D000] =	vst v63  }
0xb0: {  	s6 =	simm.s32 $0x200;
	_ =	swait.ge [sflag:s18], $0x4000  }
0xb1: {  	s8 =	simm.s32 $0x100;
	s9 =	rddreg [dreg:$0x5];
	[sflag:s18] =	ssyncset.done $0x0  }
.LBB2_2:
0xb2: {  	[sflag:s18] =	ssyncadd.s32 $0xFFFFC000;
	s9 =	sadd.s32 s8, s9  }
0xb3: {  	[tilespmem:s3], [sflag:$0x5] =	stream.linear.gather [hbm4b:s9+s3], $0x800, $0x38;
	[tilespmem:$0x1D000] =	vst v63  }
0xb4: {  	_ =	swait.ge [sflag:s10], $0x800  }
0xb5: {  	s9 =	rddreg [dreg:$0x4];
	[sflag:s10] =	ssyncset.done $0x0  }
0xb6: {  	[sflag:s10] =	ssyncadd.s32 $0xFFFFF800;
	s9 =	sadd.s32 s8, s9  }
0xb7: {  	[tilespmem:s11], [sflag:$0x5] =	stream.linear.gather [hbm4b:s9+s3], $0x800, $0x38;
	[tilespmem:$0x1D000] =	vst v63  }
0xb8: {  	_ =	swait.ge [sflag:s10], $0x800  }
0xb9: {  	[sflag:s10] =	ssyncset.done $0x0  }
0xba: {  	[sflag:s10] =	ssyncadd.s32 $0xFFFFF800  }
0xbb: {  	[tilespmem:s13], [sflag:$0x1] =	stream.indirect.gather [hbm4b:s4+s12], $0x80, s3, s12, $0xb8;
	[tilespmem:$0x1D000] =	vst v63  }
0xbc: {  	_ =	swait.ge [sflag:s14], $0x4000  }
0xbd: {  	[sflag:s14] =	ssyncset.done $0x0  }
0xbe: {  	[sflag:s14] =	ssyncadd.s32 $0xFFFFC000  }
0xbf: {  	[spmem:s2] =	stream.indirect.scatter.add.f32 [tilespmem:s13], [sflag:$0x3], $0x80, s11, s12, $0xb8;
	[tilespmem:$0x1D000] =	vst v63  }
0xc0: {  	_ = 	snop  }
0xc1: {  	[tilespmem:s15], [sflag:$0x2] =	stream.indirect.gather [hbm4b:s4+s12], $0x80, s12, s12, $0xb8;
	[tilespmem:$0x1D000] =	vst v63  }
0xc2: {  	_ =	swait.ge [sflag:s16], $0x4000  }
0xc3: {  	[sflag:s16] =	ssyncset.done $0x0  }
0xc4: {  	s9 =	rddreg [dreg:$0x6];
	[sflag:s16] =	ssyncadd.s32 $0xFFFFC000  }
0xc5: {  	[tilespmem:s13], [sflag:$0x1] =	stream.indirect.gather [hbm4b:s4+s12], $0x80, s9, s12, $0xb8;
	[tilespmem:$0x1D000] =	vst v63  }
0xc6: {  	_ =	swait.ge [sflag:s17], $0x4000  }
0xc7: {  	[sflag:s17] =	ssyncset.done $0x0  }
0xc8: {  	s9 =	rddreg [dreg:$0x7];
	[sflag:s17] =	ssyncadd.s32 $0xFFFFC000  }
0xc9: {  	[spmem:s2] =	stream.indirect.scatter.add.f32 [tilespmem:s15], [sflag:$0x4], $0x80, s9, s12, $0xb8;
	[tilespmem:$0x1D000] =	vst v63  }
0xca: {  	_ =	swait.ge [sflag:s14], $0x4000  }
0xcb: {  	[sflag:s14] =	ssyncset.done $0x0  }
0xcc: {  	s9 =	rddreg [dreg:$0x8];
	[sflag:s14] =	ssyncadd.s32 $0xFFFFC000  }
0xcd: {  	[spmem:s2] =	stream.indirect.scatter.add.f32 [tilespmem:s13], [sflag:$0x3], $0x80, s9, s12, $0xb8;
	[tilespmem:$0x1D000] =	vst v63  }
0xce: {  	_ =	swait.ge [sflag:s18], $0x4000  }
0xcf: {  	[sflag:s18] =	ssyncset.done $0x0  }
0xd0: {  	s9 =	rddreg [dreg:$0x9];
	[sflag:s18] =	ssyncadd.s32 $0xFFFFC000  }
0xd1: {  	[tilespmem:s15], [sflag:$0x2] =	stream.indirect.gather [hbm4b:s4+s12], $0x80, s9, s12, $0xb8;
	[tilespmem:$0x1D000] =	vst v63  }
0xd2: {  	_ =	swait.ge [sflag:s16], $0x4000  }
0xd3: {  	[sflag:s16] =	ssyncset.done $0x0  }
0xd4: {  	s9 =	rddreg [dreg:$0xa];
	[sflag:s16] =	ssyncadd.s32 $0xFFFFC000  }
0xd5: {  	[tilespmem:s13], [sflag:$0x1] =	stream.indirect.gather [hbm4b:s4+s12], $0x80, s9, s12, $0xb8;
	[tilespmem:$0x1D000] =	vst v63  }
0xd6: {  	_ =	swait.ge [sflag:s17], $0x4000  }
0xd7: {  	[sflag:s17] =	ssyncset.done $0x0  }
0xd8: {  	s9 =	rddreg [dreg:$0xb];
	[sflag:s17] =	ssyncadd.s32 $0xFFFFC000  }
0xd9: {  	[spmem:s2] =	stream.indirect.scatter.add.f32 [tilespmem:s15], [sflag:$0x4], $0x80, s9, s12, $0xb8;
	[tilespmem:$0x1D000] =	vst v63  }
0xda: {  	_ =	swait.ge [sflag:s14], $0x4000  }
0xdb: {  	[sflag:s14] =	ssyncset.done $0x0  }
0xdc: {  	s9 =	rddreg [dreg:$0xc];
	[sflag:s14] =	ssyncadd.s32 $0xFFFFC000  }
0xdd: {  	[spmem:s2] =	stream.indirect.scatter.add.f32 [tilespmem:s13], [sflag:$0x3], $0x80, s9, s12, $0xb8;
	[tilespmem:$0x1D000] =	vst v63  }
0xde: {  	_ =	swait.ge [sflag:s18], $0x4000  }
0xdf: {  	[sflag:s18] =	ssyncset.done $0x0  }
0xe0: {  	s9 =	rddreg [dreg:$0xd];
	[sflag:s18] =	ssyncadd.s32 $0xFFFFC000  }
0xe1: {  	[tilespmem:s15], [sflag:$0x2] =	stream.indirect.gather [hbm4b:s4+s12], $0x80, s9, s12, $0xb8;
	[tilespmem:$0x1D000] =	vst v63  }
0xe2: {  	_ =	swait.ge [sflag:s16], $0x4000  }
0xe3: {  	[sflag:s16] =	ssyncset.done $0x0  }
0xe4: {  	s9 =	rddreg [dreg:$0xe];
	[sflag:s16] =	ssyncadd.s32 $0xFFFFC000  }
0xe5: {  	[tilespmem:s13], [sflag:$0x1] =	stream.indirect.gather [hbm4b:s4+s12], $0x80, s9, s12, $0xb8;
	[tilespmem:$0x1D000] =	vst v63  }
0xe6: {  	_ =	swait.ge [sflag:s17], $0x4000  }
0xe7: {  	[sflag:s17] =	ssyncset.done $0x0  }
0xe8: {  	s9 =	rddreg [dreg:$0xf];
	[sflag:s17] =	ssyncadd.s32 $0xFFFFC000  }
0xe9: {  	[spmem:s2] =	stream.indirect.scatter.add.f32 [tilespmem:s15], [sflag:$0x4], $0x80, s9, s12, $0xb8;
	[tilespmem:$0x1D000] =	vst v63  }
0xea: {  	_ =	swait.ge [sflag:s14], $0x4000  }
0xeb: {  	[sflag:s14] =	ssyncset.done $0x0  }
0xec: {  	s9 =	rddreg [dreg:$0x10];
	[sflag:s14] =	ssyncadd.s32 $0xFFFFC000  }
0xed: {  	[spmem:s2] =	stream.indirect.scatter.add.f32 [tilespmem:s13], [sflag:$0x3], $0x80, s9, s12, $0xb8;
	[tilespmem:$0x1D000] =	vst v63  }
0xee: {  	_ =	swait.ge [sflag:s18], $0x4000  }
0xef: {  	[sflag:s18] =	ssyncset.done $0x0  }
0xf0: {  	s9 =	rddreg [dreg:$0x11];
	[sflag:s18] =	ssyncadd.s32 $0xFFFFC000  }
0xf1: {  	[tilespmem:s15], [sflag:$0x2] =	stream.indirect.gather [hbm4b:s4+s12], $0x80, s9, s12, $0xb8;
	[tilespmem:$0x1D000] =	vst v63  }
0xf2: {  	_ =	swait.ge [sflag:s16], $0x4000  }
0xf3: {  	[sflag:s16] =	ssyncset.done $0x0  }
0xf4: {  	s9 =	rddreg [dreg:$0x12];
	[sflag:s16] =	ssyncadd.s32 $0xFFFFC000  }
0xf5: {  	[tilespmem:s13], [sflag:$0x1] =	stream.indirect.gather [hbm4b:s4+s12], $0x80, s9, s12, $0xb8;
	[tilespmem:$0x1D000] =	vst v63  }
0xf6: {  	_ =	swait.ge [sflag:s17], $0x4000  }
0xf7: {  	[sflag:s17] =	ssyncset.done $0x0  }
0xf8: {  	s9 =	rddreg [dreg:$0x13];
	[sflag:s17] =	ssyncadd.s32 $0xFFFFC000  }
0xf9: {  	[spmem:s2] =	stream.indirect.scatter.add.f32 [tilespmem:s15], [sflag:$0x4], $0x80, s9, s12, $0xb8;
	[tilespmem:$0x1D000] =	vst v63  }
0xfa: {  	_ =	swait.ge [sflag:s14], $0x4000  }
0xfb: {  	[sflag:s14] =	ssyncset.done $0x0  }
0xfc: {  	[sflag:s14] =	ssyncadd.s32 $0xFFFFC000  }
0xfd: {  	[spmem:s2] =	stream.indirect.scatter.add.f32 [tilespmem:s13], [sflag:$0x3], $0x80, s19, s12, $0xb8;
	[tilespmem:$0x1D000] =	vst v63  }
0xfe: {  	_ =	swait.ge [sflag:s18], $0x4000  }
0xff: {  	[sflag:s18] =	ssyncset.done $0x0  }
0x100: {  	[sflag:s18] =	ssyncadd.s32 $0xFFFFC000  }
0x101: {  	[tilespmem:s15], [sflag:$0x2] =	stream.indirect.gather [hbm4b:s4+s12], $0x80, s20, s12, $0xb8;
	[tilespmem:$0x1D000] =	vst v63  }
0x102: {  	_ =	swait.ge [sflag:s16], $0x4000  }
0x103: {  	[sflag:s16] =	ssyncset.done $0x0  }
0x104: {  	[sflag:s16] =	ssyncadd.s32 $0xFFFFC000  }
0x105: {  	[tilespmem:s13], [sflag:$0x1] =	stream.indirect.gather [hbm4b:s4+s12], $0x80, s21, s12, $0xb8;
	[tilespmem:$0x1D000] =	vst v63  }
0x106: {  	_ =	swait.ge [sflag:s17], $0x4000  }
0x107: {  	[sflag:s17] =	ssyncset.done $0x0  }
0x108: {  	[sflag:s17] =	ssyncadd.s32 $0xFFFFC000  }
0x109: {  	[spmem:s2] =	stream.indirect.scatter.add.f32 [tilespmem:s15], [sflag:$0x4], $0x80, s22, s12, $0xb8;
	[tilespmem:$0x1D000] =	vst v63  }
0x10a: {  	_ =	swait.ge [sflag:s14], $0x4000  }
0x10b: {  	[sflag:s14] =	ssyncset.done $0x0  }
0x10c: {  	[sflag:s14] =	ssyncadd.s32 $0xFFFFC000  }
0x10d: {  	[spmem:s2] =	stream.indirect.scatter.add.f32 [tilespmem:s13], [sflag:$0x3], $0x80, s23, s12, $0xb8;
	[tilespmem:$0x1D000] =	vst v63  }
0x10e: {  	_ =	swait.ge [sflag:s18], $0x4000  }
0x10f: {  	[sflag:s18] =	ssyncset.done $0x0  }
0x110: {  	[sflag:s18] =	ssyncadd.s32 $0xFFFFC000  }
0x111: {  	[tilespmem:s15], [sflag:$0x2] =	stream.indirect.gather [hbm4b:s4+s12], $0x80, s24, s12, $0xb8;
	[tilespmem:$0x1D000] =	vst v63  }
0x112: {  	_ =	swait.ge [sflag:s16], $0x4000  }
0x113: {  	[sflag:s16] =	ssyncset.done $0x0  }
0x114: {  	[sflag:s16] =	ssyncadd.s32 $0xFFFFC000  }
0x115: {  	[tilespmem:s13], [sflag:$0x1] =	stream.indirect.gather [hbm4b:s4+s12], $0x80, s25, s12, $0xb8;
	[tilespmem:$0x1D000] =	vst v63  }
0x116: {  	_ =	swait.ge [sflag:s17], $0x4000  }
0x117: {  	[sflag:s17] =	ssyncset.done $0x0  }
0x118: {  	[sflag:s17] =	ssyncadd.s32 $0xFFFFC000  }
0x119: {  	[spmem:s2] =	stream.indirect.scatter.add.f32 [tilespmem:s15], [sflag:$0x4], $0x80, s26, s12, $0xb8;
	[tilespmem:$0x1D000] =	vst v63  }
0x11a: {  	_ =	swait.ge [sflag:s14], $0x4000  }
0x11b: {  	[sflag:s14] =	ssyncset.done $0x0  }
0x11c: {  	[sflag:s14] =	ssyncadd.s32 $0xFFFFC000  }
0x11d: {  	[spmem:s2] =	stream.indirect.scatter.add.f32 [tilespmem:s13], [sflag:$0x3], $0x80, s28, s12, $0xb8;
	[tilespmem:$0x1D000] =	vst v63  }
0x11e: {  	_ =	swait.ge [sflag:s18], $0x4000  }
0x11f: {  	[sflag:s18] =	ssyncset.done $0x0  }
0x120: {  	[sflag:s18] =	ssyncadd.s32 $0xFFFFC000  }
0x121: {  	[tilespmem:s15], [sflag:$0x2] =	stream.indirect.gather [hbm4b:s4+s12], $0x80, s29, s12, $0xb8;
	[tilespmem:$0x1D000] =	vst v63  }
0x122: {  	_ =	swait.ge [sflag:s16], $0x4000  }
0x123: {  	[sflag:s16] =	ssyncset.done $0x0  }
0x124: {  	[sflag:s16] =	ssyncadd.s32 $0xFFFFC000  }
0x125: {  	[tilespmem:s13], [sflag:$0x1] =	stream.indirect.gather [hbm4b:s4+s12], $0x80, s30, s12, $0xb8;
	[tilespmem:$0x1D000] =	vst v63  }
0x126: {  	_ =	swait.ge [sflag:s17], $0x4000  }
0x127: {  	[sflag:s17] =	ssyncset.done $0x0  }
0x128: {  	[sflag:s17] =	ssyncadd.s32 $0xFFFFC000  }
0x129: {  	[spmem:s2] =	stream.indirect.scatter.add.f32 [tilespmem:s15], [sflag:$0x4], $0x80, s31, s12, $0xb8;
	[tilespmem:$0x1D000] =	vst v63  }
0x12a: {  	_ =	swait.ge [sflag:s14], $0x4000  }
0x12b: {  	[sflag:s14] =	ssyncset.done $0x0  }
0x12c: {  	[sflag:s14] =	ssyncadd.s32 $0xFFFFC000  }
0x12d: {  	[spmem:s2] =	stream.indirect.scatter.add.f32 [tilespmem:s13], [sflag:$0x3], $0x80, s1, s12, $0xb8;
	[tilespmem:$0x1D000] =	vst v63  }
0x12e: {  	_ =	swait.ge [sflag:s18], $0x4000  }
0x12f: {  	[sflag:s18] =	ssyncset.done $0x0  }
0x130: {  	[sflag:s18] =	ssyncadd.s32 $0xFFFFC000  }
0x131: {  	[tilespmem:s15], [sflag:$0x2] =	stream.indirect.gather [hbm4b:s4+s12], $0x80, s0, s12, $0xb8;
	[tilespmem:$0x1D000] =	vst v63  }
0x132: {  	_ =	swait.ge [sflag:s16], $0x4000  }
0x133: {  	[sflag:s16] =	ssyncset.done $0x0  }
0x134: {  	[sflag:s16] =	ssyncadd.s32 $0xFFFFC000  }
0x135: {  	p0 =	sne.s32 s6, $0x400;
	_ =	swait.ge [sflag:s17], $0x4000  }
.Ltmp0:
0x136: {  	[sflag:s17] =	ssyncset.done $0x0;
	(pc) =	sbr.rel @p0 .LBB2_2-.Ltmp0, $4  }
0x137: {  	[sflag:s17] =	ssyncadd.s32 $0xFFFFC000  }
0x138: {  	[spmem:s2] =	stream.indirect.scatter.add.f32 [tilespmem:s15], [sflag:$0x4], $0x80, s5, s12, $0xb8;
	[tilespmem:$0x1D000] =	vst v63  }
0x139: {  	s7 =	smov.u32 s6;
	s6 =	sadd.s32 $0x100, s6;
	_ =	swait.ge [sflag:s18], $0x4000  }
0x13a: {  	s8 =	smov.u32 s7;
	s9 =	rddreg [dreg:$0x5];
	[sflag:s18] =	ssyncset.done $0x0  }
0x13b: {  	[sflag:s18] =	ssyncadd.s32 $0xFFFFC000;
	s6 =	sadd.s32 s8, s9  }
0x13c: {  	[tilespmem:s3], [sflag:$0x5] =	stream.linear.gather [hbm4b:s6+s3], $0x800, $0x38;
	[tilespmem:$0x1D000] =	vst v63  }
0x13d: {  	_ =	swait.ge [sflag:s10], $0x800  }
0x13e: {  	s9 =	rddreg [dreg:$0x4];
	[sflag:s10] =	ssyncset.done $0x0  }
0x13f: {  	s6 =	sadd.s32 s8, s9;
	[sflag:s10] =	ssyncadd.s32 $0xFFFFF800  }
0x140: {  	[tilespmem:s11], [sflag:$0x5] =	stream.linear.gather [hbm4b:s6+s3], $0x800, $0x38;
	[tilespmem:$0x1D000] =	vst v63  }
0x141: {  	_ =	swait.ge [sflag:s10], $0x800  }
0x142: {  	[sflag:s10] =	ssyncset.done $0x0  }
0x143: {  	[sflag:s10] =	ssyncadd.s32 $0xFFFFF800  }
0x144: {  	[tilespmem:s13], [sflag:$0x1] =	stream.indirect.gather [hbm4b:s4+s12], $0x80, s3, s12, $0xb8;
	[tilespmem:$0x1D000] =	vst v63  }
0x145: {  	_ =	swait.ge [sflag:s14], $0x4000  }
0x146: {  	[sflag:s14] =	ssyncset.done $0x0  }
0x147: {  	[sflag:s14] =	ssyncadd.s32 $0xFFFFC000  }
0x148: {  	[spmem:s2] =	stream.indirect.scatter.add.f32 [tilespmem:s13], [sflag:$0x3], $0x80, s11, s12, $0xb8;
	[tilespmem:$0x1D000] =	vst v63  }
0x149: {  	_ = 	snop  }
0x14a: {  	[tilespmem:s15], [sflag:$0x2] =	stream.indirect.gather [hbm4b:s4+s12], $0x80, s12, s12, $0xb8;
	[tilespmem:$0x1D000] =	vst v63  }
0x14b: {  	_ =	swait.ge [sflag:s16], $0x4000  }
0x14c: {  	[sflag:s16] =	ssyncset.done $0x0  }
0x14d: {  	s7 =	rddreg [dreg:$0x6];
	[sflag:s16] =	ssyncadd.s32 $0xFFFFC000  }
0x14e: {  	[tilespmem:s13], [sflag:$0x1] =	stream.indirect.gather [hbm4b:s4+s12], $0x80, s7, s12, $0xb8;
	[tilespmem:$0x1D000] =	vst v63  }
0x14f: {  	_ =	swait.ge [sflag:s17], $0x4000  }
0x150: {  	[sflag:s17] =	ssyncset.done $0x0  }
0x151: {  	s8 =	rddreg [dreg:$0x7];
	[sflag:s17] =	ssyncadd.s32 $0xFFFFC000  }
0x152: {  	[spmem:s2] =	stream.indirect.scatter.add.f32 [tilespmem:s15], [sflag:$0x4], $0x80, s8, s12, $0xb8;
	[tilespmem:$0x1D000] =	vst v63  }
0x153: {  	_ =	swait.ge [sflag:s14], $0x4000  }
0x154: {  	[sflag:s14] =	ssyncset.done $0x0  }
0x155: {  	s9 =	rddreg [dreg:$0x8];
	[sflag:s14] =	ssyncadd.s32 $0xFFFFC000  }
0x156: {  	[spmem:s2] =	stream.indirect.scatter.add.f32 [tilespmem:s13], [sflag:$0x3], $0x80, s9, s12, $0xb8;
	[tilespmem:$0x1D000] =	vst v63  }
0x157: {  	_ =	swait.ge [sflag:s18], $0x4000  }
0x158: {  	[sflag:s18] =	ssyncset.done $0x0  }
0x159: {  	s7 =	rddreg [dreg:$0x9];
	[sflag:s18] =	ssyncadd.s32 $0xFFFFC000  }
0x15a: {  	[tilespmem:s15], [sflag:$0x2] =	stream.indirect.gather [hbm4b:s4+s12], $0x80, s7, s12, $0xb8;
	[tilespmem:$0x1D000] =	vst v63  }
0x15b: {  	_ =	swait.ge [sflag:s16], $0x4000  }
0x15c: {  	[sflag:s16] =	ssyncset.done $0x0  }
0x15d: {  	s8 =	rddreg [dreg:$0xa];
	[sflag:s16] =	ssyncadd.s32 $0xFFFFC000  }
0x15e: {  	[tilespmem:s13], [sflag:$0x1] =	stream.indirect.gather [hbm4b:s4+s12], $0x80, s8, s12, $0xb8;
	[tilespmem:$0x1D000] =	vst v63  }
0x15f: {  	_ =	swait.ge [sflag:s17], $0x4000  }
0x160: {  	[sflag:s17] =	ssyncset.done $0x0  }
0x161: {  	s9 =	rddreg [dreg:$0xb];
	[sflag:s17] =	ssyncadd.s32 $0xFFFFC000  }
0x162: {  	[spmem:s2] =	stream.indirect.scatter.add.f32 [tilespmem:s15], [sflag:$0x4], $0x80, s9, s12, $0xb8;
	[tilespmem:$0x1D000] =	vst v63  }
0x163: {  	_ =	swait.ge [sflag:s14], $0x4000  }
0x164: {  	[sflag:s14] =	ssyncset.done $0x0  }
0x165: {  	s7 =	rddreg [dreg:$0xc];
	[sflag:s14] =	ssyncadd.s32 $0xFFFFC000  }
0x166: {  	[spmem:s2] =	stream.indirect.scatter.add.f32 [tilespmem:s13], [sflag:$0x3], $0x80, s7, s12, $0xb8;
	[tilespmem:$0x1D000] =	vst v63  }
0x167: {  	_ =	swait.ge [sflag:s18], $0x4000  }
0x168: {  	[sflag:s18] =	ssyncset.done $0x0  }
0x169: {  	s8 =	rddreg [dreg:$0xd];
	[sflag:s18] =	ssyncadd.s32 $0xFFFFC000  }
0x16a: {  	[tilespmem:s15], [sflag:$0x2] =	stream.indirect.gather [hbm4b:s4+s12], $0x80, s8, s12, $0xb8;
	[tilespmem:$0x1D000] =	vst v63  }
0x16b: {  	_ =	swait.ge [sflag:s16], $0x4000  }
0x16c: {  	[sflag:s16] =	ssyncset.done $0x0  }
0x16d: {  	s9 =	rddreg [dreg:$0xe];
	[sflag:s16] =	ssyncadd.s32 $0xFFFFC000  }
0x16e: {  	[tilespmem:s13], [sflag:$0x1] =	stream.indirect.gather [hbm4b:s4+s12], $0x80, s9, s12, $0xb8;
	[tilespmem:$0x1D000] =	vst v63  }
0x16f: {  	_ =	swait.ge [sflag:s17], $0x4000  }
0x170: {  	[sflag:s17] =	ssyncset.done $0x0  }
0x171: {  	s7 =	rddreg [dreg:$0xf];
	[sflag:s17] =	ssyncadd.s32 $0xFFFFC000  }
0x172: {  	[spmem:s2] =	stream.indirect.scatter.add.f32 [tilespmem:s15], [sflag:$0x4], $0x80, s7, s12, $0xb8;
	[tilespmem:$0x1D000] =	vst v63  }
0x173: {  	_ =	swait.ge [sflag:s14], $0x4000  }
0x174: {  	[sflag:s14] =	ssyncset.done $0x0  }
0x175: {  	s8 =	rddreg [dreg:$0x10];
	[sflag:s14] =	ssyncadd.s32 $0xFFFFC000  }
0x176: {  	[spmem:s2] =	stream.indirect.scatter.add.f32 [tilespmem:s13], [sflag:$0x3], $0x80, s8, s12, $0xb8;
	[tilespmem:$0x1D000] =	vst v63  }
0x177: {  	_ =	swait.ge [sflag:s18], $0x4000  }
0x178: {  	[sflag:s18] =	ssyncset.done $0x0  }
0x179: {  	s9 =	rddreg [dreg:$0x11];
	[sflag:s18] =	ssyncadd.s32 $0xFFFFC000  }
0x17a: {  	[tilespmem:s15], [sflag:$0x2] =	stream.indirect.gather [hbm4b:s4+s12], $0x80, s9, s12, $0xb8;
	[tilespmem:$0x1D000] =	vst v63  }
0x17b: {  	_ =	swait.ge [sflag:s16], $0x4000  }
0x17c: {  	[sflag:s16] =	ssyncset.done $0x0  }
0x17d: {  	s7 =	rddreg [dreg:$0x12];
	[sflag:s16] =	ssyncadd.s32 $0xFFFFC000  }
0x17e: {  	[tilespmem:s13], [sflag:$0x1] =	stream.indirect.gather [hbm4b:s4+s12], $0x80, s7, s12, $0xb8;
	[tilespmem:$0x1D000] =	vst v63  }
0x17f: {  	_ =	swait.ge [sflag:s17], $0x4000  }
0x180: {  	[sflag:s17] =	ssyncset.done $0x0  }
0x181: {  	s8 =	rddreg [dreg:$0x13];
	[sflag:s17] =	ssyncadd.s32 $0xFFFFC000  }
0x182: {  	[spmem:s2] =	stream.indirect.scatter.add.f32 [tilespmem:s15], [sflag:$0x4], $0x80, s8, s12, $0xb8;
	[tilespmem:$0x1D000] =	vst v63  }
0x183: {  	_ =	swait.ge [sflag:s14], $0x4000  }
0x184: {  	[sflag:s14] =	ssyncset.done $0x0  }
0x185: {  	[sflag:s14] =	ssyncadd.s32 $0xFFFFC000  }
0x186: {  	[spmem:s2] =	stream.indirect.scatter.add.f32 [tilespmem:s13], [sflag:$0x3], $0x80, s19, s12, $0xb8;
	[tilespmem:$0x1D000] =	vst v63  }
0x187: {  	_ =	swait.ge [sflag:s18], $0x4000  }
0x188: {  	[sflag:s18] =	ssyncset.done $0x0  }
0x189: {  	[sflag:s18] =	ssyncadd.s32 $0xFFFFC000  }
0x18a: {  	[tilespmem:s15], [sflag:$0x2] =	stream.indirect.gather [hbm4b:s4+s12], $0x80, s20, s12, $0xb8;
	[tilespmem:$0x1D000] =	vst v63  }
0x18b: {  	_ =	swait.ge [sflag:s16], $0x4000  }
0x18c: {  	[sflag:s16] =	ssyncset.done $0x0  }
0x18d: {  	[sflag:s16] =	ssyncadd.s32 $0xFFFFC000  }
0x18e: {  	[tilespmem:s13], [sflag:$0x1] =	stream.indirect.gather [hbm4b:s4+s12], $0x80, s21, s12, $0xb8;
	[tilespmem:$0x1D000] =	vst v63  }
0x18f: {  	_ =	swait.ge [sflag:s17], $0x4000  }
0x190: {  	[sflag:s17] =	ssyncset.done $0x0  }
0x191: {  	[sflag:s17] =	ssyncadd.s32 $0xFFFFC000  }
0x192: {  	[spmem:s2] =	stream.indirect.scatter.add.f32 [tilespmem:s15], [sflag:$0x4], $0x80, s22, s12, $0xb8;
	[tilespmem:$0x1D000] =	vst v63  }
0x193: {  	_ =	swait.ge [sflag:s14], $0x4000  }
0x194: {  	[sflag:s14] =	ssyncset.done $0x0  }
0x195: {  	[sflag:s14] =	ssyncadd.s32 $0xFFFFC000  }
0x196: {  	[spmem:s2] =	stream.indirect.scatter.add.f32 [tilespmem:s13], [sflag:$0x3], $0x80, s23, s12, $0xb8;
	[tilespmem:$0x1D000] =	vst v63  }
0x197: {  	_ =	swait.ge [sflag:s18], $0x4000  }
0x198: {  	[sflag:s18] =	ssyncset.done $0x0  }
0x199: {  	[sflag:s18] =	ssyncadd.s32 $0xFFFFC000  }
0x19a: {  	[tilespmem:s15], [sflag:$0x2] =	stream.indirect.gather [hbm4b:s4+s12], $0x80, s24, s12, $0xb8;
	[tilespmem:$0x1D000] =	vst v63  }
0x19b: {  	_ =	swait.ge [sflag:s16], $0x4000  }
0x19c: {  	[sflag:s16] =	ssyncset.done $0x0  }
0x19d: {  	[sflag:s16] =	ssyncadd.s32 $0xFFFFC000  }
0x19e: {  	[tilespmem:s13], [sflag:$0x1] =	stream.indirect.gather [hbm4b:s4+s12], $0x80, s25, s12, $0xb8;
	[tilespmem:$0x1D000] =	vst v63  }
0x19f: {  	_ =	swait.ge [sflag:s17], $0x4000  }
0x1a0: {  	[sflag:s17] =	ssyncset.done $0x0  }
0x1a1: {  	[sflag:s17] =	ssyncadd.s32 $0xFFFFC000  }
0x1a2: {  	[spmem:s2] =	stream.indirect.scatter.add.f32 [tilespmem:s15], [sflag:$0x4], $0x80, s26, s12, $0xb8;
	[tilespmem:$0x1D000] =	vst v63  }
0x1a3: {  	_ =	swait.ge [sflag:s14], $0x4000  }
0x1a4: {  	[sflag:s14] =	ssyncset.done $0x0  }
0x1a5: {  	[sflag:s14] =	ssyncadd.s32 $0xFFFFC000  }
0x1a6: {  	[spmem:s2] =	stream.indirect.scatter.add.f32 [tilespmem:s13], [sflag:$0x3], $0x80, s28, s12, $0xb8;
	[tilespmem:$0x1D000] =	vst v63  }
0x1a7: {  	_ =	swait.ge [sflag:s18], $0x4000  }
0x1a8: {  	[sflag:s18] =	ssyncset.done $0x0  }
0x1a9: {  	[sflag:s18] =	ssyncadd.s32 $0xFFFFC000  }
0x1aa: {  	[tilespmem:s15], [sflag:$0x2] =	stream.indirect.gather [hbm4b:s4+s12], $0x80, s29, s12, $0xb8;
	[tilespmem:$0x1D000] =	vst v63  }
0x1ab: {  	_ =	swait.ge [sflag:s16], $0x4000  }
0x1ac: {  	[sflag:s16] =	ssyncset.done $0x0  }
0x1ad: {  	[sflag:s16] =	ssyncadd.s32 $0xFFFFC000  }
0x1ae: {  	[tilespmem:s13], [sflag:$0x1] =	stream.indirect.gather [hbm4b:s4+s12], $0x80, s30, s12, $0xb8;
	[tilespmem:$0x1D000] =	vst v63  }
0x1af: {  	_ =	swait.ge [sflag:s17], $0x4000  }
0x1b0: {  	[sflag:s17] =	ssyncset.done $0x0  }
0x1b1: {  	[sflag:s17] =	ssyncadd.s32 $0xFFFFC000  }
0x1b2: {  	[spmem:s2] =	stream.indirect.scatter.add.f32 [tilespmem:s15], [sflag:$0x4], $0x80, s31, s12, $0xb8;
	[tilespmem:$0x1D000] =	vst v63  }
0x1b3: {  	_ =	swait.ge [sflag:s14], $0x4000  }
0x1b4: {  	[sflag:s14] =	ssyncset.done $0x0  }
0x1b5: {  	[sflag:s14] =	ssyncadd.s32 $0xFFFFC000  }
0x1b6: {  	[spmem:s2] =	stream.indirect.scatter.add.f32 [tilespmem:s13], [sflag:$0x3], $0x80, s1, s12, $0xb8;
	[tilespmem:$0x1D000] =	vst v63  }
0x1b7: {  	_ =	swait.ge [sflag:s18], $0x4000  }
0x1b8: {  	[sflag:s18] =	ssyncset.done $0x0  }
0x1b9: {  	[sflag:s18] =	ssyncadd.s32 $0xFFFFC000  }
0x1ba: {  	[tilespmem:s15], [sflag:$0x2] =	stream.indirect.gather [hbm4b:s4+s12], $0x80, s0, s12, $0xb8;
	[tilespmem:$0x1D000] =	vst v63  }
0x1bb: {  	_ =	swait.ge [sflag:s16], $0x4000  }
0x1bc: {  	[sflag:s16] =	ssyncset.done $0x0  }
0x1bd: {  	[sflag:s16] =	ssyncadd.s32 $0xFFFFC000  }
0x1be: {  	_ =	swait.ge [sflag:s17], $0x4000  }
0x1bf: {  	[sflag:s17] =	ssyncset.done $0x0  }
0x1c0: {  	[sflag:s17] =	ssyncadd.s32 $0xFFFFC000  }
0x1c1: {  	[spmem:s2] =	stream.indirect.scatter.add.f32 [tilespmem:s15], [sflag:$0x4], $0x80, s5, s12, $0xb8;
	[tilespmem:$0x1D000] =	vst v63  }
0x1c2: {  	_ =	swait.ge [sflag:s18], $0x4000  }
0x1c3: {  	[sflag:s18] =	ssyncset.done $0x0  }
0x1c4: {  	[sflag:s18] =	ssyncadd.s32 $0xFFFFC000  }
0x1c5: {  	[bflag:$0x0] =	sbarrier.arrive $0xFFFF  }
0x1c6: {  	s7 =	rddreg [dreg:$0x15]  }
0x1c7: {  	s9 =	rddreg [dreg:$0x16]  }
0x1c8: {  	s8 =	rddreg [dreg:$0x18]  }
0x1c9: {  	[hbm:s9], [sflag:s7] =	dma.local [spmem:s8], $0x2800  }
0x1ca: {  	_ =	swait.ge [sflag:s10], $0x2800  }
0x1cb: {  	s6 =	rddreg [dreg:$0x19]  }
0x1cc: {  	s9 =	sadd.s32 $0x1, s6;
	s6 =	rddreg [dreg:$0x17]  }
0x1cd: {  	p0 =	sne.s32 s9, s6  }
.Ltmp1:
0x1ce: {  	_ = 	snop;
	(pc) =	sbr.rel @p0 .LBB2_1-.Ltmp1, $3  }
0x1cf: {  	[sflag:s10] =	ssyncset.done $0x0  }
0x1d0: {  	[sflag:s10] =	ssyncadd.s32 $0xFFFFD800  }
0x1d1: {  	[bflag:$0x0] =	sbarrier.arrive $0xFFFF;
	_ =	sdelay $0x1  }
0x1d2: {  	_ =	sfence.sel $0x180000  }
0x1d3: {  	[bflag:$0x0] =	sbarrier.arrive $0xFFFF  }
0x1d4: {  	_ =	strace $0x9000004D  }
0x1d5: {  	s0 =	stileid.u32;
	[bflag:$0x2] =	sbarrier.arrive $0xFFFF  }
0x1d6: {  	p0 =	sne.s32 s0, $0x0;
	s0 =	rddreg [dreg:$0x3]  }
0x1d7: {  	s0 =	sadd.s32 @!p0 $0x100000, s0  }
0x1d8: {  	[sflag:s0] =	ssyncadd.tile.s32 @!p0 $0x1;
	_ =	shalt  }
.Lfunc_end2:
_tile_overlayer_lowered:
.L_overlay_start_2:
0x1d9: {  	(tag) =	ssettag $0x2  }
0x1da: {  	s0 =	rddreg [dreg:$0x0];
	s2 =	stileid.u32  }
0x1db: {  	s1 =	rddreg [dreg:$0x1];
	p0 =	sne.s32 s2, $0x0  }
0x1dc: {  	s3 =	rddreg [dreg:$0x2];
	[bflag:$0x3] =	sbarrier.arrive $0xFFFF;
	s2 =	simm.s32 @!p0 $0x1C05  }
0x1dd: {  	[timem:s3], [sflag:s2] =	dma.local @!p0 [hbm:s0], s1  }
0x1de: {  	s0 =	simm.s32 @!p0 $0x5  }
0x1df: {  	_ =	swait.ge @!p0 [sflag:s0], s1  }
0x1e0: {  	s1 =	ssub.s32 @!p0 $0x0, s1;
	[sflag:s0] =	ssyncset.done @!p0 $0x0  }
0x1e1: {  	[sflag:s0] =	ssyncadd.s32 @!p0 s1  }
0x1e2: {  	[bflag:$0x3] =	sbarrier.arrive $0xFFFF  }
0x1e3: {  	_ =	shalt  }

// kernel: kernel.8.cloned.1.call-start
scs
__scs_entry_jumppad:
0x0: {  	(pc) =	sbr.rel $0x88, $3  }
0x1: {  	(tag) =	ssettag $0x0;
	lr =	simm.s32 $0x1  }
0x2: {  	[smem:$0x3F9B] =	sst lr;
	_ =	strace $0xD0000000  }
0x3: {  	_ = 	snop  }
0x4: {  	_ = 	snop  }
0x5: {  	_ = 	snop  }
0x6: {  	_ = 	snop  }
0x7: {  	_ = 	snop  }
__scs_overlays_trampoline_lowered:
0x8: {  	[smem:$0x3FAA] =	sst s0  }
0x9: {  	[smem:$0x3FAB] =	sst s1  }
0xa: {  	[smem:$0x3FAC] =	sst s2  }
0xb: {  	[smem:$0x3FAD] =	sst s3  }
0xc: {  	[smem:$0x3FAE] =	sst s4  }
0xd: {  	[smem:$0x3FAF] =	sst s5  }
0xe: {  	[smem:$0x3FB0] =	sst s6  }
0xf: {  	[smem:$0x3FB1] =	sst s7  }
0x10: {  	[smem:$0x3FB2] =	sst s8  }
0x11: {  	[smem:$0x3FB3] =	sst s9;
	s0 =	simm.s32 @!p0 $0x0  }
0x12: {  	s1 =	sld [smem:$0x3F99];
	s0 =	simm.s32 @p0 $0x1  }
0x13: {  	[smem:$0x3FB4] =	sst s0;
	s0 =	simm.s32 @!p1 $0x0  }
0x14: {  	s2 =	sld [smem:$0x3F98];
	s0 =	simm.s32 @p1 $0x1  }
0x15: {  	[smem:$0x3FB5] =	sst s0;
	s0 =	simm.s32 @!p2 $0x0  }
0x16: {  	s3 =	sld [smem:$0x3FDB];
	s0 =	simm.s32 @p2 $0x1  }
0x17: {  	s4 =	simm.s32 $0x1BF5;
	[smem:$0x3FB7] =	sst s0  }
0x18: {  	s0 =	sld [smem:$0x3F9A];
	_ =	swait.ge [sflag:s4], $0x0  }
0x19: {  	s7 =	sld [smem:$0x3F9B]  }
0x1a: {  	s8 =	sadd.s32 $0xFFFFE003, lr  }
0x1b: {  	s9 =	sadd.s32 $0xFFFFFEF7, lr;
	s5 =	simm.s32 $0xFFFFFFFF;
	p2 =	slt.u32 s8, $0xFFFFF086  }
0x1c: {  	p1 =	slt.u32 s9, $0xF7A;
	s5 =	simm.s32 @!p2 $0x0  }
0x1d: {  	s5 =	simm.s32 @p1 $0x1;
	p0 =	seq.s32 s7, s2  }
0x1e: {  	s7 =	smul.u32 @!p0 $0xF7A, s2;
	p2 =	seq.s32 @!p0 s5, $0x0  }
0x1f: {  	s9 =	smul.u32 $0xF7A, s1;
	s8 =	simm.s32 @!p0 $0x1BF5;
	p2 =	por !p2, p0  }
0x20: {  	[sflag:s8] =	ssyncset.s32 @!p0 $0xFFFFF086;
	s6 =	sadd.s32 @!p0 s3, s7;
	s7 =	simm.s32 @!p0 $0x108  }
0x21: {  	s3 =	sadd.s32 s3, s9;
	s6 =	sadd.s32 @!p0 $0x88, s6;
	s7 =	simm.s32 @p2 $0x1082  }
0x22: {  	[simem:s7], [sflag:s8] =	dma.local @!p0 [hbm:s6], $0xF7A  }
0x23: {  	s9 =	sor.u32 $0xD0000000, s2;
	s6 =	simm.s32 $0x108;
	_ =	swait.ge @!p0 [sflag:s8], $0x0  }
0x24: {  	s3 =	sadd.s32 $0x88, s3;
	s6 =	simm.s32 @!p1 $0x1082;
	[sflag:s4] =	ssyncset.s32 $0xFFFFF086  }
0x25: {  	[simem:s6], [sflag:s4] =	dma.local [hbm:s3], $0xF7A  }
0x26: {  	[smem:$0x3F9B] =	sst s1;
	(tag) =	ssettag s2;
	_ =	strace s9  }
0x27: {  	s1 =	sld [smem:$0x3FAB]  }
0x28: {  	s2 =	sld [smem:$0x3FAC]  }
0x29: {  	s4 =	sld [smem:$0x3FAE]  }
0x2a: {  	p0 =	seq.s32 s5, $0x0;
	s5 =	sld [smem:$0x3FAF]  }
0x2b: {  	s6 =	sld [smem:$0x3FB0]  }
0x2c: {  	s7 =	sld [smem:$0x3FB1]  }
0x2d: {  	s3 =	simm.s32 $0x108;
	s8 =	sld [smem:$0x3FB2]  }
0x2e: {  	s3 =	simm.s32 @!p0 $0x1082;
	s9 =	sld [smem:$0x3FB3]  }
0x2f: {  	lr =	sadd.s32 s0, s3;
	s0 =	sld [smem:$0x3FAA]  }
0x30: {  	s3 =	sld [smem:$0x3FAD]  }
0x31: {  	[smem:$0x3FB6] =	sst s10  }
0x32: {  	s10 =	sld [smem:$0x3FB4];
	_ =	sdelay $0x3  }
0x33: {  	p0 =	seq.s32 s10, $0x1;
	s10 =	sld [smem:$0x3FB6];
	_ =	sdelay $0x3  }
0x34: {  	[smem:$0x3FB6] =	sst s10  }
0x35: {  	s10 =	sld [smem:$0x3FB5];
	_ =	sdelay $0x3  }
0x36: {  	p1 =	seq.s32 s10, $0x1;
	s10 =	sld [smem:$0x3FB6];
	_ =	sdelay $0x3  }
0x37: {  	[smem:$0x3FB6] =	sst s10  }
0x38: {  	s10 =	sld [smem:$0x3FB7]  }
0x39: {  	_ = 	snop;
	(pc) =	sbr.ind lr, $3  }
0x3a: {  	_ = 	snop  }
0x3b: {  	_ = 	snop  }
0x3c: {  	p2 =	seq.s32 s10, $0x1;
	s10 =	sld [smem:$0x3FB6]  }
0x3d: {  	_ =	shalt  }
0x3e: {  	_ =	shalt  }
0x3f: {  	_ =	shalt  }
0x40: {  	_ =	shalt  }
0x41: {  	_ =	shalt  }
0x42: {  	_ =	shalt  }
0x43: {  	_ =	shalt  }
0x44: {  	_ =	shalt  }
0x45: {  	_ =	shalt  }
0x46: {  	_ =	shalt  }
0x47: {  	_ =	shalt  }
0x48: {  	_ =	shalt  }
0x49: {  	_ =	shalt  }
0x4a: {  	_ =	shalt  }
0x4b: {  	_ =	shalt  }
0x4c: {  	_ =	shalt  }
0x4d: {  	_ =	shalt  }
0x4e: {  	_ =	shalt  }
0x4f: {  	_ =	shalt  }
0x50: {  	_ =	shalt  }
0x51: {  	_ =	shalt  }
0x52: {  	_ =	shalt  }
0x53: {  	_ =	shalt  }
0x54: {  	_ =	shalt  }
0x55: {  	_ =	shalt  }
0x56: {  	_ =	shalt  }
0x57: {  	_ =	shalt  }
0x58: {  	_ =	shalt  }
0x59: {  	_ =	shalt  }
0x5a: {  	_ =	shalt  }
0x5b: {  	_ =	shalt  }
0x5c: {  	_ =	shalt  }
0x5d: {  	_ =	shalt  }
0x5e: {  	_ =	shalt  }
0x5f: {  	_ =	shalt  }
0x60: {  	_ =	shalt  }
0x61: {  	_ =	shalt  }
0x62: {  	_ =	shalt  }
0x63: {  	_ =	shalt  }
0x64: {  	_ =	shalt  }
0x65: {  	_ =	shalt  }
0x66: {  	_ =	shalt  }
0x67: {  	_ =	shalt  }
0x68: {  	_ =	shalt  }
0x69: {  	_ =	shalt  }
0x6a: {  	_ =	shalt  }
0x6b: {  	_ =	shalt  }
0x6c: {  	_ =	shalt  }
0x6d: {  	_ =	shalt  }
0x6e: {  	_ =	shalt  }
0x6f: {  	_ =	shalt  }
0x70: {  	_ =	shalt  }
0x71: {  	_ =	shalt  }
0x72: {  	_ =	shalt  }
0x73: {  	_ =	shalt  }
0x74: {  	_ =	shalt  }
0x75: {  	_ =	shalt  }
0x76: {  	_ =	shalt  }
0x77: {  	_ =	shalt  }
0x78: {  	_ =	shalt  }
0x79: {  	_ =	shalt  }
0x7a: {  	_ =	shalt  }
0x7b: {  	_ =	shalt  }
0x7c: {  	_ =	shalt  }
0x7d: {  	_ =	shalt  }
0x7e: {  	_ =	shalt  }
0x7f: {  	_ =	shalt  }
0x80: {  	_ =	shalt  }
0x81: {  	_ =	shalt  }
0x82: {  	_ =	shalt  }
0x83: {  	_ =	shalt  }
0x84: {  	_ =	shalt  }
0x85: {  	_ =	shalt  }
0x86: {  	_ =	shalt  }
0x87: {  	_ =	shalt  }
.Lfunc_end0:
.L_simem_size_0:
called_computation_lowered:
.L_overlay_start_0:
0x88: {  	s2 =	sld [smem:$0x3FD9]  }
0x89: {  	s3 =	sld [smem:$0x3FFE];
	_ =	sdelay $0x1  }
0x8a: {  	s1 =	srdreg.scid  }
0x8b: {  	s0 =	sand.u32 $0x1, s1  }
0x8c: {  	s17 =	sshll.u32 s0, $0xA;
	s2 =	sadd.s32 s3, s2  }
0x8d: {  	s2 =	sadd.s32 s2, s17  }
0x8e: {  	[smem:$0x3FC2] =	sst s2  }
0x8f: {  	_ = 	snop  }
0x90: {  	s2 =	sld [smem:$0x3FD0];
	(tm) =	ssettm $0x1  }
0x91: {  	s18 =	sld [smem:$0x3FFB];
	_ =	sdelay $0x3  }
0x92: {  	_ =	strace s18  }
0x93: {  	s3 =	sld [smem:$0x3FFC];
	_ =	sdelay $0x3  }
0x94: {  	_ =	strace s3  }
0x95: {  	s3 =	sld [smem:$0x3FFD];
	_ =	sdelay $0x3  }
0x96: {  	_ =	strace s3  }
0x97: {  	_ =	strace $0x8FFFFFFF  }
0x98: {  	s19 =	sld [smem:$0x3FDB];
	_ =	sdelay $0x1  }
0x99: {  	s4 =	simm.s32 $_scs_section_size  }
0x9a: {  	s5 =	simm.s32 $_size__tile_overlayer_lowered;
	s6 =	simm.s32 $_tile_overlayer_lowered  }
0x9b: {  	s22 =	simm.s32 $0x1BFF;
	s21 =	sshll.u32 s6, $0x1;
	s3 =	sadd.s32 s4, s19  }
0x9c: {  	s7 =	simm.s32 $0x0;
	s20 =	sshll.u32 s5, $0x1;
	s5 =	sadd.s32 s21, s3  }
0x9d: {  	[timem:s7], [sflag:s22] =	dma.local [hbm:s5], s20  }
0x9e: {  	_ =	swait.ge [sflag:s22], s20  }
0x9f: {  	s4 =	ssub.s32 $0x0, s20;
	[sflag:s22] =	ssyncset.done $0x0  }
0xa0: {  	[sflag:s22] =	ssyncadd.s32 s4;
	_ =	sdelay $0x1  }
0xa1: {  	s23 =	simm.s32 $0x1B8B  }
0xa2: {  	_ =	swait.ge [sflag:s23], $0x1  }
0xa3: {  	[sflag:s23] =	ssyncset.done $0x0  }
0xa4: {  	s25 =	simm.s32 $0x1B8E;
	s24 =	sld [smem:$0x3FFE];
	[sflag:s23] =	ssyncadd.s32 $0xFFFFFFFF  }
0xa5: {  	s26 =	simm.s32 $execute0_lowered;
	[smem:$0x3FD2] =	sst s25  }
0xa6: {  	s5 =	sshll.u32 s26, $0x1;
	_ =	strace $0x80000046;
	[dreg:$0x1] =	wrdreg $0xFFFFFFFF  }
0xa7: {  	s28 =	simm.s32 $_size_execute0_lowered;
	s3 =	sadd.s32 s3, s5;
	[dreg:$0x0] =	wrdreg $0x0  }
0xa8: {  	s5 =	sshll.u32 s28, $0x1;
	[dreg:$0x2] =	wrdreg s3  }
0xa9: {  	[dreg:$0x3] =	wrdreg s5  }
0xaa: {  	[dreg:$0x4] =	wrdreg $0xC0  }
0xab: {  	_ =	task [dreg:s7], $0x5FFFF  }
0xac: {  	[dreg:$0x1] =	wrdreg $0xFFFFFFFF  }
0xad: {  	[dreg:$0x0] =	wrdreg $0x60  }
0xae: {  	[dreg:$0x2] =	wrdreg s2  }
0xaf: {  	[dreg:$0x3] =	wrdreg s24  }
0xb0: {  	[dreg:$0x4] =	wrdreg $0x78000  }
0xb1: {  	[dreg:$0x5] =	wrdreg $0x9  }
0xb2: {  	_ =	task.clear_ibuf [dreg:s7], $0x6FFFF;
	_ =	strace $0x90000046  }
0xb3: {  	s29 =	simm.s32 $0x9;
	_ =	strace $0x80000048  }
0xb4: {  	_ =	swait.ge [sflag:s29], $0x1  }
0xb5: {  	[sflag:s29] =	ssyncadd.s32 $0xFFFFFFFF  }
0xb6: {  	_ =	strace $0x90000048  }
0xb7: {  	_ =	sfence  }
0xb8: {  	s30 =	sld [smem:$0x0];
	_ =	sdelay $0x2  }
0xb9: {  	s31 =	sshll.u32 s1, $0xD;
	s1 =	sshrl.u32 s1, $0x2  }
0xba: {  	s3 =	sand.u32 $0x4000, s31;
	s1 =	sadd.s32 s1, s30  }
0xbb: {  	s0 =	sor.u32 s3, s0;
	s1 =	sshll.u32 s1, $0x11  }
0xbc: {  	s0 =	sor.u32 s1, s0  }
0xbd: {  	s0 =	sadd.s32 $0x8F2B, s0  }
0xbe: {  	[sflag:s0] =	ssyncadd.remote.s32 $0x1  }
0xbf: {  	_ =	sfence.sel $0xFFFF  }
0xc0: {  	[dreg:$0x0] =	wrdreg $0xFFFFFFFF;
	(pc) =	sbr.abs _section_cstart, $3  }
0xc1: {  	[dreg:$0x1] =	wrdreg $0xFFFFFFFF  }
0xc2: {  	_ =	task.clear_ibuf [dreg:s7], $0x2FFFF;
	_ =	strace $0x9FFFFFFF  }
0xc3: {  	(tm) =	ssettm $0x7FFFFFFF  }
tec
execute0_lowered:
.L_overlay_start_1:
0x0: {  	(tag) =	ssettag $0x1  }
0x1: {  	s0 =	rddreg [dreg:$0x0]  }
0x2: {  	s1 =	rddreg [dreg:$0x1]  }
0x3: {  	s2 =	rddreg [dreg:$0x2]  }
0x4: {  	s4 =	simm.s32 $0x0;
	s3 =	srdreg.scid;
	s9 =	stileid.u32  }
0x5: {  	[smem:$0x7FF] =	sst s4;
	s3 =	sand.u32 $0x1, s3;
	s5 =	sadd.s32 $0xD400, s1  }
0x6: {  	s8 =	smul.u32 $0x500, s9;
	_ =	strace $0x80000047;
	s7 =	sshll.u32 s3, $0x4  }
0x7: {  	[dreg:$0x4] =	wrdreg s5;
	s6 =	sshll.u32 s3, $0x7;
	s3 =	ssub.s32 $0x2, s3  }
0x8: {  	s4 =	sor.u32 s9, s7;
	s5 =	sor.u32 s6, s8;
	s8 =	smul.u32 $0x5000, s9  }
0x9: {  	s7 =	sshrl.u32 s9, $0x3;
	s11 =	sshrl.u32 s3, $0x1;
	s4 =	smul.u32 $0x500, s4  }
0xa: {  	s10 =	smul.u32 $0x50000, s7;
	s3 =	ssub.s32 s3, s11  }
0xb: {  	s5 =	sshrl.u32 s5, $0x3;
	s14 =	sshrl.u32 s8, $0x2;
	s8 =	smax.u32 s3, $0x1  }
0xc: {  	s1 =	sadd.s32 s5, s1;
	s0 =	sadd.s32 s0, s4;
	[dreg:$0x17] =	wrdreg s8  }
0xd: {  	s5 =	sadd.s32 s14, s2;
	s7 =	sadd.s32 $0xDA00, s1;
	[dreg:$0x5] =	wrdreg s0  }
0xe: {  	s15 =	sadd.s32 $0x80, s5;
	[dreg:$0x16] =	wrdreg s7  }
0xf: {  	s16 =	sadd.s32 $0x100, s5;
	[dreg:$0x7] =	wrdreg s15  }
0x10: {  	s17 =	sadd.s32 $0x180, s5;
	[dreg:$0x8] =	wrdreg s16  }
0x11: {  	s18 =	sadd.s32 $0x200, s5;
	[dreg:$0x9] =	wrdreg s17  }
0x12: {  	s19 =	sadd.s32 $0x280, s5;
	[dreg:$0xa] =	wrdreg s18  }
0x13: {  	s20 =	sadd.s32 $0x300, s5;
	[dreg:$0xb] =	wrdreg s19  }
0x14: {  	s21 =	sadd.s32 $0x380, s5;
	[dreg:$0xc] =	wrdreg s20  }
0x15: {  	s22 =	sadd.s32 $0x14000, s5;
	[dreg:$0xd] =	wrdreg s21  }
0x16: {  	s23 =	sadd.s32 $0x14080, s5;
	[dreg:$0xe] =	wrdreg s22  }
0x17: {  	s24 =	sadd.s32 $0x14100, s5;
	[dreg:$0xf] =	wrdreg s23  }
0x18: {  	s25 =	sadd.s32 $0x14180, s5;
	[dreg:$0x10] =	wrdreg s24  }
0x19: {  	s13 =	sshrl.u32 s10, $0x2;
	s26 =	sadd.s32 $0x14200, s5;
	[dreg:$0x11] =	wrdreg s25  }
0x1a: {  	s4 =	sadd.s32 s13, s2;
	s2 =	sadd.s32 $0x14280, s5;
	[dreg:$0x12] =	wrdreg s26  }
0x1b: {  	s6 =	sadd.s32 $0x14380, s5;
	[dreg:$0x13] =	wrdreg s2  }
0x1c: {  	s12 =	sshll.u32 s9, $0x7;
	s9 =	sadd.s32 $0x400, s5;
	[dreg:$0x15] =	wrdreg s6  }
0x1d: {  	s10 =	sadd.s32 $0x800, s5;
	[dreg:$0x18] =	wrdreg s9  }
0x1e: {  	s11 =	sadd.s32 $0xC00, s5;
	[dreg:$0x19] =	wrdreg s10  }
0x1f: {  	s0 =	sand.u32 $0x380, s12;
	s12 =	sadd.s32 $0x1000, s5;
	[dreg:$0x1a] =	wrdreg s11  }
0x20: {  	s13 =	sadd.s32 $0x480, s5;
	[dreg:$0x1b] =	wrdreg s12  }
0x21: {  	s14 =	sadd.s32 $0x880, s5;
	[dreg:$0x1c] =	wrdreg s13  }
0x22: {  	s1 =	sadd.s32 $0xE00, s5;
	[dreg:$0x1d] =	wrdreg s14  }
0x23: {  	s3 =	sadd.s32 $0x680, s5;
	[smem:$0x7E5] =	sst s1  }
0x24: {  	s7 =	sadd.s32 $0x1280, s5;
	[smem:$0x7E7] =	sst s3  }
0x25: {  	s8 =	sadd.s32 $0x700, s5;
	[smem:$0x7EA] =	sst s7  }
0x26: {  	s0 =	sadd.s32 s0, s4;
	[smem:$0x7EB] =	sst s8  }
0x27: {  	s4 =	sadd.s32 $0x14300, s5;
	[dreg:$0x6] =	wrdreg s0  }
0x28: {  	s15 =	sadd.s32 $0xC80, s5;
	[dreg:$0x14] =	wrdreg s4  }
0x29: {  	s16 =	sadd.s32 $0x1080, s5;
	[dreg:$0x1e] =	wrdreg s15  }
0x2a: {  	s17 =	sadd.s32 $0x500, s5;
	[dreg:$0x1f] =	wrdreg s16  }
0x2b: {  	s18 =	sadd.s32 $0x900, s5;
	[smem:$0x7DB] =	sst s17  }
0x2c: {  	s19 =	sadd.s32 $0xD00, s5;
	[smem:$0x7DC] =	sst s18  }
0x2d: {  	s20 =	sadd.s32 $0x1100, s5;
	[smem:$0x7DD] =	sst s19  }
0x2e: {  	s21 =	sadd.s32 $0x580, s5;
	[smem:$0x7DE] =	sst s20  }
0x2f: {  	s22 =	sadd.s32 $0x980, s5;
	[smem:$0x7DF] =	sst s21  }
0x30: {  	s23 =	sadd.s32 $0xD80, s5;
	[smem:$0x7E0] =	sst s22  }
0x31: {  	s24 =	sadd.s32 $0x1180, s5;
	[smem:$0x7E1] =	sst s23  }
0x32: {  	s25 =	sadd.s32 $0x600, s5;
	[smem:$0x7E2] =	sst s24  }
0x33: {  	s26 =	sadd.s32 $0xA00, s5;
	[smem:$0x7E3] =	sst s25  }
0x34: {  	s2 =	sadd.s32 $0x1200, s5;
	[smem:$0x7E4] =	sst s26  }
0x35: {  	s6 =	sadd.s32 $0xE80, s5;
	[smem:$0x7E6] =	sst s2  }
0x36: {  	s9 =	sadd.s32 $0xB00, s5;
	[smem:$0x7E9] =	sst s6  }
0x37: {  	s10 =	sadd.s32 $0xF00, s5;
	[smem:$0x7EC] =	sst s9  }
0x38: {  	s11 =	sadd.s32 $0x1300, s5;
	[smem:$0x7ED] =	sst s10  }
0x39: {  	s12 =	sadd.s32 $0x780, s5;
	[smem:$0x7EE] =	sst s11  }
0x3a: {  	s13 =	sadd.s32 $0xB80, s5;
	[smem:$0x7EF] =	sst s12  }
0x3b: {  	s14 =	sadd.s32 $0xF80, s5;
	[smem:$0x7F0] =	sst s13  }
0x3c: {  	s4 =	sadd.s32 $0xA80, s5;
	[smem:$0x7F1] =	sst s14  }
0x3d: {  	s15 =	sadd.s32 $0x1380, s5;
	[smem:$0x7E8] =	sst s4  }
0x3e: {  	s29 =	simm.s32 $0x2800;
	s16 =	sadd.s32 $0x14400, s5;
	[smem:$0x7F2] =	sst s15  }
0x3f: {  	s30 =	simm.s32 $0x1;
	s17 =	sadd.s32 $0x14800, s5;
	[smem:$0x7F3] =	sst s16  }
0x40: {  	s31 =	simm.s32 $0x80;
	s18 =	sadd.s32 $0x14C00, s5;
	[smem:$0x7F4] =	sst s17  }
0x41: {  	s28 =	sadd.s32 $0x15380, s5;
	s19 =	sadd.s32 $0x15000, s5;
	[smem:$0x7F5] =	sst s18  }
0x42: {  	s7 =	sadd.s32 $0x15100, s5;
	s20 =	sadd.s32 $0x14480, s5;
	[smem:$0x7F6] =	sst s19  }
0x43: {  	s8 =	sadd.s32 $0x14580, s5;
	s21 =	sadd.s32 $0x14880, s5;
	[smem:$0x7F7] =	sst s20  }
0x44: {  	s22 =	sadd.s32 $0x14C80, s5;
	s23 =	sadd.s32 $0x15080, s5;
	[smem:$0x7F8] =	sst s21  }
0x45: {  	s24 =	sadd.s32 $0x14500, s5;
	s25 =	sadd.s32 $0x14900, s5;
	[smem:$0x7F9] =	sst s22  }
0x46: {  	s26 =	sadd.s32 $0x14D00, s5;
	s9 =	sadd.s32 $0x14980, s5;
	[smem:$0x7FA] =	sst s23  }
0x47: {  	s10 =	sadd.s32 $0x14D80, s5;
	s11 =	sadd.s32 $0x15180, s5;
	[smem:$0x7FB] =	sst s24  }
0x48: {  	s12 =	sadd.s32 $0x14600, s5;
	s13 =	sadd.s32 $0x14A00, s5;
	[smem:$0x7FC] =	sst s25  }
0x49: {  	s14 =	sadd.s32 $0x14E00, s5;
	s0 =	simm.s32 $0x0;
	[smem:$0x7FD] =	sst s26  }
0x4a: {  	s15 =	sadd.s32 $0x15200, s5;
	s16 =	sadd.s32 $0x14680, s5;
	s17 =	sadd.s32 $0x14A80, s5  }
0x4b: {  	s18 =	sadd.s32 $0x14E80, s5;
	s19 =	sadd.s32 $0x15280, s5;
	s20 =	sadd.s32 $0x14700, s5  }
0x4c: {  	s21 =	sadd.s32 $0x14B00, s5;
	s22 =	sadd.s32 $0x14F00, s5;
	s23 =	sadd.s32 $0x15300, s5  }
0x4d: {  	v0 =	vimm.f32 $1.000000000e+00;
	s24 =	sadd.s32 $0x14780, s5;
	s25 =	sadd.s32 $0x14B80, s5;
	s26 =	sadd.s32 $0x14F80, s5  }
.LBB2_1:
0x4e: {  	s1 =	simm.s32 $0x0;
	s2 =	rddreg [dreg:$0x4]  }
0x4f: {  	[tilespmem:s29], [sflag:$0x1] =	stream.linear.gather [hbm4b:s2+s1], $0x2800, $0x38;
	[tilespmem:$0xA000] =	vst v63  }
0x50: {  	_ =	swait.ge [sflag:s30], $0x2800  }
0x51: {  	[sflag:s30] =	ssyncset.done $0x0  }
0x52: {  	s6 =	rddreg [dreg:$0x5];
	[sflag:s30] =	ssyncadd.s32 $0xFFFFD800  }
0x53: {  	[tilespmem:s1], [sflag:$0x1] =	stream.linear.gather [hbm4b:s6+s1], $0x2800, $0x38;
	[tilespmem:$0xA000] =	vst v63  }
0x54: {  	_ =	swait.ge [sflag:s30], $0x2800  }
0x55: {  	[sflag:s30] =	ssyncset.done $0x0  }
0x56: {  	s1 =	simm.s32 $0x0;
	[sflag:s30] =	ssyncadd.s32 $0xFFFFD800  }
.LBB2_2:
0x57: {  	s2 =	sshra.s32 s1, $0x2  }
0x58: {  	v1 =	vld [tilespmem:s2+$0x0];
	_ =	sdelay $0x7  }
0x59: {  	[tilespmem:v1+s29+$0x0] =	vst.idx.add.f32.msk $0xffff, v0  }
0x5a: {  	v1 =	vld [tilespmem:s2+$0x10];
	_ =	sdelay $0x7  }
0x5b: {  	[tilespmem:v1+s29+$0x0] =	vst.idx.add.f32.msk $0xffff, v0  }
0x5c: {  	v1 =	vld [tilespmem:s2+$0x20];
	_ =	sdelay $0x7  }
0x5d: {  	[tilespmem:v1+s29+$0x0] =	vst.idx.add.f32.msk $0xffff, v0  }
0x5e: {  	v1 =	vld [tilespmem:s2+$0x30];
	_ =	sdelay $0x7  }
0x5f: {  	[tilespmem:v1+s29+$0x0] =	vst.idx.add.f32.msk $0xffff, v0  }
0x60: {  	v1 =	vld [tilespmem:s2+$0x40];
	_ =	sdelay $0x7  }
0x61: {  	[tilespmem:v1+s29+$0x0] =	vst.idx.add.f32.msk $0xffff, v0  }
0x62: {  	v1 =	vld [tilespmem:s2+$0x50];
	_ =	sdelay $0x7  }
0x63: {  	[tilespmem:v1+s29+$0x0] =	vst.idx.add.f32.msk $0xffff, v0  }
0x64: {  	v1 =	vld [tilespmem:s2+$0x60];
	_ =	sdelay $0x7  }
0x65: {  	[tilespmem:v1+s29+$0x0] =	vst.idx.add.f32.msk $0xffff, v0  }
0x66: {  	v1 =	vld [tilespmem:s2+$0x70];
	_ =	sdelay $0x2  }
0x67: {  	p0 =	sne.s32 s1, $0x9E00  }
.Ltmp0:
0x68: {  	_ = 	snop;
	(pc) =	sbr.rel @p0 .LBB2_2-.Ltmp0, $2  }
0x69: {  	_ =	sdelay $0x2  }
0x6a: {  	s1 =	sadd.s32 $0x200, s1;
	[tilespmem:v1+s29+$0x0] =	vst.idx.add.f32.msk $0xffff, v0  }
0x6b: {  	s2 =	simm.s32 $0x2800;
	s1 =	rddreg [dreg:$0x6];
	s3 =	simm.s32 $0x400  }
0x6c: {  	[spmem:s1] =	stream.strided.scatter [tilespmem:s2], [sflag:$0x1], $0x2800, s3, s31, $0x38;
	[tilespmem:$0xA000] =	vst v63  }
0x6d: {  	_ =	swait.ge [sflag:s30], $0x2800  }
0x6e: {  	[sflag:s30] =	ssyncset.done $0x0  }
0x6f: {  	[sflag:s30] =	ssyncadd.s32 $0xFFFFD800  }
0x70: {  	s3 =	simm.s32 $0x5000;
	[bflag:$0x0] =	sbarrier.arrive $0xFFFF  }
0x71: {  	[tilespmem:s3], [sflag:$0x1] =	stream.linear.gather [spmem:s5], $0x80, $0x38;
	[tilespmem:$0xA000] =	vst v63  }
0x72: {  	s6 =	simm.s32 $0x5400;
	s4 =	rddreg [dreg:$0x18]  }
0x73: {  	[tilespmem:s6], [sflag:$0x1] =	stream.linear.gather [spmem:s4], $0x80, $0x38;
	[tilespmem:$0xA000] =	vst v63  }
0x74: {  	s4 =	rddreg [dreg:$0x19];
	s6 =	simm.s32 $0x5800  }
0x75: {  	[tilespmem:s6], [sflag:$0x1] =	stream.linear.gather [spmem:s4], $0x80, $0x38;
	[tilespmem:$0xA000] =	vst v63  }
0x76: {  	s4 =	rddreg [dreg:$0x1a];
	s6 =	simm.s32 $0x5C00  }
0x77: {  	[tilespmem:s6], [sflag:$0x1] =	stream.linear.gather [spmem:s4], $0x80, $0x38;
	[tilespmem:$0xA000] =	vst v63  }
0x78: {  	s4 =	rddreg [dreg:$0x1b];
	s6 =	simm.s32 $0x6000  }
0x79: {  	[tilespmem:s6], [sflag:$0x1] =	stream.linear.gather [spmem:s4], $0x80, $0x38;
	[tilespmem:$0xA000] =	vst v63  }
0x7a: {  	_ =	swait.ge [sflag:s30], $0x280  }
0x7b: {  	[sflag:s30] =	ssyncset.done $0x0  }
0x7c: {  	s6 =	simm.s32 $0x5080;
	s4 =	rddreg [dreg:$0x7];
	[sflag:s30] =	ssyncadd.s32 $0xFFFFFD80  }
0x7d: {  	[tilespmem:s6], [sflag:$0x1] =	stream.linear.gather [spmem:s4], $0x80, $0x38;
	[tilespmem:$0xA000] =	vst v63  }
0x7e: {  	s4 =	rddreg [dreg:$0x1c];
	s6 =	simm.s32 $0x5480  }
0x7f: {  	[tilespmem:s6], [sflag:$0x1] =	stream.linear.gather [spmem:s4], $0x80, $0x38;
	[tilespmem:$0xA000] =	vst v63  }
0x80: {  	s4 =	rddreg [dreg:$0x1d];
	s6 =	simm.s32 $0x5880  }
0x81: {  	[tilespmem:s6], [sflag:$0x1] =	stream.linear.gather [spmem:s4], $0x80, $0x38;
	[tilespmem:$0xA000] =	vst v63  }
0x82: {  	s4 =	rddreg [dreg:$0x1e];
	s6 =	simm.s32 $0x5C80  }
0x83: {  	[tilespmem:s6], [sflag:$0x1] =	stream.linear.gather [spmem:s4], $0x80, $0x38;
	[tilespmem:$0xA000] =	vst v63  }
0x84: {  	s4 =	rddreg [dreg:$0x1f];
	s6 =	simm.s32 $0x6080  }
0x85: {  	[tilespmem:s6], [sflag:$0x1] =	stream.linear.gather [spmem:s4], $0x80, $0x38;
	[tilespmem:$0xA000] =	vst v63  }
0x86: {  	_ =	swait.ge [sflag:s30], $0x280  }
0x87: {  	[sflag:s30] =	ssyncset.done $0x0  }
0x88: {  	s6 =	simm.s32 $0x5100;
	s4 =	rddreg [dreg:$0x8];
	[sflag:s30] =	ssyncadd.s32 $0xFFFFFD80  }
0x89: {  	[tilespmem:s6], [sflag:$0x1] =	stream.linear.gather [spmem:s4], $0x80, $0x38;
	[tilespmem:$0xA000] =	vst v63  }
0x8a: {  	s4 =	sld [smem:$0x7DB];
	_ =	sdelay $0x1  }
0x8b: {  	s6 =	simm.s32 $0x5500  }
0x8c: {  	[tilespmem:s6], [sflag:$0x1] =	stream.linear.gather [spmem:s4], $0x80, $0x38;
	[tilespmem:$0xA000] =	vst v63  }
0x8d: {  	s4 =	sld [smem:$0x7DC];
	_ =	sdelay $0x1  }
0x8e: {  	s6 =	simm.s32 $0x5900  }
0x8f: {  	[tilespmem:s6], [sflag:$0x1] =	stream.linear.gather [spmem:s4], $0x80, $0x38;
	[tilespmem:$0xA000] =	vst v63  }
0x90: {  	s4 =	sld [smem:$0x7DD];
	_ =	sdelay $0x1  }
0x91: {  	s6 =	simm.s32 $0x5D00  }
0x92: {  	[tilespmem:s6], [sflag:$0x1] =	stream.linear.gather [spmem:s4], $0x80, $0x38;
	[tilespmem:$0xA000] =	vst v63  }
0x93: {  	s4 =	sld [smem:$0x7DE];
	_ =	sdelay $0x1  }
0x94: {  	s6 =	simm.s32 $0x6100  }
0x95: {  	[tilespmem:s6], [sflag:$0x1] =	stream.linear.gather [spmem:s4], $0x80, $0x38;
	[tilespmem:$0xA000] =	vst v63  }
0x96: {  	_ =	swait.ge [sflag:s30], $0x280  }
0x97: {  	[sflag:s30] =	ssyncset.done $0x0  }
0x98: {  	s6 =	simm.s32 $0x5180;
	s4 =	rddreg [dreg:$0x9];
	[sflag:s30] =	ssyncadd.s32 $0xFFFFFD80  }
0x99: {  	[tilespmem:s6], [sflag:$0x1] =	stream.linear.gather [spmem:s4], $0x80, $0x38;
	[tilespmem:$0xA000] =	vst v63  }
0x9a: {  	s4 =	sld [smem:$0x7DF];
	_ =	sdelay $0x1  }
0x9b: {  	s6 =	simm.s32 $0x5580  }
0x9c: {  	[tilespmem:s6], [sflag:$0x1] =	stream.linear.gather [spmem:s4], $0x80, $0x38;
	[tilespmem:$0xA000] =	vst v63  }
0x9d: {  	s4 =	sld [smem:$0x7E0];
	_ =	sdelay $0x1  }
0x9e: {  	s6 =	simm.s32 $0x5980  }
0x9f: {  	[tilespmem:s6], [sflag:$0x1] =	stream.linear.gather [spmem:s4], $0x80, $0x38;
	[tilespmem:$0xA000] =	vst v63  }
0xa0: {  	s4 =	sld [smem:$0x7E1];
	_ =	sdelay $0x1  }
0xa1: {  	s6 =	simm.s32 $0x5D80  }
0xa2: {  	[tilespmem:s6], [sflag:$0x1] =	stream.linear.gather [spmem:s4], $0x80, $0x38;
	[tilespmem:$0xA000] =	vst v63  }
0xa3: {  	s4 =	sld [smem:$0x7E2];
	_ =	sdelay $0x1  }
0xa4: {  	s6 =	simm.s32 $0x6180  }
0xa5: {  	[tilespmem:s6], [sflag:$0x1] =	stream.linear.gather [spmem:s4], $0x80, $0x38;
	[tilespmem:$0xA000] =	vst v63  }
0xa6: {  	_ =	swait.ge [sflag:s30], $0x280  }
0xa7: {  	[sflag:s30] =	ssyncset.done $0x0  }
0xa8: {  	s6 =	simm.s32 $0x5200;
	s4 =	rddreg [dreg:$0xa];
	[sflag:s30] =	ssyncadd.s32 $0xFFFFFD80  }
0xa9: {  	[tilespmem:s6], [sflag:$0x1] =	stream.linear.gather [spmem:s4], $0x80, $0x38;
	[tilespmem:$0xA000] =	vst v63  }
0xaa: {  	s4 =	sld [smem:$0x7E3];
	_ =	sdelay $0x1  }
0xab: {  	s6 =	simm.s32 $0x5600  }
0xac: {  	[tilespmem:s6], [sflag:$0x1] =	stream.linear.gather [spmem:s4], $0x80, $0x38;
	[tilespmem:$0xA000] =	vst v63  }
0xad: {  	s4 =	sld [smem:$0x7E4];
	_ =	sdelay $0x1  }
0xae: {  	s6 =	simm.s32 $0x5A00  }
0xaf: {  	[tilespmem:s6], [sflag:$0x1] =	stream.linear.gather [spmem:s4], $0x80, $0x38;
	[tilespmem:$0xA000] =	vst v63  }
0xb0: {  	s4 =	sld [smem:$0x7E5];
	_ =	sdelay $0x1  }
0xb1: {  	s6 =	simm.s32 $0x5E00  }
0xb2: {  	[tilespmem:s6], [sflag:$0x1] =	stream.linear.gather [spmem:s4], $0x80, $0x38;
	[tilespmem:$0xA000] =	vst v63  }
0xb3: {  	s4 =	sld [smem:$0x7E6];
	_ =	sdelay $0x1  }
0xb4: {  	s6 =	simm.s32 $0x6200  }
0xb5: {  	[tilespmem:s6], [sflag:$0x1] =	stream.linear.gather [spmem:s4], $0x80, $0x38;
	[tilespmem:$0xA000] =	vst v63  }
0xb6: {  	_ =	swait.ge [sflag:s30], $0x280  }
0xb7: {  	[sflag:s30] =	ssyncset.done $0x0  }
0xb8: {  	s6 =	simm.s32 $0x5280;
	s4 =	rddreg [dreg:$0xb];
	[sflag:s30] =	ssyncadd.s32 $0xFFFFFD80  }
0xb9: {  	[tilespmem:s6], [sflag:$0x1] =	stream.linear.gather [spmem:s4], $0x80, $0x38;
	[tilespmem:$0xA000] =	vst v63  }
0xba: {  	s4 =	sld [smem:$0x7E7];
	_ =	sdelay $0x1  }
0xbb: {  	s6 =	simm.s32 $0x5680  }
0xbc: {  	[tilespmem:s6], [sflag:$0x1] =	stream.linear.gather [spmem:s4], $0x80, $0x38;
	[tilespmem:$0xA000] =	vst v63  }
0xbd: {  	s4 =	sld [smem:$0x7E8];
	_ =	sdelay $0x1  }
0xbe: {  	s6 =	simm.s32 $0x5A80  }
0xbf: {  	[tilespmem:s6], [sflag:$0x1] =	stream.linear.gather [spmem:s4], $0x80, $0x38;
	[tilespmem:$0xA000] =	vst v63  }
0xc0: {  	s4 =	sld [smem:$0x7E9];
	_ =	sdelay $0x1  }
0xc1: {  	s6 =	simm.s32 $0x5E80  }
0xc2: {  	[tilespmem:s6], [sflag:$0x1] =	stream.linear.gather [spmem:s4], $0x80, $0x38;
	[tilespmem:$0xA000] =	vst v63  }
0xc3: {  	s4 =	sld [smem:$0x7EA];
	_ =	sdelay $0x1  }
0xc4: {  	s6 =	simm.s32 $0x6280  }
0xc5: {  	[tilespmem:s6], [sflag:$0x1] =	stream.linear.gather [spmem:s4], $0x80, $0x38;
	[tilespmem:$0xA000] =	vst v63  }
0xc6: {  	_ =	swait.ge [sflag:s30], $0x280  }
0xc7: {  	[sflag:s30] =	ssyncset.done $0x0  }
0xc8: {  	s6 =	simm.s32 $0x5300;
	s4 =	rddreg [dreg:$0xc];
	[sflag:s30] =	ssyncadd.s32 $0xFFFFFD80  }
0xc9: {  	[tilespmem:s6], [sflag:$0x1] =	stream.linear.gather [spmem:s4], $0x80, $0x38;
	[tilespmem:$0xA000] =	vst v63  }
0xca: {  	s4 =	sld [smem:$0x7EB];
	_ =	sdelay $0x1  }
0xcb: {  	s6 =	simm.s32 $0x5700  }
0xcc: {  	[tilespmem:s6], [sflag:$0x1] =	stream.linear.gather [spmem:s4], $0x80, $0x38;
	[tilespmem:$0xA000] =	vst v63  }
0xcd: {  	s4 =	sld [smem:$0x7EC];
	_ =	sdelay $0x1  }
0xce: {  	s6 =	simm.s32 $0x5B00  }
0xcf: {  	[tilespmem:s6], [sflag:$0x1] =	stream.linear.gather [spmem:s4], $0x80, $0x38;
	[tilespmem:$0xA000] =	vst v63  }
0xd0: {  	s4 =	sld [smem:$0x7ED];
	_ =	sdelay $0x1  }
0xd1: {  	s6 =	simm.s32 $0x5F00  }
0xd2: {  	[tilespmem:s6], [sflag:$0x1] =	stream.linear.gather [spmem:s4], $0x80, $0x38;
	[tilespmem:$0xA000] =	vst v63  }
0xd3: {  	s4 =	sld [smem:$0x7EE];
	_ =	sdelay $0x1  }
0xd4: {  	s6 =	simm.s32 $0x6300  }
0xd5: {  	[tilespmem:s6], [sflag:$0x1] =	stream.linear.gather [spmem:s4], $0x80, $0x38;
	[tilespmem:$0xA000] =	vst v63  }
0xd6: {  	_ =	swait.ge [sflag:s30], $0x280  }
0xd7: {  	[sflag:s30] =	ssyncset.done $0x0  }
0xd8: {  	s6 =	simm.s32 $0x5380;
	s4 =	rddreg [dreg:$0xd];
	[sflag:s30] =	ssyncadd.s32 $0xFFFFFD80  }
0xd9: {  	[tilespmem:s6], [sflag:$0x1] =	stream.linear.gather [spmem:s4], $0x80, $0x38;
	[tilespmem:$0xA000] =	vst v63  }
0xda: {  	s4 =	sld [smem:$0x7EF];
	_ =	sdelay $0x1  }
0xdb: {  	s6 =	simm.s32 $0x5780  }
0xdc: {  	[tilespmem:s6], [sflag:$0x1] =	stream.linear.gather [spmem:s4], $0x80, $0x38;
	[tilespmem:$0xA000] =	vst v63  }
0xdd: {  	s4 =	sld [smem:$0x7F0];
	_ =	sdelay $0x1  }
0xde: {  	s6 =	simm.s32 $0x5B80  }
0xdf: {  	[tilespmem:s6], [sflag:$0x1] =	stream.linear.gather [spmem:s4], $0x80, $0x38;
	[tilespmem:$0xA000] =	vst v63  }
0xe0: {  	s4 =	sld [smem:$0x7F1];
	_ =	sdelay $0x1  }
0xe1: {  	s6 =	simm.s32 $0x5F80  }
0xe2: {  	[tilespmem:s6], [sflag:$0x1] =	stream.linear.gather [spmem:s4], $0x80, $0x38;
	[tilespmem:$0xA000] =	vst v63  }
0xe3: {  	s4 =	sld [smem:$0x7F2];
	_ =	sdelay $0x1  }
0xe4: {  	s6 =	simm.s32 $0x6380  }
0xe5: {  	[tilespmem:s6], [sflag:$0x1] =	stream.linear.gather [spmem:s4], $0x80, $0x38;
	[tilespmem:$0xA000] =	vst v63  }
0xe6: {  	_ =	swait.ge [sflag:s30], $0x280  }
0xe7: {  	[sflag:s30] =	ssyncset.done $0x0  }
0xe8: {  	s6 =	simm.s32 $0x6400;
	s4 =	rddreg [dreg:$0xe];
	[sflag:s30] =	ssyncadd.s32 $0xFFFFFD80  }
0xe9: {  	[tilespmem:s6], [sflag:$0x1] =	stream.linear.gather [spmem:s4], $0x80, $0x38;
	[tilespmem:$0xA000] =	vst v63  }
0xea: {  	s4 =	sld [smem:$0x7F3];
	_ =	sdelay $0x1  }
0xeb: {  	s6 =	simm.s32 $0x6800  }
0xec: {  	[tilespmem:s6], [sflag:$0x1] =	stream.linear.gather [spmem:s4], $0x80, $0x38;
	[tilespmem:$0xA000] =	vst v63  }
0xed: {  	s4 =	sld [smem:$0x7F4];
	_ =	sdelay $0x1  }
0xee: {  	s6 =	simm.s32 $0x6C00  }
0xef: {  	[tilespmem:s6], [sflag:$0x1] =	stream.linear.gather [spmem:s4], $0x80, $0x38;
	[tilespmem:$0xA000] =	vst v63  }
0xf0: {  	s4 =	sld [smem:$0x7F5];
	_ =	sdelay $0x1  }
0xf1: {  	s6 =	simm.s32 $0x7000  }
0xf2: {  	[tilespmem:s6], [sflag:$0x1] =	stream.linear.gather [spmem:s4], $0x80, $0x38;
	[tilespmem:$0xA000] =	vst v63  }
0xf3: {  	s4 =	sld [smem:$0x7F6];
	_ =	sdelay $0x1  }
0xf4: {  	s6 =	simm.s32 $0x7400  }
0xf5: {  	[tilespmem:s6], [sflag:$0x1] =	stream.linear.gather [spmem:s4], $0x80, $0x38;
	[tilespmem:$0xA000] =	vst v63  }
0xf6: {  	_ =	swait.ge [sflag:s30], $0x280  }
0xf7: {  	[sflag:s30] =	ssyncset.done $0x0  }
0xf8: {  	s6 =	simm.s32 $0x6480;
	s4 =	rddreg [dreg:$0xf];
	[sflag:s30] =	ssyncadd.s32 $0xFFFFFD80  }
0xf9: {  	[tilespmem:s6], [sflag:$0x1] =	stream.linear.gather [spmem:s4], $0x80, $0x38;
	[tilespmem:$0xA000] =	vst v63  }
0xfa: {  	s4 =	sld [smem:$0x7F7];
	_ =	sdelay $0x1  }
0xfb: {  	s6 =	simm.s32 $0x6880  }
0xfc: {  	[tilespmem:s6], [sflag:$0x1] =	stream.linear.gather [spmem:s4], $0x80, $0x38;
	[tilespmem:$0xA000] =	vst v63  }
0xfd: {  	s4 =	sld [smem:$0x7F8];
	_ =	sdelay $0x1  }
0xfe: {  	s6 =	simm.s32 $0x6C80  }
0xff: {  	[tilespmem:s6], [sflag:$0x1] =	stream.linear.gather [spmem:s4], $0x80, $0x38;
	[tilespmem:$0xA000] =	vst v63  }
0x100: {  	s4 =	sld [smem:$0x7F9];
	_ =	sdelay $0x1  }
0x101: {  	s6 =	simm.s32 $0x7080  }
0x102: {  	[tilespmem:s6], [sflag:$0x1] =	stream.linear.gather [spmem:s4], $0x80, $0x38;
	[tilespmem:$0xA000] =	vst v63  }
0x103: {  	s4 =	sld [smem:$0x7FA];
	_ =	sdelay $0x1  }
0x104: {  	s6 =	simm.s32 $0x7480  }
0x105: {  	[tilespmem:s6], [sflag:$0x1] =	stream.linear.gather [spmem:s4], $0x80, $0x38;
	[tilespmem:$0xA000] =	vst v63  }
0x106: {  	_ =	swait.ge [sflag:s30], $0x280  }
0x107: {  	[sflag:s30] =	ssyncset.done $0x0  }
0x108: {  	s6 =	simm.s32 $0x6500;
	s4 =	rddreg [dreg:$0x10];
	[sflag:s30] =	ssyncadd.s32 $0xFFFFFD80  }
0x109: {  	[tilespmem:s6], [sflag:$0x1] =	stream.linear.gather [spmem:s4], $0x80, $0x38;
	[tilespmem:$0xA000] =	vst v63  }
0x10a: {  	s4 =	sld [smem:$0x7FB];
	_ =	sdelay $0x1  }
0x10b: {  	s6 =	simm.s32 $0x6900  }
0x10c: {  	[tilespmem:s6], [sflag:$0x1] =	stream.linear.gather [spmem:s4], $0x80, $0x38;
	[tilespmem:$0xA000] =	vst v63  }
0x10d: {  	s4 =	sld [smem:$0x7FC];
	_ =	sdelay $0x1  }
0x10e: {  	s3 =	sld [smem:$0x7FD];
	s6 =	simm.s32 $0x6D00  }
0x10f: {  	[tilespmem:s6], [sflag:$0x1] =	stream.linear.gather [spmem:s4], $0x80, $0x38;
	[tilespmem:$0xA000] =	vst v63  }
0x110: {  	s4 =	simm.s32 $0x7100  }
0x111: {  	[tilespmem:s4], [sflag:$0x1] =	stream.linear.gather [spmem:s3], $0x80, $0x38;
	[tilespmem:$0xA000] =	vst v63  }
0x112: {  	s6 =	simm.s32 $0x7500  }
0x113: {  	[tilespmem:s6], [sflag:$0x1] =	stream.linear.gather [spmem:s7], $0x80, $0x38;
	[tilespmem:$0xA000] =	vst v63  }
0x114: {  	_ =	swait.ge [sflag:s30], $0x280  }
0x115: {  	[sflag:s30] =	ssyncset.done $0x0  }
0x116: {  	s4 =	simm.s32 $0x6580;
	s3 =	rddreg [dreg:$0x11];
	[sflag:s30] =	ssyncadd.s32 $0xFFFFFD80  }
0x117: {  	[tilespmem:s4], [sflag:$0x1] =	stream.linear.gather [spmem:s3], $0x80, $0x38;
	[tilespmem:$0xA000] =	vst v63  }
0x118: {  	s6 =	simm.s32 $0x6980  }
0x119: {  	[tilespmem:s6], [sflag:$0x1] =	stream.linear.gather [spmem:s8], $0x80, $0x38;
	[tilespmem:$0xA000] =	vst v63  }
0x11a: {  	s3 =	simm.s32 $0x6D80  }
0x11b: {  	[tilespmem:s3], [sflag:$0x1] =	stream.linear.gather [spmem:s9], $0x80, $0x38;
	[tilespmem:$0xA000] =	vst v63  }
0x11c: {  	s4 =	simm.s32 $0x7180  }
0x11d: {  	[tilespmem:s4], [sflag:$0x1] =	stream.linear.gather [spmem:s10], $0x80, $0x38;
	[tilespmem:$0xA000] =	vst v63  }
0x11e: {  	s6 =	simm.s32 $0x7580  }
0x11f: {  	[tilespmem:s6], [sflag:$0x1] =	stream.linear.gather [spmem:s11], $0x80, $0x38;
	[tilespmem:$0xA000] =	vst v63  }
0x120: {  	_ =	swait.ge [sflag:s30], $0x280  }
0x121: {  	[sflag:s30] =	ssyncset.done $0x0  }
0x122: {  	s4 =	simm.s32 $0x6600;
	s3 =	rddreg [dreg:$0x12];
	[sflag:s30] =	ssyncadd.s32 $0xFFFFFD80  }
0x123: {  	[tilespmem:s4], [sflag:$0x1] =	stream.linear.gather [spmem:s3], $0x80, $0x38;
	[tilespmem:$0xA000] =	vst v63  }
0x124: {  	s6 =	simm.s32 $0x6A00  }
0x125: {  	[tilespmem:s6], [sflag:$0x1] =	stream.linear.gather [spmem:s12], $0x80, $0x38;
	[tilespmem:$0xA000] =	vst v63  }
0x126: {  	s3 =	simm.s32 $0x6E00  }
0x127: {  	[tilespmem:s3], [sflag:$0x1] =	stream.linear.gather [spmem:s13], $0x80, $0x38;
	[tilespmem:$0xA000] =	vst v63  }
0x128: {  	s4 =	simm.s32 $0x7200  }
0x129: {  	[tilespmem:s4], [sflag:$0x1] =	stream.linear.gather [spmem:s14], $0x80, $0x38;
	[tilespmem:$0xA000] =	vst v63  }
0x12a: {  	s6 =	simm.s32 $0x7600  }
0x12b: {  	[tilespmem:s6], [sflag:$0x1] =	stream.linear.gather [spmem:s15], $0x80, $0x38;
	[tilespmem:$0xA000] =	vst v63  }
0x12c: {  	_ =	swait.ge [sflag:s30], $0x280  }
0x12d: {  	[sflag:s30] =	ssyncset.done $0x0  }
0x12e: {  	s4 =	simm.s32 $0x6680;
	s3 =	rddreg [dreg:$0x13];
	[sflag:s30] =	ssyncadd.s32 $0xFFFFFD80  }
0x12f: {  	[tilespmem:s4], [sflag:$0x1] =	stream.linear.gather [spmem:s3], $0x80, $0x38;
	[tilespmem:$0xA000] =	vst v63  }
0x130: {  	s6 =	simm.s32 $0x6A80  }
0x131: {  	[tilespmem:s6], [sflag:$0x1] =	stream.linear.gather [spmem:s16], $0x80, $0x38;
	[tilespmem:$0xA000] =	vst v63  }
0x132: {  	s3 =	simm.s32 $0x6E80  }
0x133: {  	[tilespmem:s3], [sflag:$0x1] =	stream.linear.gather [spmem:s17], $0x80, $0x38;
	[tilespmem:$0xA000] =	vst v63  }
0x134: {  	s4 =	simm.s32 $0x7280  }
0x135: {  	[tilespmem:s4], [sflag:$0x1] =	stream.linear.gather [spmem:s18], $0x80, $0x38;
	[tilespmem:$0xA000] =	vst v63  }
0x136: {  	s6 =	simm.s32 $0x7680  }
0x137: {  	[tilespmem:s6], [sflag:$0x1] =	stream.linear.gather [spmem:s19], $0x80, $0x38;
	[tilespmem:$0xA000] =	vst v63  }
0x138: {  	_ =	swait.ge [sflag:s30], $0x280  }
0x139: {  	[sflag:s30] =	ssyncset.done $0x0  }
0x13a: {  	s4 =	simm.s32 $0x6700;
	s3 =	rddreg [dreg:$0x14];
	[sflag:s30] =	ssyncadd.s32 $0xFFFFFD80  }
0x13b: {  	[tilespmem:s4], [sflag:$0x1] =	stream.linear.gather [spmem:s3], $0x80, $0x38;
	[tilespmem:$0xA000] =	vst v63  }
0x13c: {  	s6 =	simm.s32 $0x6B00  }
0x13d: {  	[tilespmem:s6], [sflag:$0x1] =	stream.linear.gather [spmem:s20], $0x80, $0x38;
	[tilespmem:$0xA000] =	vst v63  }
0x13e: {  	s3 =	simm.s32 $0x6F00  }
0x13f: {  	[tilespmem:s3], [sflag:$0x1] =	stream.linear.gather [spmem:s21], $0x80, $0x38;
	[tilespmem:$0xA000] =	vst v63  }
0x140: {  	s4 =	simm.s32 $0x7300  }
0x141: {  	[tilespmem:s4], [sflag:$0x1] =	stream.linear.gather [spmem:s22], $0x80, $0x38;
	[tilespmem:$0xA000] =	vst v63  }
0x142: {  	s6 =	simm.s32 $0x7700  }
0x143: {  	[tilespmem:s6], [sflag:$0x1] =	stream.linear.gather [spmem:s23], $0x80, $0x38;
	[tilespmem:$0xA000] =	vst v63  }
0x144: {  	_ =	swait.ge [sflag:s30], $0x280  }
0x145: {  	[sflag:s30] =	ssyncset.done $0x0  }
0x146: {  	s4 =	simm.s32 $0x6780;
	s3 =	rddreg [dreg:$0x15];
	[sflag:s30] =	ssyncadd.s32 $0xFFFFFD80  }
0x147: {  	[tilespmem:s4], [sflag:$0x1] =	stream.linear.gather [spmem:s3], $0x80, $0x38;
	[tilespmem:$0xA000] =	vst v63  }
0x148: {  	s6 =	simm.s32 $0x6B80  }
0x149: {  	[tilespmem:s6], [sflag:$0x1] =	stream.linear.gather [spmem:s24], $0x80, $0x38;
	[tilespmem:$0xA000] =	vst v63  }
0x14a: {  	s3 =	simm.s32 $0x6F80  }
0x14b: {  	[tilespmem:s3], [sflag:$0x1] =	stream.linear.gather [spmem:s25], $0x80, $0x38;
	[tilespmem:$0xA000] =	vst v63  }
0x14c: {  	s4 =	simm.s32 $0x7380  }
0x14d: {  	[tilespmem:s4], [sflag:$0x1] =	stream.linear.gather [spmem:s26], $0x80, $0x38;
	[tilespmem:$0xA000] =	vst v63  }
0x14e: {  	s6 =	simm.s32 $0x7780  }
0x14f: {  	[tilespmem:s6], [sflag:$0x1] =	stream.linear.gather [spmem:s28], $0x80, $0x38;
	[tilespmem:$0xA000] =	vst v63  }
0x150: {  	s3 =	simm.s32 $0x0;
	_ =	swait.ge [sflag:s30], $0x280  }
0x151: {  	s1 =	sand.u32 $0x1C00, s3;
	s4 =	sand.u32 $0x70, s3;
	[sflag:s30] =	ssyncset.done $0x0  }
0x152: {  	s1 =	sor.u32 s4, s1;
	[sflag:s30] =	ssyncadd.s32 $0xFFFFFD80  }
0x153: {  	v1 =	vld [tilespmem:s1+$0x5080]  }
0x154: {  	v2 =	vld [tilespmem:s1+$0x5000];
	_ =	sdelay $0x1  }
0x155: {  	v3 =	vld [tilespmem:s1+$0x5100];
	_ =	sdelay $0x1  }
0x156: {  	v4 =	vld [tilespmem:s1+$0x5180]  }
0x157: {  	v1 =	vadd.f32 v1, v2  }
0x158: {  	v2 =	vld [tilespmem:s1+$0x5200]  }
0x159: {  	v1 =	vadd.f32 v3, v1  }
0x15a: {  	v3 =	vld [tilespmem:s1+$0x5280]  }
0x15b: {  	v1 =	vadd.f32 v4, v1  }
0x15c: {  	v60 =	vld [tilespmem:s1+$0x5300]  }
0x15d: {  	v1 =	vadd.f32 v2, v1  }
0x15e: {  	v2 =	vld [tilespmem:s1+$0x5380]  }
0x15f: {  	v1 =	vadd.f32 v3, v1  }
0x160: {  	v3 =	vld [tilespmem:s1+$0x6400]  }
0x161: {  	v1 =	vadd.f32 v60, v1  }
0x162: {  	v61 =	vld [tilespmem:s1+$0x6480]  }
0x163: {  	v1 =	vadd.f32 v2, v1  }
0x164: {  	v2 =	vld [tilespmem:s1+$0x6500]  }
0x165: {  	v1 =	vadd.f32 v3, v1  }
0x166: {  	v3 =	vld [tilespmem:s1+$0x6580]  }
0x167: {  	v1 =	vadd.f32 v61, v1  }
0x168: {  	v62 =	vld [tilespmem:s1+$0x6600]  }
0x169: {  	v1 =	vadd.f32 v2, v1  }
0x16a: {  	v2 =	vld [tilespmem:s1+$0x6680]  }
0x16b: {  	v1 =	vadd.f32 v3, v1  }
0x16c: {  	v3 =	vld [tilespmem:s1+$0x6700]  }
0x16d: {  	v1 =	vadd.f32 v62, v1  }
0x16e: {  	v63 =	vld [tilespmem:s1+$0x6780]  }
0x16f: {  	v1 =	vadd.f32 v2, v1;
	_ =	sdelay $0x1  }
0x170: {  	v1 =	vadd.f32 v3, v1;
	_ =	sdelay $0x1  }
0x171: {  	s3 =	simm.s32 $0x80;
	s6 =	simm.s32 $0x10;
	v1 =	vadd.f32 v63, v1  }
0x172: {  	s4 =	sand.u32 $0x1C00, s3;
	s1 =	sand.u32 $0x70, s6  }
0x173: {  	s1 =	sor.u32 s1, s4;
	s4 =	simm.s32 $0x20;
	[tilespmem:s2+$0x0] =	vst v1  }
.LBB2_4:
0x174: {  	p0 =	sne.s32 s4, $0x270;
	v1 =	vld [tilespmem:s1+$0x5080]  }
0x175: {  	v2 =	vld [tilespmem:s1+$0x5000];
	_ =	sdelay $0x1  }
0x176: {  	v3 =	vld [tilespmem:s1+$0x5100];
	_ =	sdelay $0x1  }
0x177: {  	v4 =	vld [tilespmem:s1+$0x5180]  }
0x178: {  	v1 =	vadd.f32 v1, v2  }
0x179: {  	v2 =	vld [tilespmem:s1+$0x5200]  }
0x17a: {  	v1 =	vadd.f32 v3, v1  }
0x17b: {  	v3 =	vld [tilespmem:s1+$0x5280]  }
0x17c: {  	v1 =	vadd.f32 v4, v1  }
0x17d: {  	v4 =	vld [tilespmem:s1+$0x5300]  }
0x17e: {  	v1 =	vadd.f32 v2, v1  }
0x17f: {  	v2 =	vld [tilespmem:s1+$0x5380]  }
0x180: {  	v1 =	vadd.f32 v3, v1  }
0x181: {  	v3 =	vld [tilespmem:s1+$0x6400]  }
0x182: {  	v1 =	vadd.f32 v4, v1  }
0x183: {  	v4 =	vld [tilespmem:s1+$0x6480]  }
0x184: {  	v1 =	vadd.f32 v2, v1  }
0x185: {  	v2 =	vld [tilespmem:s1+$0x6500]  }
0x186: {  	v1 =	vadd.f32 v3, v1  }
0x187: {  	v3 =	vld [tilespmem:s1+$0x6580]  }
0x188: {  	v1 =	vadd.f32 v4, v1  }
0x189: {  	v4 =	vld [tilespmem:s1+$0x6600]  }
0x18a: {  	v1 =	vadd.f32 v2, v1  }
0x18b: {  	v2 =	vld [tilespmem:s1+$0x6680]  }
0x18c: {  	v1 =	vadd.f32 v3, v1  }
0x18d: {  	v3 =	vld [tilespmem:s1+$0x6700]  }
0x18e: {  	v1 =	vadd.f32 v4, v1  }
0x18f: {  	v4 =	vld [tilespmem:s1+$0x6780]  }
0x190: {  	v1 =	vadd.f32 v2, v1;
	_ =	sdelay $0x1  }
.Ltmp1:
0x191: {  	v1 =	vadd.f32 v3, v1;
	(pc) =	sbr.rel @p0 .LBB2_4-.Ltmp1, $4  }
0x192: {  	_ = 	snop  }
0x193: {  	s3 =	sadd.s32 $0x80, s3;
	v1 =	vadd.f32 v4, v1  }
0x194: {  	s2 =	sadd.s32 $0x10, s2;
	s6 =	sand.u32 $0x1C00, s3;
	s1 =	sand.u32 $0x70, s4  }
0x195: {  	s4 =	sadd.s32 $0x10, s4;
	s1 =	sor.u32 s1, s6;
	[tilespmem:s2+$0x0] =	vst v1  }
0x196: {  	v1 =	vld [tilespmem:s1+$0x5080]  }
0x197: {  	v2 =	vld [tilespmem:s1+$0x5000];
	_ =	sdelay $0x1  }
0x198: {  	v3 =	vld [tilespmem:s1+$0x5100];
	_ =	sdelay $0x1  }
0x199: {  	v4 =	vld [tilespmem:s1+$0x5180]  }
0x19a: {  	v1 =	vadd.f32 v1, v2  }
0x19b: {  	v2 =	vld [tilespmem:s1+$0x5200]  }
0x19c: {  	v1 =	vadd.f32 v3, v1  }
0x19d: {  	v3 =	vld [tilespmem:s1+$0x5280]  }
0x19e: {  	v1 =	vadd.f32 v4, v1  }
0x19f: {  	v60 =	vld [tilespmem:s1+$0x5300]  }
0x1a0: {  	v1 =	vadd.f32 v2, v1  }
0x1a1: {  	v2 =	vld [tilespmem:s1+$0x5380]  }
0x1a2: {  	v1 =	vadd.f32 v3, v1  }
0x1a3: {  	v3 =	vld [tilespmem:s1+$0x6400]  }
0x1a4: {  	v1 =	vadd.f32 v60, v1  }
0x1a5: {  	v61 =	vld [tilespmem:s1+$0x6480]  }
0x1a6: {  	v1 =	vadd.f32 v2, v1  }
0x1a7: {  	v2 =	vld [tilespmem:s1+$0x6500]  }
0x1a8: {  	v1 =	vadd.f32 v3, v1  }
0x1a9: {  	v3 =	vld [tilespmem:s1+$0x6580]  }
0x1aa: {  	v1 =	vadd.f32 v61, v1  }
0x1ab: {  	v62 =	vld [tilespmem:s1+$0x6600]  }
0x1ac: {  	v1 =	vadd.f32 v2, v1  }
0x1ad: {  	v2 =	vld [tilespmem:s1+$0x6680]  }
0x1ae: {  	v1 =	vadd.f32 v3, v1  }
0x1af: {  	v3 =	vld [tilespmem:s1+$0x6700]  }
0x1b0: {  	v1 =	vadd.f32 v62, v1  }
0x1b1: {  	v63 =	vld [tilespmem:s1+$0x6780]  }
0x1b2: {  	v1 =	vadd.f32 v2, v1;
	_ =	sdelay $0x1  }
0x1b3: {  	v1 =	vadd.f32 v3, v1;
	_ =	sdelay $0x1  }
0x1b4: {  	v1 =	vadd.f32 v63, v1  }
0x1b5: {  	s2 =	sadd.s32 $0x10, s2  }
0x1b6: {  	s3 =	rddreg [dreg:$0x16];
	s4 =	simm.s32 $0x100;
	[tilespmem:s2+$0x0] =	vst v1  }
0x1b7: {  	[hbm4b:s3+s31] =	stream.strided.scatter [tilespmem:s29], [sflag:$0x1], $0x280, s4, s31, $0x38;
	[tilespmem:$0xA000] =	vst v63  }
0x1b8: {  	_ =	swait.ge [sflag:s30], $0x280  }
0x1b9: {  	s0 =	sadd.s32 $0x1, s0;
	s6 =	rddreg [dreg:$0x17]  }
0x1ba: {  	p0 =	sne.s32 s0, s6  }
.Ltmp2:
0x1bb: {  	_ = 	snop;
	(pc) =	sbr.rel @p0 .LBB2_1-.Ltmp2, $3  }
0x1bc: {  	_ =	sdelay $0x1  }
0x1bd: {  	[sflag:s30] =	ssyncset.done $0x0  }
0x1be: {  	[sflag:s30] =	ssyncadd.s32 $0xFFFFFD80  }
0x1bf: {  	_ =	sfence.sel $0x180000  }
0x1c0: {  	[bflag:$0x0] =	sbarrier.arrive $0xFFFF  }
0x1c1: {  	_ =	strace $0x90000047  }
0x1c2: {  	s0 =	stileid.u32;
	[bflag:$0x2] =	sbarrier.arrive $0xFFFF  }
0x1c3: {  	p0 =	sne.s32 s0, $0x0;
	s0 =	rddreg [dreg:$0x3]  }
0x1c4: {  	s0 =	sadd.s32 @!p0 $0x100000, s0  }
0x1c5: {  	[sflag:s0] =	ssyncadd.tile.s32 @!p0 $0x1;
	_ =	shalt  }
.Lfunc_end2:
_tile_overlayer_lowered:
.L_overlay_start_2:
0x1c6: {  	(tag) =	ssettag $0x2  }
0x1c7: {  	s0 =	rddreg [dreg:$0x0];
	s2 =	stileid.u32  }
0x1c8: {  	s1 =	rddreg [dreg:$0x1];
	p0 =	sne.s32 s2, $0x0  }
0x1c9: {  	s3 =	rddreg [dreg:$0x2];
	[bflag:$0x3] =	sbarrier.arrive $0xFFFF;
	s2 =	simm.s32 @!p0 $0x1C01  }
0x1ca: {  	[timem:s3], [sflag:s2] =	dma.local @!p0 [hbm:s0], s1  }
0x1cb: {  	s0 =	simm.s32 @!p0 $0x1  }
0x1cc: {  	_ =	swait.ge @!p0 [sflag:s0], s1  }
0x1cd: {  	s1 =	ssub.s32 @!p0 $0x0, s1;
	[sflag:s0] =	ssyncset.done @!p0 $0x0  }
0x1ce: {  	[sflag:s0] =	ssyncadd.s32 @!p0 s1  }
0x1cf: {  	[bflag:$0x3] =	sbarrier.arrive $0xFFFF  }
0x1d0: {  	_ =	shalt  }

</sc_bundles>
